<compile_context>
chip_gen: v7x
topology: tpu7x:2x2x1
jax: 0.10.2.dev20260603
libtpu: 0.0.44.dev20260713+nightly
codegen_flags: <defaults>
</compile_context>

<pallas_src>
import functools

import jax
import jax.numpy as jnp
from jax import lax
from jax.experimental import pallas as pl
from jax.experimental.pallas import tpu as pltpu
from jax.experimental.pallas import tpu_sc as plsc

N_PAD = 10240
N_SC = 10112
D = 128
DH = D // 2
E_TOTAL = 320000
E_PAD = 327680
CHUNK = 64
ROWS_PER_TILE = E_PAD // 32 // CHUNK
NODES_PER_TILE = N_SC // 16
NBUF = 4
DEN_ROWS = 160


def _prologue_body(x_ref, w_ref, a1_ref, a2_ref, ea_ref, a3_ref,
                   hlo_ref, hhi_ref, s1_ref, s2_ref, e3_ref):
    h = jnp.dot(x_ref[...], w_ref[...], preferred_element_type=jnp.float32)
    hlo_ref[...] = h[:, :DH]
    hhi_ref[...] = h[:, DH:]
    s1_ref[...] = jnp.sum(h * a1_ref[...][None, :], axis=1)
    s2_ref[...] = jnp.sum(h * a2_ref[...][None, :], axis=1)
    e3 = jnp.sum(ea_ref[...] * a3_ref[...][None, :], axis=1)
    e3_ref[...] = e3.reshape(e3_ref.shape)


def _prologue(Xp, W, a1, a2, edge_attr, a3):
    grid = 20
    nb = N_PAD // grid
    eb = E_PAD // grid
    de = edge_attr.shape[1]
    return pl.pallas_call(
        _prologue_body,
        grid=(grid,),
        in_specs=[
            pl.BlockSpec((nb, D), lambda i: (i, 0)),
            pl.BlockSpec((D, D), lambda i: (0, 0)),
            pl.BlockSpec((D,), lambda i: (0,)),
            pl.BlockSpec((D,), lambda i: (0,)),
            pl.BlockSpec((eb, de), lambda i: (i, 0)),
            pl.BlockSpec((de,), lambda i: (0,)),
        ],
        out_specs=[
            pl.BlockSpec((nb, DH), lambda i: (i, 0)),
            pl.BlockSpec((nb, DH), lambda i: (i, 0)),
            pl.BlockSpec((nb,), lambda i: (i,)),
            pl.BlockSpec((nb,), lambda i: (i,)),
            pl.BlockSpec((eb // D, D), lambda i: (i, 0)),
        ],
        out_shape=[
            jax.ShapeDtypeStruct((N_PAD, DH), jnp.float32),
            jax.ShapeDtypeStruct((N_PAD, DH), jnp.float32),
            jax.ShapeDtypeStruct((N_PAD,), jnp.float32),
            jax.ShapeDtypeStruct((N_PAD,), jnp.float32),
            jax.ShapeDtypeStruct((E_PAD // D, D), jnp.float32),
        ],
    )(Xp, W, a1, a2, edge_attr, a3)


def _sc_body(hlo_hbm, hhi_hbm, src_hbm, tgt_hbm, e3_hbm, s1_hbm, s2_hbm,
             hp_hbm,
             s1_v, s2_v, src_v, tgt_v, e3_v, den_v, rows_bufs, wv_v,
             red_v, acc_v, denf_sh, hps_sh, gsems, ssems):
    c = lax.axis_index("c")
    s = lax.axis_index("s")
    zero16 = jnp.zeros((16,), jnp.float32)

    pltpu.sync_copy(s1_hbm.at[pl.ds(0, N_SC)], s1_v)
    pltpu.sync_copy(s2_hbm.at[pl.ds(0, N_SC)], s2_v)

    def _zero_den(i, carry):
        for q in range(4):
            den_v[i, pl.ds(q * 16, 16)] = zero16
        return carry
    lax.fori_loop(0, DEN_ROWS, _zero_den, 0)

    def _score16(j, k):
        sl = pl.ds(k * 16, 16)
        s16 = src_v[j, sl]
        t16 = tgt_v[j, sl]
        sc = (plsc.load_gather(s1_v, [s16]) +
              plsc.load_gather(s2_v, [t16]) + e3_v[j, sl])
        sc = jnp.where(sc >= 0, sc, sc * jnp.float32(0.01))
        return s16, jnp.exp(sc)

    for half in range(2):
        r0 = s * (2 * ROWS_PER_TILE) + half * ROWS_PER_TILE
        pltpu.sync_copy(src_hbm.at[pl.ds(r0, ROWS_PER_TILE)], src_v)
        pltpu.sync_copy(tgt_hbm.at[pl.ds(r0, ROWS_PER_TILE)], tgt_v)
        pltpu.sync_copy(e3_hbm.at[pl.ds(r0, ROWS_PER_TILE)], e3_v)

        def _p1_row(j, carry):
            for k in range(CHUNK // 16):
                s16, p16 = _score16(j, k)
                plsc.addupdate_scatter(
                    den_v,
                    [lax.shift_right_logical(s16, 6), s16 & 63], p16)
            return carry
        lax.fori_loop(0, ROWS_PER_TILE, _p1_row, 0)

    pltpu.sync_copy(den_v, hps_sh.at[pl.ds(s * DEN_ROWS, DEN_ROWS)])
    plsc.subcore_barrier()
    share = DEN_ROWS // 16
    for rnd in range(2):
        for k in range(8):
            pltpu.sync_copy(
                hps_sh.at[pl.ds((rnd * 8 + k) * DEN_ROWS + s * share, share)],
                red_v.at[k])

        def _red_row(i, carry):
            for q in range(4):
                sl = pl.ds(q * 16, 16)
                a = red_v[0, i, sl]
                for k in range(1, 8):
                    a = a + red_v[k, i, sl]
                if rnd == 0:
                    acc_v[i, sl] = a
                else:
                    acc_v[i, sl] = acc_v[i, sl] + a
            return carry
        lax.fori_loop(0, share, _red_row, 0)
    pltpu.sync_copy(acc_v, denf_sh.at[pl.ds(s * share, share)])
    plsc.subcore_barrier()
    pltpu.sync_copy(denf_sh, den_v)

    r0 = s * (2 * ROWS_PER_TILE) + c * ROWS_PER_TILE
    pltpu.sync_copy(src_hbm.at[pl.ds(r0, ROWS_PER_TILE)], src_v)
    pltpu.sync_copy(tgt_hbm.at[pl.ds(r0, ROWS_PER_TILE)], tgt_v)
    pltpu.sync_copy(e3_hbm.at[pl.ds(r0, ROWS_PER_TILE)], e3_v)

    def _weights(j):
        for k in range(CHUNK // 16):
            sl = pl.ds(k * 16, 16)
            s16, p16 = _score16(j, k)
            d16 = plsc.load_gather(
                den_v, [lax.shift_right_logical(s16, 6), s16 & 63])
            wv_v[sl] = p16 / (d16 + jnp.float32(1e-16))

    def _scale(buf):
        def _scale_e(e, carry2):
            w = wv_v[pl.ds(e, 16)][0]
            for q in range(DH // 16):
                ql = pl.ds(q * 16, 16)
                buf[e, ql] = buf[e, ql] * w
            return carry2
        lax.fori_loop(0, CHUNK, _scale_e, 0)

    for h_half, half in ((hlo_hbm, 0), (hhi_hbm, 1)):
        buf0 = rows_bufs[0]

        def _zero_rows(e, carry):
            for q in range(DH // 16):
                buf0[e, pl.ds(q * 16, 16)] = zero16
            return carry
        lax.fori_loop(0, CHUNK, _zero_rows, 0)
        for r in range(NODES_PER_TILE // CHUNK):
            pltpu.sync_copy(
                buf0,
                hps_sh.at[pl.ds(s * NODES_PER_TILE + r * CHUNK, CHUNK)])
        rem = NODES_PER_TILE % CHUNK
        pltpu.sync_copy(
            buf0.at[pl.ds(0, rem)],
            hps_sh.at[pl.ds(s * NODES_PER_TILE
                            + (NODES_PER_TILE // CHUNK) * CHUNK, rem)])
        plsc.subcore_barrier()

        for b in range(NBUF):
            pltpu.async_copy(h_half.at[tgt_v.at[b]], rows_bufs[b],
                             gsems.at[b])

        def _p2_step(i, carry):
            for b in range(NBUF):
                j = i * NBUF + b
                _weights(j)
                pltpu.make_async_copy(h_half.at[tgt_v.at[j]], rows_bufs[b],
                                      gsems.at[b]).wait()
                _scale(rows_bufs[b])
                pltpu.async_copy(rows_bufs[b], hps_sh.at[src_v.at[j]],
                                 ssems.at[b], add=True)
                pb = (b - 1) % NBUF
                pj = j - 1
                nj = pj + NBUF

                @pl.when((pj >= 0) & (nj < ROWS_PER_TILE))
                def _():
                    pltpu.make_async_copy(rows_bufs[pb],
                                          hps_sh.at[src_v.at[pj]],
                                          ssems.at[pb]).wait()
                    pltpu.async_copy(h_half.at[tgt_v.at[nj]], rows_bufs[pb],
                                     gsems.at[pb])
            return carry
        lax.fori_loop(0, ROWS_PER_TILE // NBUF, _p2_step, 0)

        for b in range(NBUF):
            j = ROWS_PER_TILE - NBUF + b
            pltpu.make_async_copy(rows_bufs[j % NBUF],
                                  hps_sh.at[src_v.at[j]],
                                  ssems.at[j % NBUF]).wait()

        plsc.subcore_barrier()
        pltpu.sync_copy(
            hps_sh.at[pl.ds(s * NODES_PER_TILE, NODES_PER_TILE)],
            hp_hbm.at[c, half, pl.ds(s * NODES_PER_TILE, NODES_PER_TILE)])
        plsc.subcore_barrier()


def _sc_main(hlo, hhi, src2, tgt2, e32, s1, s2):
    mesh = plsc.VectorSubcoreMesh(core_axis_name="c", subcore_axis_name="s")
    kfn = functools.partial(
        pl.kernel,
        mesh=mesh,
        compiler_params=pltpu.CompilerParams(use_tc_tiling_on_sc=False,
                                             needs_layout_passes=False),
        out_type=jax.ShapeDtypeStruct((2, 2, N_SC, DH), jnp.float32),
        scratch_types=[
            pltpu.VMEM((N_SC,), jnp.float32),
            pltpu.VMEM((N_SC,), jnp.float32),
            pltpu.VMEM((ROWS_PER_TILE, CHUNK), jnp.int32),
            pltpu.VMEM((ROWS_PER_TILE, CHUNK), jnp.int32),
            pltpu.VMEM((ROWS_PER_TILE, CHUNK), jnp.float32),
            pltpu.VMEM((DEN_ROWS, 64), jnp.float32),
            [pltpu.VMEM((CHUNK, DH), jnp.float32)
             for _ in range(NBUF)],
            pltpu.VMEM((CHUNK + 16,), jnp.float32),
            pltpu.VMEM((8, DEN_ROWS // 16, 64), jnp.float32),
            pltpu.VMEM((DEN_ROWS // 16, 64), jnp.float32),
            pltpu.VMEM_SHARED((DEN_ROWS, 64), jnp.float32),
            pltpu.VMEM_SHARED((N_SC, DH), jnp.float32),
            pltpu.SemaphoreType.DMA((NBUF,)),
            pltpu.SemaphoreType.DMA((NBUF,)),
        ],
    )(_sc_body)
    return kfn(hlo, hhi, src2, tgt2, e32, s1, s2)


def _epilogue_body(hp_ref, out_ref):
    lo = hp_ref[0, 0] + hp_ref[1, 0]
    hi = hp_ref[0, 1] + hp_ref[1, 1]
    x = jnp.concatenate([lo, hi], axis=1)
    out_ref[...] = jnp.where(x > 0, x, jnp.exp(x) - 1.0)


def _epilogue(hp2):
    grid = 16
    nb = N_SC // grid
    return pl.pallas_call(
        _epilogue_body,
        grid=(grid,),
        in_specs=[pl.BlockSpec((2, 2, nb, DH), lambda i: (0, 0, i, 0))],
        out_specs=pl.BlockSpec((nb, D), lambda i: (i, 0)),
        out_shape=jax.ShapeDtypeStruct((N_SC, D), jnp.float32),
    )(hp2)


def kernel(X, edge_index, edge_attr, W, a):
    n, d = X.shape
    src = edge_index[0].astype(jnp.int32)
    tgt = edge_index[1].astype(jnp.int32)
    a1 = a[:d, 0]
    a2 = a[d:2 * d, 0]
    a3 = a[2 * d:, 0]
    Xp = jnp.pad(X, ((0, N_PAD - n), (0, 0)))
    e = edge_index.shape[1]
    eap = jnp.pad(edge_attr, ((0, E_PAD - e), (0, 0)))
    hlo, hhi, s1, s2, e3 = _prologue(Xp, W, a1, a2, eap, a3)
    pad_idx = jnp.full((E_PAD - e,), N_SC - 1, jnp.int32)
    src2 = jnp.concatenate([src, pad_idx]).reshape(-1, CHUNK)
    tgt2 = jnp.concatenate([tgt, pad_idx]).reshape(-1, CHUNK)
    e32 = e3.reshape(-1, CHUNK)
    hp2 = _sc_main(hlo, hhi, src2, tgt2, e32, s1, s2)
    out = _epilogue(hp2)
    return out[:n]

# --- scband reference (transcript-rebuilt; emitter-appended) ---
"""Pipeline reference for scband-base-net-33500744909482 (READ-ONLY COPY).

The authoritative reference and input builder live on the scoring server;
editing this copy changes nothing except your own understanding.
"""

import jax, jax.numpy as jnp
import numpy as np

N_NODES = 10000
N_EDGES = 320000
D_FEAT = 128
D_EDGE = 16
OUT_DIM = 128


def setup_inputs(seed: int = 0) -> dict:
    key = jax.random.key(seed)
    k1, k2, k3, k4, k5 = jax.random.split(key, 5)
    X = jax.random.normal(k1, (N_NODES, D_FEAT), dtype=jnp.float32)
    edge_index = jax.random.randint(k2, (2, N_EDGES), 0, N_NODES, dtype=jnp.int64 if jax.config.jax_enable_x64 else jnp.int32)
    edge_attr = jax.random.normal(k3, (N_EDGES, D_EDGE), dtype=jnp.float32)
    # learned params (GATlayer): W: Linear(embed_dim -> out_dim, bias=False), a: Linear(2*out_dim+edge_attr_dim -> 1, bias=False)
    W = jax.random.normal(k4, (D_FEAT, OUT_DIM), dtype=jnp.float32) * (1.0 / np.sqrt(D_FEAT))
    a = jax.random.normal(k5, (2 * OUT_DIM + D_EDGE, 1), dtype=jnp.float32) * (1.0 / np.sqrt(2 * OUT_DIM + D_EDGE))
    return {"X": X, "edge_index": edge_index, "edge_attr": edge_attr, "W": W, "a": a}


def reference(X, edge_index, edge_attr, W, a):
    # GATlayer.forward (eval mode: dropout is identity)
    h = X @ W  # [N, out_dim]
    N = h.shape[0]
    src = edge_index[0]
    tgt = edge_index[1]
    # _prepare_attention_input: cat([h[src], h[tgt], edge_attr], dim=1)
    attn_input = jnp.concatenate([jnp.take(h, src, axis=0), jnp.take(h, tgt, axis=0), edge_attr], axis=1)
    score_per_edge = jax.nn.leaky_relu(attn_input @ a, negative_slope=0.01)[:, 0]
    score_per_edge = score_per_edge - jnp.max(score_per_edge)
    exp_score_per_edge = jnp.exp(score_per_edge)
    denom = jax.ops.segment_sum(exp_score_per_edge, src, num_segments=N)
    denom_per_edge = jnp.take(denom, src, axis=0)
    attentions_per_edge = exp_score_per_edge / (denom_per_edge + 1e-16)
    out_src = jnp.take(h, tgt, axis=0) * attentions_per_edge[:, None]
    h_prime = jax.ops.segment_sum(out_src, src, num_segments=N)
    out = jax.nn.elu(h_prime)
    return out

if __name__ == "__main__":
    import jax
    _d = setup_inputs()
    print(jax.jit(kernel)(*tuple(_d.values())))

</pallas_src>

<mosaic_0001>
#map = affine_map<(d0, d1) -> (0, 0)>
#map1 = affine_map<(d0, d1) -> (0)>
#map2 = affine_map<(d0, d1) -> (0, 0, 0, 0)>
module attributes {stable_mosaic.version = 14 : i64} {
  func.func @_sc_body(%arg0: i32, %arg1: i32, %arg2: memref<10240x64xf32, #tpu.memory_space<hbm>>, %arg3: memref<10240x64xf32, #tpu.memory_space<hbm>>, %arg4: memref<5120x64xi32, #tpu.memory_space<hbm>>, %arg5: memref<5120x64xi32, #tpu.memory_space<hbm>>, %arg6: memref<5120x64xf32, #tpu.memory_space<hbm>>, %arg7: memref<10240xf32, #tpu.memory_space<hbm>>, %arg8: memref<10240xf32, #tpu.memory_space<hbm>>, %arg9: memref<2x2x10112x64xf32, #tpu.memory_space<hbm>>, %arg10: memref<10112xf32, #tpu.memory_space<vmem>>, %arg11: memref<10112xf32, #tpu.memory_space<vmem>>, %arg12: memref<160x64xi32, #tpu.memory_space<vmem>>, %arg13: memref<160x64xi32, #tpu.memory_space<vmem>>, %arg14: memref<160x64xf32, #tpu.memory_space<vmem>>, %arg15: memref<160x64xf32, #tpu.memory_space<vmem>>, %arg16: memref<64x64xf32, #tpu.memory_space<vmem>>, %arg17: memref<64x64xf32, #tpu.memory_space<vmem>>, %arg18: memref<64x64xf32, #tpu.memory_space<vmem>>, %arg19: memref<64x64xf32, #tpu.memory_space<vmem>>, %arg20: memref<80xf32, #tpu.memory_space<vmem>>, %arg21: memref<8x10x64xf32, #tpu.memory_space<vmem>>, %arg22: memref<10x64xf32, #tpu.memory_space<vmem>>, %arg23: memref<160x64xf32, #tpu.memory_space<vmem_shared>>, %arg24: memref<10112x64xf32, #tpu.memory_space<vmem_shared>>, %arg25: memref<4x!tpu.dma_semaphore, #tpu.memory_space<semaphore_mem>>, %arg26: memref<4x!tpu.dma_semaphore, #tpu.memory_space<semaphore_mem>>) attributes {dimension_semantics = [#tpu.dimension_semantics<core_parallel>, #tpu.dimension_semantics<subcore_parallel>], iteration_bounds = array<i64: 2, 16>, scalar_prefetch = 0 : i64, scratch_operands = 17 : i64, tpu.core_type = #tpu.core_type<sc_vector_subcore>, window_params = [{transform_indices = #map}, {transform_indices = #map}, {transform_indices = #map}, {transform_indices = #map}, {transform_indices = #map}, {transform_indices = #map1}, {transform_indices = #map1}, {transform_indices = #map2}]} {
    %broadcast_in_dim3A = arith.constant 0.000000e+00 : f32
    %broadcast_in_dim3A_0 = vector.broadcast %broadcast_in_dim3A : f32 to vector<16xf32>
    "tpu.region"() ({
      %run_scoped3A_403 = tpu.sem_alloc : memref<!tpu.dma_semaphore, #tpu.memory_space<semaphore_mem>>
      %dma_start3A_404 = arith.constant 0 : i32
      %dma_start3A_405 = tpu.memref_slice %arg7[%dma_start3A_404] : memref<10240xf32, #tpu.memory_space<hbm>> -> memref<10112xf32, #tpu.memory_space<hbm>>
      %dma_start3A_406 = arith.constant 0 : i32
      %dma_start3A_407 = tpu.memref_slice %arg7[%dma_start3A_406] : memref<10240xf32, #tpu.memory_space<hbm>> -> memref<10112xf32, #tpu.memory_space<hbm>>
      tpu.enqueue_dma source(%dma_start3A_407 : memref<10112xf32, #tpu.memory_space<hbm>>) target(%arg10 : memref<10112xf32, #tpu.memory_space<vmem>>) target_semaphore(%run_scoped3A_403 : memref<!tpu.dma_semaphore, #tpu.memory_space<semaphore_mem>>)
      %dma_wait3A_408 = arith.constant 0 : i32
      %dma_wait3A_409 = tpu.memref_slice %arg7[%dma_wait3A_408] : memref<10240xf32, #tpu.memory_space<hbm>> -> memref<10112xf32, #tpu.memory_space<hbm>>
      %dma_wait3A_410 = arith.constant 0 : i32
      %dma_wait3A_411 = tpu.memref_slice %arg7[%dma_wait3A_410] : memref<10240xf32, #tpu.memory_space<hbm>> -> memref<10112xf32, #tpu.memory_space<hbm>>
      tpu.wait_dma2 semaphore(%run_scoped3A_403 : memref<!tpu.dma_semaphore, #tpu.memory_space<semaphore_mem>>) src(%dma_wait3A_411 : memref<10112xf32, #tpu.memory_space<hbm>>) dst(%arg10 : memref<10112xf32, #tpu.memory_space<vmem>>)
      tpu.yield
    }) : () -> ()
    "tpu.region"() ({
      %run_scoped3A_403 = tpu.sem_alloc : memref<!tpu.dma_semaphore, #tpu.memory_space<semaphore_mem>>
      %dma_start3A_404 = arith.constant 0 : i32
      %dma_start3A_405 = tpu.memref_slice %arg8[%dma_start3A_404] : memref<10240xf32, #tpu.memory_space<hbm>> -> memref<10112xf32, #tpu.memory_space<hbm>>
      %dma_start3A_406 = arith.constant 0 : i32
      %dma_start3A_407 = tpu.memref_slice %arg8[%dma_start3A_406] : memref<10240xf32, #tpu.memory_space<hbm>> -> memref<10112xf32, #tpu.memory_space<hbm>>
      tpu.enqueue_dma source(%dma_start3A_407 : memref<10112xf32, #tpu.memory_space<hbm>>) target(%arg11 : memref<10112xf32, #tpu.memory_space<vmem>>) target_semaphore(%run_scoped3A_403 : memref<!tpu.dma_semaphore, #tpu.memory_space<semaphore_mem>>)
      %dma_wait3A_408 = arith.constant 0 : i32
      %dma_wait3A_409 = tpu.memref_slice %arg8[%dma_wait3A_408] : memref<10240xf32, #tpu.memory_space<hbm>> -> memref<10112xf32, #tpu.memory_space<hbm>>
      %dma_wait3A_410 = arith.constant 0 : i32
      %dma_wait3A_411 = tpu.memref_slice %arg8[%dma_wait3A_410] : memref<10240xf32, #tpu.memory_space<hbm>> -> memref<10112xf32, #tpu.memory_space<hbm>>
      tpu.wait_dma2 semaphore(%run_scoped3A_403 : memref<!tpu.dma_semaphore, #tpu.memory_space<semaphore_mem>>) src(%dma_wait3A_411 : memref<10112xf32, #tpu.memory_space<hbm>>) dst(%arg11 : memref<10112xf32, #tpu.memory_space<vmem>>)
      tpu.yield
    }) : () -> ()
    %scan3A = arith.constant 0 : i32
    %scan3A_1 = arith.constant 0 : i32
    %scan3A_2 = arith.constant 160 : i32
    %scan3A_3 = arith.addi %scan3A_1, %scan3A_2 : i32
    %scan3A_4 = arith.constant 1 : i32
    scf.for %scan3A_403 = %scan3A_1 to %scan3A_3 step %scan3A_4  : i32 {
      %swap3A = arith.index_cast %scan3A_403 : i32 to index
      %swap3A_404 = arith.constant 0 : index
      %swap3A_405 = tpu.vector_load %arg15[%swap3A, %swap3A_404] {strides = array<i32>} : memref<160x64xf32, #tpu.memory_space<vmem>>, vector<16xf32>,
      tpu.vector_store %arg15[%swap3A, %swap3A_404], %broadcast_in_dim3A_0 {strides = array<i32>} : memref<160x64xf32, #tpu.memory_space<vmem>>, vector<16xf32>,
      %swap3A_406 = arith.index_cast %scan3A_403 : i32 to index
      %swap3A_407 = arith.constant 16 : index
      %swap3A_408 = tpu.vector_load %arg15[%swap3A_406, %swap3A_407] {strides = array<i32>} : memref<160x64xf32, #tpu.memory_space<vmem>>, vector<16xf32>,
      tpu.vector_store %arg15[%swap3A_406, %swap3A_407], %broadcast_in_dim3A_0 {strides = array<i32>} : memref<160x64xf32, #tpu.memory_space<vmem>>, vector<16xf32>,
      %swap3A_409 = arith.index_cast %scan3A_403 : i32 to index
      %swap3A_410 = arith.constant 32 : index
      %swap3A_411 = tpu.vector_load %arg15[%swap3A_409, %swap3A_410] {strides = array<i32>} : memref<160x64xf32, #tpu.memory_space<vmem>>, vector<16xf32>,
      tpu.vector_store %arg15[%swap3A_409, %swap3A_410], %broadcast_in_dim3A_0 {strides = array<i32>} : memref<160x64xf32, #tpu.memory_space<vmem>>, vector<16xf32>,
      %swap3A_412 = arith.index_cast %scan3A_403 : i32 to index
      %swap3A_413 = arith.constant 48 : index
      %swap3A_414 = tpu.vector_load %arg15[%swap3A_412, %swap3A_413] {strides = array<i32>} : memref<160x64xf32, #tpu.memory_space<vmem>>, vector<16xf32>,
      tpu.vector_store %arg15[%swap3A_412, %swap3A_413], %broadcast_in_dim3A_0 {strides = array<i32>} : memref<160x64xf32, #tpu.memory_space<vmem>>, vector<16xf32>,
    }
    %scan3A_5 = arith.constant 160 : i32
    %mul3A = arith.constant 320 : i32
    %mul3A_6 = arith.muli %arg1, %mul3A : i32
    %add3A = arith.constant 0 : i32
    %add3A_7 = arith.addi %mul3A_6, %add3A : i32
    "tpu.region"() ({
      %run_scoped3A_403 = tpu.sem_alloc : memref<!tpu.dma_semaphore, #tpu.memory_space<semaphore_mem>>
      %dma_start3A_404 = arith.constant 0 : i32
      %dma_start3A_405 = tpu.memref_slice %arg4[%add3A_7, %dma_start3A_404] : memref<5120x64xi32, #tpu.memory_space<hbm>> -> memref<160x64xi32, #tpu.memory_space<hbm>>
      %dma_start3A_406 = arith.constant 0 : i32
      %dma_start3A_407 = tpu.memref_slice %arg4[%add3A_7, %dma_start3A_406] : memref<5120x64xi32, #tpu.memory_space<hbm>> -> memref<160x64xi32, #tpu.memory_space<hbm>>
      tpu.enqueue_dma source(%dma_start3A_407 : memref<160x64xi32, #tpu.memory_space<hbm>>) target(%arg12 : memref<160x64xi32, #tpu.memory_space<vmem>>) target_semaphore(%run_scoped3A_403 : memref<!tpu.dma_semaphore, #tpu.memory_space<semaphore_mem>>)
      %dma_wait3A_408 = arith.constant 0 : i32
      %dma_wait3A_409 = tpu.memref_slice %arg4[%add3A_7, %dma_wait3A_408] : memref<5120x64xi32, #tpu.memory_space<hbm>> -> memref<160x64xi32, #tpu.memory_space<hbm>>
      %dma_wait3A_410 = arith.constant 0 : i32
      %dma_wait3A_411 = tpu.memref_slice %arg4[%add3A_7, %dma_wait3A_410] : memref<5120x64xi32, #tpu.memory_space<hbm>> -> memref<160x64xi32, #tpu.memory_space<hbm>>
      tpu.wait_dma2 semaphore(%run_scoped3A_403 : memref<!tpu.dma_semaphore, #tpu.memory_space<semaphore_mem>>) src(%dma_wait3A_411 : memref<160x64xi32, #tpu.memory_space<hbm>>) dst(%arg12 : memref<160x64xi32, #tpu.memory_space<vmem>>)
      tpu.yield
    }) : () -> ()
    "tpu.region"() ({
      %run_scoped3A_403 = tpu.sem_alloc : memref<!tpu.dma_semaphore, #tpu.memory_space<semaphore_mem>>
      %dma_start3A_404 = arith.constant 0 : i32
      %dma_start3A_405 = tpu.memref_slice %arg5[%add3A_7, %dma_start3A_404] : memref<5120x64xi32, #tpu.memory_space<hbm>> -> memref<160x64xi32, #tpu.memory_space<hbm>>
      %dma_start3A_406 = arith.constant 0 : i32
      %dma_start3A_407 = tpu.memref_slice %arg5[%add3A_7, %dma_start3A_406] : memref<5120x64xi32, #tpu.memory_space<hbm>> -> memref<160x64xi32, #tpu.memory_space<hbm>>
      tpu.enqueue_dma source(%dma_start3A_407 : memref<160x64xi32, #tpu.memory_space<hbm>>) target(%arg13 : memref<160x64xi32, #tpu.memory_space<vmem>>) target_semaphore(%run_scoped3A_403 : memref<!tpu.dma_semaphore, #tpu.memory_space<semaphore_mem>>)
      %dma_wait3A_408 = arith.constant 0 : i32
      %dma_wait3A_409 = tpu.memref_slice %arg5[%add3A_7, %dma_wait3A_408] : memref<5120x64xi32, #tpu.memory_space<hbm>> -> memref<160x64xi32, #tpu.memory_space<hbm>>
      %dma_wait3A_410 = arith.constant 0 : i32
      %dma_wait3A_411 = tpu.memref_slice %arg5[%add3A_7, %dma_wait3A_410] : memref<5120x64xi32, #tpu.memory_space<hbm>> -> memref<160x64xi32, #tpu.memory_space<hbm>>
      tpu.wait_dma2 semaphore(%run_scoped3A_403 : memref<!tpu.dma_semaphore, #tpu.memory_space<semaphore_mem>>) src(%dma_wait3A_411 : memref<160x64xi32, #tpu.memory_space<hbm>>) dst(%arg13 : memref<160x64xi32, #tpu.memory_space<vmem>>)
      tpu.yield
    }) : () -> ()
    "tpu.region"() ({
      %run_scoped3A_403 = tpu.sem_alloc : memref<!tpu.dma_semaphore, #tpu.memory_space<semaphore_mem>>
      %dma_start3A_404 = arith.constant 0 : i32
      %dma_start3A_405 = tpu.memref_slice %arg6[%add3A_7, %dma_start3A_404] : memref<5120x64xf32, #tpu.memory_space<hbm>> -> memref<160x64xf32, #tpu.memory_space<hbm>>
      %dma_start3A_406 = arith.constant 0 : i32
      %dma_start3A_407 = tpu.memref_slice %arg6[%add3A_7, %dma_start3A_406] : memref<5120x64xf32, #tpu.memory_space<hbm>> -> memref<160x64xf32, #tpu.memory_space<hbm>>
      tpu.enqueue_dma source(%dma_start3A_407 : memref<160x64xf32, #tpu.memory_space<hbm>>) target(%arg14 : memref<160x64xf32, #tpu.memory_space<vmem>>) target_semaphore(%run_scoped3A_403 : memref<!tpu.dma_semaphore, #tpu.memory_space<semaphore_mem>>)
      %dma_wait3A_408 = arith.constant 0 : i32
      %dma_wait3A_409 = tpu.memref_slice %arg6[%add3A_7, %dma_wait3A_408] : memref<5120x64xf32, #tpu.memory_space<hbm>> -> memref<160x64xf32, #tpu.memory_space<hbm>>
      %dma_wait3A_410 = arith.constant 0 : i32
      %dma_wait3A_411 = tpu.memref_slice %arg6[%add3A_7, %dma_wait3A_410] : memref<5120x64xf32, #tpu.memory_space<hbm>> -> memref<160x64xf32, #tpu.memory_space<hbm>>
      tpu.wait_dma2 semaphore(%run_scoped3A_403 : memref<!tpu.dma_semaphore, #tpu.memory_space<semaphore_mem>>) src(%dma_wait3A_411 : memref<160x64xf32, #tpu.memory_space<hbm>>) dst(%arg14 : memref<160x64xf32, #tpu.memory_space<vmem>>)
      tpu.yield
    }) : () -> ()
    %scan3A_8 = arith.constant 0 : i32
    %scan3A_9 = arith.constant 0 : i32
    %scan3A_10 = arith.constant 160 : i32
    %scan3A_11 = arith.addi %scan3A_9, %scan3A_10 : i32
    %scan3A_12 = arith.constant 1 : i32
    scf.for %scan3A_403 = %scan3A_9 to %scan3A_11 step %scan3A_12  : i32 {
      %get3A = arith.index_cast %scan3A_403 : i32 to index
      %get3A_404 = arith.constant 0 : index
      %get3A_405 = tpu.vector_load %arg12[%get3A, %get3A_404] {strides = array<i32>} : memref<160x64xi32, #tpu.memory_space<vmem>>, vector<16xi32>,
      %get3A_406 = arith.index_cast %scan3A_403 : i32 to index
      %get3A_407 = arith.constant 0 : index
      %get3A_408 = tpu.vector_load %arg13[%get3A_406, %get3A_407] {strides = array<i32>} : memref<160x64xi32, #tpu.memory_space<vmem>>, vector<16xi32>,
      %gather3A = tpu.vector_load_idx %arg10[%get3A_405] : memref<10112xf32, #tpu.memory_space<vmem>>[vector<16xi32>], vector<16xf32>,
      %gather3A_409 = tpu.vector_load_idx %arg11[%get3A_408] : memref<10112xf32, #tpu.memory_space<vmem>>[vector<16xi32>], vector<16xf32>,
      %add3A_410 = arith.addf %gather3A, %gather3A_409 : vector<16xf32>
      %get3A_411 = arith.index_cast %scan3A_403 : i32 to index
      %get3A_412 = arith.constant 0 : index
      %get3A_413 = tpu.vector_load %arg14[%get3A_411, %get3A_412] {strides = array<i32>} : memref<160x64xf32, #tpu.memory_space<vmem>>, vector<16xf32>,
      %add3A_414 = arith.addf %add3A_410, %get3A_413 : vector<16xf32>
      %ge3A = arith.constant 0.000000e+00 : f32
      %ge3A_415 = vector.broadcast %ge3A : f32 to vector<16xf32>
      %ge3A_416 = arith.cmpf oge, %add3A_414, %ge3A_415 : vector<16xf32>
      %mul3A_417 = arith.constant 0.00999999977 : f32
      %mul3A_418 = vector.broadcast %mul3A_417 : f32 to vector<16xf32>
      %mul3A_419 = arith.mulf %add3A_414, %mul3A_418 : vector<16xf32>
      %select_n3A = arith.select %ge3A_416, %add3A_414, %mul3A_419 : vector<16xi1>, vector<16xf32>
      %exp3A = math.exp %select_n3A : vector<16xf32>
      %shift_right_logical3A = arith.constant 6 : i32
      %shift_right_logical3A_420 = vector.broadcast %shift_right_logical3A : i32 to vector<16xi32>
      %shift_right_logical3A_421 = arith.shrui %get3A_405, %shift_right_logical3A_420 : vector<16xi32>
      %and3A = arith.constant 63 : i32
      %and3A_422 = vector.broadcast %and3A : i32 to vector<16xi32>
      %and3A_423 = arith.andi %get3A_405, %and3A_422 : vector<16xi32>
      tpu.vector_store_idx %arg15[%shift_right_logical3A_421, %and3A_423], %exp3A {add = true} : memref<160x64xf32, #tpu.memory_space<vmem>>[vector<16xi32>, vector<16xi32>], vector<16xf32>,
      %get3A_424 = arith.index_cast %scan3A_403 : i32 to index
      %get3A_425 = arith.constant 16 : index
      %get3A_426 = tpu.vector_load %arg12[%get3A_424, %get3A_425] {strides = array<i32>} : memref<160x64xi32, #tpu.memory_space<vmem>>, vector<16xi32>,
      %get3A_427 = arith.index_cast %scan3A_403 : i32 to index
      %get3A_428 = arith.constant 16 : index
      %get3A_429 = tpu.vector_load %arg13[%get3A_427, %get3A_428] {strides = array<i32>} : memref<160x64xi32, #tpu.memory_space<vmem>>, vector<16xi32>,
      %gather3A_430 = tpu.vector_load_idx %arg10[%get3A_426] : memref<10112xf32, #tpu.memory_space<vmem>>[vector<16xi32>], vector<16xf32>,
      %gather3A_431 = tpu.vector_load_idx %arg11[%get3A_429] : memref<10112xf32, #tpu.memory_space<vmem>>[vector<16xi32>], vector<16xf32>,
      %add3A_432 = arith.addf %gather3A_430, %gather3A_431 : vector<16xf32>
      %get3A_433 = arith.index_cast %scan3A_403 : i32 to index
      %get3A_434 = arith.constant 16 : index
      %get3A_435 = tpu.vector_load %arg14[%get3A_433, %get3A_434] {strides = array<i32>} : memref<160x64xf32, #tpu.memory_space<vmem>>, vector<16xf32>,
      %add3A_436 = arith.addf %add3A_432, %get3A_435 : vector<16xf32>
      %ge3A_437 = arith.constant 0.000000e+00 : f32
      %ge3A_438 = vector.broadcast %ge3A_437 : f32 to vector<16xf32>
      %ge3A_439 = arith.cmpf oge, %add3A_436, %ge3A_438 : vector<16xf32>
      %mul3A_440 = arith.constant 0.00999999977 : f32
      %mul3A_441 = vector.broadcast %mul3A_440 : f32 to vector<16xf32>
      %mul3A_442 = arith.mulf %add3A_436, %mul3A_441 : vector<16xf32>
      %select_n3A_443 = arith.select %ge3A_439, %add3A_436, %mul3A_442 : vector<16xi1>, vector<16xf32>
      %exp3A_444 = math.exp %select_n3A_443 : vector<16xf32>
      %shift_right_logical3A_445 = arith.constant 6 : i32
      %shift_right_logical3A_446 = vector.broadcast %shift_right_logical3A_445 : i32 to vector<16xi32>
      %shift_right_logical3A_447 = arith.shrui %get3A_426, %shift_right_logical3A_446 : vector<16xi32>
      %and3A_448 = arith.constant 63 : i32
      %and3A_449 = vector.broadcast %and3A_448 : i32 to vector<16xi32>
      %and3A_450 = arith.andi %get3A_426, %and3A_449 : vector<16xi32>
      tpu.vector_store_idx %arg15[%shift_right_logical3A_447, %and3A_450], %exp3A_444 {add = true} : memref<160x64xf32, #tpu.memory_space<vmem>>[vector<16xi32>, vector<16xi32>], vector<16xf32>,
      %get3A_451 = arith.index_cast %scan3A_403 : i32 to index
      %get3A_452 = arith.constant 32 : index
      %get3A_453 = tpu.vector_load %arg12[%get3A_451, %get3A_452] {strides = array<i32>} : memref<160x64xi32, #tpu.memory_space<vmem>>, vector<16xi32>,
      %get3A_454 = arith.index_cast %scan3A_403 : i32 to index
      %get3A_455 = arith.constant 32 : index
      %get3A_456 = tpu.vector_load %arg13[%get3A_454, %get3A_455] {strides = array<i32>} : memref<160x64xi32, #tpu.memory_space<vmem>>, vector<16xi32>,
      %gather3A_457 = tpu.vector_load_idx %arg10[%get3A_453] : memref<10112xf32, #tpu.memory_space<vmem>>[vector<16xi32>], vector<16xf32>,
      %gather3A_458 = tpu.vector_load_idx %arg11[%get3A_456] : memref<10112xf32, #tpu.memory_space<vmem>>[vector<16xi32>], vector<16xf32>,
      %add3A_459 = arith.addf %gather3A_457, %gather3A_458 : vector<16xf32>
      %get3A_460 = arith.index_cast %scan3A_403 : i32 to index
      %get3A_461 = arith.constant 32 : index
      %get3A_462 = tpu.vector_load %arg14[%get3A_460, %get3A_461] {strides = array<i32>} : memref<160x64xf32, #tpu.memory_space<vmem>>, vector<16xf32>,
      %add3A_463 = arith.addf %add3A_459, %get3A_462 : vector<16xf32>
      %ge3A_464 = arith.constant 0.000000e+00 : f32
      %ge3A_465 = vector.broadcast %ge3A_464 : f32 to vector<16xf32>
      %ge3A_466 = arith.cmpf oge, %add3A_463, %ge3A_465 : vector<16xf32>
      %mul3A_467 = arith.constant 0.00999999977 : f32
      %mul3A_468 = vector.broadcast %mul3A_467 : f32 to vector<16xf32>
      %mul3A_469 = arith.mulf %add3A_463, %mul3A_468 : vector<16xf32>
      %select_n3A_470 = arith.select %ge3A_466, %add3A_463, %mul3A_469 : vector<16xi1>, vector<16xf32>
      %exp3A_471 = math.exp %select_n3A_470 : vector<16xf32>
      %shift_right_logical3A_472 = arith.constant 6 : i32
      %shift_right_logical3A_473 = vector.broadcast %shift_right_logical3A_472 : i32 to vector<16xi32>
      %shift_right_logical3A_474 = arith.shrui %get3A_453, %shift_right_logical3A_473 : vector<16xi32>
      %and3A_475 = arith.constant 63 : i32
      %and3A_476 = vector.broadcast %and3A_475 : i32 to vector<16xi32>
      %and3A_477 = arith.andi %get3A_453, %and3A_476 : vector<16xi32>
      tpu.vector_store_idx %arg15[%shift_right_logical3A_474, %and3A_477], %exp3A_471 {add = true} : memref<160x64xf32, #tpu.memory_space<vmem>>[vector<16xi32>, vector<16xi32>], vector<16xf32>,
      %get3A_478 = arith.index_cast %scan3A_403 : i32 to index
      %get3A_479 = arith.constant 48 : index
      %get3A_480 = tpu.vector_load %arg12[%get3A_478, %get3A_479] {strides = array<i32>} : memref<160x64xi32, #tpu.memory_space<vmem>>, vector<16xi32>,
      %get3A_481 = arith.index_cast %scan3A_403 : i32 to index
      %get3A_482 = arith.constant 48 : index
      %get3A_483 = tpu.vector_load %arg13[%get3A_481, %get3A_482] {strides = array<i32>} : memref<160x64xi32, #tpu.memory_space<vmem>>, vector<16xi32>,
      %gather3A_484 = tpu.vector_load_idx %arg10[%get3A_480] : memref<10112xf32, #tpu.memory_space<vmem>>[vector<16xi32>], vector<16xf32>,
      %gather3A_485 = tpu.vector_load_idx %arg11[%get3A_483] : memref<10112xf32, #tpu.memory_space<vmem>>[vector<16xi32>], vector<16xf32>,
      %add3A_486 = arith.addf %gather3A_484, %gather3A_485 : vector<16xf32>
      %get3A_487 = arith.index_cast %scan3A_403 : i32 to index
      %get3A_488 = arith.constant 48 : index
      %get3A_489 = tpu.vector_load %arg14[%get3A_487, %get3A_488] {strides = array<i32>} : memref<160x64xf32, #tpu.memory_space<vmem>>, vector<16xf32>,
      %add3A_490 = arith.addf %add3A_486, %get3A_489 : vector<16xf32>
      %ge3A_491 = arith.constant 0.000000e+00 : f32
      %ge3A_492 = vector.broadcast %ge3A_491 : f32 to vector<16xf32>
      %ge3A_493 = arith.cmpf oge, %add3A_490, %ge3A_492 : vector<16xf32>
      %mul3A_494 = arith.constant 0.00999999977 : f32
      %mul3A_495 = vector.broadcast %mul3A_494 : f32 to vector<16xf32>
      %mul3A_496 = arith.mulf %add3A_490, %mul3A_495 : vector<16xf32>
      %select_n3A_497 = arith.select %ge3A_493, %add3A_490, %mul3A_496 : vector<16xi1>, vector<16xf32>
      %exp3A_498 = math.exp %select_n3A_497 : vector<16xf32>
      %shift_right_logical3A_499 = arith.constant 6 : i32
      %shift_right_logical3A_500 = vector.broadcast %shift_right_logical3A_499 : i32 to vector<16xi32>
      %shift_right_logical3A_501 = arith.shrui %get3A_480, %shift_right_logical3A_500 : vector<16xi32>
      %and3A_502 = arith.constant 63 : i32
      %and3A_503 = vector.broadcast %and3A_502 : i32 to vector<16xi32>
      %and3A_504 = arith.andi %get3A_480, %and3A_503 : vector<16xi32>
      tpu.vector_store_idx %arg15[%shift_right_logical3A_501, %and3A_504], %exp3A_498 {add = true} : memref<160x64xf32, #tpu.memory_space<vmem>>[vector<16xi32>, vector<16xi32>], vector<16xf32>,
    }
    %scan3A_13 = arith.constant 160 : i32
    %mul3A_14 = arith.constant 320 : i32
    %mul3A_15 = arith.muli %arg1, %mul3A_14 : i32
    %add3A_16 = arith.constant 160 : i32
    %add3A_17 = arith.addi %mul3A_15, %add3A_16 : i32
    "tpu.region"() ({
      %run_scoped3A_403 = tpu.sem_alloc : memref<!tpu.dma_semaphore, #tpu.memory_space<semaphore_mem>>
      %dma_start3A_404 = arith.constant 0 : i32
      %dma_start3A_405 = tpu.memref_slice %arg4[%add3A_17, %dma_start3A_404] : memref<5120x64xi32, #tpu.memory_space<hbm>> -> memref<160x64xi32, #tpu.memory_space<hbm>>
      %dma_start3A_406 = arith.constant 0 : i32
      %dma_start3A_407 = tpu.memref_slice %arg4[%add3A_17, %dma_start3A_406] : memref<5120x64xi32, #tpu.memory_space<hbm>> -> memref<160x64xi32, #tpu.memory_space<hbm>>
      tpu.enqueue_dma source(%dma_start3A_407 : memref<160x64xi32, #tpu.memory_space<hbm>>) target(%arg12 : memref<160x64xi32, #tpu.memory_space<vmem>>) target_semaphore(%run_scoped3A_403 : memref<!tpu.dma_semaphore, #tpu.memory_space<semaphore_mem>>)
      %dma_wait3A_408 = arith.constant 0 : i32
      %dma_wait3A_409 = tpu.memref_slice %arg4[%add3A_17, %dma_wait3A_408] : memref<5120x64xi32, #tpu.memory_space<hbm>> -> memref<160x64xi32, #tpu.memory_space<hbm>>
      %dma_wait3A_410 = arith.constant 0 : i32
      %dma_wait3A_411 = tpu.memref_slice %arg4[%add3A_17, %dma_wait3A_410] : memref<5120x64xi32, #tpu.memory_space<hbm>> -> memref<160x64xi32, #tpu.memory_space<hbm>>
      tpu.wait_dma2 semaphore(%run_scoped3A_403 : memref<!tpu.dma_semaphore, #tpu.memory_space<semaphore_mem>>) src(%dma_wait3A_411 : memref<160x64xi32, #tpu.memory_space<hbm>>) dst(%arg12 : memref<160x64xi32, #tpu.memory_space<vmem>>)
      tpu.yield
    }) : () -> ()
    "tpu.region"() ({
      %run_scoped3A_403 = tpu.sem_alloc : memref<!tpu.dma_semaphore, #tpu.memory_space<semaphore_mem>>
      %dma_start3A_404 = arith.constant 0 : i32
      %dma_start3A_405 = tpu.memref_slice %arg5[%add3A_17, %dma_start3A_404] : memref<5120x64xi32, #tpu.memory_space<hbm>> -> memref<160x64xi32, #tpu.memory_space<hbm>>
      %dma_start3A_406 = arith.constant 0 : i32
      %dma_start3A_407 = tpu.memref_slice %arg5[%add3A_17, %dma_start3A_406] : memref<5120x64xi32, #tpu.memory_space<hbm>> -> memref<160x64xi32, #tpu.memory_space<hbm>>
      tpu.enqueue_dma source(%dma_start3A_407 : memref<160x64xi32, #tpu.memory_space<hbm>>) target(%arg13 : memref<160x64xi32, #tpu.memory_space<vmem>>) target_semaphore(%run_scoped3A_403 : memref<!tpu.dma_semaphore, #tpu.memory_space<semaphore_mem>>)
      %dma_wait3A_408 = arith.constant 0 : i32
      %dma_wait3A_409 = tpu.memref_slice %arg5[%add3A_17, %dma_wait3A_408] : memref<5120x64xi32, #tpu.memory_space<hbm>> -> memref<160x64xi32, #tpu.memory_space<hbm>>
      %dma_wait3A_410 = arith.constant 0 : i32
      %dma_wait3A_411 = tpu.memref_slice %arg5[%add3A_17, %dma_wait3A_410] : memref<5120x64xi32, #tpu.memory_space<hbm>> -> memref<160x64xi32, #tpu.memory_space<hbm>>
      tpu.wait_dma2 semaphore(%run_scoped3A_403 : memref<!tpu.dma_semaphore, #tpu.memory_space<semaphore_mem>>) src(%dma_wait3A_411 : memref<160x64xi32, #tpu.memory_space<hbm>>) dst(%arg13 : memref<160x64xi32, #tpu.memory_space<vmem>>)
      tpu.yield
    }) : () -> ()
    "tpu.region"() ({
      %run_scoped3A_403 = tpu.sem_alloc : memref<!tpu.dma_semaphore, #tpu.memory_space<semaphore_mem>>
      %dma_start3A_404 = arith.constant 0 : i32
      %dma_start3A_405 = tpu.memref_slice %arg6[%add3A_17, %dma_start3A_404] : memref<5120x64xf32, #tpu.memory_space<hbm>> -> memref<160x64xf32, #tpu.memory_space<hbm>>
      %dma_start3A_406 = arith.constant 0 : i32
      %dma_start3A_407 = tpu.memref_slice %arg6[%add3A_17, %dma_start3A_406] : memref<5120x64xf32, #tpu.memory_space<hbm>> -> memref<160x64xf32, #tpu.memory_space<hbm>>
      tpu.enqueue_dma source(%dma_start3A_407 : memref<160x64xf32, #tpu.memory_space<hbm>>) target(%arg14 : memref<160x64xf32, #tpu.memory_space<vmem>>) target_semaphore(%run_scoped3A_403 : memref<!tpu.dma_semaphore, #tpu.memory_space<semaphore_mem>>)
      %dma_wait3A_408 = arith.constant 0 : i32
      %dma_wait3A_409 = tpu.memref_slice %arg6[%add3A_17, %dma_wait3A_408] : memref<5120x64xf32, #tpu.memory_space<hbm>> -> memref<160x64xf32, #tpu.memory_space<hbm>>
      %dma_wait3A_410 = arith.constant 0 : i32
      %dma_wait3A_411 = tpu.memref_slice %arg6[%add3A_17, %dma_wait3A_410] : memref<5120x64xf32, #tpu.memory_space<hbm>> -> memref<160x64xf32, #tpu.memory_space<hbm>>
      tpu.wait_dma2 semaphore(%run_scoped3A_403 : memref<!tpu.dma_semaphore, #tpu.memory_space<semaphore_mem>>) src(%dma_wait3A_411 : memref<160x64xf32, #tpu.memory_space<hbm>>) dst(%arg14 : memref<160x64xf32, #tpu.memory_space<vmem>>)
      tpu.yield
    }) : () -> ()
    %scan3A_18 = arith.constant 0 : i32
    %scan3A_19 = arith.constant 0 : i32
    %scan3A_20 = arith.constant 160 : i32
    %scan3A_21 = arith.addi %scan3A_19, %scan3A_20 : i32
    %scan3A_22 = arith.constant 1 : i32
    scf.for %scan3A_403 = %scan3A_19 to %scan3A_21 step %scan3A_22  : i32 {
      %get3A = arith.index_cast %scan3A_403 : i32 to index
      %get3A_404 = arith.constant 0 : index
      %get3A_405 = tpu.vector_load %arg12[%get3A, %get3A_404] {strides = array<i32>} : memref<160x64xi32, #tpu.memory_space<vmem>>, vector<16xi32>,
      %get3A_406 = arith.index_cast %scan3A_403 : i32 to index
      %get3A_407 = arith.constant 0 : index
      %get3A_408 = tpu.vector_load %arg13[%get3A_406, %get3A_407] {strides = array<i32>} : memref<160x64xi32, #tpu.memory_space<vmem>>, vector<16xi32>,
      %gather3A = tpu.vector_load_idx %arg10[%get3A_405] : memref<10112xf32, #tpu.memory_space<vmem>>[vector<16xi32>], vector<16xf32>,
      %gather3A_409 = tpu.vector_load_idx %arg11[%get3A_408] : memref<10112xf32, #tpu.memory_space<vmem>>[vector<16xi32>], vector<16xf32>,
      %add3A_410 = arith.addf %gather3A, %gather3A_409 : vector<16xf32>
      %get3A_411 = arith.index_cast %scan3A_403 : i32 to index
      %get3A_412 = arith.constant 0 : index
      %get3A_413 = tpu.vector_load %arg14[%get3A_411, %get3A_412] {strides = array<i32>} : memref<160x64xf32, #tpu.memory_space<vmem>>, vector<16xf32>,
      %add3A_414 = arith.addf %add3A_410, %get3A_413 : vector<16xf32>
      %ge3A = arith.constant 0.000000e+00 : f32
      %ge3A_415 = vector.broadcast %ge3A : f32 to vector<16xf32>
      %ge3A_416 = arith.cmpf oge, %add3A_414, %ge3A_415 : vector<16xf32>
      %mul3A_417 = arith.constant 0.00999999977 : f32
      %mul3A_418 = vector.broadcast %mul3A_417 : f32 to vector<16xf32>
      %mul3A_419 = arith.mulf %add3A_414, %mul3A_418 : vector<16xf32>
      %select_n3A = arith.select %ge3A_416, %add3A_414, %mul3A_419 : vector<16xi1>, vector<16xf32>
      %exp3A = math.exp %select_n3A : vector<16xf32>
      %shift_right_logical3A = arith.constant 6 : i32
      %shift_right_logical3A_420 = vector.broadcast %shift_right_logical3A : i32 to vector<16xi32>
      %shift_right_logical3A_421 = arith.shrui %get3A_405, %shift_right_logical3A_420 : vector<16xi32>
      %and3A = arith.constant 63 : i32
      %and3A_422 = vector.broadcast %and3A : i32 to vector<16xi32>
      %and3A_423 = arith.andi %get3A_405, %and3A_422 : vector<16xi32>
      tpu.vector_store_idx %arg15[%shift_right_logical3A_421, %and3A_423], %exp3A {add = true} : memref<160x64xf32, #tpu.memory_space<vmem>>[vector<16xi32>, vector<16xi32>], vector<16xf32>,
      %get3A_424 = arith.index_cast %scan3A_403 : i32 to index
      %get3A_425 = arith.constant 16 : index
      %get3A_426 = tpu.vector_load %arg12[%get3A_424, %get3A_425] {strides = array<i32>} : memref<160x64xi32, #tpu.memory_space<vmem>>, vector<16xi32>,
      %get3A_427 = arith.index_cast %scan3A_403 : i32 to index
      %get3A_428 = arith.constant 16 : index
      %get3A_429 = tpu.vector_load %arg13[%get3A_427, %get3A_428] {strides = array<i32>} : memref<160x64xi32, #tpu.memory_space<vmem>>, vector<16xi32>,
      %gather3A_430 = tpu.vector_load_idx %arg10[%get3A_426] : memref<10112xf32, #tpu.memory_space<vmem>>[vector<16xi32>], vector<16xf32>,
      %gather3A_431 = tpu.vector_load_idx %arg11[%get3A_429] : memref<10112xf32, #tpu.memory_space<vmem>>[vector<16xi32>], vector<16xf32>,
      %add3A_432 = arith.addf %gather3A_430, %gather3A_431 : vector<16xf32>
      %get3A_433 = arith.index_cast %scan3A_403 : i32 to index
      %get3A_434 = arith.constant 16 : index
      %get3A_435 = tpu.vector_load %arg14[%get3A_433, %get3A_434] {strides = array<i32>} : memref<160x64xf32, #tpu.memory_space<vmem>>, vector<16xf32>,
      %add3A_436 = arith.addf %add3A_432, %get3A_435 : vector<16xf32>
      %ge3A_437 = arith.constant 0.000000e+00 : f32
      %ge3A_438 = vector.broadcast %ge3A_437 : f32 to vector<16xf32>
      %ge3A_439 = arith.cmpf oge, %add3A_436, %ge3A_438 : vector<16xf32>
      %mul3A_440 = arith.constant 0.00999999977 : f32
      %mul3A_441 = vector.broadcast %mul3A_440 : f32 to vector<16xf32>
      %mul3A_442 = arith.mulf %add3A_436, %mul3A_441 : vector<16xf32>
      %select_n3A_443 = arith.select %ge3A_439, %add3A_436, %mul3A_442 : vector<16xi1>, vector<16xf32>
      %exp3A_444 = math.exp %select_n3A_443 : vector<16xf32>
      %shift_right_logical3A_445 = arith.constant 6 : i32
      %shift_right_logical3A_446 = vector.broadcast %shift_right_logical3A_445 : i32 to vector<16xi32>
      %shift_right_logical3A_447 = arith.shrui %get3A_426, %shift_right_logical3A_446 : vector<16xi32>
      %and3A_448 = arith.constant 63 : i32
      %and3A_449 = vector.broadcast %and3A_448 : i32 to vector<16xi32>
      %and3A_450 = arith.andi %get3A_426, %and3A_449 : vector<16xi32>
      tpu.vector_store_idx %arg15[%shift_right_logical3A_447, %and3A_450], %exp3A_444 {add = true} : memref<160x64xf32, #tpu.memory_space<vmem>>[vector<16xi32>, vector<16xi32>], vector<16xf32>,
      %get3A_451 = arith.index_cast %scan3A_403 : i32 to index
      %get3A_452 = arith.constant 32 : index
      %get3A_453 = tpu.vector_load %arg12[%get3A_451, %get3A_452] {strides = array<i32>} : memref<160x64xi32, #tpu.memory_space<vmem>>, vector<16xi32>,
      %get3A_454 = arith.index_cast %scan3A_403 : i32 to index
      %get3A_455 = arith.constant 32 : index
      %get3A_456 = tpu.vector_load %arg13[%get3A_454, %get3A_455] {strides = array<i32>} : memref<160x64xi32, #tpu.memory_space<vmem>>, vector<16xi32>,
      %gather3A_457 = tpu.vector_load_idx %arg10[%get3A_453] : memref<10112xf32, #tpu.memory_space<vmem>>[vector<16xi32>], vector<16xf32>,
      %gather3A_458 = tpu.vector_load_idx %arg11[%get3A_456] : memref<10112xf32, #tpu.memory_space<vmem>>[vector<16xi32>], vector<16xf32>,
      %add3A_459 = arith.addf %gather3A_457, %gather3A_458 : vector<16xf32>
      %get3A_460 = arith.index_cast %scan3A_403 : i32 to index
      %get3A_461 = arith.constant 32 : index
      %get3A_462 = tpu.vector_load %arg14[%get3A_460, %get3A_461] {strides = array<i32>} : memref<160x64xf32, #tpu.memory_space<vmem>>, vector<16xf32>,
      %add3A_463 = arith.addf %add3A_459, %get3A_462 : vector<16xf32>
      %ge3A_464 = arith.constant 0.000000e+00 : f32
      %ge3A_465 = vector.broadcast %ge3A_464 : f32 to vector<16xf32>
      %ge3A_466 = arith.cmpf oge, %add3A_463, %ge3A_465 : vector<16xf32>
      %mul3A_467 = arith.constant 0.00999999977 : f32
      %mul3A_468 = vector.broadcast %mul3A_467 : f32 to vector<16xf32>
      %mul3A_469 = arith.mulf %add3A_463, %mul3A_468 : vector<16xf32>
      %select_n3A_470 = arith.select %ge3A_466, %add3A_463, %mul3A_469 : vector<16xi1>, vector<16xf32>
      %exp3A_471 = math.exp %select_n3A_470 : vector<16xf32>
      %shift_right_logical3A_472 = arith.constant 6 : i32
      %shift_right_logical3A_473 = vector.broadcast %shift_right_logical3A_472 : i32 to vector<16xi32>
      %shift_right_logical3A_474 = arith.shrui %get3A_453, %shift_right_logical3A_473 : vector<16xi32>
      %and3A_475 = arith.constant 63 : i32
      %and3A_476 = vector.broadcast %and3A_475 : i32 to vector<16xi32>
      %and3A_477 = arith.andi %get3A_453, %and3A_476 : vector<16xi32>
      tpu.vector_store_idx %arg15[%shift_right_logical3A_474, %and3A_477], %exp3A_471 {add = true} : memref<160x64xf32, #tpu.memory_space<vmem>>[vector<16xi32>, vector<16xi32>], vector<16xf32>,
      %get3A_478 = arith.index_cast %scan3A_403 : i32 to index
      %get3A_479 = arith.constant 48 : index
      %get3A_480 = tpu.vector_load %arg12[%get3A_478, %get3A_479] {strides = array<i32>} : memref<160x64xi32, #tpu.memory_space<vmem>>, vector<16xi32>,
      %get3A_481 = arith.index_cast %scan3A_403 : i32 to index
      %get3A_482 = arith.constant 48 : index
      %get3A_483 = tpu.vector_load %arg13[%get3A_481, %get3A_482] {strides = array<i32>} : memref<160x64xi32, #tpu.memory_space<vmem>>, vector<16xi32>,
      %gather3A_484 = tpu.vector_load_idx %arg10[%get3A_480] : memref<10112xf32, #tpu.memory_space<vmem>>[vector<16xi32>], vector<16xf32>,
      %gather3A_485 = tpu.vector_load_idx %arg11[%get3A_483] : memref<10112xf32, #tpu.memory_space<vmem>>[vector<16xi32>], vector<16xf32>,
      %add3A_486 = arith.addf %gather3A_484, %gather3A_485 : vector<16xf32>
      %get3A_487 = arith.index_cast %scan3A_403 : i32 to index
      %get3A_488 = arith.constant 48 : index
      %get3A_489 = tpu.vector_load %arg14[%get3A_487, %get3A_488] {strides = array<i32>} : memref<160x64xf32, #tpu.memory_space<vmem>>, vector<16xf32>,
      %add3A_490 = arith.addf %add3A_486, %get3A_489 : vector<16xf32>
      %ge3A_491 = arith.constant 0.000000e+00 : f32
      %ge3A_492 = vector.broadcast %ge3A_491 : f32 to vector<16xf32>
      %ge3A_493 = arith.cmpf oge, %add3A_490, %ge3A_492 : vector<16xf32>
      %mul3A_494 = arith.constant 0.00999999977 : f32
      %mul3A_495 = vector.broadcast %mul3A_494 : f32 to vector<16xf32>
      %mul3A_496 = arith.mulf %add3A_490, %mul3A_495 : vector<16xf32>
      %select_n3A_497 = arith.select %ge3A_493, %add3A_490, %mul3A_496 : vector<16xi1>, vector<16xf32>
      %exp3A_498 = math.exp %select_n3A_497 : vector<16xf32>
      %shift_right_logical3A_499 = arith.constant 6 : i32
      %shift_right_logical3A_500 = vector.broadcast %shift_right_logical3A_499 : i32 to vector<16xi32>
      %shift_right_logical3A_501 = arith.shrui %get3A_480, %shift_right_logical3A_500 : vector<16xi32>
      %and3A_502 = arith.constant 63 : i32
      %and3A_503 = vector.broadcast %and3A_502 : i32 to vector<16xi32>
      %and3A_504 = arith.andi %get3A_480, %and3A_503 : vector<16xi32>
      tpu.vector_store_idx %arg15[%shift_right_logical3A_501, %and3A_504], %exp3A_498 {add = true} : memref<160x64xf32, #tpu.memory_space<vmem>>[vector<16xi32>, vector<16xi32>], vector<16xf32>,
    }
    %scan3A_23 = arith.constant 160 : i32
    %mul3A_24 = arith.constant 160 : i32
    %mul3A_25 = arith.muli %arg1, %mul3A_24 : i32
    "tpu.region"() ({
      %run_scoped3A_403 = tpu.sem_alloc : memref<!tpu.dma_semaphore, #tpu.memory_space<semaphore_mem>>
      %dma_start3A_404 = arith.constant 0 : i32
      %dma_start3A_405 = tpu.memref_slice %arg24[%mul3A_25, %dma_start3A_404] : memref<10112x64xf32, #tpu.memory_space<vmem_shared>> -> memref<160x64xf32, #tpu.memory_space<vmem_shared>>
      %dma_start3A_406 = arith.constant 0 : i32
      %dma_start3A_407 = tpu.memref_slice %arg24[%mul3A_25, %dma_start3A_406] : memref<10112x64xf32, #tpu.memory_space<vmem_shared>> -> memref<160x64xf32, #tpu.memory_space<vmem_shared>>
      tpu.enqueue_dma source(%arg15 : memref<160x64xf32, #tpu.memory_space<vmem>>) target(%dma_start3A_407 : memref<160x64xf32, #tpu.memory_space<vmem_shared>>) target_semaphore(%run_scoped3A_403 : memref<!tpu.dma_semaphore, #tpu.memory_space<semaphore_mem>>)
      %dma_wait3A_408 = arith.constant 0 : i32
      %dma_wait3A_409 = tpu.memref_slice %arg24[%mul3A_25, %dma_wait3A_408] : memref<10112x64xf32, #tpu.memory_space<vmem_shared>> -> memref<160x64xf32, #tpu.memory_space<vmem_shared>>
      %dma_wait3A_410 = arith.constant 0 : i32
      %dma_wait3A_411 = tpu.memref_slice %arg24[%mul3A_25, %dma_wait3A_410] : memref<10112x64xf32, #tpu.memory_space<vmem_shared>> -> memref<160x64xf32, #tpu.memory_space<vmem_shared>>
      tpu.wait_dma2 semaphore(%run_scoped3A_403 : memref<!tpu.dma_semaphore, #tpu.memory_space<semaphore_mem>>) src(%arg15 : memref<160x64xf32, #tpu.memory_space<vmem>>) dst(%dma_wait3A_411 : memref<160x64xf32, #tpu.memory_space<vmem_shared>>)
      tpu.yield
    }) : () -> ()
    %barrier3A = arith.constant 0 : index
    tpu.barrier barrier_id(%barrier3A)
    %mul3A_26 = arith.constant 10 : i32
    %mul3A_27 = arith.muli %arg1, %mul3A_26 : i32
    %add3A_28 = arith.constant 0 : i32
    %add3A_29 = arith.addi %add3A_28, %mul3A_27 : i32
    %run_scoped3A = arith.constant 0 : i32
    "tpu.region"() ({
      %run_scoped3A_403 = tpu.sem_alloc : memref<!tpu.dma_semaphore, #tpu.memory_space<semaphore_mem>>
      %dma_start3A_404 = arith.constant 0 : i32
      %dma_start3A_405 = arith.constant 0 : i32
      %dma_start3A_406 = tpu.memref_slice %arg21[%run_scoped3A, %dma_start3A_404, %dma_start3A_405] : memref<8x10x64xf32, #tpu.memory_space<vmem>> -> memref<1x10x64xf32, #tpu.memory_space<vmem>>
      %dma_start3A_407 = tpu.memref_squeeze %dma_start3A_406 : memref<1x10x64xf32, #tpu.memory_space<vmem>> -> memref<10x64xf32, #tpu.memory_space<vmem>>
      %dma_start3A_408 = arith.constant 0 : i32
      %dma_start3A_409 = tpu.memref_slice %arg24[%add3A_29, %dma_start3A_408] : memref<10112x64xf32, #tpu.memory_space<vmem_shared>> -> memref<10x64xf32, #tpu.memory_space<vmem_shared>>
      %dma_start3A_410 = arith.constant 0 : i32
      %dma_start3A_411 = arith.constant 0 : i32
      %dma_start3A_412 = tpu.memref_slice %arg21[%run_scoped3A, %dma_start3A_410, %dma_start3A_411] : memref<8x10x64xf32, #tpu.memory_space<vmem>> -> memref<1x10x64xf32, #tpu.memory_space<vmem>>
      %dma_start3A_413 = tpu.memref_squeeze %dma_start3A_412 : memref<1x10x64xf32, #tpu.memory_space<vmem>> -> memref<10x64xf32, #tpu.memory_space<vmem>>
      %dma_start3A_414 = arith.constant 0 : i32
      %dma_start3A_415 = tpu.memref_slice %arg24[%add3A_29, %dma_start3A_414] : memref<10112x64xf32, #tpu.memory_space<vmem_shared>> -> memref<10x64xf32, #tpu.memory_space<vmem_shared>>
      tpu.enqueue_dma source(%dma_start3A_415 : memref<10x64xf32, #tpu.memory_space<vmem_shared>>) target(%dma_start3A_413 : memref<10x64xf32, #tpu.memory_space<vmem>>) target_semaphore(%run_scoped3A_403 : memref<!tpu.dma_semaphore, #tpu.memory_space<semaphore_mem>>)
      %dma_wait3A_416 = arith.constant 0 : i32
      %dma_wait3A_417 = arith.constant 0 : i32
      %dma_wait3A_418 = tpu.memref_slice %arg21[%run_scoped3A, %dma_wait3A_416, %dma_wait3A_417] : memref<8x10x64xf32, #tpu.memory_space<vmem>> -> memref<1x10x64xf32, #tpu.memory_space<vmem>>
      %dma_wait3A_419 = tpu.memref_squeeze %dma_wait3A_418 : memref<1x10x64xf32, #tpu.memory_space<vmem>> -> memref<10x64xf32, #tpu.memory_space<vmem>>
      %dma_wait3A_420 = arith.constant 0 : i32
      %dma_wait3A_421 = tpu.memref_slice %arg24[%add3A_29, %dma_wait3A_420] : memref<10112x64xf32, #tpu.memory_space<vmem_shared>> -> memref<10x64xf32, #tpu.memory_space<vmem_shared>>
      %dma_wait3A_422 = arith.constant 0 : i32
      %dma_wait3A_423 = arith.constant 0 : i32
      %dma_wait3A_424 = tpu.memref_slice %arg21[%run_scoped3A, %dma_wait3A_422, %dma_wait3A_423] : memref<8x10x64xf32, #tpu.memory_space<vmem>> -> memref<1x10x64xf32, #tpu.memory_space<vmem>>
      %dma_wait3A_425 = tpu.memref_squeeze %dma_wait3A_424 : memref<1x10x64xf32, #tpu.memory_space<vmem>> -> memref<10x64xf32, #tpu.memory_space<vmem>>
      %dma_wait3A_426 = arith.constant 0 : i32
      %dma_wait3A_427 = tpu.memref_slice %arg24[%add3A_29, %dma_wait3A_426] : memref<10112x64xf32, #tpu.memory_space<vmem_shared>> -> memref<10x64xf32, #tpu.memory_space<vmem_shared>>
      tpu.wait_dma2 semaphore(%run_scoped3A_403 : memref<!tpu.dma_semaphore, #tpu.memory_space<semaphore_mem>>) src(%dma_wait3A_427 : memref<10x64xf32, #tpu.memory_space<vmem_shared>>) dst(%dma_wait3A_425 : memref<10x64xf32, #tpu.memory_space<vmem>>)
      tpu.yield
    }) : () -> ()
    %mul3A_30 = arith.constant 10 : i32
    %mul3A_31 = arith.muli %arg1, %mul3A_30 : i32
    %add3A_32 = arith.constant 160 : i32
    %add3A_33 = arith.addi %add3A_32, %mul3A_31 : i32
    %run_scoped3A_34 = arith.constant 1 : i32
    "tpu.region"() ({
      %run_scoped3A_403 = tpu.sem_alloc : memref<!tpu.dma_semaphore, #tpu.memory_space<semaphore_mem>>
      %dma_start3A_404 = arith.constant 0 : i32
      %dma_start3A_405 = arith.constant 0 : i32
      %dma_start3A_406 = tpu.memref_slice %arg21[%run_scoped3A_34, %dma_start3A_404, %dma_start3A_405] : memref<8x10x64xf32, #tpu.memory_space<vmem>> -> memref<1x10x64xf32, #tpu.memory_space<vmem>>
      %dma_start3A_407 = tpu.memref_squeeze %dma_start3A_406 : memref<1x10x64xf32, #tpu.memory_space<vmem>> -> memref<10x64xf32, #tpu.memory_space<vmem>>
      %dma_start3A_408 = arith.constant 0 : i32
      %dma_start3A_409 = tpu.memref_slice %arg24[%add3A_33, %dma_start3A_408] : memref<10112x64xf32, #tpu.memory_space<vmem_shared>> -> memref<10x64xf32, #tpu.memory_space<vmem_shared>>
      %dma_start3A_410 = arith.constant 0 : i32
      %dma_start3A_411 = arith.constant 0 : i32
      %dma_start3A_412 = tpu.memref_slice %arg21[%run_scoped3A_34, %dma_start3A_410, %dma_start3A_411] : memref<8x10x64xf32, #tpu.memory_space<vmem>> -> memref<1x10x64xf32, #tpu.memory_space<vmem>>
      %dma_start3A_413 = tpu.memref_squeeze %dma_start3A_412 : memref<1x10x64xf32, #tpu.memory_space<vmem>> -> memref<10x64xf32, #tpu.memory_space<vmem>>
      %dma_start3A_414 = arith.constant 0 : i32
      %dma_start3A_415 = tpu.memref_slice %arg24[%add3A_33, %dma_start3A_414] : memref<10112x64xf32, #tpu.memory_space<vmem_shared>> -> memref<10x64xf32, #tpu.memory_space<vmem_shared>>
      tpu.enqueue_dma source(%dma_start3A_415 : memref<10x64xf32, #tpu.memory_space<vmem_shared>>) target(%dma_start3A_413 : memref<10x64xf32, #tpu.memory_space<vmem>>) target_semaphore(%run_scoped3A_403 : memref<!tpu.dma_semaphore, #tpu.memory_space<semaphore_mem>>)
      %dma_wait3A_416 = arith.constant 0 : i32
      %dma_wait3A_417 = arith.constant 0 : i32
      %dma_wait3A_418 = tpu.memref_slice %arg21[%run_scoped3A_34, %dma_wait3A_416, %dma_wait3A_417] : memref<8x10x64xf32, #tpu.memory_space<vmem>> -> memref<1x10x64xf32, #tpu.memory_space<vmem>>
      %dma_wait3A_419 = tpu.memref_squeeze %dma_wait3A_418 : memref<1x10x64xf32, #tpu.memory_space<vmem>> -> memref<10x64xf32, #tpu.memory_space<vmem>>
      %dma_wait3A_420 = arith.constant 0 : i32
      %dma_wait3A_421 = tpu.memref_slice %arg24[%add3A_33, %dma_wait3A_420] : memref<10112x64xf32, #tpu.memory_space<vmem_shared>> -> memref<10x64xf32, #tpu.memory_space<vmem_shared>>
      %dma_wait3A_422 = arith.constant 0 : i32
      %dma_wait3A_423 = arith.constant 0 : i32
      %dma_wait3A_424 = tpu.memref_slice %arg21[%run_scoped3A_34, %dma_wait3A_422, %dma_wait3A_423] : memref<8x10x64xf32, #tpu.memory_space<vmem>> -> memref<1x10x64xf32, #tpu.memory_space<vmem>>
      %dma_wait3A_425 = tpu.memref_squeeze %dma_wait3A_424 : memref<1x10x64xf32, #tpu.memory_space<vmem>> -> memref<10x64xf32, #tpu.memory_space<vmem>>
      %dma_wait3A_426 = arith.constant 0 : i32
      %dma_wait3A_427 = tpu.memref_slice %arg24[%add3A_33, %dma_wait3A_426] : memref<10112x64xf32, #tpu.memory_space<vmem_shared>> -> memref<10x64xf32, #tpu.memory_space<vmem_shared>>
      tpu.wait_dma2 semaphore(%run_scoped3A_403 : memref<!tpu.dma_semaphore, #tpu.memory_space<semaphore_mem>>) src(%dma_wait3A_427 : memref<10x64xf32, #tpu.memory_space<vmem_shared>>) dst(%dma_wait3A_425 : memref<10x64xf32, #tpu.memory_space<vmem>>)
      tpu.yield
    }) : () -> ()
    %mul3A_35 = arith.constant 10 : i32
    %mul3A_36 = arith.muli %arg1, %mul3A_35 : i32
    %add3A_37 = arith.constant 320 : i32
    %add3A_38 = arith.addi %add3A_37, %mul3A_36 : i32
    %run_scoped3A_39 = arith.constant 2 : i32
    "tpu.region"() ({
      %run_scoped3A_403 = tpu.sem_alloc : memref<!tpu.dma_semaphore, #tpu.memory_space<semaphore_mem>>
      %dma_start3A_404 = arith.constant 0 : i32
      %dma_start3A_405 = arith.constant 0 : i32
      %dma_start3A_406 = tpu.memref_slice %arg21[%run_scoped3A_39, %dma_start3A_404, %dma_start3A_405] : memref<8x10x64xf32, #tpu.memory_space<vmem>> -> memref<1x10x64xf32, #tpu.memory_space<vmem>>
      %dma_start3A_407 = tpu.memref_squeeze %dma_start3A_406 : memref<1x10x64xf32, #tpu.memory_space<vmem>> -> memref<10x64xf32, #tpu.memory_space<vmem>>
      %dma_start3A_408 = arith.constant 0 : i32
      %dma_start3A_409 = tpu.memref_slice %arg24[%add3A_38, %dma_start3A_408] : memref<10112x64xf32, #tpu.memory_space<vmem_shared>> -> memref<10x64xf32, #tpu.memory_space<vmem_shared>>
      %dma_start3A_410 = arith.constant 0 : i32
      %dma_start3A_411 = arith.constant 0 : i32
      %dma_start3A_412 = tpu.memref_slice %arg21[%run_scoped3A_39, %dma_start3A_410, %dma_start3A_411] : memref<8x10x64xf32, #tpu.memory_space<vmem>> -> memref<1x10x64xf32, #tpu.memory_space<vmem>>
      %dma_start3A_413 = tpu.memref_squeeze %dma_start3A_412 : memref<1x10x64xf32, #tpu.memory_space<vmem>> -> memref<10x64xf32, #tpu.memory_space<vmem>>
      %dma_start3A_414 = arith.constant 0 : i32
      %dma_start3A_415 = tpu.memref_slice %arg24[%add3A_38, %dma_start3A_414] : memref<10112x64xf32, #tpu.memory_space<vmem_shared>> -> memref<10x64xf32, #tpu.memory_space<vmem_shared>>
      tpu.enqueue_dma source(%dma_start3A_415 : memref<10x64xf32, #tpu.memory_space<vmem_shared>>) target(%dma_start3A_413 : memref<10x64xf32, #tpu.memory_space<vmem>>) target_semaphore(%run_scoped3A_403 : memref<!tpu.dma_semaphore, #tpu.memory_space<semaphore_mem>>)
      %dma_wait3A_416 = arith.constant 0 : i32
      %dma_wait3A_417 = arith.constant 0 : i32
      %dma_wait3A_418 = tpu.memref_slice %arg21[%run_scoped3A_39, %dma_wait3A_416, %dma_wait3A_417] : memref<8x10x64xf32, #tpu.memory_space<vmem>> -> memref<1x10x64xf32, #tpu.memory_space<vmem>>
      %dma_wait3A_419 = tpu.memref_squeeze %dma_wait3A_418 : memref<1x10x64xf32, #tpu.memory_space<vmem>> -> memref<10x64xf32, #tpu.memory_space<vmem>>
      %dma_wait3A_420 = arith.constant 0 : i32
      %dma_wait3A_421 = tpu.memref_slice %arg24[%add3A_38, %dma_wait3A_420] : memref<10112x64xf32, #tpu.memory_space<vmem_shared>> -> memref<10x64xf32, #tpu.memory_space<vmem_shared>>
      %dma_wait3A_422 = arith.constant 0 : i32
      %dma_wait3A_423 = arith.constant 0 : i32
      %dma_wait3A_424 = tpu.memref_slice %arg21[%run_scoped3A_39, %dma_wait3A_422, %dma_wait3A_423] : memref<8x10x64xf32, #tpu.memory_space<vmem>> -> memref<1x10x64xf32, #tpu.memory_space<vmem>>
      %dma_wait3A_425 = tpu.memref_squeeze %dma_wait3A_424 : memref<1x10x64xf32, #tpu.memory_space<vmem>> -> memref<10x64xf32, #tpu.memory_space<vmem>>
      %dma_wait3A_426 = arith.constant 0 : i32
      %dma_wait3A_427 = tpu.memref_slice %arg24[%add3A_38, %dma_wait3A_426] : memref<10112x64xf32, #tpu.memory_space<vmem_shared>> -> memref<10x64xf32, #tpu.memory_space<vmem_shared>>
      tpu.wait_dma2 semaphore(%run_scoped3A_403 : memref<!tpu.dma_semaphore, #tpu.memory_space<semaphore_mem>>) src(%dma_wait3A_427 : memref<10x64xf32, #tpu.memory_space<vmem_shared>>) dst(%dma_wait3A_425 : memref<10x64xf32, #tpu.memory_space<vmem>>)
      tpu.yield
    }) : () -> ()
    %mul3A_40 = arith.constant 10 : i32
    %mul3A_41 = arith.muli %arg1, %mul3A_40 : i32
    %add3A_42 = arith.constant 480 : i32
    %add3A_43 = arith.addi %add3A_42, %mul3A_41 : i32
    %run_scoped3A_44 = arith.constant 3 : i32
    "tpu.region"() ({
      %run_scoped3A_403 = tpu.sem_alloc : memref<!tpu.dma_semaphore, #tpu.memory_space<semaphore_mem>>
      %dma_start3A_404 = arith.constant 0 : i32
      %dma_start3A_405 = arith.constant 0 : i32
      %dma_start3A_406 = tpu.memref_slice %arg21[%run_scoped3A_44, %dma_start3A_404, %dma_start3A_405] : memref<8x10x64xf32, #tpu.memory_space<vmem>> -> memref<1x10x64xf32, #tpu.memory_space<vmem>>
      %dma_start3A_407 = tpu.memref_squeeze %dma_start3A_406 : memref<1x10x64xf32, #tpu.memory_space<vmem>> -> memref<10x64xf32, #tpu.memory_space<vmem>>
      %dma_start3A_408 = arith.constant 0 : i32
      %dma_start3A_409 = tpu.memref_slice %arg24[%add3A_43, %dma_start3A_408] : memref<10112x64xf32, #tpu.memory_space<vmem_shared>> -> memref<10x64xf32, #tpu.memory_space<vmem_shared>>
      %dma_start3A_410 = arith.constant 0 : i32
      %dma_start3A_411 = arith.constant 0 : i32
      %dma_start3A_412 = tpu.memref_slice %arg21[%run_scoped3A_44, %dma_start3A_410, %dma_start3A_411] : memref<8x10x64xf32, #tpu.memory_space<vmem>> -> memref<1x10x64xf32, #tpu.memory_space<vmem>>
      %dma_start3A_413 = tpu.memref_squeeze %dma_start3A_412 : memref<1x10x64xf32, #tpu.memory_space<vmem>> -> memref<10x64xf32, #tpu.memory_space<vmem>>
      %dma_start3A_414 = arith.constant 0 : i32
      %dma_start3A_415 = tpu.memref_slice %arg24[%add3A_43, %dma_start3A_414] : memref<10112x64xf32, #tpu.memory_space<vmem_shared>> -> memref<10x64xf32, #tpu.memory_space<vmem_shared>>
      tpu.enqueue_dma source(%dma_start3A_415 : memref<10x64xf32, #tpu.memory_space<vmem_shared>>) target(%dma_start3A_413 : memref<10x64xf32, #tpu.memory_space<vmem>>) target_semaphore(%run_scoped3A_403 : memref<!tpu.dma_semaphore, #tpu.memory_space<semaphore_mem>>)
      %dma_wait3A_416 = arith.constant 0 : i32
      %dma_wait3A_417 = arith.constant 0 : i32
      %dma_wait3A_418 = tpu.memref_slice %arg21[%run_scoped3A_44, %dma_wait3A_416, %dma_wait3A_417] : memref<8x10x64xf32, #tpu.memory_space<vmem>> -> memref<1x10x64xf32, #tpu.memory_space<vmem>>
      %dma_wait3A_419 = tpu.memref_squeeze %dma_wait3A_418 : memref<1x10x64xf32, #tpu.memory_space<vmem>> -> memref<10x64xf32, #tpu.memory_space<vmem>>
      %dma_wait3A_420 = arith.constant 0 : i32
      %dma_wait3A_421 = tpu.memref_slice %arg24[%add3A_43, %dma_wait3A_420] : memref<10112x64xf32, #tpu.memory_space<vmem_shared>> -> memref<10x64xf32, #tpu.memory_space<vmem_shared>>
      %dma_wait3A_422 = arith.constant 0 : i32
      %dma_wait3A_423 = arith.constant 0 : i32
      %dma_wait3A_424 = tpu.memref_slice %arg21[%run_scoped3A_44, %dma_wait3A_422, %dma_wait3A_423] : memref<8x10x64xf32, #tpu.memory_space<vmem>> -> memref<1x10x64xf32, #tpu.memory_space<vmem>>
      %dma_wait3A_425 = tpu.memref_squeeze %dma_wait3A_424 : memref<1x10x64xf32, #tpu.memory_space<vmem>> -> memref<10x64xf32, #tpu.memory_space<vmem>>
      %dma_wait3A_426 = arith.constant 0 : i32
      %dma_wait3A_427 = tpu.memref_slice %arg24[%add3A_43, %dma_wait3A_426] : memref<10112x64xf32, #tpu.memory_space<vmem_shared>> -> memref<10x64xf32, #tpu.memory_space<vmem_shared>>
      tpu.wait_dma2 semaphore(%run_scoped3A_403 : memref<!tpu.dma_semaphore, #tpu.memory_space<semaphore_mem>>) src(%dma_wait3A_427 : memref<10x64xf32, #tpu.memory_space<vmem_shared>>) dst(%dma_wait3A_425 : memref<10x64xf32, #tpu.memory_space<vmem>>)
      tpu.yield
    }) : () -> ()
    %mul3A_45 = arith.constant 10 : i32
    %mul3A_46 = arith.muli %arg1, %mul3A_45 : i32
    %add3A_47 = arith.constant 640 : i32
    %add3A_48 = arith.addi %add3A_47, %mul3A_46 : i32
    %run_scoped3A_49 = arith.constant 4 : i32
    "tpu.region"() ({
      %run_scoped3A_403 = tpu.sem_alloc : memref<!tpu.dma_semaphore, #tpu.memory_space<semaphore_mem>>
      %dma_start3A_404 = arith.constant 0 : i32
      %dma_start3A_405 = arith.constant 0 : i32
      %dma_start3A_406 = tpu.memref_slice %arg21[%run_scoped3A_49, %dma_start3A_404, %dma_start3A_405] : memref<8x10x64xf32, #tpu.memory_space<vmem>> -> memref<1x10x64xf32, #tpu.memory_space<vmem>>
      %dma_start3A_407 = tpu.memref_squeeze %dma_start3A_406 : memref<1x10x64xf32, #tpu.memory_space<vmem>> -> memref<10x64xf32, #tpu.memory_space<vmem>>
      %dma_start3A_408 = arith.constant 0 : i32
      %dma_start3A_409 = tpu.memref_slice %arg24[%add3A_48, %dma_start3A_408] : memref<10112x64xf32, #tpu.memory_space<vmem_shared>> -> memref<10x64xf32, #tpu.memory_space<vmem_shared>>
      %dma_start3A_410 = arith.constant 0 : i32
      %dma_start3A_411 = arith.constant 0 : i32
      %dma_start3A_412 = tpu.memref_slice %arg21[%run_scoped3A_49, %dma_start3A_410, %dma_start3A_411] : memref<8x10x64xf32, #tpu.memory_space<vmem>> -> memref<1x10x64xf32, #tpu.memory_space<vmem>>
      %dma_start3A_413 = tpu.memref_squeeze %dma_start3A_412 : memref<1x10x64xf32, #tpu.memory_space<vmem>> -> memref<10x64xf32, #tpu.memory_space<vmem>>
      %dma_start3A_414 = arith.constant 0 : i32
      %dma_start3A_415 = tpu.memref_slice %arg24[%add3A_48, %dma_start3A_414] : memref<10112x64xf32, #tpu.memory_space<vmem_shared>> -> memref<10x64xf32, #tpu.memory_space<vmem_shared>>
      tpu.enqueue_dma source(%dma_start3A_415 : memref<10x64xf32, #tpu.memory_space<vmem_shared>>) target(%dma_start3A_413 : memref<10x64xf32, #tpu.memory_space<vmem>>) target_semaphore(%run_scoped3A_403 : memref<!tpu.dma_semaphore, #tpu.memory_space<semaphore_mem>>)
      %dma_wait3A_416 = arith.constant 0 : i32
      %dma_wait3A_417 = arith.constant 0 : i32
      %dma_wait3A_418 = tpu.memref_slice %arg21[%run_scoped3A_49, %dma_wait3A_416, %dma_wait3A_417] : memref<8x10x64xf32, #tpu.memory_space<vmem>> -> memref<1x10x64xf32, #tpu.memory_space<vmem>>
      %dma_wait3A_419 = tpu.memref_squeeze %dma_wait3A_418 : memref<1x10x64xf32, #tpu.memory_space<vmem>> -> memref<10x64xf32, #tpu.memory_space<vmem>>
      %dma_wait3A_420 = arith.constant 0 : i32
      %dma_wait3A_421 = tpu.memref_slice %arg24[%add3A_48, %dma_wait3A_420] : memref<10112x64xf32, #tpu.memory_space<vmem_shared>> -> memref<10x64xf32, #tpu.memory_space<vmem_shared>>
      %dma_wait3A_422 = arith.constant 0 : i32
      %dma_wait3A_423 = arith.constant 0 : i32
      %dma_wait3A_424 = tpu.memref_slice %arg21[%run_scoped3A_49, %dma_wait3A_422, %dma_wait3A_423] : memref<8x10x64xf32, #tpu.memory_space<vmem>> -> memref<1x10x64xf32, #tpu.memory_space<vmem>>
      %dma_wait3A_425 = tpu.memref_squeeze %dma_wait3A_424 : memref<1x10x64xf32, #tpu.memory_space<vmem>> -> memref<10x64xf32, #tpu.memory_space<vmem>>
      %dma_wait3A_426 = arith.constant 0 : i32
      %dma_wait3A_427 = tpu.memref_slice %arg24[%add3A_48, %dma_wait3A_426] : memref<10112x64xf32, #tpu.memory_space<vmem_shared>> -> memref<10x64xf32, #tpu.memory_space<vmem_shared>>
      tpu.wait_dma2 semaphore(%run_scoped3A_403 : memref<!tpu.dma_semaphore, #tpu.memory_space<semaphore_mem>>) src(%dma_wait3A_427 : memref<10x64xf32, #tpu.memory_space<vmem_shared>>) dst(%dma_wait3A_425 : memref<10x64xf32, #tpu.memory_space<vmem>>)
      tpu.yield
    }) : () -> ()
    %mul3A_50 = arith.constant 10 : i32
    %mul3A_51 = arith.muli %arg1, %mul3A_50 : i32
    %add3A_52 = arith.constant 800 : i32
    %add3A_53 = arith.addi %add3A_52, %mul3A_51 : i32
    %run_scoped3A_54 = arith.constant 5 : i32
    "tpu.region"() ({
      %run_scoped3A_403 = tpu.sem_alloc : memref<!tpu.dma_semaphore, #tpu.memory_space<semaphore_mem>>
      %dma_start3A_404 = arith.constant 0 : i32
      %dma_start3A_405 = arith.constant 0 : i32
      %dma_start3A_406 = tpu.memref_slice %arg21[%run_scoped3A_54, %dma_start3A_404, %dma_start3A_405] : memref<8x10x64xf32, #tpu.memory_space<vmem>> -> memref<1x10x64xf32, #tpu.memory_space<vmem>>
      %dma_start3A_407 = tpu.memref_squeeze %dma_start3A_406 : memref<1x10x64xf32, #tpu.memory_space<vmem>> -> memref<10x64xf32, #tpu.memory_space<vmem>>
      %dma_start3A_408 = arith.constant 0 : i32
      %dma_start3A_409 = tpu.memref_slice %arg24[%add3A_53, %dma_start3A_408] : memref<10112x64xf32, #tpu.memory_space<vmem_shared>> -> memref<10x64xf32, #tpu.memory_space<vmem_shared>>
      %dma_start3A_410 = arith.constant 0 : i32
      %dma_start3A_411 = arith.constant 0 : i32
      %dma_start3A_412 = tpu.memref_slice %arg21[%run_scoped3A_54, %dma_start3A_410, %dma_start3A_411] : memref<8x10x64xf32, #tpu.memory_space<vmem>> -> memref<1x10x64xf32, #tpu.memory_space<vmem>>
      %dma_start3A_413 = tpu.memref_squeeze %dma_start3A_412 : memref<1x10x64xf32, #tpu.memory_space<vmem>> -> memref<10x64xf32, #tpu.memory_space<vmem>>
      %dma_start3A_414 = arith.constant 0 : i32
      %dma_start3A_415 = tpu.memref_slice %arg24[%add3A_53, %dma_start3A_414] : memref<10112x64xf32, #tpu.memory_space<vmem_shared>> -> memref<10x64xf32, #tpu.memory_space<vmem_shared>>
      tpu.enqueue_dma source(%dma_start3A_415 : memref<10x64xf32, #tpu.memory_space<vmem_shared>>) target(%dma_start3A_413 : memref<10x64xf32, #tpu.memory_space<vmem>>) target_semaphore(%run_scoped3A_403 : memref<!tpu.dma_semaphore, #tpu.memory_space<semaphore_mem>>)
      %dma_wait3A_416 = arith.constant 0 : i32
      %dma_wait3A_417 = arith.constant 0 : i32
      %dma_wait3A_418 = tpu.memref_slice %arg21[%run_scoped3A_54, %dma_wait3A_416, %dma_wait3A_417] : memref<8x10x64xf32, #tpu.memory_space<vmem>> -> memref<1x10x64xf32, #tpu.memory_space<vmem>>
      %dma_wait3A_419 = tpu.memref_squeeze %dma_wait3A_418 : memref<1x10x64xf32, #tpu.memory_space<vmem>> -> memref<10x64xf32, #tpu.memory_space<vmem>>
      %dma_wait3A_420 = arith.constant 0 : i32
      %dma_wait3A_421 = tpu.memref_slice %arg24[%add3A_53, %dma_wait3A_420] : memref<10112x64xf32, #tpu.memory_space<vmem_shared>> -> memref<10x64xf32, #tpu.memory_space<vmem_shared>>
      %dma_wait3A_422 = arith.constant 0 : i32
      %dma_wait3A_423 = arith.constant 0 : i32
      %dma_wait3A_424 = tpu.memref_slice %arg21[%run_scoped3A_54, %dma_wait3A_422, %dma_wait3A_423] : memref<8x10x64xf32, #tpu.memory_space<vmem>> -> memref<1x10x64xf32, #tpu.memory_space<vmem>>
      %dma_wait3A_425 = tpu.memref_squeeze %dma_wait3A_424 : memref<1x10x64xf32, #tpu.memory_space<vmem>> -> memref<10x64xf32, #tpu.memory_space<vmem>>
      %dma_wait3A_426 = arith.constant 0 : i32
      %dma_wait3A_427 = tpu.memref_slice %arg24[%add3A_53, %dma_wait3A_426] : memref<10112x64xf32, #tpu.memory_space<vmem_shared>> -> memref<10x64xf32, #tpu.memory_space<vmem_shared>>
      tpu.wait_dma2 semaphore(%run_scoped3A_403 : memref<!tpu.dma_semaphore, #tpu.memory_space<semaphore_mem>>) src(%dma_wait3A_427 : memref<10x64xf32, #tpu.memory_space<vmem_shared>>) dst(%dma_wait3A_425 : memref<10x64xf32, #tpu.memory_space<vmem>>)
      tpu.yield
    }) : () -> ()
    %mul3A_55 = arith.constant 10 : i32
    %mul3A_56 = arith.muli %arg1, %mul3A_55 : i32
    %add3A_57 = arith.constant 960 : i32
    %add3A_58 = arith.addi %add3A_57, %mul3A_56 : i32
    %run_scoped3A_59 = arith.constant 6 : i32
    "tpu.region"() ({
      %run_scoped3A_403 = tpu.sem_alloc : memref<!tpu.dma_semaphore, #tpu.memory_space<semaphore_mem>>
      %dma_start3A_404 = arith.constant 0 : i32
      %dma_start3A_405 = arith.constant 0 : i32
      %dma_start3A_406 = tpu.memref_slice %arg21[%run_scoped3A_59, %dma_start3A_404, %dma_start3A_405] : memref<8x10x64xf32, #tpu.memory_space<vmem>> -> memref<1x10x64xf32, #tpu.memory_space<vmem>>
      %dma_start3A_407 = tpu.memref_squeeze %dma_start3A_406 : memref<1x10x64xf32, #tpu.memory_space<vmem>> -> memref<10x64xf32, #tpu.memory_space<vmem>>
      %dma_start3A_408 = arith.constant 0 : i32
      %dma_start3A_409 = tpu.memref_slice %arg24[%add3A_58, %dma_start3A_408] : memref<10112x64xf32, #tpu.memory_space<vmem_shared>> -> memref<10x64xf32, #tpu.memory_space<vmem_shared>>
      %dma_start3A_410 = arith.constant 0 : i32
      %dma_start3A_411 = arith.constant 0 : i32
      %dma_start3A_412 = tpu.memref_slice %arg21[%run_scoped3A_59, %dma_start3A_410, %dma_start3A_411] : memref<8x10x64xf32, #tpu.memory_space<vmem>> -> memref<1x10x64xf32, #tpu.memory_space<vmem>>
      %dma_start3A_413 = tpu.memref_squeeze %dma_start3A_412 : memref<1x10x64xf32, #tpu.memory_space<vmem>> -> memref<10x64xf32, #tpu.memory_space<vmem>>
      %dma_start3A_414 = arith.constant 0 : i32
      %dma_start3A_415 = tpu.memref_slice %arg24[%add3A_58, %dma_start3A_414] : memref<10112x64xf32, #tpu.memory_space<vmem_shared>> -> memref<10x64xf32, #tpu.memory_space<vmem_shared>>
      tpu.enqueue_dma source(%dma_start3A_415 : memref<10x64xf32, #tpu.memory_space<vmem_shared>>) target(%dma_start3A_413 : memref<10x64xf32, #tpu.memory_space<vmem>>) target_semaphore(%run_scoped3A_403 : memref<!tpu.dma_semaphore, #tpu.memory_space<semaphore_mem>>)
      %dma_wait3A_416 = arith.constant 0 : i32
      %dma_wait3A_417 = arith.constant 0 : i32
      %dma_wait3A_418 = tpu.memref_slice %arg21[%run_scoped3A_59, %dma_wait3A_416, %dma_wait3A_417] : memref<8x10x64xf32, #tpu.memory_space<vmem>> -> memref<1x10x64xf32, #tpu.memory_space<vmem>>
      %dma_wait3A_419 = tpu.memref_squeeze %dma_wait3A_418 : memref<1x10x64xf32, #tpu.memory_space<vmem>> -> memref<10x64xf32, #tpu.memory_space<vmem>>
      %dma_wait3A_420 = arith.constant 0 : i32
      %dma_wait3A_421 = tpu.memref_slice %arg24[%add3A_58, %dma_wait3A_420] : memref<10112x64xf32, #tpu.memory_space<vmem_shared>> -> memref<10x64xf32, #tpu.memory_space<vmem_shared>>
      %dma_wait3A_422 = arith.constant 0 : i32
      %dma_wait3A_423 = arith.constant 0 : i32
      %dma_wait3A_424 = tpu.memref_slice %arg21[%run_scoped3A_59, %dma_wait3A_422, %dma_wait3A_423] : memref<8x10x64xf32, #tpu.memory_space<vmem>> -> memref<1x10x64xf32, #tpu.memory_space<vmem>>
      %dma_wait3A_425 = tpu.memref_squeeze %dma_wait3A_424 : memref<1x10x64xf32, #tpu.memory_space<vmem>> -> memref<10x64xf32, #tpu.memory_space<vmem>>
      %dma_wait3A_426 = arith.constant 0 : i32
      %dma_wait3A_427 = tpu.memref_slice %arg24[%add3A_58, %dma_wait3A_426] : memref<10112x64xf32, #tpu.memory_space<vmem_shared>> -> memref<10x64xf32, #tpu.memory_space<vmem_shared>>
      tpu.wait_dma2 semaphore(%run_scoped3A_403 : memref<!tpu.dma_semaphore, #tpu.memory_space<semaphore_mem>>) src(%dma_wait3A_427 : memref<10x64xf32, #tpu.memory_space<vmem_shared>>) dst(%dma_wait3A_425 : memref<10x64xf32, #tpu.memory_space<vmem>>)
      tpu.yield
    }) : () -> ()
    %mul3A_60 = arith.constant 10 : i32
    %mul3A_61 = arith.muli %arg1, %mul3A_60 : i32
    %add3A_62 = arith.constant 1120 : i32
    %add3A_63 = arith.addi %add3A_62, %mul3A_61 : i32
    %run_scoped3A_64 = arith.constant 7 : i32
    "tpu.region"() ({
      %run_scoped3A_403 = tpu.sem_alloc : memref<!tpu.dma_semaphore, #tpu.memory_space<semaphore_mem>>
      %dma_start3A_404 = arith.constant 0 : i32
      %dma_start3A_405 = arith.constant 0 : i32
      %dma_start3A_406 = tpu.memref_slice %arg21[%run_scoped3A_64, %dma_start3A_404, %dma_start3A_405] : memref<8x10x64xf32, #tpu.memory_space<vmem>> -> memref<1x10x64xf32, #tpu.memory_space<vmem>>
      %dma_start3A_407 = tpu.memref_squeeze %dma_start3A_406 : memref<1x10x64xf32, #tpu.memory_space<vmem>> -> memref<10x64xf32, #tpu.memory_space<vmem>>
      %dma_start3A_408 = arith.constant 0 : i32
      %dma_start3A_409 = tpu.memref_slice %arg24[%add3A_63, %dma_start3A_408] : memref<10112x64xf32, #tpu.memory_space<vmem_shared>> -> memref<10x64xf32, #tpu.memory_space<vmem_shared>>
      %dma_start3A_410 = arith.constant 0 : i32
      %dma_start3A_411 = arith.constant 0 : i32
      %dma_start3A_412 = tpu.memref_slice %arg21[%run_scoped3A_64, %dma_start3A_410, %dma_start3A_411] : memref<8x10x64xf32, #tpu.memory_space<vmem>> -> memref<1x10x64xf32, #tpu.memory_space<vmem>>
      %dma_start3A_413 = tpu.memref_squeeze %dma_start3A_412 : memref<1x10x64xf32, #tpu.memory_space<vmem>> -> memref<10x64xf32, #tpu.memory_space<vmem>>
      %dma_start3A_414 = arith.constant 0 : i32
      %dma_start3A_415 = tpu.memref_slice %arg24[%add3A_63, %dma_start3A_414] : memref<10112x64xf32, #tpu.memory_space<vmem_shared>> -> memref<10x64xf32, #tpu.memory_space<vmem_shared>>
      tpu.enqueue_dma source(%dma_start3A_415 : memref<10x64xf32, #tpu.memory_space<vmem_shared>>) target(%dma_start3A_413 : memref<10x64xf32, #tpu.memory_space<vmem>>) target_semaphore(%run_scoped3A_403 : memref<!tpu.dma_semaphore, #tpu.memory_space<semaphore_mem>>)
      %dma_wait3A_416 = arith.constant 0 : i32
      %dma_wait3A_417 = arith.constant 0 : i32
      %dma_wait3A_418 = tpu.memref_slice %arg21[%run_scoped3A_64, %dma_wait3A_416, %dma_wait3A_417] : memref<8x10x64xf32, #tpu.memory_space<vmem>> -> memref<1x10x64xf32, #tpu.memory_space<vmem>>
      %dma_wait3A_419 = tpu.memref_squeeze %dma_wait3A_418 : memref<1x10x64xf32, #tpu.memory_space<vmem>> -> memref<10x64xf32, #tpu.memory_space<vmem>>
      %dma_wait3A_420 = arith.constant 0 : i32
      %dma_wait3A_421 = tpu.memref_slice %arg24[%add3A_63, %dma_wait3A_420] : memref<10112x64xf32, #tpu.memory_space<vmem_shared>> -> memref<10x64xf32, #tpu.memory_space<vmem_shared>>
      %dma_wait3A_422 = arith.constant 0 : i32
      %dma_wait3A_423 = arith.constant 0 : i32
      %dma_wait3A_424 = tpu.memref_slice %arg21[%run_scoped3A_64, %dma_wait3A_422, %dma_wait3A_423] : memref<8x10x64xf32, #tpu.memory_space<vmem>> -> memref<1x10x64xf32, #tpu.memory_space<vmem>>
      %dma_wait3A_425 = tpu.memref_squeeze %dma_wait3A_424 : memref<1x10x64xf32, #tpu.memory_space<vmem>> -> memref<10x64xf32, #tpu.memory_space<vmem>>
      %dma_wait3A_426 = arith.constant 0 : i32
      %dma_wait3A_427 = tpu.memref_slice %arg24[%add3A_63, %dma_wait3A_426] : memref<10112x64xf32, #tpu.memory_space<vmem_shared>> -> memref<10x64xf32, #tpu.memory_space<vmem_shared>>
      tpu.wait_dma2 semaphore(%run_scoped3A_403 : memref<!tpu.dma_semaphore, #tpu.memory_space<semaphore_mem>>) src(%dma_wait3A_427 : memref<10x64xf32, #tpu.memory_space<vmem_shared>>) dst(%dma_wait3A_425 : memref<10x64xf32, #tpu.memory_space<vmem>>)
      tpu.yield
    }) : () -> ()
    %scan3A_65 = arith.constant 0 : i32
    %scan3A_66 = arith.constant 0 : i32
    %scan3A_67 = arith.constant 10 : i32
    %scan3A_68 = arith.addi %scan3A_66, %scan3A_67 : i32
    %scan3A_69 = arith.constant 1 : i32
    scf.for %scan3A_403 = %scan3A_66 to %scan3A_68 step %scan3A_69  : i32 {
      %get3A = arith.constant 0 : i32
      %get3A_404 = arith.index_cast %get3A : i32 to index
      %get3A_405 = arith.index_cast %scan3A_403 : i32 to index
      %get3A_406 = arith.constant 0 : index
      %get3A_407 = tpu.vector_load %arg21[%get3A_404, %get3A_405, %get3A_406] {strides = array<i32>} : memref<8x10x64xf32, #tpu.memory_space<vmem>>, vector<16xf32>,
      %get3A_408 = arith.constant 1 : i32
      %get3A_409 = arith.index_cast %get3A_408 : i32 to index
      %get3A_410 = arith.index_cast %scan3A_403 : i32 to index
      %get3A_411 = arith.constant 0 : index
      %get3A_412 = tpu.vector_load %arg21[%get3A_409, %get3A_410, %get3A_411] {strides = array<i32>} : memref<8x10x64xf32, #tpu.memory_space<vmem>>, vector<16xf32>,
      %add3A_413 = arith.addf %get3A_407, %get3A_412 : vector<16xf32>
      %get3A_414 = arith.constant 2 : i32
      %get3A_415 = arith.index_cast %get3A_414 : i32 to index
      %get3A_416 = arith.index_cast %scan3A_403 : i32 to index
      %get3A_417 = arith.constant 0 : index
      %get3A_418 = tpu.vector_load %arg21[%get3A_415, %get3A_416, %get3A_417] {strides = array<i32>} : memref<8x10x64xf32, #tpu.memory_space<vmem>>, vector<16xf32>,
      %add3A_419 = arith.addf %add3A_413, %get3A_418 : vector<16xf32>
      %get3A_420 = arith.constant 3 : i32
      %get3A_421 = arith.index_cast %get3A_420 : i32 to index
      %get3A_422 = arith.index_cast %scan3A_403 : i32 to index
      %get3A_423 = arith.constant 0 : index
      %get3A_424 = tpu.vector_load %arg21[%get3A_421, %get3A_422, %get3A_423] {strides = array<i32>} : memref<8x10x64xf32, #tpu.memory_space<vmem>>, vector<16xf32>,
      %add3A_425 = arith.addf %add3A_419, %get3A_424 : vector<16xf32>
      %get3A_426 = arith.constant 4 : i32
      %get3A_427 = arith.index_cast %get3A_426 : i32 to index
      %get3A_428 = arith.index_cast %scan3A_403 : i32 to index
      %get3A_429 = arith.constant 0 : index
      %get3A_430 = tpu.vector_load %arg21[%get3A_427, %get3A_428, %get3A_429] {strides = array<i32>} : memref<8x10x64xf32, #tpu.memory_space<vmem>>, vector<16xf32>,
      %add3A_431 = arith.addf %add3A_425, %get3A_430 : vector<16xf32>
      %get3A_432 = arith.constant 5 : i32
      %get3A_433 = arith.index_cast %get3A_432 : i32 to index
      %get3A_434 = arith.index_cast %scan3A_403 : i32 to index
      %get3A_435 = arith.constant 0 : index
      %get3A_436 = tpu.vector_load %arg21[%get3A_433, %get3A_434, %get3A_435] {strides = array<i32>} : memref<8x10x64xf32, #tpu.memory_space<vmem>>, vector<16xf32>,
      %add3A_437 = arith.addf %add3A_431, %get3A_436 : vector<16xf32>
      %get3A_438 = arith.constant 6 : i32
      %get3A_439 = arith.index_cast %get3A_438 : i32 to index
      %get3A_440 = arith.index_cast %scan3A_403 : i32 to index
      %get3A_441 = arith.constant 0 : index
      %get3A_442 = tpu.vector_load %arg21[%get3A_439, %get3A_440, %get3A_441] {strides = array<i32>} : memref<8x10x64xf32, #tpu.memory_space<vmem>>, vector<16xf32>,
      %add3A_443 = arith.addf %add3A_437, %get3A_442 : vector<16xf32>
      %get3A_444 = arith.constant 7 : i32
      %get3A_445 = arith.index_cast %get3A_444 : i32 to index
      %get3A_446 = arith.index_cast %scan3A_403 : i32 to index
      %get3A_447 = arith.constant 0 : index
      %get3A_448 = tpu.vector_load %arg21[%get3A_445, %get3A_446, %get3A_447] {strides = array<i32>} : memref<8x10x64xf32, #tpu.memory_space<vmem>>, vector<16xf32>,
      %add3A_449 = arith.addf %add3A_443, %get3A_448 : vector<16xf32>
      %swap3A = arith.index_cast %scan3A_403 : i32 to index
      %swap3A_450 = arith.constant 0 : index
      %swap3A_451 = tpu.vector_load %arg22[%swap3A, %swap3A_450] {strides = array<i32>} : memref<10x64xf32, #tpu.memory_space<vmem>>, vector<16xf32>,
      tpu.vector_store %arg22[%swap3A, %swap3A_450], %add3A_449 {strides = array<i32>} : memref<10x64xf32, #tpu.memory_space<vmem>>, vector<16xf32>,
      %get3A_452 = arith.constant 0 : i32
      %get3A_453 = arith.index_cast %get3A_452 : i32 to index
      %get3A_454 = arith.index_cast %scan3A_403 : i32 to index
      %get3A_455 = arith.constant 16 : index
      %get3A_456 = tpu.vector_load %arg21[%get3A_453, %get3A_454, %get3A_455] {strides = array<i32>} : memref<8x10x64xf32, #tpu.memory_space<vmem>>, vector<16xf32>,
      %get3A_457 = arith.constant 1 : i32
      %get3A_458 = arith.index_cast %get3A_457 : i32 to index
      %get3A_459 = arith.index_cast %scan3A_403 : i32 to index
      %get3A_460 = arith.constant 16 : index
      %get3A_461 = tpu.vector_load %arg21[%get3A_458, %get3A_459, %get3A_460] {strides = array<i32>} : memref<8x10x64xf32, #tpu.memory_space<vmem>>, vector<16xf32>,
      %add3A_462 = arith.addf %get3A_456, %get3A_461 : vector<16xf32>
      %get3A_463 = arith.constant 2 : i32
      %get3A_464 = arith.index_cast %get3A_463 : i32 to index
      %get3A_465 = arith.index_cast %scan3A_403 : i32 to index
      %get3A_466 = arith.constant 16 : index
      %get3A_467 = tpu.vector_load %arg21[%get3A_464, %get3A_465, %get3A_466] {strides = array<i32>} : memref<8x10x64xf32, #tpu.memory_space<vmem>>, vector<16xf32>,
      %add3A_468 = arith.addf %add3A_462, %get3A_467 : vector<16xf32>
      %get3A_469 = arith.constant 3 : i32
      %get3A_470 = arith.index_cast %get3A_469 : i32 to index
      %get3A_471 = arith.index_cast %scan3A_403 : i32 to index
      %get3A_472 = arith.constant 16 : index
      %get3A_473 = tpu.vector_load %arg21[%get3A_470, %get3A_471, %get3A_472] {strides = array<i32>} : memref<8x10x64xf32, #tpu.memory_space<vmem>>, vector<16xf32>,
      %add3A_474 = arith.addf %add3A_468, %get3A_473 : vector<16xf32>
      %get3A_475 = arith.constant 4 : i32
      %get3A_476 = arith.index_cast %get3A_475 : i32 to index
      %get3A_477 = arith.index_cast %scan3A_403 : i32 to index
      %get3A_478 = arith.constant 16 : index
      %get3A_479 = tpu.vector_load %arg21[%get3A_476, %get3A_477, %get3A_478] {strides = array<i32>} : memref<8x10x64xf32, #tpu.memory_space<vmem>>, vector<16xf32>,
      %add3A_480 = arith.addf %add3A_474, %get3A_479 : vector<16xf32>
      %get3A_481 = arith.constant 5 : i32
      %get3A_482 = arith.index_cast %get3A_481 : i32 to index
      %get3A_483 = arith.index_cast %scan3A_403 : i32 to index
      %get3A_484 = arith.constant 16 : index
      %get3A_485 = tpu.vector_load %arg21[%get3A_482, %get3A_483, %get3A_484] {strides = array<i32>} : memref<8x10x64xf32, #tpu.memory_space<vmem>>, vector<16xf32>,
      %add3A_486 = arith.addf %add3A_480, %get3A_485 : vector<16xf32>
      %get3A_487 = arith.constant 6 : i32
      %get3A_488 = arith.index_cast %get3A_487 : i32 to index
      %get3A_489 = arith.index_cast %scan3A_403 : i32 to index
      %get3A_490 = arith.constant 16 : index
      %get3A_491 = tpu.vector_load %arg21[%get3A_488, %get3A_489, %get3A_490] {strides = array<i32>} : memref<8x10x64xf32, #tpu.memory_space<vmem>>, vector<16xf32>,
      %add3A_492 = arith.addf %add3A_486, %get3A_491 : vector<16xf32>
      %get3A_493 = arith.constant 7 : i32
      %get3A_494 = arith.index_cast %get3A_493 : i32 to index
      %get3A_495 = arith.index_cast %scan3A_403 : i32 to index
      %get3A_496 = arith.constant 16 : index
      %get3A_497 = tpu.vector_load %arg21[%get3A_494, %get3A_495, %get3A_496] {strides = array<i32>} : memref<8x10x64xf32, #tpu.memory_space<vmem>>, vector<16xf32>,
      %add3A_498 = arith.addf %add3A_492, %get3A_497 : vector<16xf32>
      %swap3A_499 = arith.index_cast %scan3A_403 : i32 to index
      %swap3A_500 = arith.constant 16 : index
      %swap3A_501 = tpu.vector_load %arg22[%swap3A_499, %swap3A_500] {strides = array<i32>} : memref<10x64xf32, #tpu.memory_space<vmem>>, vector<16xf32>,
      tpu.vector_store %arg22[%swap3A_499, %swap3A_500], %add3A_498 {strides = array<i32>} : memref<10x64xf32, #tpu.memory_space<vmem>>, vector<16xf32>,
      %get3A_502 = arith.constant 0 : i32
      %get3A_503 = arith.index_cast %get3A_502 : i32 to index
      %get3A_504 = arith.index_cast %scan3A_403 : i32 to index
      %get3A_505 = arith.constant 32 : index
      %get3A_506 = tpu.vector_load %arg21[%get3A_503, %get3A_504, %get3A_505] {strides = array<i32>} : memref<8x10x64xf32, #tpu.memory_space<vmem>>, vector<16xf32>,
      %get3A_507 = arith.constant 1 : i32
      %get3A_508 = arith.index_cast %get3A_507 : i32 to index
      %get3A_509 = arith.index_cast %scan3A_403 : i32 to index
      %get3A_510 = arith.constant 32 : index
      %get3A_511 = tpu.vector_load %arg21[%get3A_508, %get3A_509, %get3A_510] {strides = array<i32>} : memref<8x10x64xf32, #tpu.memory_space<vmem>>, vector<16xf32>,
      %add3A_512 = arith.addf %get3A_506, %get3A_511 : vector<16xf32>
      %get3A_513 = arith.constant 2 : i32
      %get3A_514 = arith.index_cast %get3A_513 : i32 to index
      %get3A_515 = arith.index_cast %scan3A_403 : i32 to index
      %get3A_516 = arith.constant 32 : index
      %get3A_517 = tpu.vector_load %arg21[%get3A_514, %get3A_515, %get3A_516] {strides = array<i32>} : memref<8x10x64xf32, #tpu.memory_space<vmem>>, vector<16xf32>,
      %add3A_518 = arith.addf %add3A_512, %get3A_517 : vector<16xf32>
      %get3A_519 = arith.constant 3 : i32
      %get3A_520 = arith.index_cast %get3A_519 : i32 to index
      %get3A_521 = arith.index_cast %scan3A_403 : i32 to index
      %get3A_522 = arith.constant 32 : index
      %get3A_523 = tpu.vector_load %arg21[%get3A_520, %get3A_521, %get3A_522] {strides = array<i32>} : memref<8x10x64xf32, #tpu.memory_space<vmem>>, vector<16xf32>,
      %add3A_524 = arith.addf %add3A_518, %get3A_523 : vector<16xf32>
      %get3A_525 = arith.constant 4 : i32
      %get3A_526 = arith.index_cast %get3A_525 : i32 to index
      %get3A_527 = arith.index_cast %scan3A_403 : i32 to index
      %get3A_528 = arith.constant 32 : index
      %get3A_529 = tpu.vector_load %arg21[%get3A_526, %get3A_527, %get3A_528] {strides = array<i32>} : memref<8x10x64xf32, #tpu.memory_space<vmem>>, vector<16xf32>,
      %add3A_530 = arith.addf %add3A_524, %get3A_529 : vector<16xf32>
      %get3A_531 = arith.constant 5 : i32
      %get3A_532 = arith.index_cast %get3A_531 : i32 to index
      %get3A_533 = arith.index_cast %scan3A_403 : i32 to index
      %get3A_534 = arith.constant 32 : index
      %get3A_535 = tpu.vector_load %arg21[%get3A_532, %get3A_533, %get3A_534] {strides = array<i32>} : memref<8x10x64xf32, #tpu.memory_space<vmem>>, vector<16xf32>,
      %add3A_536 = arith.addf %add3A_530, %get3A_535 : vector<16xf32>
      %get3A_537 = arith.constant 6 : i32
      %get3A_538 = arith.index_cast %get3A_537 : i32 to index
      %get3A_539 = arith.index_cast %scan3A_403 : i32 to index
      %get3A_540 = arith.constant 32 : index
      %get3A_541 = tpu.vector_load %arg21[%get3A_538, %get3A_539, %get3A_540] {strides = array<i32>} : memref<8x10x64xf32, #tpu.memory_space<vmem>>, vector<16xf32>,
      %add3A_542 = arith.addf %add3A_536, %get3A_541 : vector<16xf32>
      %get3A_543 = arith.constant 7 : i32
      %get3A_544 = arith.index_cast %get3A_543 : i32 to index
      %get3A_545 = arith.index_cast %scan3A_403 : i32 to index
      %get3A_546 = arith.constant 32 : index
      %get3A_547 = tpu.vector_load %arg21[%get3A_544, %get3A_545, %get3A_546] {strides = array<i32>} : memref<8x10x64xf32, #tpu.memory_space<vmem>>, vector<16xf32>,
      %add3A_548 = arith.addf %add3A_542, %get3A_547 : vector<16xf32>
      %swap3A_549 = arith.index_cast %scan3A_403 : i32 to index
      %swap3A_550 = arith.constant 32 : index
      %swap3A_551 = tpu.vector_load %arg22[%swap3A_549, %swap3A_550] {strides = array<i32>} : memref<10x64xf32, #tpu.memory_space<vmem>>, vector<16xf32>,
      tpu.vector_store %arg22[%swap3A_549, %swap3A_550], %add3A_548 {strides = array<i32>} : memref<10x64xf32, #tpu.memory_space<vmem>>, vector<16xf32>,
      %get3A_552 = arith.constant 0 : i32
      %get3A_553 = arith.index_cast %get3A_552 : i32 to index
      %get3A_554 = arith.index_cast %scan3A_403 : i32 to index
      %get3A_555 = arith.constant 48 : index
      %get3A_556 = tpu.vector_load %arg21[%get3A_553, %get3A_554, %get3A_555] {strides = array<i32>} : memref<8x10x64xf32, #tpu.memory_space<vmem>>, vector<16xf32>,
      %get3A_557 = arith.constant 1 : i32
      %get3A_558 = arith.index_cast %get3A_557 : i32 to index
      %get3A_559 = arith.index_cast %scan3A_403 : i32 to index
      %get3A_560 = arith.constant 48 : index
      %get3A_561 = tpu.vector_load %arg21[%get3A_558, %get3A_559, %get3A_560] {strides = array<i32>} : memref<8x10x64xf32, #tpu.memory_space<vmem>>, vector<16xf32>,
      %add3A_562 = arith.addf %get3A_556, %get3A_561 : vector<16xf32>
      %get3A_563 = arith.constant 2 : i32
      %get3A_564 = arith.index_cast %get3A_563 : i32 to index
      %get3A_565 = arith.index_cast %scan3A_403 : i32 to index
      %get3A_566 = arith.constant 48 : index
      %get3A_567 = tpu.vector_load %arg21[%get3A_564, %get3A_565, %get3A_566] {strides = array<i32>} : memref<8x10x64xf32, #tpu.memory_space<vmem>>, vector<16xf32>,
      %add3A_568 = arith.addf %add3A_562, %get3A_567 : vector<16xf32>
      %get3A_569 = arith.constant 3 : i32
      %get3A_570 = arith.index_cast %get3A_569 : i32 to index
      %get3A_571 = arith.index_cast %scan3A_403 : i32 to index
      %get3A_572 = arith.constant 48 : index
      %get3A_573 = tpu.vector_load %arg21[%get3A_570, %get3A_571, %get3A_572] {strides = array<i32>} : memref<8x10x64xf32, #tpu.memory_space<vmem>>, vector<16xf32>,
      %add3A_574 = arith.addf %add3A_568, %get3A_573 : vector<16xf32>
      %get3A_575 = arith.constant 4 : i32
      %get3A_576 = arith.index_cast %get3A_575 : i32 to index
      %get3A_577 = arith.index_cast %scan3A_403 : i32 to index
      %get3A_578 = arith.constant 48 : index
      %get3A_579 = tpu.vector_load %arg21[%get3A_576, %get3A_577, %get3A_578] {strides = array<i32>} : memref<8x10x64xf32, #tpu.memory_space<vmem>>, vector<16xf32>,
      %add3A_580 = arith.addf %add3A_574, %get3A_579 : vector<16xf32>
      %get3A_581 = arith.constant 5 : i32
      %get3A_582 = arith.index_cast %get3A_581 : i32 to index
      %get3A_583 = arith.index_cast %scan3A_403 : i32 to index
      %get3A_584 = arith.constant 48 : index
      %get3A_585 = tpu.vector_load %arg21[%get3A_582, %get3A_583, %get3A_584] {strides = array<i32>} : memref<8x10x64xf32, #tpu.memory_space<vmem>>, vector<16xf32>,
      %add3A_586 = arith.addf %add3A_580, %get3A_585 : vector<16xf32>
      %get3A_587 = arith.constant 6 : i32
      %get3A_588 = arith.index_cast %get3A_587 : i32 to index
      %get3A_589 = arith.index_cast %scan3A_403 : i32 to index
      %get3A_590 = arith.constant 48 : index
      %get3A_591 = tpu.vector_load %arg21[%get3A_588, %get3A_589, %get3A_590] {strides = array<i32>} : memref<8x10x64xf32, #tpu.memory_space<vmem>>, vector<16xf32>,
      %add3A_592 = arith.addf %add3A_586, %get3A_591 : vector<16xf32>
      %get3A_593 = arith.constant 7 : i32
      %get3A_594 = arith.index_cast %get3A_593 : i32 to index
      %get3A_595 = arith.index_cast %scan3A_403 : i32 to index
      %get3A_596 = arith.constant 48 : index
      %get3A_597 = tpu.vector_load %arg21[%get3A_594, %get3A_595, %get3A_596] {strides = array<i32>} : memref<8x10x64xf32, #tpu.memory_space<vmem>>, vector<16xf32>,
      %add3A_598 = arith.addf %add3A_592, %get3A_597 : vector<16xf32>
      %swap3A_599 = arith.index_cast %scan3A_403 : i32 to index
      %swap3A_600 = arith.constant 48 : index
      %swap3A_601 = tpu.vector_load %arg22[%swap3A_599, %swap3A_600] {strides = array<i32>} : memref<10x64xf32, #tpu.memory_space<vmem>>, vector<16xf32>,
      tpu.vector_store %arg22[%swap3A_599, %swap3A_600], %add3A_598 {strides = array<i32>} : memref<10x64xf32, #tpu.memory_space<vmem>>, vector<16xf32>,
    }
    %scan3A_70 = arith.constant 10 : i32
    %mul3A_71 = arith.constant 10 : i32
    %mul3A_72 = arith.muli %arg1, %mul3A_71 : i32
    %add3A_73 = arith.constant 1280 : i32
    %add3A_74 = arith.addi %add3A_73, %mul3A_72 : i32
    %run_scoped3A_75 = arith.constant 0 : i32
    "tpu.region"() ({
      %run_scoped3A_403 = tpu.sem_alloc : memref<!tpu.dma_semaphore, #tpu.memory_space<semaphore_mem>>
      %dma_start3A_404 = arith.constant 0 : i32
      %dma_start3A_405 = arith.constant 0 : i32
      %dma_start3A_406 = tpu.memref_slice %arg21[%run_scoped3A_75, %dma_start3A_404, %dma_start3A_405] : memref<8x10x64xf32, #tpu.memory_space<vmem>> -> memref<1x10x64xf32, #tpu.memory_space<vmem>>
      %dma_start3A_407 = tpu.memref_squeeze %dma_start3A_406 : memref<1x10x64xf32, #tpu.memory_space<vmem>> -> memref<10x64xf32, #tpu.memory_space<vmem>>
      %dma_start3A_408 = arith.constant 0 : i32
      %dma_start3A_409 = tpu.memref_slice %arg24[%add3A_74, %dma_start3A_408] : memref<10112x64xf32, #tpu.memory_space<vmem_shared>> -> memref<10x64xf32, #tpu.memory_space<vmem_shared>>
      %dma_start3A_410 = arith.constant 0 : i32
      %dma_start3A_411 = arith.constant 0 : i32
      %dma_start3A_412 = tpu.memref_slice %arg21[%run_scoped3A_75, %dma_start3A_410, %dma_start3A_411] : memref<8x10x64xf32, #tpu.memory_space<vmem>> -> memref<1x10x64xf32, #tpu.memory_space<vmem>>
      %dma_start3A_413 = tpu.memref_squeeze %dma_start3A_412 : memref<1x10x64xf32, #tpu.memory_space<vmem>> -> memref<10x64xf32, #tpu.memory_space<vmem>>
      %dma_start3A_414 = arith.constant 0 : i32
      %dma_start3A_415 = tpu.memref_slice %arg24[%add3A_74, %dma_start3A_414] : memref<10112x64xf32, #tpu.memory_space<vmem_shared>> -> memref<10x64xf32, #tpu.memory_space<vmem_shared>>
      tpu.enqueue_dma source(%dma_start3A_415 : memref<10x64xf32, #tpu.memory_space<vmem_shared>>) target(%dma_start3A_413 : memref<10x64xf32, #tpu.memory_space<vmem>>) target_semaphore(%run_scoped3A_403 : memref<!tpu.dma_semaphore, #tpu.memory_space<semaphore_mem>>)
      %dma_wait3A_416 = arith.constant 0 : i32
      %dma_wait3A_417 = arith.constant 0 : i32
      %dma_wait3A_418 = tpu.memref_slice %arg21[%run_scoped3A_75, %dma_wait3A_416, %dma_wait3A_417] : memref<8x10x64xf32, #tpu.memory_space<vmem>> -> memref<1x10x64xf32, #tpu.memory_space<vmem>>
      %dma_wait3A_419 = tpu.memref_squeeze %dma_wait3A_418 : memref<1x10x64xf32, #tpu.memory_space<vmem>> -> memref<10x64xf32, #tpu.memory_space<vmem>>
      %dma_wait3A_420 = arith.constant 0 : i32
      %dma_wait3A_421 = tpu.memref_slice %arg24[%add3A_74, %dma_wait3A_420] : memref<10112x64xf32, #tpu.memory_space<vmem_shared>> -> memref<10x64xf32, #tpu.memory_space<vmem_shared>>
      %dma_wait3A_422 = arith.constant 0 : i32
      %dma_wait3A_423 = arith.constant 0 : i32
      %dma_wait3A_424 = tpu.memref_slice %arg21[%run_scoped3A_75, %dma_wait3A_422, %dma_wait3A_423] : memref<8x10x64xf32, #tpu.memory_space<vmem>> -> memref<1x10x64xf32, #tpu.memory_space<vmem>>
      %dma_wait3A_425 = tpu.memref_squeeze %dma_wait3A_424 : memref<1x10x64xf32, #tpu.memory_space<vmem>> -> memref<10x64xf32, #tpu.memory_space<vmem>>
      %dma_wait3A_426 = arith.constant 0 : i32
      %dma_wait3A_427 = tpu.memref_slice %arg24[%add3A_74, %dma_wait3A_426] : memref<10112x64xf32, #tpu.memory_space<vmem_shared>> -> memref<10x64xf32, #tpu.memory_space<vmem_shared>>
      tpu.wait_dma2 semaphore(%run_scoped3A_403 : memref<!tpu.dma_semaphore, #tpu.memory_space<semaphore_mem>>) src(%dma_wait3A_427 : memref<10x64xf32, #tpu.memory_space<vmem_shared>>) dst(%dma_wait3A_425 : memref<10x64xf32, #tpu.memory_space<vmem>>)
      tpu.yield
    }) : () -> ()
    %mul3A_76 = arith.constant 10 : i32
    %mul3A_77 = arith.muli %arg1, %mul3A_76 : i32
    %add3A_78 = arith.constant 1440 : i32
    %add3A_79 = arith.addi %add3A_78, %mul3A_77 : i32
    %run_scoped3A_80 = arith.constant 1 : i32
    "tpu.region"() ({
      %run_scoped3A_403 = tpu.sem_alloc : memref<!tpu.dma_semaphore, #tpu.memory_space<semaphore_mem>>
      %dma_start3A_404 = arith.constant 0 : i32
      %dma_start3A_405 = arith.constant 0 : i32
      %dma_start3A_406 = tpu.memref_slice %arg21[%run_scoped3A_80, %dma_start3A_404, %dma_start3A_405] : memref<8x10x64xf32, #tpu.memory_space<vmem>> -> memref<1x10x64xf32, #tpu.memory_space<vmem>>
      %dma_start3A_407 = tpu.memref_squeeze %dma_start3A_406 : memref<1x10x64xf32, #tpu.memory_space<vmem>> -> memref<10x64xf32, #tpu.memory_space<vmem>>
      %dma_start3A_408 = arith.constant 0 : i32
      %dma_start3A_409 = tpu.memref_slice %arg24[%add3A_79, %dma_start3A_408] : memref<10112x64xf32, #tpu.memory_space<vmem_shared>> -> memref<10x64xf32, #tpu.memory_space<vmem_shared>>
      %dma_start3A_410 = arith.constant 0 : i32
      %dma_start3A_411 = arith.constant 0 : i32
      %dma_start3A_412 = tpu.memref_slice %arg21[%run_scoped3A_80, %dma_start3A_410, %dma_start3A_411] : memref<8x10x64xf32, #tpu.memory_space<vmem>> -> memref<1x10x64xf32, #tpu.memory_space<vmem>>
      %dma_start3A_413 = tpu.memref_squeeze %dma_start3A_412 : memref<1x10x64xf32, #tpu.memory_space<vmem>> -> memref<10x64xf32, #tpu.memory_space<vmem>>
      %dma_start3A_414 = arith.constant 0 : i32
      %dma_start3A_415 = tpu.memref_slice %arg24[%add3A_79, %dma_start3A_414] : memref<10112x64xf32, #tpu.memory_space<vmem_shared>> -> memref<10x64xf32, #tpu.memory_space<vmem_shared>>
      tpu.enqueue_dma source(%dma_start3A_415 : memref<10x64xf32, #tpu.memory_space<vmem_shared>>) target(%dma_start3A_413 : memref<10x64xf32, #tpu.memory_space<vmem>>) target_semaphore(%run_scoped3A_403 : memref<!tpu.dma_semaphore, #tpu.memory_space<semaphore_mem>>)
      %dma_wait3A_416 = arith.constant 0 : i32
      %dma_wait3A_417 = arith.constant 0 : i32
      %dma_wait3A_418 = tpu.memref_slice %arg21[%run_scoped3A_80, %dma_wait3A_416, %dma_wait3A_417] : memref<8x10x64xf32, #tpu.memory_space<vmem>> -> memref<1x10x64xf32, #tpu.memory_space<vmem>>
      %dma_wait3A_419 = tpu.memref_squeeze %dma_wait3A_418 : memref<1x10x64xf32, #tpu.memory_space<vmem>> -> memref<10x64xf32, #tpu.memory_space<vmem>>
      %dma_wait3A_420 = arith.constant 0 : i32
      %dma_wait3A_421 = tpu.memref_slice %arg24[%add3A_79, %dma_wait3A_420] : memref<10112x64xf32, #tpu.memory_space<vmem_shared>> -> memref<10x64xf32, #tpu.memory_space<vmem_shared>>
      %dma_wait3A_422 = arith.constant 0 : i32
      %dma_wait3A_423 = arith.constant 0 : i32
      %dma_wait3A_424 = tpu.memref_slice %arg21[%run_scoped3A_80, %dma_wait3A_422, %dma_wait3A_423] : memref<8x10x64xf32, #tpu.memory_space<vmem>> -> memref<1x10x64xf32, #tpu.memory_space<vmem>>
      %dma_wait3A_425 = tpu.memref_squeeze %dma_wait3A_424 : memref<1x10x64xf32, #tpu.memory_space<vmem>> -> memref<10x64xf32, #tpu.memory_space<vmem>>
      %dma_wait3A_426 = arith.constant 0 : i32
      %dma_wait3A_427 = tpu.memref_slice %arg24[%add3A_79, %dma_wait3A_426] : memref<10112x64xf32, #tpu.memory_space<vmem_shared>> -> memref<10x64xf32, #tpu.memory_space<vmem_shared>>
      tpu.wait_dma2 semaphore(%run_scoped3A_403 : memref<!tpu.dma_semaphore, #tpu.memory_space<semaphore_mem>>) src(%dma_wait3A_427 : memref<10x64xf32, #tpu.memory_space<vmem_shared>>) dst(%dma_wait3A_425 : memref<10x64xf32, #tpu.memory_space<vmem>>)
      tpu.yield
    }) : () -> ()
    %mul3A_81 = arith.constant 10 : i32
    %mul3A_82 = arith.muli %arg1, %mul3A_81 : i32
    %add3A_83 = arith.constant 1600 : i32
    %add3A_84 = arith.addi %add3A_83, %mul3A_82 : i32
    %run_scoped3A_85 = arith.constant 2 : i32
    "tpu.region"() ({
      %run_scoped3A_403 = tpu.sem_alloc : memref<!tpu.dma_semaphore, #tpu.memory_space<semaphore_mem>>
      %dma_start3A_404 = arith.constant 0 : i32
      %dma_start3A_405 = arith.constant 0 : i32
      %dma_start3A_406 = tpu.memref_slice %arg21[%run_scoped3A_85, %dma_start3A_404, %dma_start3A_405] : memref<8x10x64xf32, #tpu.memory_space<vmem>> -> memref<1x10x64xf32, #tpu.memory_space<vmem>>
      %dma_start3A_407 = tpu.memref_squeeze %dma_start3A_406 : memref<1x10x64xf32, #tpu.memory_space<vmem>> -> memref<10x64xf32, #tpu.memory_space<vmem>>
      %dma_start3A_408 = arith.constant 0 : i32
      %dma_start3A_409 = tpu.memref_slice %arg24[%add3A_84, %dma_start3A_408] : memref<10112x64xf32, #tpu.memory_space<vmem_shared>> -> memref<10x64xf32, #tpu.memory_space<vmem_shared>>
      %dma_start3A_410 = arith.constant 0 : i32
      %dma_start3A_411 = arith.constant 0 : i32
      %dma_start3A_412 = tpu.memref_slice %arg21[%run_scoped3A_85, %dma_start3A_410, %dma_start3A_411] : memref<8x10x64xf32, #tpu.memory_space<vmem>> -> memref<1x10x64xf32, #tpu.memory_space<vmem>>
      %dma_start3A_413 = tpu.memref_squeeze %dma_start3A_412 : memref<1x10x64xf32, #tpu.memory_space<vmem>> -> memref<10x64xf32, #tpu.memory_space<vmem>>
      %dma_start3A_414 = arith.constant 0 : i32
      %dma_start3A_415 = tpu.memref_slice %arg24[%add3A_84, %dma_start3A_414] : memref<10112x64xf32, #tpu.memory_space<vmem_shared>> -> memref<10x64xf32, #tpu.memory_space<vmem_shared>>
      tpu.enqueue_dma source(%dma_start3A_415 : memref<10x64xf32, #tpu.memory_space<vmem_shared>>) target(%dma_start3A_413 : memref<10x64xf32, #tpu.memory_space<vmem>>) target_semaphore(%run_scoped3A_403 : memref<!tpu.dma_semaphore, #tpu.memory_space<semaphore_mem>>)
      %dma_wait3A_416 = arith.constant 0 : i32
      %dma_wait3A_417 = arith.constant 0 : i32
      %dma_wait3A_418 = tpu.memref_slice %arg21[%run_scoped3A_85, %dma_wait3A_416, %dma_wait3A_417] : memref<8x10x64xf32, #tpu.memory_space<vmem>> -> memref<1x10x64xf32, #tpu.memory_space<vmem>>
      %dma_wait3A_419 = tpu.memref_squeeze %dma_wait3A_418 : memref<1x10x64xf32, #tpu.memory_space<vmem>> -> memref<10x64xf32, #tpu.memory_space<vmem>>
      %dma_wait3A_420 = arith.constant 0 : i32
      %dma_wait3A_421 = tpu.memref_slice %arg24[%add3A_84, %dma_wait3A_420] : memref<10112x64xf32, #tpu.memory_space<vmem_shared>> -> memref<10x64xf32, #tpu.memory_space<vmem_shared>>
      %dma_wait3A_422 = arith.constant 0 : i32
      %dma_wait3A_423 = arith.constant 0 : i32
      %dma_wait3A_424 = tpu.memref_slice %arg21[%run_scoped3A_85, %dma_wait3A_422, %dma_wait3A_423] : memref<8x10x64xf32, #tpu.memory_space<vmem>> -> memref<1x10x64xf32, #tpu.memory_space<vmem>>
      %dma_wait3A_425 = tpu.memref_squeeze %dma_wait3A_424 : memref<1x10x64xf32, #tpu.memory_space<vmem>> -> memref<10x64xf32, #tpu.memory_space<vmem>>
      %dma_wait3A_426 = arith.constant 0 : i32
      %dma_wait3A_427 = tpu.memref_slice %arg24[%add3A_84, %dma_wait3A_426] : memref<10112x64xf32, #tpu.memory_space<vmem_shared>> -> memref<10x64xf32, #tpu.memory_space<vmem_shared>>
      tpu.wait_dma2 semaphore(%run_scoped3A_403 : memref<!tpu.dma_semaphore, #tpu.memory_space<semaphore_mem>>) src(%dma_wait3A_427 : memref<10x64xf32, #tpu.memory_space<vmem_shared>>) dst(%dma_wait3A_425 : memref<10x64xf32, #tpu.memory_space<vmem>>)
      tpu.yield
    }) : () -> ()
    %mul3A_86 = arith.constant 10 : i32
    %mul3A_87 = arith.muli %arg1, %mul3A_86 : i32
    %add3A_88 = arith.constant 1760 : i32
    %add3A_89 = arith.addi %add3A_88, %mul3A_87 : i32
    %run_scoped3A_90 = arith.constant 3 : i32
    "tpu.region"() ({
      %run_scoped3A_403 = tpu.sem_alloc : memref<!tpu.dma_semaphore, #tpu.memory_space<semaphore_mem>>
      %dma_start3A_404 = arith.constant 0 : i32
      %dma_start3A_405 = arith.constant 0 : i32
      %dma_start3A_406 = tpu.memref_slice %arg21[%run_scoped3A_90, %dma_start3A_404, %dma_start3A_405] : memref<8x10x64xf32, #tpu.memory_space<vmem>> -> memref<1x10x64xf32, #tpu.memory_space<vmem>>
      %dma_start3A_407 = tpu.memref_squeeze %dma_start3A_406 : memref<1x10x64xf32, #tpu.memory_space<vmem>> -> memref<10x64xf32, #tpu.memory_space<vmem>>
      %dma_start3A_408 = arith.constant 0 : i32
      %dma_start3A_409 = tpu.memref_slice %arg24[%add3A_89, %dma_start3A_408] : memref<10112x64xf32, #tpu.memory_space<vmem_shared>> -> memref<10x64xf32, #tpu.memory_space<vmem_shared>>
      %dma_start3A_410 = arith.constant 0 : i32
      %dma_start3A_411 = arith.constant 0 : i32
      %dma_start3A_412 = tpu.memref_slice %arg21[%run_scoped3A_90, %dma_start3A_410, %dma_start3A_411] : memref<8x10x64xf32, #tpu.memory_space<vmem>> -> memref<1x10x64xf32, #tpu.memory_space<vmem>>
      %dma_start3A_413 = tpu.memref_squeeze %dma_start3A_412 : memref<1x10x64xf32, #tpu.memory_space<vmem>> -> memref<10x64xf32, #tpu.memory_space<vmem>>
      %dma_start3A_414 = arith.constant 0 : i32
      %dma_start3A_415 = tpu.memref_slice %arg24[%add3A_89, %dma_start3A_414] : memref<10112x64xf32, #tpu.memory_space<vmem_shared>> -> memref<10x64xf32, #tpu.memory_space<vmem_shared>>
      tpu.enqueue_dma source(%dma_start3A_415 : memref<10x64xf32, #tpu.memory_space<vmem_shared>>) target(%dma_start3A_413 : memref<10x64xf32, #tpu.memory_space<vmem>>) target_semaphore(%run_scoped3A_403 : memref<!tpu.dma_semaphore, #tpu.memory_space<semaphore_mem>>)
      %dma_wait3A_416 = arith.constant 0 : i32
      %dma_wait3A_417 = arith.constant 0 : i32
      %dma_wait3A_418 = tpu.memref_slice %arg21[%run_scoped3A_90, %dma_wait3A_416, %dma_wait3A_417] : memref<8x10x64xf32, #tpu.memory_space<vmem>> -> memref<1x10x64xf32, #tpu.memory_space<vmem>>
      %dma_wait3A_419 = tpu.memref_squeeze %dma_wait3A_418 : memref<1x10x64xf32, #tpu.memory_space<vmem>> -> memref<10x64xf32, #tpu.memory_space<vmem>>
      %dma_wait3A_420 = arith.constant 0 : i32
      %dma_wait3A_421 = tpu.memref_slice %arg24[%add3A_89, %dma_wait3A_420] : memref<10112x64xf32, #tpu.memory_space<vmem_shared>> -> memref<10x64xf32, #tpu.memory_space<vmem_shared>>
      %dma_wait3A_422 = arith.constant 0 : i32
      %dma_wait3A_423 = arith.constant 0 : i32
      %dma_wait3A_424 = tpu.memref_slice %arg21[%run_scoped3A_90, %dma_wait3A_422, %dma_wait3A_423] : memref<8x10x64xf32, #tpu.memory_space<vmem>> -> memref<1x10x64xf32, #tpu.memory_space<vmem>>
      %dma_wait3A_425 = tpu.memref_squeeze %dma_wait3A_424 : memref<1x10x64xf32, #tpu.memory_space<vmem>> -> memref<10x64xf32, #tpu.memory_space<vmem>>
      %dma_wait3A_426 = arith.constant 0 : i32
      %dma_wait3A_427 = tpu.memref_slice %arg24[%add3A_89, %dma_wait3A_426] : memref<10112x64xf32, #tpu.memory_space<vmem_shared>> -> memref<10x64xf32, #tpu.memory_space<vmem_shared>>
      tpu.wait_dma2 semaphore(%run_scoped3A_403 : memref<!tpu.dma_semaphore, #tpu.memory_space<semaphore_mem>>) src(%dma_wait3A_427 : memref<10x64xf32, #tpu.memory_space<vmem_shared>>) dst(%dma_wait3A_425 : memref<10x64xf32, #tpu.memory_space<vmem>>)
      tpu.yield
    }) : () -> ()
    %mul3A_91 = arith.constant 10 : i32
    %mul3A_92 = arith.muli %arg1, %mul3A_91 : i32
    %add3A_93 = arith.constant 1920 : i32
    %add3A_94 = arith.addi %add3A_93, %mul3A_92 : i32
    %run_scoped3A_95 = arith.constant 4 : i32
    "tpu.region"() ({
      %run_scoped3A_403 = tpu.sem_alloc : memref<!tpu.dma_semaphore, #tpu.memory_space<semaphore_mem>>
      %dma_start3A_404 = arith.constant 0 : i32
      %dma_start3A_405 = arith.constant 0 : i32
      %dma_start3A_406 = tpu.memref_slice %arg21[%run_scoped3A_95, %dma_start3A_404, %dma_start3A_405] : memref<8x10x64xf32, #tpu.memory_space<vmem>> -> memref<1x10x64xf32, #tpu.memory_space<vmem>>
      %dma_start3A_407 = tpu.memref_squeeze %dma_start3A_406 : memref<1x10x64xf32, #tpu.memory_space<vmem>> -> memref<10x64xf32, #tpu.memory_space<vmem>>
      %dma_start3A_408 = arith.constant 0 : i32
      %dma_start3A_409 = tpu.memref_slice %arg24[%add3A_94, %dma_start3A_408] : memref<10112x64xf32, #tpu.memory_space<vmem_shared>> -> memref<10x64xf32, #tpu.memory_space<vmem_shared>>
      %dma_start3A_410 = arith.constant 0 : i32
      %dma_start3A_411 = arith.constant 0 : i32
      %dma_start3A_412 = tpu.memref_slice %arg21[%run_scoped3A_95, %dma_start3A_410, %dma_start3A_411] : memref<8x10x64xf32, #tpu.memory_space<vmem>> -> memref<1x10x64xf32, #tpu.memory_space<vmem>>
      %dma_start3A_413 = tpu.memref_squeeze %dma_start3A_412 : memref<1x10x64xf32, #tpu.memory_space<vmem>> -> memref<10x64xf32, #tpu.memory_space<vmem>>
      %dma_start3A_414 = arith.constant 0 : i32
      %dma_start3A_415 = tpu.memref_slice %arg24[%add3A_94, %dma_start3A_414] : memref<10112x64xf32, #tpu.memory_space<vmem_shared>> -> memref<10x64xf32, #tpu.memory_space<vmem_shared>>
      tpu.enqueue_dma source(%dma_start3A_415 : memref<10x64xf32, #tpu.memory_space<vmem_shared>>) target(%dma_start3A_413 : memref<10x64xf32, #tpu.memory_space<vmem>>) target_semaphore(%run_scoped3A_403 : memref<!tpu.dma_semaphore, #tpu.memory_space<semaphore_mem>>)
      %dma_wait3A_416 = arith.constant 0 : i32
      %dma_wait3A_417 = arith.constant 0 : i32
      %dma_wait3A_418 = tpu.memref_slice %arg21[%run_scoped3A_95, %dma_wait3A_416, %dma_wait3A_417] : memref<8x10x64xf32, #tpu.memory_space<vmem>> -> memref<1x10x64xf32, #tpu.memory_space<vmem>>
      %dma_wait3A_419 = tpu.memref_squeeze %dma_wait3A_418 : memref<1x10x64xf32, #tpu.memory_space<vmem>> -> memref<10x64xf32, #tpu.memory_space<vmem>>
      %dma_wait3A_420 = arith.constant 0 : i32
      %dma_wait3A_421 = tpu.memref_slice %arg24[%add3A_94, %dma_wait3A_420] : memref<10112x64xf32, #tpu.memory_space<vmem_shared>> -> memref<10x64xf32, #tpu.memory_space<vmem_shared>>
      %dma_wait3A_422 = arith.constant 0 : i32
      %dma_wait3A_423 = arith.constant 0 : i32
      %dma_wait3A_424 = tpu.memref_slice %arg21[%run_scoped3A_95, %dma_wait3A_422, %dma_wait3A_423] : memref<8x10x64xf32, #tpu.memory_space<vmem>> -> memref<1x10x64xf32, #tpu.memory_space<vmem>>
      %dma_wait3A_425 = tpu.memref_squeeze %dma_wait3A_424 : memref<1x10x64xf32, #tpu.memory_space<vmem>> -> memref<10x64xf32, #tpu.memory_space<vmem>>
      %dma_wait3A_426 = arith.constant 0 : i32
      %dma_wait3A_427 = tpu.memref_slice %arg24[%add3A_94, %dma_wait3A_426] : memref<10112x64xf32, #tpu.memory_space<vmem_shared>> -> memref<10x64xf32, #tpu.memory_space<vmem_shared>>
      tpu.wait_dma2 semaphore(%run_scoped3A_403 : memref<!tpu.dma_semaphore, #tpu.memory_space<semaphore_mem>>) src(%dma_wait3A_427 : memref<10x64xf32, #tpu.memory_space<vmem_shared>>) dst(%dma_wait3A_425 : memref<10x64xf32, #tpu.memory_space<vmem>>)
      tpu.yield
    }) : () -> ()
    %mul3A_96 = arith.constant 10 : i32
    %mul3A_97 = arith.muli %arg1, %mul3A_96 : i32
    %add3A_98 = arith.constant 2080 : i32
    %add3A_99 = arith.addi %add3A_98, %mul3A_97 : i32
    %run_scoped3A_100 = arith.constant 5 : i32
    "tpu.region"() ({
      %run_scoped3A_403 = tpu.sem_alloc : memref<!tpu.dma_semaphore, #tpu.memory_space<semaphore_mem>>
      %dma_start3A_404 = arith.constant 0 : i32
      %dma_start3A_405 = arith.constant 0 : i32
      %dma_start3A_406 = tpu.memref_slice %arg21[%run_scoped3A_100, %dma_start3A_404, %dma_start3A_405] : memref<8x10x64xf32, #tpu.memory_space<vmem>> -> memref<1x10x64xf32, #tpu.memory_space<vmem>>
      %dma_start3A_407 = tpu.memref_squeeze %dma_start3A_406 : memref<1x10x64xf32, #tpu.memory_space<vmem>> -> memref<10x64xf32, #tpu.memory_space<vmem>>
      %dma_start3A_408 = arith.constant 0 : i32
      %dma_start3A_409 = tpu.memref_slice %arg24[%add3A_99, %dma_start3A_408] : memref<10112x64xf32, #tpu.memory_space<vmem_shared>> -> memref<10x64xf32, #tpu.memory_space<vmem_shared>>
      %dma_start3A_410 = arith.constant 0 : i32
      %dma_start3A_411 = arith.constant 0 : i32
      %dma_start3A_412 = tpu.memref_slice %arg21[%run_scoped3A_100, %dma_start3A_410, %dma_start3A_411] : memref<8x10x64xf32, #tpu.memory_space<vmem>> -> memref<1x10x64xf32, #tpu.memory_space<vmem>>
      %dma_start3A_413 = tpu.memref_squeeze %dma_start3A_412 : memref<1x10x64xf32, #tpu.memory_space<vmem>> -> memref<10x64xf32, #tpu.memory_space<vmem>>
      %dma_start3A_414 = arith.constant 0 : i32
      %dma_start3A_415 = tpu.memref_slice %arg24[%add3A_99, %dma_start3A_414] : memref<10112x64xf32, #tpu.memory_space<vmem_shared>> -> memref<10x64xf32, #tpu.memory_space<vmem_shared>>
      tpu.enqueue_dma source(%dma_start3A_415 : memref<10x64xf32, #tpu.memory_space<vmem_shared>>) target(%dma_start3A_413 : memref<10x64xf32, #tpu.memory_space<vmem>>) target_semaphore(%run_scoped3A_403 : memref<!tpu.dma_semaphore, #tpu.memory_space<semaphore_mem>>)
      %dma_wait3A_416 = arith.constant 0 : i32
      %dma_wait3A_417 = arith.constant 0 : i32
      %dma_wait3A_418 = tpu.memref_slice %arg21[%run_scoped3A_100, %dma_wait3A_416, %dma_wait3A_417] : memref<8x10x64xf32, #tpu.memory_space<vmem>> -> memref<1x10x64xf32, #tpu.memory_space<vmem>>
      %dma_wait3A_419 = tpu.memref_squeeze %dma_wait3A_418 : memref<1x10x64xf32, #tpu.memory_space<vmem>> -> memref<10x64xf32, #tpu.memory_space<vmem>>
      %dma_wait3A_420 = arith.constant 0 : i32
      %dma_wait3A_421 = tpu.memref_slice %arg24[%add3A_99, %dma_wait3A_420] : memref<10112x64xf32, #tpu.memory_space<vmem_shared>> -> memref<10x64xf32, #tpu.memory_space<vmem_shared>>
      %dma_wait3A_422 = arith.constant 0 : i32
      %dma_wait3A_423 = arith.constant 0 : i32
      %dma_wait3A_424 = tpu.memref_slice %arg21[%run_scoped3A_100, %dma_wait3A_422, %dma_wait3A_423] : memref<8x10x64xf32, #tpu.memory_space<vmem>> -> memref<1x10x64xf32, #tpu.memory_space<vmem>>
      %dma_wait3A_425 = tpu.memref_squeeze %dma_wait3A_424 : memref<1x10x64xf32, #tpu.memory_space<vmem>> -> memref<10x64xf32, #tpu.memory_space<vmem>>
      %dma_wait3A_426 = arith.constant 0 : i32
      %dma_wait3A_427 = tpu.memref_slice %arg24[%add3A_99, %dma_wait3A_426] : memref<10112x64xf32, #tpu.memory_space<vmem_shared>> -> memref<10x64xf32, #tpu.memory_space<vmem_shared>>
      tpu.wait_dma2 semaphore(%run_scoped3A_403 : memref<!tpu.dma_semaphore, #tpu.memory_space<semaphore_mem>>) src(%dma_wait3A_427 : memref<10x64xf32, #tpu.memory_space<vmem_shared>>) dst(%dma_wait3A_425 : memref<10x64xf32, #tpu.memory_space<vmem>>)
      tpu.yield
    }) : () -> ()
    %mul3A_101 = arith.constant 10 : i32
    %mul3A_102 = arith.muli %arg1, %mul3A_101 : i32
    %add3A_103 = arith.constant 2240 : i32
    %add3A_104 = arith.addi %add3A_103, %mul3A_102 : i32
    %run_scoped3A_105 = arith.constant 6 : i32
    "tpu.region"() ({
      %run_scoped3A_403 = tpu.sem_alloc : memref<!tpu.dma_semaphore, #tpu.memory_space<semaphore_mem>>
      %dma_start3A_404 = arith.constant 0 : i32
      %dma_start3A_405 = arith.constant 0 : i32
      %dma_start3A_406 = tpu.memref_slice %arg21[%run_scoped3A_105, %dma_start3A_404, %dma_start3A_405] : memref<8x10x64xf32, #tpu.memory_space<vmem>> -> memref<1x10x64xf32, #tpu.memory_space<vmem>>
      %dma_start3A_407 = tpu.memref_squeeze %dma_start3A_406 : memref<1x10x64xf32, #tpu.memory_space<vmem>> -> memref<10x64xf32, #tpu.memory_space<vmem>>
      %dma_start3A_408 = arith.constant 0 : i32
      %dma_start3A_409 = tpu.memref_slice %arg24[%add3A_104, %dma_start3A_408] : memref<10112x64xf32, #tpu.memory_space<vmem_shared>> -> memref<10x64xf32, #tpu.memory_space<vmem_shared>>
      %dma_start3A_410 = arith.constant 0 : i32
      %dma_start3A_411 = arith.constant 0 : i32
      %dma_start3A_412 = tpu.memref_slice %arg21[%run_scoped3A_105, %dma_start3A_410, %dma_start3A_411] : memref<8x10x64xf32, #tpu.memory_space<vmem>> -> memref<1x10x64xf32, #tpu.memory_space<vmem>>
      %dma_start3A_413 = tpu.memref_squeeze %dma_start3A_412 : memref<1x10x64xf32, #tpu.memory_space<vmem>> -> memref<10x64xf32, #tpu.memory_space<vmem>>
      %dma_start3A_414 = arith.constant 0 : i32
      %dma_start3A_415 = tpu.memref_slice %arg24[%add3A_104, %dma_start3A_414] : memref<10112x64xf32, #tpu.memory_space<vmem_shared>> -> memref<10x64xf32, #tpu.memory_space<vmem_shared>>
      tpu.enqueue_dma source(%dma_start3A_415 : memref<10x64xf32, #tpu.memory_space<vmem_shared>>) target(%dma_start3A_413 : memref<10x64xf32, #tpu.memory_space<vmem>>) target_semaphore(%run_scoped3A_403 : memref<!tpu.dma_semaphore, #tpu.memory_space<semaphore_mem>>)
      %dma_wait3A_416 = arith.constant 0 : i32
      %dma_wait3A_417 = arith.constant 0 : i32
      %dma_wait3A_418 = tpu.memref_slice %arg21[%run_scoped3A_105, %dma_wait3A_416, %dma_wait3A_417] : memref<8x10x64xf32, #tpu.memory_space<vmem>> -> memref<1x10x64xf32, #tpu.memory_space<vmem>>
      %dma_wait3A_419 = tpu.memref_squeeze %dma_wait3A_418 : memref<1x10x64xf32, #tpu.memory_space<vmem>> -> memref<10x64xf32, #tpu.memory_space<vmem>>
      %dma_wait3A_420 = arith.constant 0 : i32
      %dma_wait3A_421 = tpu.memref_slice %arg24[%add3A_104, %dma_wait3A_420] : memref<10112x64xf32, #tpu.memory_space<vmem_shared>> -> memref<10x64xf32, #tpu.memory_space<vmem_shared>>
      %dma_wait3A_422 = arith.constant 0 : i32
      %dma_wait3A_423 = arith.constant 0 : i32
      %dma_wait3A_424 = tpu.memref_slice %arg21[%run_scoped3A_105, %dma_wait3A_422, %dma_wait3A_423] : memref<8x10x64xf32, #tpu.memory_space<vmem>> -> memref<1x10x64xf32, #tpu.memory_space<vmem>>
      %dma_wait3A_425 = tpu.memref_squeeze %dma_wait3A_424 : memref<1x10x64xf32, #tpu.memory_space<vmem>> -> memref<10x64xf32, #tpu.memory_space<vmem>>
      %dma_wait3A_426 = arith.constant 0 : i32
      %dma_wait3A_427 = tpu.memref_slice %arg24[%add3A_104, %dma_wait3A_426] : memref<10112x64xf32, #tpu.memory_space<vmem_shared>> -> memref<10x64xf32, #tpu.memory_space<vmem_shared>>
      tpu.wait_dma2 semaphore(%run_scoped3A_403 : memref<!tpu.dma_semaphore, #tpu.memory_space<semaphore_mem>>) src(%dma_wait3A_427 : memref<10x64xf32, #tpu.memory_space<vmem_shared>>) dst(%dma_wait3A_425 : memref<10x64xf32, #tpu.memory_space<vmem>>)
      tpu.yield
    }) : () -> ()
    %mul3A_106 = arith.constant 10 : i32
    %mul3A_107 = arith.muli %arg1, %mul3A_106 : i32
    %add3A_108 = arith.constant 2400 : i32
    %add3A_109 = arith.addi %add3A_108, %mul3A_107 : i32
    %run_scoped3A_110 = arith.constant 7 : i32
    "tpu.region"() ({
      %run_scoped3A_403 = tpu.sem_alloc : memref<!tpu.dma_semaphore, #tpu.memory_space<semaphore_mem>>
      %dma_start3A_404 = arith.constant 0 : i32
      %dma_start3A_405 = arith.constant 0 : i32
      %dma_start3A_406 = tpu.memref_slice %arg21[%run_scoped3A_110, %dma_start3A_404, %dma_start3A_405] : memref<8x10x64xf32, #tpu.memory_space<vmem>> -> memref<1x10x64xf32, #tpu.memory_space<vmem>>
      %dma_start3A_407 = tpu.memref_squeeze %dma_start3A_406 : memref<1x10x64xf32, #tpu.memory_space<vmem>> -> memref<10x64xf32, #tpu.memory_space<vmem>>
      %dma_start3A_408 = arith.constant 0 : i32
      %dma_start3A_409 = tpu.memref_slice %arg24[%add3A_109, %dma_start3A_408] : memref<10112x64xf32, #tpu.memory_space<vmem_shared>> -> memref<10x64xf32, #tpu.memory_space<vmem_shared>>
      %dma_start3A_410 = arith.constant 0 : i32
      %dma_start3A_411 = arith.constant 0 : i32
      %dma_start3A_412 = tpu.memref_slice %arg21[%run_scoped3A_110, %dma_start3A_410, %dma_start3A_411] : memref<8x10x64xf32, #tpu.memory_space<vmem>> -> memref<1x10x64xf32, #tpu.memory_space<vmem>>
      %dma_start3A_413 = tpu.memref_squeeze %dma_start3A_412 : memref<1x10x64xf32, #tpu.memory_space<vmem>> -> memref<10x64xf32, #tpu.memory_space<vmem>>
      %dma_start3A_414 = arith.constant 0 : i32
      %dma_start3A_415 = tpu.memref_slice %arg24[%add3A_109, %dma_start3A_414] : memref<10112x64xf32, #tpu.memory_space<vmem_shared>> -> memref<10x64xf32, #tpu.memory_space<vmem_shared>>
      tpu.enqueue_dma source(%dma_start3A_415 : memref<10x64xf32, #tpu.memory_space<vmem_shared>>) target(%dma_start3A_413 : memref<10x64xf32, #tpu.memory_space<vmem>>) target_semaphore(%run_scoped3A_403 : memref<!tpu.dma_semaphore, #tpu.memory_space<semaphore_mem>>)
      %dma_wait3A_416 = arith.constant 0 : i32
      %dma_wait3A_417 = arith.constant 0 : i32
      %dma_wait3A_418 = tpu.memref_slice %arg21[%run_scoped3A_110, %dma_wait3A_416, %dma_wait3A_417] : memref<8x10x64xf32, #tpu.memory_space<vmem>> -> memref<1x10x64xf32, #tpu.memory_space<vmem>>
      %dma_wait3A_419 = tpu.memref_squeeze %dma_wait3A_418 : memref<1x10x64xf32, #tpu.memory_space<vmem>> -> memref<10x64xf32, #tpu.memory_space<vmem>>
      %dma_wait3A_420 = arith.constant 0 : i32
      %dma_wait3A_421 = tpu.memref_slice %arg24[%add3A_109, %dma_wait3A_420] : memref<10112x64xf32, #tpu.memory_space<vmem_shared>> -> memref<10x64xf32, #tpu.memory_space<vmem_shared>>
      %dma_wait3A_422 = arith.constant 0 : i32
      %dma_wait3A_423 = arith.constant 0 : i32
      %dma_wait3A_424 = tpu.memref_slice %arg21[%run_scoped3A_110, %dma_wait3A_422, %dma_wait3A_423] : memref<8x10x64xf32, #tpu.memory_space<vmem>> -> memref<1x10x64xf32, #tpu.memory_space<vmem>>
      %dma_wait3A_425 = tpu.memref_squeeze %dma_wait3A_424 : memref<1x10x64xf32, #tpu.memory_space<vmem>> -> memref<10x64xf32, #tpu.memory_space<vmem>>
      %dma_wait3A_426 = arith.constant 0 : i32
      %dma_wait3A_427 = tpu.memref_slice %arg24[%add3A_109, %dma_wait3A_426] : memref<10112x64xf32, #tpu.memory_space<vmem_shared>> -> memref<10x64xf32, #tpu.memory_space<vmem_shared>>
      tpu.wait_dma2 semaphore(%run_scoped3A_403 : memref<!tpu.dma_semaphore, #tpu.memory_space<semaphore_mem>>) src(%dma_wait3A_427 : memref<10x64xf32, #tpu.memory_space<vmem_shared>>) dst(%dma_wait3A_425 : memref<10x64xf32, #tpu.memory_space<vmem>>)
      tpu.yield
    }) : () -> ()
    %scan3A_111 = arith.constant 0 : i32
    %scan3A_112 = arith.constant 0 : i32
    %scan3A_113 = arith.constant 10 : i32
    %scan3A_114 = arith.addi %scan3A_112, %scan3A_113 : i32
    %scan3A_115 = arith.constant 1 : i32
    scf.for %scan3A_403 = %scan3A_112 to %scan3A_114 step %scan3A_115  : i32 {
      %get3A = arith.constant 0 : i32
      %get3A_404 = arith.index_cast %get3A : i32 to index
      %get3A_405 = arith.index_cast %scan3A_403 : i32 to index
      %get3A_406 = arith.constant 0 : index
      %get3A_407 = tpu.vector_load %arg21[%get3A_404, %get3A_405, %get3A_406] {strides = array<i32>} : memref<8x10x64xf32, #tpu.memory_space<vmem>>, vector<16xf32>,
      %get3A_408 = arith.constant 1 : i32
      %get3A_409 = arith.index_cast %get3A_408 : i32 to index
      %get3A_410 = arith.index_cast %scan3A_403 : i32 to index
      %get3A_411 = arith.constant 0 : index
      %get3A_412 = tpu.vector_load %arg21[%get3A_409, %get3A_410, %get3A_411] {strides = array<i32>} : memref<8x10x64xf32, #tpu.memory_space<vmem>>, vector<16xf32>,
      %add3A_413 = arith.addf %get3A_407, %get3A_412 : vector<16xf32>
      %get3A_414 = arith.constant 2 : i32
      %get3A_415 = arith.index_cast %get3A_414 : i32 to index
      %get3A_416 = arith.index_cast %scan3A_403 : i32 to index
      %get3A_417 = arith.constant 0 : index
      %get3A_418 = tpu.vector_load %arg21[%get3A_415, %get3A_416, %get3A_417] {strides = array<i32>} : memref<8x10x64xf32, #tpu.memory_space<vmem>>, vector<16xf32>,
      %add3A_419 = arith.addf %add3A_413, %get3A_418 : vector<16xf32>
      %get3A_420 = arith.constant 3 : i32
      %get3A_421 = arith.index_cast %get3A_420 : i32 to index
      %get3A_422 = arith.index_cast %scan3A_403 : i32 to index
      %get3A_423 = arith.constant 0 : index
      %get3A_424 = tpu.vector_load %arg21[%get3A_421, %get3A_422, %get3A_423] {strides = array<i32>} : memref<8x10x64xf32, #tpu.memory_space<vmem>>, vector<16xf32>,
      %add3A_425 = arith.addf %add3A_419, %get3A_424 : vector<16xf32>
      %get3A_426 = arith.constant 4 : i32
      %get3A_427 = arith.index_cast %get3A_426 : i32 to index
      %get3A_428 = arith.index_cast %scan3A_403 : i32 to index
      %get3A_429 = arith.constant 0 : index
      %get3A_430 = tpu.vector_load %arg21[%get3A_427, %get3A_428, %get3A_429] {strides = array<i32>} : memref<8x10x64xf32, #tpu.memory_space<vmem>>, vector<16xf32>,
      %add3A_431 = arith.addf %add3A_425, %get3A_430 : vector<16xf32>
      %get3A_432 = arith.constant 5 : i32
      %get3A_433 = arith.index_cast %get3A_432 : i32 to index
      %get3A_434 = arith.index_cast %scan3A_403 : i32 to index
      %get3A_435 = arith.constant 0 : index
      %get3A_436 = tpu.vector_load %arg21[%get3A_433, %get3A_434, %get3A_435] {strides = array<i32>} : memref<8x10x64xf32, #tpu.memory_space<vmem>>, vector<16xf32>,
      %add3A_437 = arith.addf %add3A_431, %get3A_436 : vector<16xf32>
      %get3A_438 = arith.constant 6 : i32
      %get3A_439 = arith.index_cast %get3A_438 : i32 to index
      %get3A_440 = arith.index_cast %scan3A_403 : i32 to index
      %get3A_441 = arith.constant 0 : index
      %get3A_442 = tpu.vector_load %arg21[%get3A_439, %get3A_440, %get3A_441] {strides = array<i32>} : memref<8x10x64xf32, #tpu.memory_space<vmem>>, vector<16xf32>,
      %add3A_443 = arith.addf %add3A_437, %get3A_442 : vector<16xf32>
      %get3A_444 = arith.constant 7 : i32
      %get3A_445 = arith.index_cast %get3A_444 : i32 to index
      %get3A_446 = arith.index_cast %scan3A_403 : i32 to index
      %get3A_447 = arith.constant 0 : index
      %get3A_448 = tpu.vector_load %arg21[%get3A_445, %get3A_446, %get3A_447] {strides = array<i32>} : memref<8x10x64xf32, #tpu.memory_space<vmem>>, vector<16xf32>,
      %add3A_449 = arith.addf %add3A_443, %get3A_448 : vector<16xf32>
      %get3A_450 = arith.index_cast %scan3A_403 : i32 to index
      %get3A_451 = arith.constant 0 : index
      %get3A_452 = tpu.vector_load %arg22[%get3A_450, %get3A_451] {strides = array<i32>} : memref<10x64xf32, #tpu.memory_space<vmem>>, vector<16xf32>,
      %add3A_453 = arith.addf %get3A_452, %add3A_449 : vector<16xf32>
      %swap3A = arith.index_cast %scan3A_403 : i32 to index
      %swap3A_454 = arith.constant 0 : index
      %swap3A_455 = tpu.vector_load %arg22[%swap3A, %swap3A_454] {strides = array<i32>} : memref<10x64xf32, #tpu.memory_space<vmem>>, vector<16xf32>,
      tpu.vector_store %arg22[%swap3A, %swap3A_454], %add3A_453 {strides = array<i32>} : memref<10x64xf32, #tpu.memory_space<vmem>>, vector<16xf32>,
      %get3A_456 = arith.constant 0 : i32
      %get3A_457 = arith.index_cast %get3A_456 : i32 to index
      %get3A_458 = arith.index_cast %scan3A_403 : i32 to index
      %get3A_459 = arith.constant 16 : index
      %get3A_460 = tpu.vector_load %arg21[%get3A_457, %get3A_458, %get3A_459] {strides = array<i32>} : memref<8x10x64xf32, #tpu.memory_space<vmem>>, vector<16xf32>,
      %get3A_461 = arith.constant 1 : i32
      %get3A_462 = arith.index_cast %get3A_461 : i32 to index
      %get3A_463 = arith.index_cast %scan3A_403 : i32 to index
      %get3A_464 = arith.constant 16 : index
      %get3A_465 = tpu.vector_load %arg21[%get3A_462, %get3A_463, %get3A_464] {strides = array<i32>} : memref<8x10x64xf32, #tpu.memory_space<vmem>>, vector<16xf32>,
      %add3A_466 = arith.addf %get3A_460, %get3A_465 : vector<16xf32>
      %get3A_467 = arith.constant 2 : i32
      %get3A_468 = arith.index_cast %get3A_467 : i32 to index
      %get3A_469 = arith.index_cast %scan3A_403 : i32 to index
      %get3A_470 = arith.constant 16 : index
      %get3A_471 = tpu.vector_load %arg21[%get3A_468, %get3A_469, %get3A_470] {strides = array<i32>} : memref<8x10x64xf32, #tpu.memory_space<vmem>>, vector<16xf32>,
      %add3A_472 = arith.addf %add3A_466, %get3A_471 : vector<16xf32>
      %get3A_473 = arith.constant 3 : i32
      %get3A_474 = arith.index_cast %get3A_473 : i32 to index
      %get3A_475 = arith.index_cast %scan3A_403 : i32 to index
      %get3A_476 = arith.constant 16 : index
      %get3A_477 = tpu.vector_load %arg21[%get3A_474, %get3A_475, %get3A_476] {strides = array<i32>} : memref<8x10x64xf32, #tpu.memory_space<vmem>>, vector<16xf32>,
      %add3A_478 = arith.addf %add3A_472, %get3A_477 : vector<16xf32>
      %get3A_479 = arith.constant 4 : i32
      %get3A_480 = arith.index_cast %get3A_479 : i32 to index
      %get3A_481 = arith.index_cast %scan3A_403 : i32 to index
      %get3A_482 = arith.constant 16 : index
      %get3A_483 = tpu.vector_load %arg21[%get3A_480, %get3A_481, %get3A_482] {strides = array<i32>} : memref<8x10x64xf32, #tpu.memory_space<vmem>>, vector<16xf32>,
      %add3A_484 = arith.addf %add3A_478, %get3A_483 : vector<16xf32>
      %get3A_485 = arith.constant 5 : i32
      %get3A_486 = arith.index_cast %get3A_485 : i32 to index
      %get3A_487 = arith.index_cast %scan3A_403 : i32 to index
      %get3A_488 = arith.constant 16 : index
      %get3A_489 = tpu.vector_load %arg21[%get3A_486, %get3A_487, %get3A_488] {strides = array<i32>} : memref<8x10x64xf32, #tpu.memory_space<vmem>>, vector<16xf32>,
      %add3A_490 = arith.addf %add3A_484, %get3A_489 : vector<16xf32>
      %get3A_491 = arith.constant 6 : i32
      %get3A_492 = arith.index_cast %get3A_491 : i32 to index
      %get3A_493 = arith.index_cast %scan3A_403 : i32 to index
      %get3A_494 = arith.constant 16 : index
      %get3A_495 = tpu.vector_load %arg21[%get3A_492, %get3A_493, %get3A_494] {strides = array<i32>} : memref<8x10x64xf32, #tpu.memory_space<vmem>>, vector<16xf32>,
      %add3A_496 = arith.addf %add3A_490, %get3A_495 : vector<16xf32>
      %get3A_497 = arith.constant 7 : i32
      %get3A_498 = arith.index_cast %get3A_497 : i32 to index
      %get3A_499 = arith.index_cast %scan3A_403 : i32 to index
      %get3A_500 = arith.constant 16 : index
      %get3A_501 = tpu.vector_load %arg21[%get3A_498, %get3A_499, %get3A_500] {strides = array<i32>} : memref<8x10x64xf32, #tpu.memory_space<vmem>>, vector<16xf32>,
      %add3A_502 = arith.addf %add3A_496, %get3A_501 : vector<16xf32>
      %get3A_503 = arith.index_cast %scan3A_403 : i32 to index
      %get3A_504 = arith.constant 16 : index
      %get3A_505 = tpu.vector_load %arg22[%get3A_503, %get3A_504] {strides = array<i32>} : memref<10x64xf32, #tpu.memory_space<vmem>>, vector<16xf32>,
      %add3A_506 = arith.addf %get3A_505, %add3A_502 : vector<16xf32>
      %swap3A_507 = arith.index_cast %scan3A_403 : i32 to index
      %swap3A_508 = arith.constant 16 : index
      %swap3A_509 = tpu.vector_load %arg22[%swap3A_507, %swap3A_508] {strides = array<i32>} : memref<10x64xf32, #tpu.memory_space<vmem>>, vector<16xf32>,
      tpu.vector_store %arg22[%swap3A_507, %swap3A_508], %add3A_506 {strides = array<i32>} : memref<10x64xf32, #tpu.memory_space<vmem>>, vector<16xf32>,
      %get3A_510 = arith.constant 0 : i32
      %get3A_511 = arith.index_cast %get3A_510 : i32 to index
      %get3A_512 = arith.index_cast %scan3A_403 : i32 to index
      %get3A_513 = arith.constant 32 : index
      %get3A_514 = tpu.vector_load %arg21[%get3A_511, %get3A_512, %get3A_513] {strides = array<i32>} : memref<8x10x64xf32, #tpu.memory_space<vmem>>, vector<16xf32>,
      %get3A_515 = arith.constant 1 : i32
      %get3A_516 = arith.index_cast %get3A_515 : i32 to index
      %get3A_517 = arith.index_cast %scan3A_403 : i32 to index
      %get3A_518 = arith.constant 32 : index
      %get3A_519 = tpu.vector_load %arg21[%get3A_516, %get3A_517, %get3A_518] {strides = array<i32>} : memref<8x10x64xf32, #tpu.memory_space<vmem>>, vector<16xf32>,
      %add3A_520 = arith.addf %get3A_514, %get3A_519 : vector<16xf32>
      %get3A_521 = arith.constant 2 : i32
      %get3A_522 = arith.index_cast %get3A_521 : i32 to index
      %get3A_523 = arith.index_cast %scan3A_403 : i32 to index
      %get3A_524 = arith.constant 32 : index
      %get3A_525 = tpu.vector_load %arg21[%get3A_522, %get3A_523, %get3A_524] {strides = array<i32>} : memref<8x10x64xf32, #tpu.memory_space<vmem>>, vector<16xf32>,
      %add3A_526 = arith.addf %add3A_520, %get3A_525 : vector<16xf32>
      %get3A_527 = arith.constant 3 : i32
      %get3A_528 = arith.index_cast %get3A_527 : i32 to index
      %get3A_529 = arith.index_cast %scan3A_403 : i32 to index
      %get3A_530 = arith.constant 32 : index
      %get3A_531 = tpu.vector_load %arg21[%get3A_528, %get3A_529, %get3A_530] {strides = array<i32>} : memref<8x10x64xf32, #tpu.memory_space<vmem>>, vector<16xf32>,
      %add3A_532 = arith.addf %add3A_526, %get3A_531 : vector<16xf32>
      %get3A_533 = arith.constant 4 : i32
      %get3A_534 = arith.index_cast %get3A_533 : i32 to index
      %get3A_535 = arith.index_cast %scan3A_403 : i32 to index
      %get3A_536 = arith.constant 32 : index
      %get3A_537 = tpu.vector_load %arg21[%get3A_534, %get3A_535, %get3A_536] {strides = array<i32>} : memref<8x10x64xf32, #tpu.memory_space<vmem>>, vector<16xf32>,
      %add3A_538 = arith.addf %add3A_532, %get3A_537 : vector<16xf32>
      %get3A_539 = arith.constant 5 : i32
      %get3A_540 = arith.index_cast %get3A_539 : i32 to index
      %get3A_541 = arith.index_cast %scan3A_403 : i32 to index
      %get3A_542 = arith.constant 32 : index
      %get3A_543 = tpu.vector_load %arg21[%get3A_540, %get3A_541, %get3A_542] {strides = array<i32>} : memref<8x10x64xf32, #tpu.memory_space<vmem>>, vector<16xf32>,
      %add3A_544 = arith.addf %add3A_538, %get3A_543 : vector<16xf32>
      %get3A_545 = arith.constant 6 : i32
      %get3A_546 = arith.index_cast %get3A_545 : i32 to index
      %get3A_547 = arith.index_cast %scan3A_403 : i32 to index
      %get3A_548 = arith.constant 32 : index
      %get3A_549 = tpu.vector_load %arg21[%get3A_546, %get3A_547, %get3A_548] {strides = array<i32>} : memref<8x10x64xf32, #tpu.memory_space<vmem>>, vector<16xf32>,
      %add3A_550 = arith.addf %add3A_544, %get3A_549 : vector<16xf32>
      %get3A_551 = arith.constant 7 : i32
      %get3A_552 = arith.index_cast %get3A_551 : i32 to index
      %get3A_553 = arith.index_cast %scan3A_403 : i32 to index
      %get3A_554 = arith.constant 32 : index
      %get3A_555 = tpu.vector_load %arg21[%get3A_552, %get3A_553, %get3A_554] {strides = array<i32>} : memref<8x10x64xf32, #tpu.memory_space<vmem>>, vector<16xf32>,
      %add3A_556 = arith.addf %add3A_550, %get3A_555 : vector<16xf32>
      %get3A_557 = arith.index_cast %scan3A_403 : i32 to index
      %get3A_558 = arith.constant 32 : index
      %get3A_559 = tpu.vector_load %arg22[%get3A_557, %get3A_558] {strides = array<i32>} : memref<10x64xf32, #tpu.memory_space<vmem>>, vector<16xf32>,
      %add3A_560 = arith.addf %get3A_559, %add3A_556 : vector<16xf32>
      %swap3A_561 = arith.index_cast %scan3A_403 : i32 to index
      %swap3A_562 = arith.constant 32 : index
      %swap3A_563 = tpu.vector_load %arg22[%swap3A_561, %swap3A_562] {strides = array<i32>} : memref<10x64xf32, #tpu.memory_space<vmem>>, vector<16xf32>,
      tpu.vector_store %arg22[%swap3A_561, %swap3A_562], %add3A_560 {strides = array<i32>} : memref<10x64xf32, #tpu.memory_space<vmem>>, vector<16xf32>,
      %get3A_564 = arith.constant 0 : i32
      %get3A_565 = arith.index_cast %get3A_564 : i32 to index
      %get3A_566 = arith.index_cast %scan3A_403 : i32 to index
      %get3A_567 = arith.constant 48 : index
      %get3A_568 = tpu.vector_load %arg21[%get3A_565, %get3A_566, %get3A_567] {strides = array<i32>} : memref<8x10x64xf32, #tpu.memory_space<vmem>>, vector<16xf32>,
      %get3A_569 = arith.constant 1 : i32
      %get3A_570 = arith.index_cast %get3A_569 : i32 to index
      %get3A_571 = arith.index_cast %scan3A_403 : i32 to index
      %get3A_572 = arith.constant 48 : index
      %get3A_573 = tpu.vector_load %arg21[%get3A_570, %get3A_571, %get3A_572] {strides = array<i32>} : memref<8x10x64xf32, #tpu.memory_space<vmem>>, vector<16xf32>,
      %add3A_574 = arith.addf %get3A_568, %get3A_573 : vector<16xf32>
      %get3A_575 = arith.constant 2 : i32
      %get3A_576 = arith.index_cast %get3A_575 : i32 to index
      %get3A_577 = arith.index_cast %scan3A_403 : i32 to index
      %get3A_578 = arith.constant 48 : index
      %get3A_579 = tpu.vector_load %arg21[%get3A_576, %get3A_577, %get3A_578] {strides = array<i32>} : memref<8x10x64xf32, #tpu.memory_space<vmem>>, vector<16xf32>,
      %add3A_580 = arith.addf %add3A_574, %get3A_579 : vector<16xf32>
      %get3A_581 = arith.constant 3 : i32
      %get3A_582 = arith.index_cast %get3A_581 : i32 to index
      %get3A_583 = arith.index_cast %scan3A_403 : i32 to index
      %get3A_584 = arith.constant 48 : index
      %get3A_585 = tpu.vector_load %arg21[%get3A_582, %get3A_583, %get3A_584] {strides = array<i32>} : memref<8x10x64xf32, #tpu.memory_space<vmem>>, vector<16xf32>,
      %add3A_586 = arith.addf %add3A_580, %get3A_585 : vector<16xf32>
      %get3A_587 = arith.constant 4 : i32
      %get3A_588 = arith.index_cast %get3A_587 : i32 to index
      %get3A_589 = arith.index_cast %scan3A_403 : i32 to index
      %get3A_590 = arith.constant 48 : index
      %get3A_591 = tpu.vector_load %arg21[%get3A_588, %get3A_589, %get3A_590] {strides = array<i32>} : memref<8x10x64xf32, #tpu.memory_space<vmem>>, vector<16xf32>,
      %add3A_592 = arith.addf %add3A_586, %get3A_591 : vector<16xf32>
      %get3A_593 = arith.constant 5 : i32
      %get3A_594 = arith.index_cast %get3A_593 : i32 to index
      %get3A_595 = arith.index_cast %scan3A_403 : i32 to index
      %get3A_596 = arith.constant 48 : index
      %get3A_597 = tpu.vector_load %arg21[%get3A_594, %get3A_595, %get3A_596] {strides = array<i32>} : memref<8x10x64xf32, #tpu.memory_space<vmem>>, vector<16xf32>,
      %add3A_598 = arith.addf %add3A_592, %get3A_597 : vector<16xf32>
      %get3A_599 = arith.constant 6 : i32
      %get3A_600 = arith.index_cast %get3A_599 : i32 to index
      %get3A_601 = arith.index_cast %scan3A_403 : i32 to index
      %get3A_602 = arith.constant 48 : index
      %get3A_603 = tpu.vector_load %arg21[%get3A_600, %get3A_601, %get3A_602] {strides = array<i32>} : memref<8x10x64xf32, #tpu.memory_space<vmem>>, vector<16xf32>,
      %add3A_604 = arith.addf %add3A_598, %get3A_603 : vector<16xf32>
      %get3A_605 = arith.constant 7 : i32
      %get3A_606 = arith.index_cast %get3A_605 : i32 to index
      %get3A_607 = arith.index_cast %scan3A_403 : i32 to index
      %get3A_608 = arith.constant 48 : index
      %get3A_609 = tpu.vector_load %arg21[%get3A_606, %get3A_607, %get3A_608] {strides = array<i32>} : memref<8x10x64xf32, #tpu.memory_space<vmem>>, vector<16xf32>,
      %add3A_610 = arith.addf %add3A_604, %get3A_609 : vector<16xf32>
      %get3A_611 = arith.index_cast %scan3A_403 : i32 to index
      %get3A_612 = arith.constant 48 : index
      %get3A_613 = tpu.vector_load %arg22[%get3A_611, %get3A_612] {strides = array<i32>} : memref<10x64xf32, #tpu.memory_space<vmem>>, vector<16xf32>,
      %add3A_614 = arith.addf %get3A_613, %add3A_610 : vector<16xf32>
      %swap3A_615 = arith.index_cast %scan3A_403 : i32 to index
      %swap3A_616 = arith.constant 48 : index
      %swap3A_617 = tpu.vector_load %arg22[%swap3A_615, %swap3A_616] {strides = array<i32>} : memref<10x64xf32, #tpu.memory_space<vmem>>, vector<16xf32>,
      tpu.vector_store %arg22[%swap3A_615, %swap3A_616], %add3A_614 {strides = array<i32>} : memref<10x64xf32, #tpu.memory_space<vmem>>, vector<16xf32>,
    }
    %scan3A_116 = arith.constant 10 : i32
    %mul3A_117 = arith.constant 10 : i32
    %mul3A_118 = arith.muli %arg1, %mul3A_117 : i32
    "tpu.region"() ({
      %run_scoped3A_403 = tpu.sem_alloc : memref<!tpu.dma_semaphore, #tpu.memory_space<semaphore_mem>>
      %dma_start3A_404 = arith.constant 0 : i32
      %dma_start3A_405 = tpu.memref_slice %arg23[%mul3A_118, %dma_start3A_404] : memref<160x64xf32, #tpu.memory_space<vmem_shared>> -> memref<10x64xf32, #tpu.memory_space<vmem_shared>>
      %dma_start3A_406 = arith.constant 0 : i32
      %dma_start3A_407 = tpu.memref_slice %arg23[%mul3A_118, %dma_start3A_406] : memref<160x64xf32, #tpu.memory_space<vmem_shared>> -> memref<10x64xf32, #tpu.memory_space<vmem_shared>>
      tpu.enqueue_dma source(%arg22 : memref<10x64xf32, #tpu.memory_space<vmem>>) target(%dma_start3A_407 : memref<10x64xf32, #tpu.memory_space<vmem_shared>>) target_semaphore(%run_scoped3A_403 : memref<!tpu.dma_semaphore, #tpu.memory_space<semaphore_mem>>)
      %dma_wait3A_408 = arith.constant 0 : i32
      %dma_wait3A_409 = tpu.memref_slice %arg23[%mul3A_118, %dma_wait3A_408] : memref<160x64xf32, #tpu.memory_space<vmem_shared>> -> memref<10x64xf32, #tpu.memory_space<vmem_shared>>
      %dma_wait3A_410 = arith.constant 0 : i32
      %dma_wait3A_411 = tpu.memref_slice %arg23[%mul3A_118, %dma_wait3A_410] : memref<160x64xf32, #tpu.memory_space<vmem_shared>> -> memref<10x64xf32, #tpu.memory_space<vmem_shared>>
      tpu.wait_dma2 semaphore(%run_scoped3A_403 : memref<!tpu.dma_semaphore, #tpu.memory_space<semaphore_mem>>) src(%arg22 : memref<10x64xf32, #tpu.memory_space<vmem>>) dst(%dma_wait3A_411 : memref<10x64xf32, #tpu.memory_space<vmem_shared>>)
      tpu.yield
    }) : () -> ()
    %barrier3A_119 = arith.constant 0 : index
    tpu.barrier barrier_id(%barrier3A_119)
    "tpu.region"() ({
      %run_scoped3A_403 = tpu.sem_alloc : memref<!tpu.dma_semaphore, #tpu.memory_space<semaphore_mem>>
      tpu.enqueue_dma source(%arg23 : memref<160x64xf32, #tpu.memory_space<vmem_shared>>) target(%arg15 : memref<160x64xf32, #tpu.memory_space<vmem>>) target_semaphore(%run_scoped3A_403 : memref<!tpu.dma_semaphore, #tpu.memory_space<semaphore_mem>>)
      tpu.wait_dma2 semaphore(%run_scoped3A_403 : memref<!tpu.dma_semaphore, #tpu.memory_space<semaphore_mem>>) src(%arg23 : memref<160x64xf32, #tpu.memory_space<vmem_shared>>) dst(%arg15 : memref<160x64xf32, #tpu.memory_space<vmem>>)
      tpu.yield
    }) : () -> ()
    %mul3A_120 = arith.constant 320 : i32
    %mul3A_121 = arith.muli %arg1, %mul3A_120 : i32
    %mul3A_122 = arith.constant 160 : i32
    %mul3A_123 = arith.muli %arg0, %mul3A_122 : i32
    %add3A_124 = arith.addi %mul3A_121, %mul3A_123 : i32
    "tpu.region"() ({
      %run_scoped3A_403 = tpu.sem_alloc : memref<!tpu.dma_semaphore, #tpu.memory_space<semaphore_mem>>
      %dma_start3A_404 = arith.constant 0 : i32
      %dma_start3A_405 = tpu.memref_slice %arg4[%add3A_124, %dma_start3A_404] : memref<5120x64xi32, #tpu.memory_space<hbm>> -> memref<160x64xi32, #tpu.memory_space<hbm>>
      %dma_start3A_406 = arith.constant 0 : i32
      %dma_start3A_407 = tpu.memref_slice %arg4[%add3A_124, %dma_start3A_406] : memref<5120x64xi32, #tpu.memory_space<hbm>> -> memref<160x64xi32, #tpu.memory_space<hbm>>
      tpu.enqueue_dma source(%dma_start3A_407 : memref<160x64xi32, #tpu.memory_space<hbm>>) target(%arg12 : memref<160x64xi32, #tpu.memory_space<vmem>>) target_semaphore(%run_scoped3A_403 : memref<!tpu.dma_semaphore, #tpu.memory_space<semaphore_mem>>)
      %dma_wait3A_408 = arith.constant 0 : i32
      %dma_wait3A_409 = tpu.memref_slice %arg4[%add3A_124, %dma_wait3A_408] : memref<5120x64xi32, #tpu.memory_space<hbm>> -> memref<160x64xi32, #tpu.memory_space<hbm>>
      %dma_wait3A_410 = arith.constant 0 : i32
      %dma_wait3A_411 = tpu.memref_slice %arg4[%add3A_124, %dma_wait3A_410] : memref<5120x64xi32, #tpu.memory_space<hbm>> -> memref<160x64xi32, #tpu.memory_space<hbm>>
      tpu.wait_dma2 semaphore(%run_scoped3A_403 : memref<!tpu.dma_semaphore, #tpu.memory_space<semaphore_mem>>) src(%dma_wait3A_411 : memref<160x64xi32, #tpu.memory_space<hbm>>) dst(%arg12 : memref<160x64xi32, #tpu.memory_space<vmem>>)
      tpu.yield
    }) : () -> ()
    "tpu.region"() ({
      %run_scoped3A_403 = tpu.sem_alloc : memref<!tpu.dma_semaphore, #tpu.memory_space<semaphore_mem>>
      %dma_start3A_404 = arith.constant 0 : i32
      %dma_start3A_405 = tpu.memref_slice %arg5[%add3A_124, %dma_start3A_404] : memref<5120x64xi32, #tpu.memory_space<hbm>> -> memref<160x64xi32, #tpu.memory_space<hbm>>
      %dma_start3A_406 = arith.constant 0 : i32
      %dma_start3A_407 = tpu.memref_slice %arg5[%add3A_124, %dma_start3A_406] : memref<5120x64xi32, #tpu.memory_space<hbm>> -> memref<160x64xi32, #tpu.memory_space<hbm>>
      tpu.enqueue_dma source(%dma_start3A_407 : memref<160x64xi32, #tpu.memory_space<hbm>>) target(%arg13 : memref<160x64xi32, #tpu.memory_space<vmem>>) target_semaphore(%run_scoped3A_403 : memref<!tpu.dma_semaphore, #tpu.memory_space<semaphore_mem>>)
      %dma_wait3A_408 = arith.constant 0 : i32
      %dma_wait3A_409 = tpu.memref_slice %arg5[%add3A_124, %dma_wait3A_408] : memref<5120x64xi32, #tpu.memory_space<hbm>> -> memref<160x64xi32, #tpu.memory_space<hbm>>
      %dma_wait3A_410 = arith.constant 0 : i32
      %dma_wait3A_411 = tpu.memref_slice %arg5[%add3A_124, %dma_wait3A_410] : memref<5120x64xi32, #tpu.memory_space<hbm>> -> memref<160x64xi32, #tpu.memory_space<hbm>>
      tpu.wait_dma2 semaphore(%run_scoped3A_403 : memref<!tpu.dma_semaphore, #tpu.memory_space<semaphore_mem>>) src(%dma_wait3A_411 : memref<160x64xi32, #tpu.memory_space<hbm>>) dst(%arg13 : memref<160x64xi32, #tpu.memory_space<vmem>>)
      tpu.yield
    }) : () -> ()
    "tpu.region"() ({
      %run_scoped3A_403 = tpu.sem_alloc : memref<!tpu.dma_semaphore, #tpu.memory_space<semaphore_mem>>
      %dma_start3A_404 = arith.constant 0 : i32
      %dma_start3A_405 = tpu.memref_slice %arg6[%add3A_124, %dma_start3A_404] : memref<5120x64xf32, #tpu.memory_space<hbm>> -> memref<160x64xf32, #tpu.memory_space<hbm>>
      %dma_start3A_406 = arith.constant 0 : i32
      %dma_start3A_407 = tpu.memref_slice %arg6[%add3A_124, %dma_start3A_406] : memref<5120x64xf32, #tpu.memory_space<hbm>> -> memref<160x64xf32, #tpu.memory_space<hbm>>
      tpu.enqueue_dma source(%dma_start3A_407 : memref<160x64xf32, #tpu.memory_space<hbm>>) target(%arg14 : memref<160x64xf32, #tpu.memory_space<vmem>>) target_semaphore(%run_scoped3A_403 : memref<!tpu.dma_semaphore, #tpu.memory_space<semaphore_mem>>)
      %dma_wait3A_408 = arith.constant 0 : i32
      %dma_wait3A_409 = tpu.memref_slice %arg6[%add3A_124, %dma_wait3A_408] : memref<5120x64xf32, #tpu.memory_space<hbm>> -> memref<160x64xf32, #tpu.memory_space<hbm>>
      %dma_wait3A_410 = arith.constant 0 : i32
      %dma_wait3A_411 = tpu.memref_slice %arg6[%add3A_124, %dma_wait3A_410] : memref<5120x64xf32, #tpu.memory_space<hbm>> -> memref<160x64xf32, #tpu.memory_space<hbm>>
      tpu.wait_dma2 semaphore(%run_scoped3A_403 : memref<!tpu.dma_semaphore, #tpu.memory_space<semaphore_mem>>) src(%dma_wait3A_411 : memref<160x64xf32, #tpu.memory_space<hbm>>) dst(%arg14 : memref<160x64xf32, #tpu.memory_space<vmem>>)
      tpu.yield
    }) : () -> ()
    %scan3A_125 = arith.constant 0 : i32
    %scan3A_126 = arith.constant 0 : i32
    %scan3A_127 = arith.constant 64 : i32
    %scan3A_128 = arith.addi %scan3A_126, %scan3A_127 : i32
    %scan3A_129 = arith.constant 1 : i32
    scf.for %scan3A_403 = %scan3A_126 to %scan3A_128 step %scan3A_129  : i32 {
      %swap3A = arith.index_cast %scan3A_403 : i32 to index
      %swap3A_404 = arith.constant 0 : index
      %swap3A_405 = tpu.vector_load %arg16[%swap3A, %swap3A_404] {strides = array<i32>} : memref<64x64xf32, #tpu.memory_space<vmem>>, vector<16xf32>,
      tpu.vector_store %arg16[%swap3A, %swap3A_404], %broadcast_in_dim3A_0 {strides = array<i32>} : memref<64x64xf32, #tpu.memory_space<vmem>>, vector<16xf32>,
      %swap3A_406 = arith.index_cast %scan3A_403 : i32 to index
      %swap3A_407 = arith.constant 16 : index
      %swap3A_408 = tpu.vector_load %arg16[%swap3A_406, %swap3A_407] {strides = array<i32>} : memref<64x64xf32, #tpu.memory_space<vmem>>, vector<16xf32>,
      tpu.vector_store %arg16[%swap3A_406, %swap3A_407], %broadcast_in_dim3A_0 {strides = array<i32>} : memref<64x64xf32, #tpu.memory_space<vmem>>, vector<16xf32>,
      %swap3A_409 = arith.index_cast %scan3A_403 : i32 to index
      %swap3A_410 = arith.constant 32 : index
      %swap3A_411 = tpu.vector_load %arg16[%swap3A_409, %swap3A_410] {strides = array<i32>} : memref<64x64xf32, #tpu.memory_space<vmem>>, vector<16xf32>,
      tpu.vector_store %arg16[%swap3A_409, %swap3A_410], %broadcast_in_dim3A_0 {strides = array<i32>} : memref<64x64xf32, #tpu.memory_space<vmem>>, vector<16xf32>,
      %swap3A_412 = arith.index_cast %scan3A_403 : i32 to index
      %swap3A_413 = arith.constant 48 : index
      %swap3A_414 = tpu.vector_load %arg16[%swap3A_412, %swap3A_413] {strides = array<i32>} : memref<64x64xf32, #tpu.memory_space<vmem>>, vector<16xf32>,
      tpu.vector_store %arg16[%swap3A_412, %swap3A_413], %broadcast_in_dim3A_0 {strides = array<i32>} : memref<64x64xf32, #tpu.memory_space<vmem>>, vector<16xf32>,
    }
    %scan3A_130 = arith.constant 64 : i32
    %mul3A_131 = arith.constant 632 : i32
    %mul3A_132 = arith.muli %arg1, %mul3A_131 : i32
    %add3A_133 = arith.constant 0 : i32
    %add3A_134 = arith.addi %mul3A_132, %add3A_133 : i32
    "tpu.region"() ({
      %run_scoped3A_403 = tpu.sem_alloc : memref<!tpu.dma_semaphore, #tpu.memory_space<semaphore_mem>>
      %dma_start3A_404 = arith.constant 0 : i32
      %dma_start3A_405 = tpu.memref_slice %arg24[%add3A_134, %dma_start3A_404] : memref<10112x64xf32, #tpu.memory_space<vmem_shared>> -> memref<64x64xf32, #tpu.memory_space<vmem_shared>>
      %dma_start3A_406 = arith.constant 0 : i32
      %dma_start3A_407 = tpu.memref_slice %arg24[%add3A_134, %dma_start3A_406] : memref<10112x64xf32, #tpu.memory_space<vmem_shared>> -> memref<64x64xf32, #tpu.memory_space<vmem_shared>>
      tpu.enqueue_dma source(%arg16 : memref<64x64xf32, #tpu.memory_space<vmem>>) target(%dma_start3A_407 : memref<64x64xf32, #tpu.memory_space<vmem_shared>>) target_semaphore(%run_scoped3A_403 : memref<!tpu.dma_semaphore, #tpu.memory_space<semaphore_mem>>)
      %dma_wait3A_408 = arith.constant 0 : i32
      %dma_wait3A_409 = tpu.memref_slice %arg24[%add3A_134, %dma_wait3A_408] : memref<10112x64xf32, #tpu.memory_space<vmem_shared>> -> memref<64x64xf32, #tpu.memory_space<vmem_shared>>
      %dma_wait3A_410 = arith.constant 0 : i32
      %dma_wait3A_411 = tpu.memref_slice %arg24[%add3A_134, %dma_wait3A_410] : memref<10112x64xf32, #tpu.memory_space<vmem_shared>> -> memref<64x64xf32, #tpu.memory_space<vmem_shared>>
      tpu.wait_dma2 semaphore(%run_scoped3A_403 : memref<!tpu.dma_semaphore, #tpu.memory_space<semaphore_mem>>) src(%arg16 : memref<64x64xf32, #tpu.memory_space<vmem>>) dst(%dma_wait3A_411 : memref<64x64xf32, #tpu.memory_space<vmem_shared>>)
      tpu.yield
    }) : () -> ()
    %mul3A_135 = arith.constant 632 : i32
    %mul3A_136 = arith.muli %arg1, %mul3A_135 : i32
    %add3A_137 = arith.constant 64 : i32
    %add3A_138 = arith.addi %mul3A_136, %add3A_137 : i32
    "tpu.region"() ({
      %run_scoped3A_403 = tpu.sem_alloc : memref<!tpu.dma_semaphore, #tpu.memory_space<semaphore_mem>>
      %dma_start3A_404 = arith.constant 0 : i32
      %dma_start3A_405 = tpu.memref_slice %arg24[%add3A_138, %dma_start3A_404] : memref<10112x64xf32, #tpu.memory_space<vmem_shared>> -> memref<64x64xf32, #tpu.memory_space<vmem_shared>>
      %dma_start3A_406 = arith.constant 0 : i32
      %dma_start3A_407 = tpu.memref_slice %arg24[%add3A_138, %dma_start3A_406] : memref<10112x64xf32, #tpu.memory_space<vmem_shared>> -> memref<64x64xf32, #tpu.memory_space<vmem_shared>>
      tpu.enqueue_dma source(%arg16 : memref<64x64xf32, #tpu.memory_space<vmem>>) target(%dma_start3A_407 : memref<64x64xf32, #tpu.memory_space<vmem_shared>>) target_semaphore(%run_scoped3A_403 : memref<!tpu.dma_semaphore, #tpu.memory_space<semaphore_mem>>)
      %dma_wait3A_408 = arith.constant 0 : i32
      %dma_wait3A_409 = tpu.memref_slice %arg24[%add3A_138, %dma_wait3A_408] : memref<10112x64xf32, #tpu.memory_space<vmem_shared>> -> memref<64x64xf32, #tpu.memory_space<vmem_shared>>
      %dma_wait3A_410 = arith.constant 0 : i32
      %dma_wait3A_411 = tpu.memref_slice %arg24[%add3A_138, %dma_wait3A_410] : memref<10112x64xf32, #tpu.memory_space<vmem_shared>> -> memref<64x64xf32, #tpu.memory_space<vmem_shared>>
      tpu.wait_dma2 semaphore(%run_scoped3A_403 : memref<!tpu.dma_semaphore, #tpu.memory_space<semaphore_mem>>) src(%arg16 : memref<64x64xf32, #tpu.memory_space<vmem>>) dst(%dma_wait3A_411 : memref<64x64xf32, #tpu.memory_space<vmem_shared>>)
      tpu.yield
    }) : () -> ()
    %mul3A_139 = arith.constant 632 : i32
    %mul3A_140 = arith.muli %arg1, %mul3A_139 : i32
    %add3A_141 = arith.constant 128 : i32
    %add3A_142 = arith.addi %mul3A_140, %add3A_141 : i32
    "tpu.region"() ({
      %run_scoped3A_403 = tpu.sem_alloc : memref<!tpu.dma_semaphore, #tpu.memory_space<semaphore_mem>>
      %dma_start3A_404 = arith.constant 0 : i32
      %dma_start3A_405 = tpu.memref_slice %arg24[%add3A_142, %dma_start3A_404] : memref<10112x64xf32, #tpu.memory_space<vmem_shared>> -> memref<64x64xf32, #tpu.memory_space<vmem_shared>>
      %dma_start3A_406 = arith.constant 0 : i32
      %dma_start3A_407 = tpu.memref_slice %arg24[%add3A_142, %dma_start3A_406] : memref<10112x64xf32, #tpu.memory_space<vmem_shared>> -> memref<64x64xf32, #tpu.memory_space<vmem_shared>>
      tpu.enqueue_dma source(%arg16 : memref<64x64xf32, #tpu.memory_space<vmem>>) target(%dma_start3A_407 : memref<64x64xf32, #tpu.memory_space<vmem_shared>>) target_semaphore(%run_scoped3A_403 : memref<!tpu.dma_semaphore, #tpu.memory_space<semaphore_mem>>)
      %dma_wait3A_408 = arith.constant 0 : i32
      %dma_wait3A_409 = tpu.memref_slice %arg24[%add3A_142, %dma_wait3A_408] : memref<10112x64xf32, #tpu.memory_space<vmem_shared>> -> memref<64x64xf32, #tpu.memory_space<vmem_shared>>
      %dma_wait3A_410 = arith.constant 0 : i32
      %dma_wait3A_411 = tpu.memref_slice %arg24[%add3A_142, %dma_wait3A_410] : memref<10112x64xf32, #tpu.memory_space<vmem_shared>> -> memref<64x64xf32, #tpu.memory_space<vmem_shared>>
      tpu.wait_dma2 semaphore(%run_scoped3A_403 : memref<!tpu.dma_semaphore, #tpu.memory_space<semaphore_mem>>) src(%arg16 : memref<64x64xf32, #tpu.memory_space<vmem>>) dst(%dma_wait3A_411 : memref<64x64xf32, #tpu.memory_space<vmem_shared>>)
      tpu.yield
    }) : () -> ()
    %mul3A_143 = arith.constant 632 : i32
    %mul3A_144 = arith.muli %arg1, %mul3A_143 : i32
    %add3A_145 = arith.constant 192 : i32
    %add3A_146 = arith.addi %mul3A_144, %add3A_145 : i32
    "tpu.region"() ({
      %run_scoped3A_403 = tpu.sem_alloc : memref<!tpu.dma_semaphore, #tpu.memory_space<semaphore_mem>>
      %dma_start3A_404 = arith.constant 0 : i32
      %dma_start3A_405 = tpu.memref_slice %arg24[%add3A_146, %dma_start3A_404] : memref<10112x64xf32, #tpu.memory_space<vmem_shared>> -> memref<64x64xf32, #tpu.memory_space<vmem_shared>>
      %dma_start3A_406 = arith.constant 0 : i32
      %dma_start3A_407 = tpu.memref_slice %arg24[%add3A_146, %dma_start3A_406] : memref<10112x64xf32, #tpu.memory_space<vmem_shared>> -> memref<64x64xf32, #tpu.memory_space<vmem_shared>>
      tpu.enqueue_dma source(%arg16 : memref<64x64xf32, #tpu.memory_space<vmem>>) target(%dma_start3A_407 : memref<64x64xf32, #tpu.memory_space<vmem_shared>>) target_semaphore(%run_scoped3A_403 : memref<!tpu.dma_semaphore, #tpu.memory_space<semaphore_mem>>)
      %dma_wait3A_408 = arith.constant 0 : i32
      %dma_wait3A_409 = tpu.memref_slice %arg24[%add3A_146, %dma_wait3A_408] : memref<10112x64xf32, #tpu.memory_space<vmem_shared>> -> memref<64x64xf32, #tpu.memory_space<vmem_shared>>
      %dma_wait3A_410 = arith.constant 0 : i32
      %dma_wait3A_411 = tpu.memref_slice %arg24[%add3A_146, %dma_wait3A_410] : memref<10112x64xf32, #tpu.memory_space<vmem_shared>> -> memref<64x64xf32, #tpu.memory_space<vmem_shared>>
      tpu.wait_dma2 semaphore(%run_scoped3A_403 : memref<!tpu.dma_semaphore, #tpu.memory_space<semaphore_mem>>) src(%arg16 : memref<64x64xf32, #tpu.memory_space<vmem>>) dst(%dma_wait3A_411 : memref<64x64xf32, #tpu.memory_space<vmem_shared>>)
      tpu.yield
    }) : () -> ()
    %mul3A_147 = arith.constant 632 : i32
    %mul3A_148 = arith.muli %arg1, %mul3A_147 : i32
    %add3A_149 = arith.constant 256 : i32
    %add3A_150 = arith.addi %mul3A_148, %add3A_149 : i32
    "tpu.region"() ({
      %run_scoped3A_403 = tpu.sem_alloc : memref<!tpu.dma_semaphore, #tpu.memory_space<semaphore_mem>>
      %dma_start3A_404 = arith.constant 0 : i32
      %dma_start3A_405 = tpu.memref_slice %arg24[%add3A_150, %dma_start3A_404] : memref<10112x64xf32, #tpu.memory_space<vmem_shared>> -> memref<64x64xf32, #tpu.memory_space<vmem_shared>>
      %dma_start3A_406 = arith.constant 0 : i32
      %dma_start3A_407 = tpu.memref_slice %arg24[%add3A_150, %dma_start3A_406] : memref<10112x64xf32, #tpu.memory_space<vmem_shared>> -> memref<64x64xf32, #tpu.memory_space<vmem_shared>>
      tpu.enqueue_dma source(%arg16 : memref<64x64xf32, #tpu.memory_space<vmem>>) target(%dma_start3A_407 : memref<64x64xf32, #tpu.memory_space<vmem_shared>>) target_semaphore(%run_scoped3A_403 : memref<!tpu.dma_semaphore, #tpu.memory_space<semaphore_mem>>)
      %dma_wait3A_408 = arith.constant 0 : i32
      %dma_wait3A_409 = tpu.memref_slice %arg24[%add3A_150, %dma_wait3A_408] : memref<10112x64xf32, #tpu.memory_space<vmem_shared>> -> memref<64x64xf32, #tpu.memory_space<vmem_shared>>
      %dma_wait3A_410 = arith.constant 0 : i32
      %dma_wait3A_411 = tpu.memref_slice %arg24[%add3A_150, %dma_wait3A_410] : memref<10112x64xf32, #tpu.memory_space<vmem_shared>> -> memref<64x64xf32, #tpu.memory_space<vmem_shared>>
      tpu.wait_dma2 semaphore(%run_scoped3A_403 : memref<!tpu.dma_semaphore, #tpu.memory_space<semaphore_mem>>) src(%arg16 : memref<64x64xf32, #tpu.memory_space<vmem>>) dst(%dma_wait3A_411 : memref<64x64xf32, #tpu.memory_space<vmem_shared>>)
      tpu.yield
    }) : () -> ()
    %mul3A_151 = arith.constant 632 : i32
    %mul3A_152 = arith.muli %arg1, %mul3A_151 : i32
    %add3A_153 = arith.constant 320 : i32
    %add3A_154 = arith.addi %mul3A_152, %add3A_153 : i32
    "tpu.region"() ({
      %run_scoped3A_403 = tpu.sem_alloc : memref<!tpu.dma_semaphore, #tpu.memory_space<semaphore_mem>>
      %dma_start3A_404 = arith.constant 0 : i32
      %dma_start3A_405 = tpu.memref_slice %arg24[%add3A_154, %dma_start3A_404] : memref<10112x64xf32, #tpu.memory_space<vmem_shared>> -> memref<64x64xf32, #tpu.memory_space<vmem_shared>>
      %dma_start3A_406 = arith.constant 0 : i32
      %dma_start3A_407 = tpu.memref_slice %arg24[%add3A_154, %dma_start3A_406] : memref<10112x64xf32, #tpu.memory_space<vmem_shared>> -> memref<64x64xf32, #tpu.memory_space<vmem_shared>>
      tpu.enqueue_dma source(%arg16 : memref<64x64xf32, #tpu.memory_space<vmem>>) target(%dma_start3A_407 : memref<64x64xf32, #tpu.memory_space<vmem_shared>>) target_semaphore(%run_scoped3A_403 : memref<!tpu.dma_semaphore, #tpu.memory_space<semaphore_mem>>)
      %dma_wait3A_408 = arith.constant 0 : i32
      %dma_wait3A_409 = tpu.memref_slice %arg24[%add3A_154, %dma_wait3A_408] : memref<10112x64xf32, #tpu.memory_space<vmem_shared>> -> memref<64x64xf32, #tpu.memory_space<vmem_shared>>
      %dma_wait3A_410 = arith.constant 0 : i32
      %dma_wait3A_411 = tpu.memref_slice %arg24[%add3A_154, %dma_wait3A_410] : memref<10112x64xf32, #tpu.memory_space<vmem_shared>> -> memref<64x64xf32, #tpu.memory_space<vmem_shared>>
      tpu.wait_dma2 semaphore(%run_scoped3A_403 : memref<!tpu.dma_semaphore, #tpu.memory_space<semaphore_mem>>) src(%arg16 : memref<64x64xf32, #tpu.memory_space<vmem>>) dst(%dma_wait3A_411 : memref<64x64xf32, #tpu.memory_space<vmem_shared>>)
      tpu.yield
    }) : () -> ()
    %mul3A_155 = arith.constant 632 : i32
    %mul3A_156 = arith.muli %arg1, %mul3A_155 : i32
    %add3A_157 = arith.constant 384 : i32
    %add3A_158 = arith.addi %mul3A_156, %add3A_157 : i32
    "tpu.region"() ({
      %run_scoped3A_403 = tpu.sem_alloc : memref<!tpu.dma_semaphore, #tpu.memory_space<semaphore_mem>>
      %dma_start3A_404 = arith.constant 0 : i32
      %dma_start3A_405 = tpu.memref_slice %arg24[%add3A_158, %dma_start3A_404] : memref<10112x64xf32, #tpu.memory_space<vmem_shared>> -> memref<64x64xf32, #tpu.memory_space<vmem_shared>>
      %dma_start3A_406 = arith.constant 0 : i32
      %dma_start3A_407 = tpu.memref_slice %arg24[%add3A_158, %dma_start3A_406] : memref<10112x64xf32, #tpu.memory_space<vmem_shared>> -> memref<64x64xf32, #tpu.memory_space<vmem_shared>>
      tpu.enqueue_dma source(%arg16 : memref<64x64xf32, #tpu.memory_space<vmem>>) target(%dma_start3A_407 : memref<64x64xf32, #tpu.memory_space<vmem_shared>>) target_semaphore(%run_scoped3A_403 : memref<!tpu.dma_semaphore, #tpu.memory_space<semaphore_mem>>)
      %dma_wait3A_408 = arith.constant 0 : i32
      %dma_wait3A_409 = tpu.memref_slice %arg24[%add3A_158, %dma_wait3A_408] : memref<10112x64xf32, #tpu.memory_space<vmem_shared>> -> memref<64x64xf32, #tpu.memory_space<vmem_shared>>
      %dma_wait3A_410 = arith.constant 0 : i32
      %dma_wait3A_411 = tpu.memref_slice %arg24[%add3A_158, %dma_wait3A_410] : memref<10112x64xf32, #tpu.memory_space<vmem_shared>> -> memref<64x64xf32, #tpu.memory_space<vmem_shared>>
      tpu.wait_dma2 semaphore(%run_scoped3A_403 : memref<!tpu.dma_semaphore, #tpu.memory_space<semaphore_mem>>) src(%arg16 : memref<64x64xf32, #tpu.memory_space<vmem>>) dst(%dma_wait3A_411 : memref<64x64xf32, #tpu.memory_space<vmem_shared>>)
      tpu.yield
    }) : () -> ()
    %mul3A_159 = arith.constant 632 : i32
    %mul3A_160 = arith.muli %arg1, %mul3A_159 : i32
    %add3A_161 = arith.constant 448 : i32
    %add3A_162 = arith.addi %mul3A_160, %add3A_161 : i32
    "tpu.region"() ({
      %run_scoped3A_403 = tpu.sem_alloc : memref<!tpu.dma_semaphore, #tpu.memory_space<semaphore_mem>>
      %dma_start3A_404 = arith.constant 0 : i32
      %dma_start3A_405 = tpu.memref_slice %arg24[%add3A_162, %dma_start3A_404] : memref<10112x64xf32, #tpu.memory_space<vmem_shared>> -> memref<64x64xf32, #tpu.memory_space<vmem_shared>>
      %dma_start3A_406 = arith.constant 0 : i32
      %dma_start3A_407 = tpu.memref_slice %arg24[%add3A_162, %dma_start3A_406] : memref<10112x64xf32, #tpu.memory_space<vmem_shared>> -> memref<64x64xf32, #tpu.memory_space<vmem_shared>>
      tpu.enqueue_dma source(%arg16 : memref<64x64xf32, #tpu.memory_space<vmem>>) target(%dma_start3A_407 : memref<64x64xf32, #tpu.memory_space<vmem_shared>>) target_semaphore(%run_scoped3A_403 : memref<!tpu.dma_semaphore, #tpu.memory_space<semaphore_mem>>)
      %dma_wait3A_408 = arith.constant 0 : i32
      %dma_wait3A_409 = tpu.memref_slice %arg24[%add3A_162, %dma_wait3A_408] : memref<10112x64xf32, #tpu.memory_space<vmem_shared>> -> memref<64x64xf32, #tpu.memory_space<vmem_shared>>
      %dma_wait3A_410 = arith.constant 0 : i32
      %dma_wait3A_411 = tpu.memref_slice %arg24[%add3A_162, %dma_wait3A_410] : memref<10112x64xf32, #tpu.memory_space<vmem_shared>> -> memref<64x64xf32, #tpu.memory_space<vmem_shared>>
      tpu.wait_dma2 semaphore(%run_scoped3A_403 : memref<!tpu.dma_semaphore, #tpu.memory_space<semaphore_mem>>) src(%arg16 : memref<64x64xf32, #tpu.memory_space<vmem>>) dst(%dma_wait3A_411 : memref<64x64xf32, #tpu.memory_space<vmem_shared>>)
      tpu.yield
    }) : () -> ()
    %mul3A_163 = arith.constant 632 : i32
    %mul3A_164 = arith.muli %arg1, %mul3A_163 : i32
    %add3A_165 = arith.constant 512 : i32
    %add3A_166 = arith.addi %mul3A_164, %add3A_165 : i32
    "tpu.region"() ({
      %run_scoped3A_403 = tpu.sem_alloc : memref<!tpu.dma_semaphore, #tpu.memory_space<semaphore_mem>>
      %dma_start3A_404 = arith.constant 0 : i32
      %dma_start3A_405 = tpu.memref_slice %arg24[%add3A_166, %dma_start3A_404] : memref<10112x64xf32, #tpu.memory_space<vmem_shared>> -> memref<64x64xf32, #tpu.memory_space<vmem_shared>>
      %dma_start3A_406 = arith.constant 0 : i32
      %dma_start3A_407 = tpu.memref_slice %arg24[%add3A_166, %dma_start3A_406] : memref<10112x64xf32, #tpu.memory_space<vmem_shared>> -> memref<64x64xf32, #tpu.memory_space<vmem_shared>>
      tpu.enqueue_dma source(%arg16 : memref<64x64xf32, #tpu.memory_space<vmem>>) target(%dma_start3A_407 : memref<64x64xf32, #tpu.memory_space<vmem_shared>>) target_semaphore(%run_scoped3A_403 : memref<!tpu.dma_semaphore, #tpu.memory_space<semaphore_mem>>)
      %dma_wait3A_408 = arith.constant 0 : i32
      %dma_wait3A_409 = tpu.memref_slice %arg24[%add3A_166, %dma_wait3A_408] : memref<10112x64xf32, #tpu.memory_space<vmem_shared>> -> memref<64x64xf32, #tpu.memory_space<vmem_shared>>
      %dma_wait3A_410 = arith.constant 0 : i32
      %dma_wait3A_411 = tpu.memref_slice %arg24[%add3A_166, %dma_wait3A_410] : memref<10112x64xf32, #tpu.memory_space<vmem_shared>> -> memref<64x64xf32, #tpu.memory_space<vmem_shared>>
      tpu.wait_dma2 semaphore(%run_scoped3A_403 : memref<!tpu.dma_semaphore, #tpu.memory_space<semaphore_mem>>) src(%arg16 : memref<64x64xf32, #tpu.memory_space<vmem>>) dst(%dma_wait3A_411 : memref<64x64xf32, #tpu.memory_space<vmem_shared>>)
      tpu.yield
    }) : () -> ()
    %mul3A_167 = arith.constant 632 : i32
    %mul3A_168 = arith.muli %arg1, %mul3A_167 : i32
    %add3A_169 = arith.constant 576 : i32
    %add3A_170 = arith.addi %mul3A_168, %add3A_169 : i32
    "tpu.region"() ({
      %run_scoped3A_403 = tpu.sem_alloc : memref<!tpu.dma_semaphore, #tpu.memory_space<semaphore_mem>>
      %dma_start3A_404 = arith.constant 0 : i32
      %dma_start3A_405 = arith.constant 0 : i32
      %dma_start3A_406 = tpu.memref_slice %arg16[%dma_start3A_404, %dma_start3A_405] : memref<64x64xf32, #tpu.memory_space<vmem>> -> memref<56x64xf32, #tpu.memory_space<vmem>>
      %dma_start3A_407 = arith.constant 0 : i32
      %dma_start3A_408 = tpu.memref_slice %arg24[%add3A_170, %dma_start3A_407] : memref<10112x64xf32, #tpu.memory_space<vmem_shared>> -> memref<56x64xf32, #tpu.memory_space<vmem_shared>>
      %dma_start3A_409 = arith.constant 0 : i32
      %dma_start3A_410 = tpu.memref_slice %arg24[%add3A_170, %dma_start3A_409] : memref<10112x64xf32, #tpu.memory_space<vmem_shared>> -> memref<56x64xf32, #tpu.memory_space<vmem_shared>>
      %dma_start3A_411 = arith.constant 0 : i32
      %dma_start3A_412 = arith.constant 0 : i32
      %dma_start3A_413 = tpu.memref_slice %arg16[%dma_start3A_411, %dma_start3A_412] : memref<64x64xf32, #tpu.memory_space<vmem>> -> memref<56x64xf32, #tpu.memory_space<vmem>>
      tpu.enqueue_dma source(%dma_start3A_413 : memref<56x64xf32, #tpu.memory_space<vmem>>) target(%dma_start3A_410 : memref<56x64xf32, #tpu.memory_space<vmem_shared>>) target_semaphore(%run_scoped3A_403 : memref<!tpu.dma_semaphore, #tpu.memory_space<semaphore_mem>>)
      %dma_wait3A_414 = arith.constant 0 : i32
      %dma_wait3A_415 = arith.constant 0 : i32
      %dma_wait3A_416 = tpu.memref_slice %arg16[%dma_wait3A_414, %dma_wait3A_415] : memref<64x64xf32, #tpu.memory_space<vmem>> -> memref<56x64xf32, #tpu.memory_space<vmem>>
      %dma_wait3A_417 = arith.constant 0 : i32
      %dma_wait3A_418 = tpu.memref_slice %arg24[%add3A_170, %dma_wait3A_417] : memref<10112x64xf32, #tpu.memory_space<vmem_shared>> -> memref<56x64xf32, #tpu.memory_space<vmem_shared>>
      %dma_wait3A_419 = arith.constant 0 : i32
      %dma_wait3A_420 = tpu.memref_slice %arg24[%add3A_170, %dma_wait3A_419] : memref<10112x64xf32, #tpu.memory_space<vmem_shared>> -> memref<56x64xf32, #tpu.memory_space<vmem_shared>>
      %dma_wait3A_421 = arith.constant 0 : i32
      %dma_wait3A_422 = arith.constant 0 : i32
      %dma_wait3A_423 = tpu.memref_slice %arg16[%dma_wait3A_421, %dma_wait3A_422] : memref<64x64xf32, #tpu.memory_space<vmem>> -> memref<56x64xf32, #tpu.memory_space<vmem>>
      tpu.wait_dma2 semaphore(%run_scoped3A_403 : memref<!tpu.dma_semaphore, #tpu.memory_space<semaphore_mem>>) src(%dma_wait3A_423 : memref<56x64xf32, #tpu.memory_space<vmem>>) dst(%dma_wait3A_420 : memref<56x64xf32, #tpu.memory_space<vmem_shared>>)
      tpu.yield
    }) : () -> ()
    %barrier3A_171 = arith.constant 0 : index
    tpu.barrier barrier_id(%barrier3A_171)
    %dma_start3A = arith.constant 0 : i32
    %dma_start3A_172 = arith.constant 0 : i32
    %dma_start3A_173 = arith.constant 0 : i32
    %dma_start3A_174 = tpu.memref_slice %arg13[%dma_start3A, %dma_start3A_173] : memref<160x64xi32, #tpu.memory_space<vmem>> -> memref<1x64xi32, #tpu.memory_space<vmem>>
    %dma_start3A_175 = tpu.memref_squeeze %dma_start3A_174 : memref<1x64xi32, #tpu.memory_space<vmem>> -> memref<64xi32, #tpu.memory_space<vmem>>
    %dma_start3A_176 = arith.constant 0 : i32
    %dma_start3A_177 = arith.constant 0 : i32
    %dma_start3A_178 = tpu.memref_slice %arg2[%dma_start3A_176, %dma_start3A_177] : memref<10240x64xf32, #tpu.memory_space<hbm>> -> memref<10240x64xf32, #tpu.memory_space<hbm>>
    %dma_start3A_179 = tpu.memref_slice %arg25[%dma_start3A_172] : memref<4x!tpu.dma_semaphore, #tpu.memory_space<semaphore_mem>> -> memref<1x!tpu.dma_semaphore, #tpu.memory_space<semaphore_mem>>
    %dma_start3A_180 = tpu.memref_squeeze %dma_start3A_179 : memref<1x!tpu.dma_semaphore, #tpu.memory_space<semaphore_mem>> -> memref<!tpu.dma_semaphore, #tpu.memory_space<semaphore_mem>>
    tpu.enqueue_indirect_dma source(%dma_start3A_178 : memref<10240x64xf32, #tpu.memory_space<hbm>>) target(%arg16 : memref<64x64xf32, #tpu.memory_space<vmem>>) offsets(%dma_start3A_175 : memref<64xi32, #tpu.memory_space<vmem>>) semaphore(%dma_start3A_180 : memref<!tpu.dma_semaphore, #tpu.memory_space<semaphore_mem>>)
    %dma_start3A_181 = arith.constant 1 : i32
    %dma_start3A_182 = arith.constant 1 : i32
    %dma_start3A_183 = arith.constant 0 : i32
    %dma_start3A_184 = tpu.memref_slice %arg13[%dma_start3A_181, %dma_start3A_183] : memref<160x64xi32, #tpu.memory_space<vmem>> -> memref<1x64xi32, #tpu.memory_space<vmem>>
    %dma_start3A_185 = tpu.memref_squeeze %dma_start3A_184 : memref<1x64xi32, #tpu.memory_space<vmem>> -> memref<64xi32, #tpu.memory_space<vmem>>
    %dma_start3A_186 = arith.constant 0 : i32
    %dma_start3A_187 = arith.constant 0 : i32
    %dma_start3A_188 = tpu.memref_slice %arg2[%dma_start3A_186, %dma_start3A_187] : memref<10240x64xf32, #tpu.memory_space<hbm>> -> memref<10240x64xf32, #tpu.memory_space<hbm>>
    %dma_start3A_189 = tpu.memref_slice %arg25[%dma_start3A_182] : memref<4x!tpu.dma_semaphore, #tpu.memory_space<semaphore_mem>> -> memref<1x!tpu.dma_semaphore, #tpu.memory_space<semaphore_mem>>
    %dma_start3A_190 = tpu.memref_squeeze %dma_start3A_189 : memref<1x!tpu.dma_semaphore, #tpu.memory_space<semaphore_mem>> -> memref<!tpu.dma_semaphore, #tpu.memory_space<semaphore_mem>>
    tpu.enqueue_indirect_dma source(%dma_start3A_188 : memref<10240x64xf32, #tpu.memory_space<hbm>>) target(%arg17 : memref<64x64xf32, #tpu.memory_space<vmem>>) offsets(%dma_start3A_185 : memref<64xi32, #tpu.memory_space<vmem>>) semaphore(%dma_start3A_190 : memref<!tpu.dma_semaphore, #tpu.memory_space<semaphore_mem>>)
    %dma_start3A_191 = arith.constant 2 : i32
    %dma_start3A_192 = arith.constant 2 : i32
    %dma_start3A_193 = arith.constant 0 : i32
    %dma_start3A_194 = tpu.memref_slice %arg13[%dma_start3A_191, %dma_start3A_193] : memref<160x64xi32, #tpu.memory_space<vmem>> -> memref<1x64xi32, #tpu.memory_space<vmem>>
    %dma_start3A_195 = tpu.memref_squeeze %dma_start3A_194 : memref<1x64xi32, #tpu.memory_space<vmem>> -> memref<64xi32, #tpu.memory_space<vmem>>
    %dma_start3A_196 = arith.constant 0 : i32
    %dma_start3A_197 = arith.constant 0 : i32
    %dma_start3A_198 = tpu.memref_slice %arg2[%dma_start3A_196, %dma_start3A_197] : memref<10240x64xf32, #tpu.memory_space<hbm>> -> memref<10240x64xf32, #tpu.memory_space<hbm>>
    %dma_start3A_199 = tpu.memref_slice %arg25[%dma_start3A_192] : memref<4x!tpu.dma_semaphore, #tpu.memory_space<semaphore_mem>> -> memref<1x!tpu.dma_semaphore, #tpu.memory_space<semaphore_mem>>
    %dma_start3A_200 = tpu.memref_squeeze %dma_start3A_199 : memref<1x!tpu.dma_semaphore, #tpu.memory_space<semaphore_mem>> -> memref<!tpu.dma_semaphore, #tpu.memory_space<semaphore_mem>>
    tpu.enqueue_indirect_dma source(%dma_start3A_198 : memref<10240x64xf32, #tpu.memory_space<hbm>>) target(%arg18 : memref<64x64xf32, #tpu.memory_space<vmem>>) offsets(%dma_start3A_195 : memref<64xi32, #tpu.memory_space<vmem>>) semaphore(%dma_start3A_200 : memref<!tpu.dma_semaphore, #tpu.memory_space<semaphore_mem>>)
    %dma_start3A_201 = arith.constant 3 : i32
    %dma_start3A_202 = arith.constant 3 : i32
    %dma_start3A_203 = arith.constant 0 : i32
    %dma_start3A_204 = tpu.memref_slice %arg13[%dma_start3A_201, %dma_start3A_203] : memref<160x64xi32, #tpu.memory_space<vmem>> -> memref<1x64xi32, #tpu.memory_space<vmem>>
    %dma_start3A_205 = tpu.memref_squeeze %dma_start3A_204 : memref<1x64xi32, #tpu.memory_space<vmem>> -> memref<64xi32, #tpu.memory_space<vmem>>
    %dma_start3A_206 = arith.constant 0 : i32
    %dma_start3A_207 = arith.constant 0 : i32
    %dma_start3A_208 = tpu.memref_slice %arg2[%dma_start3A_206, %dma_start3A_207] : memref<10240x64xf32, #tpu.memory_space<hbm>> -> memref<10240x64xf32, #tpu.memory_space<hbm>>
    %dma_start3A_209 = tpu.memref_slice %arg25[%dma_start3A_202] : memref<4x!tpu.dma_semaphore, #tpu.memory_space<semaphore_mem>> -> memref<1x!tpu.dma_semaphore, #tpu.memory_space<semaphore_mem>>
    %dma_start3A_210 = tpu.memref_squeeze %dma_start3A_209 : memref<1x!tpu.dma_semaphore, #tpu.memory_space<semaphore_mem>> -> memref<!tpu.dma_semaphore, #tpu.memory_space<semaphore_mem>>
    tpu.enqueue_indirect_dma source(%dma_start3A_208 : memref<10240x64xf32, #tpu.memory_space<hbm>>) target(%arg19 : memref<64x64xf32, #tpu.memory_space<vmem>>) offsets(%dma_start3A_205 : memref<64xi32, #tpu.memory_space<vmem>>) semaphore(%dma_start3A_210 : memref<!tpu.dma_semaphore, #tpu.memory_space<semaphore_mem>>)
    %scan3A_211 = arith.constant 0 : i32
    %scan3A_212 = arith.constant 0 : i32
    %scan3A_213 = arith.constant 40 : i32
    %scan3A_214 = arith.addi %scan3A_212, %scan3A_213 : i32
    %scan3A_215 = arith.constant 1 : i32
    scf.for %scan3A_403 = %scan3A_212 to %scan3A_214 step %scan3A_215  : i32 {
      %mul3A_404 = arith.constant 4 : i32
      %mul3A_405 = arith.muli %scan3A_403, %mul3A_404 : i32
      %add3A_406 = arith.constant 0 : i32
      %add3A_407 = arith.addi %mul3A_405, %add3A_406 : i32
      %get3A = arith.index_cast %add3A_407 : i32 to index
      %get3A_408 = arith.constant 0 : index
      %get3A_409 = tpu.vector_load %arg12[%get3A, %get3A_408] {strides = array<i32>} : memref<160x64xi32, #tpu.memory_space<vmem>>, vector<16xi32>,
      %get3A_410 = arith.index_cast %add3A_407 : i32 to index
      %get3A_411 = arith.constant 0 : index
      %get3A_412 = tpu.vector_load %arg13[%get3A_410, %get3A_411] {strides = array<i32>} : memref<160x64xi32, #tpu.memory_space<vmem>>, vector<16xi32>,
      %gather3A = tpu.vector_load_idx %arg10[%get3A_409] : memref<10112xf32, #tpu.memory_space<vmem>>[vector<16xi32>], vector<16xf32>,
      %gather3A_413 = tpu.vector_load_idx %arg11[%get3A_412] : memref<10112xf32, #tpu.memory_space<vmem>>[vector<16xi32>], vector<16xf32>,
      %add3A_414 = arith.addf %gather3A, %gather3A_413 : vector<16xf32>
      %get3A_415 = arith.index_cast %add3A_407 : i32 to index
      %get3A_416 = arith.constant 0 : index
      %get3A_417 = tpu.vector_load %arg14[%get3A_415, %get3A_416] {strides = array<i32>} : memref<160x64xf32, #tpu.memory_space<vmem>>, vector<16xf32>,
      %add3A_418 = arith.addf %add3A_414, %get3A_417 : vector<16xf32>
      %ge3A = arith.constant 0.000000e+00 : f32
      %ge3A_419 = vector.broadcast %ge3A : f32 to vector<16xf32>
      %ge3A_420 = arith.cmpf oge, %add3A_418, %ge3A_419 : vector<16xf32>
      %mul3A_421 = arith.constant 0.00999999977 : f32
      %mul3A_422 = vector.broadcast %mul3A_421 : f32 to vector<16xf32>
      %mul3A_423 = arith.mulf %add3A_418, %mul3A_422 : vector<16xf32>
      %select_n3A = arith.select %ge3A_420, %add3A_418, %mul3A_423 : vector<16xi1>, vector<16xf32>
      %exp3A = math.exp %select_n3A : vector<16xf32>
      %shift_right_logical3A = arith.constant 6 : i32
      %shift_right_logical3A_424 = vector.broadcast %shift_right_logical3A : i32 to vector<16xi32>
      %shift_right_logical3A_425 = arith.shrui %get3A_409, %shift_right_logical3A_424 : vector<16xi32>
      %and3A = arith.constant 63 : i32
      %and3A_426 = vector.broadcast %and3A : i32 to vector<16xi32>
      %and3A_427 = arith.andi %get3A_409, %and3A_426 : vector<16xi32>
      %gather3A_428 = tpu.vector_load_idx %arg15[%shift_right_logical3A_425, %and3A_427] : memref<160x64xf32, #tpu.memory_space<vmem>>[vector<16xi32>, vector<16xi32>], vector<16xf32>,
      %add3A_429 = arith.constant 1.000000e-16 : f32
      %add3A_430 = vector.broadcast %add3A_429 : f32 to vector<16xf32>
      %add3A_431 = arith.addf %gather3A_428, %add3A_430 : vector<16xf32>
      %div3A = arith.divf %exp3A, %add3A_431 : vector<16xf32>
      %swap3A = arith.constant 0 : index
      %swap3A_432 = tpu.vector_load %arg20[%swap3A] {strides = array<i32>} : memref<80xf32, #tpu.memory_space<vmem>>, vector<16xf32>,
      tpu.vector_store %arg20[%swap3A], %div3A {strides = array<i32>} : memref<80xf32, #tpu.memory_space<vmem>>, vector<16xf32>,
      %get3A_433 = arith.index_cast %add3A_407 : i32 to index
      %get3A_434 = arith.constant 16 : index
      %get3A_435 = tpu.vector_load %arg12[%get3A_433, %get3A_434] {strides = array<i32>} : memref<160x64xi32, #tpu.memory_space<vmem>>, vector<16xi32>,
      %get3A_436 = arith.index_cast %add3A_407 : i32 to index
      %get3A_437 = arith.constant 16 : index
      %get3A_438 = tpu.vector_load %arg13[%get3A_436, %get3A_437] {strides = array<i32>} : memref<160x64xi32, #tpu.memory_space<vmem>>, vector<16xi32>,
      %gather3A_439 = tpu.vector_load_idx %arg10[%get3A_435] : memref<10112xf32, #tpu.memory_space<vmem>>[vector<16xi32>], vector<16xf32>,
      %gather3A_440 = tpu.vector_load_idx %arg11[%get3A_438] : memref<10112xf32, #tpu.memory_space<vmem>>[vector<16xi32>], vector<16xf32>,
      %add3A_441 = arith.addf %gather3A_439, %gather3A_440 : vector<16xf32>
      %get3A_442 = arith.index_cast %add3A_407 : i32 to index
      %get3A_443 = arith.constant 16 : index
      %get3A_444 = tpu.vector_load %arg14[%get3A_442, %get3A_443] {strides = array<i32>} : memref<160x64xf32, #tpu.memory_space<vmem>>, vector<16xf32>,
      %add3A_445 = arith.addf %add3A_441, %get3A_444 : vector<16xf32>
      %ge3A_446 = arith.constant 0.000000e+00 : f32
      %ge3A_447 = vector.broadcast %ge3A_446 : f32 to vector<16xf32>
      %ge3A_448 = arith.cmpf oge, %add3A_445, %ge3A_447 : vector<16xf32>
      %mul3A_449 = arith.constant 0.00999999977 : f32
      %mul3A_450 = vector.broadcast %mul3A_449 : f32 to vector<16xf32>
      %mul3A_451 = arith.mulf %add3A_445, %mul3A_450 : vector<16xf32>
      %select_n3A_452 = arith.select %ge3A_448, %add3A_445, %mul3A_451 : vector<16xi1>, vector<16xf32>
      %exp3A_453 = math.exp %select_n3A_452 : vector<16xf32>
      %shift_right_logical3A_454 = arith.constant 6 : i32
      %shift_right_logical3A_455 = vector.broadcast %shift_right_logical3A_454 : i32 to vector<16xi32>
      %shift_right_logical3A_456 = arith.shrui %get3A_435, %shift_right_logical3A_455 : vector<16xi32>
      %and3A_457 = arith.constant 63 : i32
      %and3A_458 = vector.broadcast %and3A_457 : i32 to vector<16xi32>
      %and3A_459 = arith.andi %get3A_435, %and3A_458 : vector<16xi32>
      %gather3A_460 = tpu.vector_load_idx %arg15[%shift_right_logical3A_456, %and3A_459] : memref<160x64xf32, #tpu.memory_space<vmem>>[vector<16xi32>, vector<16xi32>], vector<16xf32>,
      %add3A_461 = arith.constant 1.000000e-16 : f32
      %add3A_462 = vector.broadcast %add3A_461 : f32 to vector<16xf32>
      %add3A_463 = arith.addf %gather3A_460, %add3A_462 : vector<16xf32>
      %div3A_464 = arith.divf %exp3A_453, %add3A_463 : vector<16xf32>
      %swap3A_465 = arith.constant 16 : index
      %swap3A_466 = tpu.vector_load %arg20[%swap3A_465] {strides = array<i32>} : memref<80xf32, #tpu.memory_space<vmem>>, vector<16xf32>,
      tpu.vector_store %arg20[%swap3A_465], %div3A_464 {strides = array<i32>} : memref<80xf32, #tpu.memory_space<vmem>>, vector<16xf32>,
      %get3A_467 = arith.index_cast %add3A_407 : i32 to index
      %get3A_468 = arith.constant 32 : index
      %get3A_469 = tpu.vector_load %arg12[%get3A_467, %get3A_468] {strides = array<i32>} : memref<160x64xi32, #tpu.memory_space<vmem>>, vector<16xi32>,
      %get3A_470 = arith.index_cast %add3A_407 : i32 to index
      %get3A_471 = arith.constant 32 : index
      %get3A_472 = tpu.vector_load %arg13[%get3A_470, %get3A_471] {strides = array<i32>} : memref<160x64xi32, #tpu.memory_space<vmem>>, vector<16xi32>,
      %gather3A_473 = tpu.vector_load_idx %arg10[%get3A_469] : memref<10112xf32, #tpu.memory_space<vmem>>[vector<16xi32>], vector<16xf32>,
      %gather3A_474 = tpu.vector_load_idx %arg11[%get3A_472] : memref<10112xf32, #tpu.memory_space<vmem>>[vector<16xi32>], vector<16xf32>,
      %add3A_475 = arith.addf %gather3A_473, %gather3A_474 : vector<16xf32>
      %get3A_476 = arith.index_cast %add3A_407 : i32 to index
      %get3A_477 = arith.constant 32 : index
      %get3A_478 = tpu.vector_load %arg14[%get3A_476, %get3A_477] {strides = array<i32>} : memref<160x64xf32, #tpu.memory_space<vmem>>, vector<16xf32>,
      %add3A_479 = arith.addf %add3A_475, %get3A_478 : vector<16xf32>
      %ge3A_480 = arith.constant 0.000000e+00 : f32
      %ge3A_481 = vector.broadcast %ge3A_480 : f32 to vector<16xf32>
      %ge3A_482 = arith.cmpf oge, %add3A_479, %ge3A_481 : vector<16xf32>
      %mul3A_483 = arith.constant 0.00999999977 : f32
      %mul3A_484 = vector.broadcast %mul3A_483 : f32 to vector<16xf32>
      %mul3A_485 = arith.mulf %add3A_479, %mul3A_484 : vector<16xf32>
      %select_n3A_486 = arith.select %ge3A_482, %add3A_479, %mul3A_485 : vector<16xi1>, vector<16xf32>
      %exp3A_487 = math.exp %select_n3A_486 : vector<16xf32>
      %shift_right_logical3A_488 = arith.constant 6 : i32
      %shift_right_logical3A_489 = vector.broadcast %shift_right_logical3A_488 : i32 to vector<16xi32>
      %shift_right_logical3A_490 = arith.shrui %get3A_469, %shift_right_logical3A_489 : vector<16xi32>
      %and3A_491 = arith.constant 63 : i32
      %and3A_492 = vector.broadcast %and3A_491 : i32 to vector<16xi32>
      %and3A_493 = arith.andi %get3A_469, %and3A_492 : vector<16xi32>
      %gather3A_494 = tpu.vector_load_idx %arg15[%shift_right_logical3A_490, %and3A_493] : memref<160x64xf32, #tpu.memory_space<vmem>>[vector<16xi32>, vector<16xi32>], vector<16xf32>,
      %add3A_495 = arith.constant 1.000000e-16 : f32
      %add3A_496 = vector.broadcast %add3A_495 : f32 to vector<16xf32>
      %add3A_497 = arith.addf %gather3A_494, %add3A_496 : vector<16xf32>
      %div3A_498 = arith.divf %exp3A_487, %add3A_497 : vector<16xf32>
      %swap3A_499 = arith.constant 32 : index
      %swap3A_500 = tpu.vector_load %arg20[%swap3A_499] {strides = array<i32>} : memref<80xf32, #tpu.memory_space<vmem>>, vector<16xf32>,
      tpu.vector_store %arg20[%swap3A_499], %div3A_498 {strides = array<i32>} : memref<80xf32, #tpu.memory_space<vmem>>, vector<16xf32>,
      %get3A_501 = arith.index_cast %add3A_407 : i32 to index
      %get3A_502 = arith.constant 48 : index
      %get3A_503 = tpu.vector_load %arg12[%get3A_501, %get3A_502] {strides = array<i32>} : memref<160x64xi32, #tpu.memory_space<vmem>>, vector<16xi32>,
      %get3A_504 = arith.index_cast %add3A_407 : i32 to index
      %get3A_505 = arith.constant 48 : index
      %get3A_506 = tpu.vector_load %arg13[%get3A_504, %get3A_505] {strides = array<i32>} : memref<160x64xi32, #tpu.memory_space<vmem>>, vector<16xi32>,
      %gather3A_507 = tpu.vector_load_idx %arg10[%get3A_503] : memref<10112xf32, #tpu.memory_space<vmem>>[vector<16xi32>], vector<16xf32>,
      %gather3A_508 = tpu.vector_load_idx %arg11[%get3A_506] : memref<10112xf32, #tpu.memory_space<vmem>>[vector<16xi32>], vector<16xf32>,
      %add3A_509 = arith.addf %gather3A_507, %gather3A_508 : vector<16xf32>
      %get3A_510 = arith.index_cast %add3A_407 : i32 to index
      %get3A_511 = arith.constant 48 : index
      %get3A_512 = tpu.vector_load %arg14[%get3A_510, %get3A_511] {strides = array<i32>} : memref<160x64xf32, #tpu.memory_space<vmem>>, vector<16xf32>,
      %add3A_513 = arith.addf %add3A_509, %get3A_512 : vector<16xf32>
      %ge3A_514 = arith.constant 0.000000e+00 : f32
      %ge3A_515 = vector.broadcast %ge3A_514 : f32 to vector<16xf32>
      %ge3A_516 = arith.cmpf oge, %add3A_513, %ge3A_515 : vector<16xf32>
      %mul3A_517 = arith.constant 0.00999999977 : f32
      %mul3A_518 = vector.broadcast %mul3A_517 : f32 to vector<16xf32>
      %mul3A_519 = arith.mulf %add3A_513, %mul3A_518 : vector<16xf32>
      %select_n3A_520 = arith.select %ge3A_516, %add3A_513, %mul3A_519 : vector<16xi1>, vector<16xf32>
      %exp3A_521 = math.exp %select_n3A_520 : vector<16xf32>
      %shift_right_logical3A_522 = arith.constant 6 : i32
      %shift_right_logical3A_523 = vector.broadcast %shift_right_logical3A_522 : i32 to vector<16xi32>
      %shift_right_logical3A_524 = arith.shrui %get3A_503, %shift_right_logical3A_523 : vector<16xi32>
      %and3A_525 = arith.constant 63 : i32
      %and3A_526 = vector.broadcast %and3A_525 : i32 to vector<16xi32>
      %and3A_527 = arith.andi %get3A_503, %and3A_526 : vector<16xi32>
      %gather3A_528 = tpu.vector_load_idx %arg15[%shift_right_logical3A_524, %and3A_527] : memref<160x64xf32, #tpu.memory_space<vmem>>[vector<16xi32>, vector<16xi32>], vector<16xf32>,
      %add3A_529 = arith.constant 1.000000e-16 : f32
      %add3A_530 = vector.broadcast %add3A_529 : f32 to vector<16xf32>
      %add3A_531 = arith.addf %gather3A_528, %add3A_530 : vector<16xf32>
      %div3A_532 = arith.divf %exp3A_521, %add3A_531 : vector<16xf32>
      %swap3A_533 = arith.constant 48 : index
      %swap3A_534 = tpu.vector_load %arg20[%swap3A_533] {strides = array<i32>} : memref<80xf32, #tpu.memory_space<vmem>>, vector<16xf32>,
      tpu.vector_store %arg20[%swap3A_533], %div3A_532 {strides = array<i32>} : memref<80xf32, #tpu.memory_space<vmem>>, vector<16xf32>,
      %dma_wait3A_535 = arith.constant 0 : i32
      %dma_wait3A_536 = arith.constant 0 : i32
      %dma_wait3A_537 = tpu.memref_slice %arg13[%add3A_407, %dma_wait3A_536] : memref<160x64xi32, #tpu.memory_space<vmem>> -> memref<1x64xi32, #tpu.memory_space<vmem>>
      %dma_wait3A_538 = tpu.memref_squeeze %dma_wait3A_537 : memref<1x64xi32, #tpu.memory_space<vmem>> -> memref<64xi32, #tpu.memory_space<vmem>>
      %dma_wait3A_539 = arith.constant 0 : i32
      %dma_wait3A_540 = arith.constant 0 : i32
      %dma_wait3A_541 = tpu.memref_slice %arg2[%dma_wait3A_539, %dma_wait3A_540] : memref<10240x64xf32, #tpu.memory_space<hbm>> -> memref<10240x64xf32, #tpu.memory_space<hbm>>
      %dma_wait3A_542 = tpu.memref_slice %arg25[%dma_wait3A_535] : memref<4x!tpu.dma_semaphore, #tpu.memory_space<semaphore_mem>> -> memref<1x!tpu.dma_semaphore, #tpu.memory_space<semaphore_mem>>
      %dma_wait3A_543 = tpu.memref_squeeze %dma_wait3A_542 : memref<1x!tpu.dma_semaphore, #tpu.memory_space<semaphore_mem>> -> memref<!tpu.dma_semaphore, #tpu.memory_space<semaphore_mem>>
      tpu.wait_indirect_dma semaphore(%dma_wait3A_543 : memref<!tpu.dma_semaphore, #tpu.memory_space<semaphore_mem>>) src(%dma_wait3A_541 : memref<10240x64xf32, #tpu.memory_space<hbm>>) dst(%arg16 : memref<64x64xf32, #tpu.memory_space<vmem>>)
      %scan3A_544 = arith.constant 0 : i32
      %scan3A_545 = arith.constant 0 : i32
      %scan3A_546 = arith.constant 64 : i32
      %scan3A_547 = arith.addi %scan3A_545, %scan3A_546 : i32
      %scan3A_548 = arith.constant 1 : i32
      scf.for %scan3A_1095 = %scan3A_545 to %scan3A_547 step %scan3A_548  : i32 {
        %get3A_1096 = arith.index_cast %scan3A_1095 : i32 to index
        %get3A_1097 = tpu.vector_load %arg20[%get3A_1096] {strides = array<i32>} : memref<80xf32, #tpu.memory_space<vmem>>, vector<16xf32>,
        %slice3A = vector.extract_strided_slice %get3A_1097 {offsets = [0], sizes = [1], strides = [1]} : vector<16xf32> to vector<1xf32>
        %squeeze3A = vector.extract %slice3A[0] : f32 from vector<1xf32>
        %get3A_1098 = arith.index_cast %scan3A_1095 : i32 to index
        %get3A_1099 = arith.constant 0 : index
        %get3A_1100 = tpu.vector_load %arg16[%get3A_1098, %get3A_1099] {strides = array<i32>} : memref<64x64xf32, #tpu.memory_space<vmem>>, vector<16xf32>,
        %mul3A_1101 = vector.broadcast %squeeze3A : f32 to vector<16xf32>
        %mul3A_1102 = arith.mulf %get3A_1100, %mul3A_1101 : vector<16xf32>
        %swap3A_1103 = arith.index_cast %scan3A_1095 : i32 to index
        %swap3A_1104 = arith.constant 0 : index
        %swap3A_1105 = tpu.vector_load %arg16[%swap3A_1103, %swap3A_1104] {strides = array<i32>} : memref<64x64xf32, #tpu.memory_space<vmem>>, vector<16xf32>,
        tpu.vector_store %arg16[%swap3A_1103, %swap3A_1104], %mul3A_1102 {strides = array<i32>} : memref<64x64xf32, #tpu.memory_space<vmem>>, vector<16xf32>,
        %get3A_1106 = arith.index_cast %scan3A_1095 : i32 to index
        %get3A_1107 = arith.constant 16 : index
        %get3A_1108 = tpu.vector_load %arg16[%get3A_1106, %get3A_1107] {strides = array<i32>} : memref<64x64xf32, #tpu.memory_space<vmem>>, vector<16xf32>,
        %mul3A_1109 = vector.broadcast %squeeze3A : f32 to vector<16xf32>
        %mul3A_1110 = arith.mulf %get3A_1108, %mul3A_1109 : vector<16xf32>
        %swap3A_1111 = arith.index_cast %scan3A_1095 : i32 to index
        %swap3A_1112 = arith.constant 16 : index
        %swap3A_1113 = tpu.vector_load %arg16[%swap3A_1111, %swap3A_1112] {strides = array<i32>} : memref<64x64xf32, #tpu.memory_space<vmem>>, vector<16xf32>,
        tpu.vector_store %arg16[%swap3A_1111, %swap3A_1112], %mul3A_1110 {strides = array<i32>} : memref<64x64xf32, #tpu.memory_space<vmem>>, vector<16xf32>,
        %get3A_1114 = arith.index_cast %scan3A_1095 : i32 to index
        %get3A_1115 = arith.constant 32 : index
        %get3A_1116 = tpu.vector_load %arg16[%get3A_1114, %get3A_1115] {strides = array<i32>} : memref<64x64xf32, #tpu.memory_space<vmem>>, vector<16xf32>,
        %mul3A_1117 = vector.broadcast %squeeze3A : f32 to vector<16xf32>
        %mul3A_1118 = arith.mulf %get3A_1116, %mul3A_1117 : vector<16xf32>
        %swap3A_1119 = arith.index_cast %scan3A_1095 : i32 to index
        %swap3A_1120 = arith.constant 32 : index
        %swap3A_1121 = tpu.vector_load %arg16[%swap3A_1119, %swap3A_1120] {strides = array<i32>} : memref<64x64xf32, #tpu.memory_space<vmem>>, vector<16xf32>,
        tpu.vector_store %arg16[%swap3A_1119, %swap3A_1120], %mul3A_1118 {strides = array<i32>} : memref<64x64xf32, #tpu.memory_space<vmem>>, vector<16xf32>,
        %get3A_1122 = arith.index_cast %scan3A_1095 : i32 to index
        %get3A_1123 = arith.constant 48 : index
        %get3A_1124 = tpu.vector_load %arg16[%get3A_1122, %get3A_1123] {strides = array<i32>} : memref<64x64xf32, #tpu.memory_space<vmem>>, vector<16xf32>,
        %mul3A_1125 = vector.broadcast %squeeze3A : f32 to vector<16xf32>
        %mul3A_1126 = arith.mulf %get3A_1124, %mul3A_1125 : vector<16xf32>
        %swap3A_1127 = arith.index_cast %scan3A_1095 : i32 to index
        %swap3A_1128 = arith.constant 48 : index
        %swap3A_1129 = tpu.vector_load %arg16[%swap3A_1127, %swap3A_1128] {strides = array<i32>} : memref<64x64xf32, #tpu.memory_space<vmem>>, vector<16xf32>,
        tpu.vector_store %arg16[%swap3A_1127, %swap3A_1128], %mul3A_1126 {strides = array<i32>} : memref<64x64xf32, #tpu.memory_space<vmem>>, vector<16xf32>,
      }
      %scan3A_549 = arith.constant 64 : i32
      %dma_start3A_550 = arith.constant 0 : i32
      %dma_start3A_551 = arith.constant 0 : i32
      %dma_start3A_552 = tpu.memref_slice %arg12[%add3A_407, %dma_start3A_551] : memref<160x64xi32, #tpu.memory_space<vmem>> -> memref<1x64xi32, #tpu.memory_space<vmem>>
      %dma_start3A_553 = tpu.memref_squeeze %dma_start3A_552 : memref<1x64xi32, #tpu.memory_space<vmem>> -> memref<64xi32, #tpu.memory_space<vmem>>
      %dma_start3A_554 = arith.constant 0 : i32
      %dma_start3A_555 = arith.constant 0 : i32
      %dma_start3A_556 = tpu.memref_slice %arg24[%dma_start3A_554, %dma_start3A_555] : memref<10112x64xf32, #tpu.memory_space<vmem_shared>> -> memref<10112x64xf32, #tpu.memory_space<vmem_shared>>
      %dma_start3A_557 = tpu.memref_slice %arg26[%dma_start3A_550] : memref<4x!tpu.dma_semaphore, #tpu.memory_space<semaphore_mem>> -> memref<1x!tpu.dma_semaphore, #tpu.memory_space<semaphore_mem>>
      %dma_start3A_558 = tpu.memref_squeeze %dma_start3A_557 : memref<1x!tpu.dma_semaphore, #tpu.memory_space<semaphore_mem>> -> memref<!tpu.dma_semaphore, #tpu.memory_space<semaphore_mem>>
      tpu.enqueue_indirect_dma source(%arg16 : memref<64x64xf32, #tpu.memory_space<vmem>>) target(%dma_start3A_556 : memref<10112x64xf32, #tpu.memory_space<vmem_shared>>) offsets(%dma_start3A_553 : memref<64xi32, #tpu.memory_space<vmem>>) semaphore(%dma_start3A_558 : memref<!tpu.dma_semaphore, #tpu.memory_space<semaphore_mem>>) {add = true}
      %sub3A = arith.constant 1 : i32
      %sub3A_559 = arith.subi %add3A_407, %sub3A : i32
      %add3A_560 = arith.constant 4 : i32
      %add3A_561 = arith.addi %sub3A_559, %add3A_560 : i32
      %ge3A_562 = arith.constant 0 : i32
      %ge3A_563 = arith.cmpi sge, %sub3A_559, %ge3A_562 : i32
      %lt3A = arith.constant 160 : i32
      %lt3A_564 = arith.cmpi slt, %add3A_561, %lt3A : i32
      %and3A_565 = arith.andi %ge3A_563, %lt3A_564 : i1
      %convert_element_type3A = arith.extui %and3A_565 : i1 to i32
      %cond3A = arith.constant 0 : i32
      %cond3A_566 = arith.cmpi ne, %convert_element_type3A, %cond3A : i32
      scf.if %cond3A_566 {
        %dma_wait3A_1095 = arith.constant 3 : i32
        %dma_wait3A_1096 = arith.constant 0 : i32
        %dma_wait3A_1097 = tpu.memref_slice %arg12[%sub3A_559, %dma_wait3A_1096] : memref<160x64xi32, #tpu.memory_space<vmem>> -> memref<1x64xi32, #tpu.memory_space<vmem>>
        %dma_wait3A_1098 = tpu.memref_squeeze %dma_wait3A_1097 : memref<1x64xi32, #tpu.memory_space<vmem>> -> memref<64xi32, #tpu.memory_space<vmem>>
        %dma_wait3A_1099 = arith.constant 0 : i32
        %dma_wait3A_1100 = arith.constant 0 : i32
        %dma_wait3A_1101 = tpu.memref_slice %arg24[%dma_wait3A_1099, %dma_wait3A_1100] : memref<10112x64xf32, #tpu.memory_space<vmem_shared>> -> memref<10112x64xf32, #tpu.memory_space<vmem_shared>>
        %dma_wait3A_1102 = tpu.memref_slice %arg26[%dma_wait3A_1095] : memref<4x!tpu.dma_semaphore, #tpu.memory_space<semaphore_mem>> -> memref<1x!tpu.dma_semaphore, #tpu.memory_space<semaphore_mem>>
        %dma_wait3A_1103 = tpu.memref_squeeze %dma_wait3A_1102 : memref<1x!tpu.dma_semaphore, #tpu.memory_space<semaphore_mem>> -> memref<!tpu.dma_semaphore, #tpu.memory_space<semaphore_mem>>
        tpu.wait_indirect_dma semaphore(%dma_wait3A_1103 : memref<!tpu.dma_semaphore, #tpu.memory_space<semaphore_mem>>) src(%arg19 : memref<64x64xf32, #tpu.memory_space<vmem>>) dst(%dma_wait3A_1101 : memref<10112x64xf32, #tpu.memory_space<vmem_shared>>)
        %dma_start3A_1104 = arith.constant 3 : i32
        %dma_start3A_1105 = arith.constant 0 : i32
        %dma_start3A_1106 = tpu.memref_slice %arg13[%add3A_561, %dma_start3A_1105] : memref<160x64xi32, #tpu.memory_space<vmem>> -> memref<1x64xi32, #tpu.memory_space<vmem>>
        %dma_start3A_1107 = tpu.memref_squeeze %dma_start3A_1106 : memref<1x64xi32, #tpu.memory_space<vmem>> -> memref<64xi32, #tpu.memory_space<vmem>>
        %dma_start3A_1108 = arith.constant 0 : i32
        %dma_start3A_1109 = arith.constant 0 : i32
        %dma_start3A_1110 = tpu.memref_slice %arg2[%dma_start3A_1108, %dma_start3A_1109] : memref<10240x64xf32, #tpu.memory_space<hbm>> -> memref<10240x64xf32, #tpu.memory_space<hbm>>
        %dma_start3A_1111 = tpu.memref_slice %arg25[%dma_start3A_1104] : memref<4x!tpu.dma_semaphore, #tpu.memory_space<semaphore_mem>> -> memref<1x!tpu.dma_semaphore, #tpu.memory_space<semaphore_mem>>
        %dma_start3A_1112 = tpu.memref_squeeze %dma_start3A_1111 : memref<1x!tpu.dma_semaphore, #tpu.memory_space<semaphore_mem>> -> memref<!tpu.dma_semaphore, #tpu.memory_space<semaphore_mem>>
        tpu.enqueue_indirect_dma source(%dma_start3A_1110 : memref<10240x64xf32, #tpu.memory_space<hbm>>) target(%arg19 : memref<64x64xf32, #tpu.memory_space<vmem>>) offsets(%dma_start3A_1107 : memref<64xi32, #tpu.memory_space<vmem>>) semaphore(%dma_start3A_1112 : memref<!tpu.dma_semaphore, #tpu.memory_space<semaphore_mem>>)
      } else {
      }
      %mul3A_567 = arith.constant 4 : i32
      %mul3A_568 = arith.muli %scan3A_403, %mul3A_567 : i32
      %add3A_569 = arith.constant 1 : i32
      %add3A_570 = arith.addi %mul3A_568, %add3A_569 : i32
      %get3A_571 = arith.index_cast %add3A_570 : i32 to index
      %get3A_572 = arith.constant 0 : index
      %get3A_573 = tpu.vector_load %arg12[%get3A_571, %get3A_572] {strides = array<i32>} : memref<160x64xi32, #tpu.memory_space<vmem>>, vector<16xi32>,
      %get3A_574 = arith.index_cast %add3A_570 : i32 to index
      %get3A_575 = arith.constant 0 : index
      %get3A_576 = tpu.vector_load %arg13[%get3A_574, %get3A_575] {strides = array<i32>} : memref<160x64xi32, #tpu.memory_space<vmem>>, vector<16xi32>,
      %gather3A_577 = tpu.vector_load_idx %arg10[%get3A_573] : memref<10112xf32, #tpu.memory_space<vmem>>[vector<16xi32>], vector<16xf32>,
      %gather3A_578 = tpu.vector_load_idx %arg11[%get3A_576] : memref<10112xf32, #tpu.memory_space<vmem>>[vector<16xi32>], vector<16xf32>,
      %add3A_579 = arith.addf %gather3A_577, %gather3A_578 : vector<16xf32>
      %get3A_580 = arith.index_cast %add3A_570 : i32 to index
      %get3A_581 = arith.constant 0 : index
      %get3A_582 = tpu.vector_load %arg14[%get3A_580, %get3A_581] {strides = array<i32>} : memref<160x64xf32, #tpu.memory_space<vmem>>, vector<16xf32>,
      %add3A_583 = arith.addf %add3A_579, %get3A_582 : vector<16xf32>
      %ge3A_584 = arith.constant 0.000000e+00 : f32
      %ge3A_585 = vector.broadcast %ge3A_584 : f32 to vector<16xf32>
      %ge3A_586 = arith.cmpf oge, %add3A_583, %ge3A_585 : vector<16xf32>
      %mul3A_587 = arith.constant 0.00999999977 : f32
      %mul3A_588 = vector.broadcast %mul3A_587 : f32 to vector<16xf32>
      %mul3A_589 = arith.mulf %add3A_583, %mul3A_588 : vector<16xf32>
      %select_n3A_590 = arith.select %ge3A_586, %add3A_583, %mul3A_589 : vector<16xi1>, vector<16xf32>
      %exp3A_591 = math.exp %select_n3A_590 : vector<16xf32>
      %shift_right_logical3A_592 = arith.constant 6 : i32
      %shift_right_logical3A_593 = vector.broadcast %shift_right_logical3A_592 : i32 to vector<16xi32>
      %shift_right_logical3A_594 = arith.shrui %get3A_573, %shift_right_logical3A_593 : vector<16xi32>
      %and3A_595 = arith.constant 63 : i32
      %and3A_596 = vector.broadcast %and3A_595 : i32 to vector<16xi32>
      %and3A_597 = arith.andi %get3A_573, %and3A_596 : vector<16xi32>
      %gather3A_598 = tpu.vector_load_idx %arg15[%shift_right_logical3A_594, %and3A_597] : memref<160x64xf32, #tpu.memory_space<vmem>>[vector<16xi32>, vector<16xi32>], vector<16xf32>,
      %add3A_599 = arith.constant 1.000000e-16 : f32
      %add3A_600 = vector.broadcast %add3A_599 : f32 to vector<16xf32>
      %add3A_601 = arith.addf %gather3A_598, %add3A_600 : vector<16xf32>
      %div3A_602 = arith.divf %exp3A_591, %add3A_601 : vector<16xf32>
      %swap3A_603 = arith.constant 0 : index
      %swap3A_604 = tpu.vector_load %arg20[%swap3A_603] {strides = array<i32>} : memref<80xf32, #tpu.memory_space<vmem>>, vector<16xf32>,
      tpu.vector_store %arg20[%swap3A_603], %div3A_602 {strides = array<i32>} : memref<80xf32, #tpu.memory_space<vmem>>, vector<16xf32>,
      %get3A_605 = arith.index_cast %add3A_570 : i32 to index
      %get3A_606 = arith.constant 16 : index
      %get3A_607 = tpu.vector_load %arg12[%get3A_605, %get3A_606] {strides = array<i32>} : memref<160x64xi32, #tpu.memory_space<vmem>>, vector<16xi32>,
      %get3A_608 = arith.index_cast %add3A_570 : i32 to index
      %get3A_609 = arith.constant 16 : index
      %get3A_610 = tpu.vector_load %arg13[%get3A_608, %get3A_609] {strides = array<i32>} : memref<160x64xi32, #tpu.memory_space<vmem>>, vector<16xi32>,
      %gather3A_611 = tpu.vector_load_idx %arg10[%get3A_607] : memref<10112xf32, #tpu.memory_space<vmem>>[vector<16xi32>], vector<16xf32>,
      %gather3A_612 = tpu.vector_load_idx %arg11[%get3A_610] : memref<10112xf32, #tpu.memory_space<vmem>>[vector<16xi32>], vector<16xf32>,
      %add3A_613 = arith.addf %gather3A_611, %gather3A_612 : vector<16xf32>
      %get3A_614 = arith.index_cast %add3A_570 : i32 to index
      %get3A_615 = arith.constant 16 : index
      %get3A_616 = tpu.vector_load %arg14[%get3A_614, %get3A_615] {strides = array<i32>} : memref<160x64xf32, #tpu.memory_space<vmem>>, vector<16xf32>,
      %add3A_617 = arith.addf %add3A_613, %get3A_616 : vector<16xf32>
      %ge3A_618 = arith.constant 0.000000e+00 : f32
      %ge3A_619 = vector.broadcast %ge3A_618 : f32 to vector<16xf32>
      %ge3A_620 = arith.cmpf oge, %add3A_617, %ge3A_619 : vector<16xf32>
      %mul3A_621 = arith.constant 0.00999999977 : f32
      %mul3A_622 = vector.broadcast %mul3A_621 : f32 to vector<16xf32>
      %mul3A_623 = arith.mulf %add3A_617, %mul3A_622 : vector<16xf32>
      %select_n3A_624 = arith.select %ge3A_620, %add3A_617, %mul3A_623 : vector<16xi1>, vector<16xf32>
      %exp3A_625 = math.exp %select_n3A_624 : vector<16xf32>
      %shift_right_logical3A_626 = arith.constant 6 : i32
      %shift_right_logical3A_627 = vector.broadcast %shift_right_logical3A_626 : i32 to vector<16xi32>
      %shift_right_logical3A_628 = arith.shrui %get3A_607, %shift_right_logical3A_627 : vector<16xi32>
      %and3A_629 = arith.constant 63 : i32
      %and3A_630 = vector.broadcast %and3A_629 : i32 to vector<16xi32>
      %and3A_631 = arith.andi %get3A_607, %and3A_630 : vector<16xi32>
      %gather3A_632 = tpu.vector_load_idx %arg15[%shift_right_logical3A_628, %and3A_631] : memref<160x64xf32, #tpu.memory_space<vmem>>[vector<16xi32>, vector<16xi32>], vector<16xf32>,
      %add3A_633 = arith.constant 1.000000e-16 : f32
      %add3A_634 = vector.broadcast %add3A_633 : f32 to vector<16xf32>
      %add3A_635 = arith.addf %gather3A_632, %add3A_634 : vector<16xf32>
      %div3A_636 = arith.divf %exp3A_625, %add3A_635 : vector<16xf32>
      %swap3A_637 = arith.constant 16 : index
      %swap3A_638 = tpu.vector_load %arg20[%swap3A_637] {strides = array<i32>} : memref<80xf32, #tpu.memory_space<vmem>>, vector<16xf32>,
      tpu.vector_store %arg20[%swap3A_637], %div3A_636 {strides = array<i32>} : memref<80xf32, #tpu.memory_space<vmem>>, vector<16xf32>,
      %get3A_639 = arith.index_cast %add3A_570 : i32 to index
      %get3A_640 = arith.constant 32 : index
      %get3A_641 = tpu.vector_load %arg12[%get3A_639, %get3A_640] {strides = array<i32>} : memref<160x64xi32, #tpu.memory_space<vmem>>, vector<16xi32>,
      %get3A_642 = arith.index_cast %add3A_570 : i32 to index
      %get3A_643 = arith.constant 32 : index
      %get3A_644 = tpu.vector_load %arg13[%get3A_642, %get3A_643] {strides = array<i32>} : memref<160x64xi32, #tpu.memory_space<vmem>>, vector<16xi32>,
      %gather3A_645 = tpu.vector_load_idx %arg10[%get3A_641] : memref<10112xf32, #tpu.memory_space<vmem>>[vector<16xi32>], vector<16xf32>,
      %gather3A_646 = tpu.vector_load_idx %arg11[%get3A_644] : memref<10112xf32, #tpu.memory_space<vmem>>[vector<16xi32>], vector<16xf32>,
      %add3A_647 = arith.addf %gather3A_645, %gather3A_646 : vector<16xf32>
      %get3A_648 = arith.index_cast %add3A_570 : i32 to index
      %get3A_649 = arith.constant 32 : index
      %get3A_650 = tpu.vector_load %arg14[%get3A_648, %get3A_649] {strides = array<i32>} : memref<160x64xf32, #tpu.memory_space<vmem>>, vector<16xf32>,
      %add3A_651 = arith.addf %add3A_647, %get3A_650 : vector<16xf32>
      %ge3A_652 = arith.constant 0.000000e+00 : f32
      %ge3A_653 = vector.broadcast %ge3A_652 : f32 to vector<16xf32>
      %ge3A_654 = arith.cmpf oge, %add3A_651, %ge3A_653 : vector<16xf32>
      %mul3A_655 = arith.constant 0.00999999977 : f32
      %mul3A_656 = vector.broadcast %mul3A_655 : f32 to vector<16xf32>
      %mul3A_657 = arith.mulf %add3A_651, %mul3A_656 : vector<16xf32>
      %select_n3A_658 = arith.select %ge3A_654, %add3A_651, %mul3A_657 : vector<16xi1>, vector<16xf32>
      %exp3A_659 = math.exp %select_n3A_658 : vector<16xf32>
      %shift_right_logical3A_660 = arith.constant 6 : i32
      %shift_right_logical3A_661 = vector.broadcast %shift_right_logical3A_660 : i32 to vector<16xi32>
      %shift_right_logical3A_662 = arith.shrui %get3A_641, %shift_right_logical3A_661 : vector<16xi32>
      %and3A_663 = arith.constant 63 : i32
      %and3A_664 = vector.broadcast %and3A_663 : i32 to vector<16xi32>
      %and3A_665 = arith.andi %get3A_641, %and3A_664 : vector<16xi32>
      %gather3A_666 = tpu.vector_load_idx %arg15[%shift_right_logical3A_662, %and3A_665] : memref<160x64xf32, #tpu.memory_space<vmem>>[vector<16xi32>, vector<16xi32>], vector<16xf32>,
      %add3A_667 = arith.constant 1.000000e-16 : f32
      %add3A_668 = vector.broadcast %add3A_667 : f32 to vector<16xf32>
      %add3A_669 = arith.addf %gather3A_666, %add3A_668 : vector<16xf32>
      %div3A_670 = arith.divf %exp3A_659, %add3A_669 : vector<16xf32>
      %swap3A_671 = arith.constant 32 : index
      %swap3A_672 = tpu.vector_load %arg20[%swap3A_671] {strides = array<i32>} : memref<80xf32, #tpu.memory_space<vmem>>, vector<16xf32>,
      tpu.vector_store %arg20[%swap3A_671], %div3A_670 {strides = array<i32>} : memref<80xf32, #tpu.memory_space<vmem>>, vector<16xf32>,
      %get3A_673 = arith.index_cast %add3A_570 : i32 to index
      %get3A_674 = arith.constant 48 : index
      %get3A_675 = tpu.vector_load %arg12[%get3A_673, %get3A_674] {strides = array<i32>} : memref<160x64xi32, #tpu.memory_space<vmem>>, vector<16xi32>,
      %get3A_676 = arith.index_cast %add3A_570 : i32 to index
      %get3A_677 = arith.constant 48 : index
      %get3A_678 = tpu.vector_load %arg13[%get3A_676, %get3A_677] {strides = array<i32>} : memref<160x64xi32, #tpu.memory_space<vmem>>, vector<16xi32>,
      %gather3A_679 = tpu.vector_load_idx %arg10[%get3A_675] : memref<10112xf32, #tpu.memory_space<vmem>>[vector<16xi32>], vector<16xf32>,
      %gather3A_680 = tpu.vector_load_idx %arg11[%get3A_678] : memref<10112xf32, #tpu.memory_space<vmem>>[vector<16xi32>], vector<16xf32>,
      %add3A_681 = arith.addf %gather3A_679, %gather3A_680 : vector<16xf32>
      %get3A_682 = arith.index_cast %add3A_570 : i32 to index
      %get3A_683 = arith.constant 48 : index
      %get3A_684 = tpu.vector_load %arg14[%get3A_682, %get3A_683] {strides = array<i32>} : memref<160x64xf32, #tpu.memory_space<vmem>>, vector<16xf32>,
      %add3A_685 = arith.addf %add3A_681, %get3A_684 : vector<16xf32>
      %ge3A_686 = arith.constant 0.000000e+00 : f32
      %ge3A_687 = vector.broadcast %ge3A_686 : f32 to vector<16xf32>
      %ge3A_688 = arith.cmpf oge, %add3A_685, %ge3A_687 : vector<16xf32>
      %mul3A_689 = arith.constant 0.00999999977 : f32
      %mul3A_690 = vector.broadcast %mul3A_689 : f32 to vector<16xf32>
      %mul3A_691 = arith.mulf %add3A_685, %mul3A_690 : vector<16xf32>
      %select_n3A_692 = arith.select %ge3A_688, %add3A_685, %mul3A_691 : vector<16xi1>, vector<16xf32>
      %exp3A_693 = math.exp %select_n3A_692 : vector<16xf32>
      %shift_right_logical3A_694 = arith.constant 6 : i32
      %shift_right_logical3A_695 = vector.broadcast %shift_right_logical3A_694 : i32 to vector<16xi32>
      %shift_right_logical3A_696 = arith.shrui %get3A_675, %shift_right_logical3A_695 : vector<16xi32>
      %and3A_697 = arith.constant 63 : i32
      %and3A_698 = vector.broadcast %and3A_697 : i32 to vector<16xi32>
      %and3A_699 = arith.andi %get3A_675, %and3A_698 : vector<16xi32>
      %gather3A_700 = tpu.vector_load_idx %arg15[%shift_right_logical3A_696, %and3A_699] : memref<160x64xf32, #tpu.memory_space<vmem>>[vector<16xi32>, vector<16xi32>], vector<16xf32>,
      %add3A_701 = arith.constant 1.000000e-16 : f32
      %add3A_702 = vector.broadcast %add3A_701 : f32 to vector<16xf32>
      %add3A_703 = arith.addf %gather3A_700, %add3A_702 : vector<16xf32>
      %div3A_704 = arith.divf %exp3A_693, %add3A_703 : vector<16xf32>
      %swap3A_705 = arith.constant 48 : index
      %swap3A_706 = tpu.vector_load %arg20[%swap3A_705] {strides = array<i32>} : memref<80xf32, #tpu.memory_space<vmem>>, vector<16xf32>,
      tpu.vector_store %arg20[%swap3A_705], %div3A_704 {strides = array<i32>} : memref<80xf32, #tpu.memory_space<vmem>>, vector<16xf32>,
      %dma_wait3A_707 = arith.constant 1 : i32
      %dma_wait3A_708 = arith.constant 0 : i32
      %dma_wait3A_709 = tpu.memref_slice %arg13[%add3A_570, %dma_wait3A_708] : memref<160x64xi32, #tpu.memory_space<vmem>> -> memref<1x64xi32, #tpu.memory_space<vmem>>
      %dma_wait3A_710 = tpu.memref_squeeze %dma_wait3A_709 : memref<1x64xi32, #tpu.memory_space<vmem>> -> memref<64xi32, #tpu.memory_space<vmem>>
      %dma_wait3A_711 = arith.constant 0 : i32
      %dma_wait3A_712 = arith.constant 0 : i32
      %dma_wait3A_713 = tpu.memref_slice %arg2[%dma_wait3A_711, %dma_wait3A_712] : memref<10240x64xf32, #tpu.memory_space<hbm>> -> memref<10240x64xf32, #tpu.memory_space<hbm>>
      %dma_wait3A_714 = tpu.memref_slice %arg25[%dma_wait3A_707] : memref<4x!tpu.dma_semaphore, #tpu.memory_space<semaphore_mem>> -> memref<1x!tpu.dma_semaphore, #tpu.memory_space<semaphore_mem>>
      %dma_wait3A_715 = tpu.memref_squeeze %dma_wait3A_714 : memref<1x!tpu.dma_semaphore, #tpu.memory_space<semaphore_mem>> -> memref<!tpu.dma_semaphore, #tpu.memory_space<semaphore_mem>>
      tpu.wait_indirect_dma semaphore(%dma_wait3A_715 : memref<!tpu.dma_semaphore, #tpu.memory_space<semaphore_mem>>) src(%dma_wait3A_713 : memref<10240x64xf32, #tpu.memory_space<hbm>>) dst(%arg17 : memref<64x64xf32, #tpu.memory_space<vmem>>)
      %scan3A_716 = arith.constant 0 : i32
      %scan3A_717 = arith.constant 0 : i32
      %scan3A_718 = arith.constant 64 : i32
      %scan3A_719 = arith.addi %scan3A_717, %scan3A_718 : i32
      %scan3A_720 = arith.constant 1 : i32
      scf.for %scan3A_1095 = %scan3A_717 to %scan3A_719 step %scan3A_720  : i32 {
        %get3A_1096 = arith.index_cast %scan3A_1095 : i32 to index
        %get3A_1097 = tpu.vector_load %arg20[%get3A_1096] {strides = array<i32>} : memref<80xf32, #tpu.memory_space<vmem>>, vector<16xf32>,
        %slice3A = vector.extract_strided_slice %get3A_1097 {offsets = [0], sizes = [1], strides = [1]} : vector<16xf32> to vector<1xf32>
        %squeeze3A = vector.extract %slice3A[0] : f32 from vector<1xf32>
        %get3A_1098 = arith.index_cast %scan3A_1095 : i32 to index
        %get3A_1099 = arith.constant 0 : index
        %get3A_1100 = tpu.vector_load %arg17[%get3A_1098, %get3A_1099] {strides = array<i32>} : memref<64x64xf32, #tpu.memory_space<vmem>>, vector<16xf32>,
        %mul3A_1101 = vector.broadcast %squeeze3A : f32 to vector<16xf32>
        %mul3A_1102 = arith.mulf %get3A_1100, %mul3A_1101 : vector<16xf32>
        %swap3A_1103 = arith.index_cast %scan3A_1095 : i32 to index
        %swap3A_1104 = arith.constant 0 : index
        %swap3A_1105 = tpu.vector_load %arg17[%swap3A_1103, %swap3A_1104] {strides = array<i32>} : memref<64x64xf32, #tpu.memory_space<vmem>>, vector<16xf32>,
        tpu.vector_store %arg17[%swap3A_1103, %swap3A_1104], %mul3A_1102 {strides = array<i32>} : memref<64x64xf32, #tpu.memory_space<vmem>>, vector<16xf32>,
        %get3A_1106 = arith.index_cast %scan3A_1095 : i32 to index
        %get3A_1107 = arith.constant 16 : index
        %get3A_1108 = tpu.vector_load %arg17[%get3A_1106, %get3A_1107] {strides = array<i32>} : memref<64x64xf32, #tpu.memory_space<vmem>>, vector<16xf32>,
        %mul3A_1109 = vector.broadcast %squeeze3A : f32 to vector<16xf32>
        %mul3A_1110 = arith.mulf %get3A_1108, %mul3A_1109 : vector<16xf32>
        %swap3A_1111 = arith.index_cast %scan3A_1095 : i32 to index
        %swap3A_1112 = arith.constant 16 : index
        %swap3A_1113 = tpu.vector_load %arg17[%swap3A_1111, %swap3A_1112] {strides = array<i32>} : memref<64x64xf32, #tpu.memory_space<vmem>>, vector<16xf32>,
        tpu.vector_store %arg17[%swap3A_1111, %swap3A_1112], %mul3A_1110 {strides = array<i32>} : memref<64x64xf32, #tpu.memory_space<vmem>>, vector<16xf32>,
        %get3A_1114 = arith.index_cast %scan3A_1095 : i32 to index
        %get3A_1115 = arith.constant 32 : index
        %get3A_1116 = tpu.vector_load %arg17[%get3A_1114, %get3A_1115] {strides = array<i32>} : memref<64x64xf32, #tpu.memory_space<vmem>>, vector<16xf32>,
        %mul3A_1117 = vector.broadcast %squeeze3A : f32 to vector<16xf32>
        %mul3A_1118 = arith.mulf %get3A_1116, %mul3A_1117 : vector<16xf32>
        %swap3A_1119 = arith.index_cast %scan3A_1095 : i32 to index
        %swap3A_1120 = arith.constant 32 : index
        %swap3A_1121 = tpu.vector_load %arg17[%swap3A_1119, %swap3A_1120] {strides = array<i32>} : memref<64x64xf32, #tpu.memory_space<vmem>>, vector<16xf32>,
        tpu.vector_store %arg17[%swap3A_1119, %swap3A_1120], %mul3A_1118 {strides = array<i32>} : memref<64x64xf32, #tpu.memory_space<vmem>>, vector<16xf32>,
        %get3A_1122 = arith.index_cast %scan3A_1095 : i32 to index
        %get3A_1123 = arith.constant 48 : index
        %get3A_1124 = tpu.vector_load %arg17[%get3A_1122, %get3A_1123] {strides = array<i32>} : memref<64x64xf32, #tpu.memory_space<vmem>>, vector<16xf32>,
        %mul3A_1125 = vector.broadcast %squeeze3A : f32 to vector<16xf32>
        %mul3A_1126 = arith.mulf %get3A_1124, %mul3A_1125 : vector<16xf32>
        %swap3A_1127 = arith.index_cast %scan3A_1095 : i32 to index
        %swap3A_1128 = arith.constant 48 : index
        %swap3A_1129 = tpu.vector_load %arg17[%swap3A_1127, %swap3A_1128] {strides = array<i32>} : memref<64x64xf32, #tpu.memory_space<vmem>>, vector<16xf32>,
        tpu.vector_store %arg17[%swap3A_1127, %swap3A_1128], %mul3A_1126 {strides = array<i32>} : memref<64x64xf32, #tpu.memory_space<vmem>>, vector<16xf32>,
      }
      %scan3A_721 = arith.constant 64 : i32
      %dma_start3A_722 = arith.constant 1 : i32
      %dma_start3A_723 = arith.constant 0 : i32
      %dma_start3A_724 = tpu.memref_slice %arg12[%add3A_570, %dma_start3A_723] : memref<160x64xi32, #tpu.memory_space<vmem>> -> memref<1x64xi32, #tpu.memory_space<vmem>>
      %dma_start3A_725 = tpu.memref_squeeze %dma_start3A_724 : memref<1x64xi32, #tpu.memory_space<vmem>> -> memref<64xi32, #tpu.memory_space<vmem>>
      %dma_start3A_726 = arith.constant 0 : i32
      %dma_start3A_727 = arith.constant 0 : i32
      %dma_start3A_728 = tpu.memref_slice %arg24[%dma_start3A_726, %dma_start3A_727] : memref<10112x64xf32, #tpu.memory_space<vmem_shared>> -> memref<10112x64xf32, #tpu.memory_space<vmem_shared>>
      %dma_start3A_729 = tpu.memref_slice %arg26[%dma_start3A_722] : memref<4x!tpu.dma_semaphore, #tpu.memory_space<semaphore_mem>> -> memref<1x!tpu.dma_semaphore, #tpu.memory_space<semaphore_mem>>
      %dma_start3A_730 = tpu.memref_squeeze %dma_start3A_729 : memref<1x!tpu.dma_semaphore, #tpu.memory_space<semaphore_mem>> -> memref<!tpu.dma_semaphore, #tpu.memory_space<semaphore_mem>>
      tpu.enqueue_indirect_dma source(%arg17 : memref<64x64xf32, #tpu.memory_space<vmem>>) target(%dma_start3A_728 : memref<10112x64xf32, #tpu.memory_space<vmem_shared>>) offsets(%dma_start3A_725 : memref<64xi32, #tpu.memory_space<vmem>>) semaphore(%dma_start3A_730 : memref<!tpu.dma_semaphore, #tpu.memory_space<semaphore_mem>>) {add = true}
      %sub3A_731 = arith.constant 1 : i32
      %sub3A_732 = arith.subi %add3A_570, %sub3A_731 : i32
      %add3A_733 = arith.constant 4 : i32
      %add3A_734 = arith.addi %sub3A_732, %add3A_733 : i32
      %ge3A_735 = arith.constant 0 : i32
      %ge3A_736 = arith.cmpi sge, %sub3A_732, %ge3A_735 : i32
      %lt3A_737 = arith.constant 160 : i32
      %lt3A_738 = arith.cmpi slt, %add3A_734, %lt3A_737 : i32
      %and3A_739 = arith.andi %ge3A_736, %lt3A_738 : i1
      %convert_element_type3A_740 = arith.extui %and3A_739 : i1 to i32
      %cond3A_741 = arith.constant 0 : i32
      %cond3A_742 = arith.cmpi ne, %convert_element_type3A_740, %cond3A_741 : i32
      scf.if %cond3A_742 {
        %dma_wait3A_1095 = arith.constant 0 : i32
        %dma_wait3A_1096 = arith.constant 0 : i32
        %dma_wait3A_1097 = tpu.memref_slice %arg12[%sub3A_732, %dma_wait3A_1096] : memref<160x64xi32, #tpu.memory_space<vmem>> -> memref<1x64xi32, #tpu.memory_space<vmem>>
        %dma_wait3A_1098 = tpu.memref_squeeze %dma_wait3A_1097 : memref<1x64xi32, #tpu.memory_space<vmem>> -> memref<64xi32, #tpu.memory_space<vmem>>
        %dma_wait3A_1099 = arith.constant 0 : i32
        %dma_wait3A_1100 = arith.constant 0 : i32
        %dma_wait3A_1101 = tpu.memref_slice %arg24[%dma_wait3A_1099, %dma_wait3A_1100] : memref<10112x64xf32, #tpu.memory_space<vmem_shared>> -> memref<10112x64xf32, #tpu.memory_space<vmem_shared>>
        %dma_wait3A_1102 = tpu.memref_slice %arg26[%dma_wait3A_1095] : memref<4x!tpu.dma_semaphore, #tpu.memory_space<semaphore_mem>> -> memref<1x!tpu.dma_semaphore, #tpu.memory_space<semaphore_mem>>
        %dma_wait3A_1103 = tpu.memref_squeeze %dma_wait3A_1102 : memref<1x!tpu.dma_semaphore, #tpu.memory_space<semaphore_mem>> -> memref<!tpu.dma_semaphore, #tpu.memory_space<semaphore_mem>>
        tpu.wait_indirect_dma semaphore(%dma_wait3A_1103 : memref<!tpu.dma_semaphore, #tpu.memory_space<semaphore_mem>>) src(%arg16 : memref<64x64xf32, #tpu.memory_space<vmem>>) dst(%dma_wait3A_1101 : memref<10112x64xf32, #tpu.memory_space<vmem_shared>>)
        %dma_start3A_1104 = arith.constant 0 : i32
        %dma_start3A_1105 = arith.constant 0 : i32
        %dma_start3A_1106 = tpu.memref_slice %arg13[%add3A_734, %dma_start3A_1105] : memref<160x64xi32, #tpu.memory_space<vmem>> -> memref<1x64xi32, #tpu.memory_space<vmem>>
        %dma_start3A_1107 = tpu.memref_squeeze %dma_start3A_1106 : memref<1x64xi32, #tpu.memory_space<vmem>> -> memref<64xi32, #tpu.memory_space<vmem>>
        %dma_start3A_1108 = arith.constant 0 : i32
        %dma_start3A_1109 = arith.constant 0 : i32
        %dma_start3A_1110 = tpu.memref_slice %arg2[%dma_start3A_1108, %dma_start3A_1109] : memref<10240x64xf32, #tpu.memory_space<hbm>> -> memref<10240x64xf32, #tpu.memory_space<hbm>>
        %dma_start3A_1111 = tpu.memref_slice %arg25[%dma_start3A_1104] : memref<4x!tpu.dma_semaphore, #tpu.memory_space<semaphore_mem>> -> memref<1x!tpu.dma_semaphore, #tpu.memory_space<semaphore_mem>>
        %dma_start3A_1112 = tpu.memref_squeeze %dma_start3A_1111 : memref<1x!tpu.dma_semaphore, #tpu.memory_space<semaphore_mem>> -> memref<!tpu.dma_semaphore, #tpu.memory_space<semaphore_mem>>
        tpu.enqueue_indirect_dma source(%dma_start3A_1110 : memref<10240x64xf32, #tpu.memory_space<hbm>>) target(%arg16 : memref<64x64xf32, #tpu.memory_space<vmem>>) offsets(%dma_start3A_1107 : memref<64xi32, #tpu.memory_space<vmem>>) semaphore(%dma_start3A_1112 : memref<!tpu.dma_semaphore, #tpu.memory_space<semaphore_mem>>)
      } else {
      }
      %mul3A_743 = arith.constant 4 : i32
      %mul3A_744 = arith.muli %scan3A_403, %mul3A_743 : i32
      %add3A_745 = arith.constant 2 : i32
      %add3A_746 = arith.addi %mul3A_744, %add3A_745 : i32
      %get3A_747 = arith.index_cast %add3A_746 : i32 to index
      %get3A_748 = arith.constant 0 : index
      %get3A_749 = tpu.vector_load %arg12[%get3A_747, %get3A_748] {strides = array<i32>} : memref<160x64xi32, #tpu.memory_space<vmem>>, vector<16xi32>,
      %get3A_750 = arith.index_cast %add3A_746 : i32 to index
      %get3A_751 = arith.constant 0 : index
      %get3A_752 = tpu.vector_load %arg13[%get3A_750, %get3A_751] {strides = array<i32>} : memref<160x64xi32, #tpu.memory_space<vmem>>, vector<16xi32>,
      %gather3A_753 = tpu.vector_load_idx %arg10[%get3A_749] : memref<10112xf32, #tpu.memory_space<vmem>>[vector<16xi32>], vector<16xf32>,
      %gather3A_754 = tpu.vector_load_idx %arg11[%get3A_752] : memref<10112xf32, #tpu.memory_space<vmem>>[vector<16xi32>], vector<16xf32>,
      %add3A_755 = arith.addf %gather3A_753, %gather3A_754 : vector<16xf32>
      %get3A_756 = arith.index_cast %add3A_746 : i32 to index
      %get3A_757 = arith.constant 0 : index
      %get3A_758 = tpu.vector_load %arg14[%get3A_756, %get3A_757] {strides = array<i32>} : memref<160x64xf32, #tpu.memory_space<vmem>>, vector<16xf32>,
      %add3A_759 = arith.addf %add3A_755, %get3A_758 : vector<16xf32>
      %ge3A_760 = arith.constant 0.000000e+00 : f32
      %ge3A_761 = vector.broadcast %ge3A_760 : f32 to vector<16xf32>
      %ge3A_762 = arith.cmpf oge, %add3A_759, %ge3A_761 : vector<16xf32>
      %mul3A_763 = arith.constant 0.00999999977 : f32
      %mul3A_764 = vector.broadcast %mul3A_763 : f32 to vector<16xf32>
      %mul3A_765 = arith.mulf %add3A_759, %mul3A_764 : vector<16xf32>
      %select_n3A_766 = arith.select %ge3A_762, %add3A_759, %mul3A_765 : vector<16xi1>, vector<16xf32>
      %exp3A_767 = math.exp %select_n3A_766 : vector<16xf32>
      %shift_right_logical3A_768 = arith.constant 6 : i32
      %shift_right_logical3A_769 = vector.broadcast %shift_right_logical3A_768 : i32 to vector<16xi32>
      %shift_right_logical3A_770 = arith.shrui %get3A_749, %shift_right_logical3A_769 : vector<16xi32>
      %and3A_771 = arith.constant 63 : i32
      %and3A_772 = vector.broadcast %and3A_771 : i32 to vector<16xi32>
      %and3A_773 = arith.andi %get3A_749, %and3A_772 : vector<16xi32>
      %gather3A_774 = tpu.vector_load_idx %arg15[%shift_right_logical3A_770, %and3A_773] : memref<160x64xf32, #tpu.memory_space<vmem>>[vector<16xi32>, vector<16xi32>], vector<16xf32>,
      %add3A_775 = arith.constant 1.000000e-16 : f32
      %add3A_776 = vector.broadcast %add3A_775 : f32 to vector<16xf32>
      %add3A_777 = arith.addf %gather3A_774, %add3A_776 : vector<16xf32>
      %div3A_778 = arith.divf %exp3A_767, %add3A_777 : vector<16xf32>
      %swap3A_779 = arith.constant 0 : index
      %swap3A_780 = tpu.vector_load %arg20[%swap3A_779] {strides = array<i32>} : memref<80xf32, #tpu.memory_space<vmem>>, vector<16xf32>,
      tpu.vector_store %arg20[%swap3A_779], %div3A_778 {strides = array<i32>} : memref<80xf32, #tpu.memory_space<vmem>>, vector<16xf32>,
      %get3A_781 = arith.index_cast %add3A_746 : i32 to index
      %get3A_782 = arith.constant 16 : index
      %get3A_783 = tpu.vector_load %arg12[%get3A_781, %get3A_782] {strides = array<i32>} : memref<160x64xi32, #tpu.memory_space<vmem>>, vector<16xi32>,
      %get3A_784 = arith.index_cast %add3A_746 : i32 to index
      %get3A_785 = arith.constant 16 : index
      %get3A_786 = tpu.vector_load %arg13[%get3A_784, %get3A_785] {strides = array<i32>} : memref<160x64xi32, #tpu.memory_space<vmem>>, vector<16xi32>,
      %gather3A_787 = tpu.vector_load_idx %arg10[%get3A_783] : memref<10112xf32, #tpu.memory_space<vmem>>[vector<16xi32>], vector<16xf32>,
      %gather3A_788 = tpu.vector_load_idx %arg11[%get3A_786] : memref<10112xf32, #tpu.memory_space<vmem>>[vector<16xi32>], vector<16xf32>,
      %add3A_789 = arith.addf %gather3A_787, %gather3A_788 : vector<16xf32>
      %get3A_790 = arith.index_cast %add3A_746 : i32 to index
      %get3A_791 = arith.constant 16 : index
      %get3A_792 = tpu.vector_load %arg14[%get3A_790, %get3A_791] {strides = array<i32>} : memref<160x64xf32, #tpu.memory_space<vmem>>, vector<16xf32>,
      %add3A_793 = arith.addf %add3A_789, %get3A_792 : vector<16xf32>
      %ge3A_794 = arith.constant 0.000000e+00 : f32
      %ge3A_795 = vector.broadcast %ge3A_794 : f32 to vector<16xf32>
      %ge3A_796 = arith.cmpf oge, %add3A_793, %ge3A_795 : vector<16xf32>
      %mul3A_797 = arith.constant 0.00999999977 : f32
      %mul3A_798 = vector.broadcast %mul3A_797 : f32 to vector<16xf32>
      %mul3A_799 = arith.mulf %add3A_793, %mul3A_798 : vector<16xf32>
      %select_n3A_800 = arith.select %ge3A_796, %add3A_793, %mul3A_799 : vector<16xi1>, vector<16xf32>
      %exp3A_801 = math.exp %select_n3A_800 : vector<16xf32>
      %shift_right_logical3A_802 = arith.constant 6 : i32
      %shift_right_logical3A_803 = vector.broadcast %shift_right_logical3A_802 : i32 to vector<16xi32>
      %shift_right_logical3A_804 = arith.shrui %get3A_783, %shift_right_logical3A_803 : vector<16xi32>
      %and3A_805 = arith.constant 63 : i32
      %and3A_806 = vector.broadcast %and3A_805 : i32 to vector<16xi32>
      %and3A_807 = arith.andi %get3A_783, %and3A_806 : vector<16xi32>
      %gather3A_808 = tpu.vector_load_idx %arg15[%shift_right_logical3A_804, %and3A_807] : memref<160x64xf32, #tpu.memory_space<vmem>>[vector<16xi32>, vector<16xi32>], vector<16xf32>,
      %add3A_809 = arith.constant 1.000000e-16 : f32
      %add3A_810 = vector.broadcast %add3A_809 : f32 to vector<16xf32>
      %add3A_811 = arith.addf %gather3A_808, %add3A_810 : vector<16xf32>
      %div3A_812 = arith.divf %exp3A_801, %add3A_811 : vector<16xf32>
      %swap3A_813 = arith.constant 16 : index
      %swap3A_814 = tpu.vector_load %arg20[%swap3A_813] {strides = array<i32>} : memref<80xf32, #tpu.memory_space<vmem>>, vector<16xf32>,
      tpu.vector_store %arg20[%swap3A_813], %div3A_812 {strides = array<i32>} : memref<80xf32, #tpu.memory_space<vmem>>, vector<16xf32>,
      %get3A_815 = arith.index_cast %add3A_746 : i32 to index
      %get3A_816 = arith.constant 32 : index
      %get3A_817 = tpu.vector_load %arg12[%get3A_815, %get3A_816] {strides = array<i32>} : memref<160x64xi32, #tpu.memory_space<vmem>>, vector<16xi32>,
      %get3A_818 = arith.index_cast %add3A_746 : i32 to index
      %get3A_819 = arith.constant 32 : index
      %get3A_820 = tpu.vector_load %arg13[%get3A_818, %get3A_819] {strides = array<i32>} : memref<160x64xi32, #tpu.memory_space<vmem>>, vector<16xi32>,
      %gather3A_821 = tpu.vector_load_idx %arg10[%get3A_817] : memref<10112xf32, #tpu.memory_space<vmem>>[vector<16xi32>], vector<16xf32>,
      %gather3A_822 = tpu.vector_load_idx %arg11[%get3A_820] : memref<10112xf32, #tpu.memory_space<vmem>>[vector<16xi32>], vector<16xf32>,
      %add3A_823 = arith.addf %gather3A_821, %gather3A_822 : vector<16xf32>
      %get3A_824 = arith.index_cast %add3A_746 : i32 to index
      %get3A_825 = arith.constant 32 : index
      %get3A_826 = tpu.vector_load %arg14[%get3A_824, %get3A_825] {strides = array<i32>} : memref<160x64xf32, #tpu.memory_space<vmem>>, vector<16xf32>,
      %add3A_827 = arith.addf %add3A_823, %get3A_826 : vector<16xf32>
      %ge3A_828 = arith.constant 0.000000e+00 : f32
      %ge3A_829 = vector.broadcast %ge3A_828 : f32 to vector<16xf32>
      %ge3A_830 = arith.cmpf oge, %add3A_827, %ge3A_829 : vector<16xf32>
      %mul3A_831 = arith.constant 0.00999999977 : f32
      %mul3A_832 = vector.broadcast %mul3A_831 : f32 to vector<16xf32>
      %mul3A_833 = arith.mulf %add3A_827, %mul3A_832 : vector<16xf32>
      %select_n3A_834 = arith.select %ge3A_830, %add3A_827, %mul3A_833 : vector<16xi1>, vector<16xf32>
      %exp3A_835 = math.exp %select_n3A_834 : vector<16xf32>
      %shift_right_logical3A_836 = arith.constant 6 : i32
      %shift_right_logical3A_837 = vector.broadcast %shift_right_logical3A_836 : i32 to vector<16xi32>
      %shift_right_logical3A_838 = arith.shrui %get3A_817, %shift_right_logical3A_837 : vector<16xi32>
      %and3A_839 = arith.constant 63 : i32
      %and3A_840 = vector.broadcast %and3A_839 : i32 to vector<16xi32>
      %and3A_841 = arith.andi %get3A_817, %and3A_840 : vector<16xi32>
      %gather3A_842 = tpu.vector_load_idx %arg15[%shift_right_logical3A_838, %and3A_841] : memref<160x64xf32, #tpu.memory_space<vmem>>[vector<16xi32>, vector<16xi32>], vector<16xf32>,
      %add3A_843 = arith.constant 1.000000e-16 : f32
      %add3A_844 = vector.broadcast %add3A_843 : f32 to vector<16xf32>
      %add3A_845 = arith.addf %gather3A_842, %add3A_844 : vector<16xf32>
      %div3A_846 = arith.divf %exp3A_835, %add3A_845 : vector<16xf32>
      %swap3A_847 = arith.constant 32 : index
      %swap3A_848 = tpu.vector_load %arg20[%swap3A_847] {strides = array<i32>} : memref<80xf32, #tpu.memory_space<vmem>>, vector<16xf32>,
      tpu.vector_store %arg20[%swap3A_847], %div3A_846 {strides = array<i32>} : memref<80xf32, #tpu.memory_space<vmem>>, vector<16xf32>,
      %get3A_849 = arith.index_cast %add3A_746 : i32 to index
      %get3A_850 = arith.constant 48 : index
      %get3A_851 = tpu.vector_load %arg12[%get3A_849, %get3A_850] {strides = array<i32>} : memref<160x64xi32, #tpu.memory_space<vmem>>, vector<16xi32>,
      %get3A_852 = arith.index_cast %add3A_746 : i32 to index
      %get3A_853 = arith.constant 48 : index
      %get3A_854 = tpu.vector_load %arg13[%get3A_852, %get3A_853] {strides = array<i32>} : memref<160x64xi32, #tpu.memory_space<vmem>>, vector<16xi32>,
      %gather3A_855 = tpu.vector_load_idx %arg10[%get3A_851] : memref<10112xf32, #tpu.memory_space<vmem>>[vector<16xi32>], vector<16xf32>,
      %gather3A_856 = tpu.vector_load_idx %arg11[%get3A_854] : memref<10112xf32, #tpu.memory_space<vmem>>[vector<16xi32>], vector<16xf32>,
      %add3A_857 = arith.addf %gather3A_855, %gather3A_856 : vector<16xf32>
      %get3A_858 = arith.index_cast %add3A_746 : i32 to index
      %get3A_859 = arith.constant 48 : index
      %get3A_860 = tpu.vector_load %arg14[%get3A_858, %get3A_859] {strides = array<i32>} : memref<160x64xf32, #tpu.memory_space<vmem>>, vector<16xf32>,
      %add3A_861 = arith.addf %add3A_857, %get3A_860 : vector<16xf32>
      %ge3A_862 = arith.constant 0.000000e+00 : f32
      %ge3A_863 = vector.broadcast %ge3A_862 : f32 to vector<16xf32>
      %ge3A_864 = arith.cmpf oge, %add3A_861, %ge3A_863 : vector<16xf32>
      %mul3A_865 = arith.constant 0.00999999977 : f32
      %mul3A_866 = vector.broadcast %mul3A_865 : f32 to vector<16xf32>
      %mul3A_867 = arith.mulf %add3A_861, %mul3A_866 : vector<16xf32>
      %select_n3A_868 = arith.select %ge3A_864, %add3A_861, %mul3A_867 : vector<16xi1>, vector<16xf32>
      %exp3A_869 = math.exp %select_n3A_868 : vector<16xf32>
      %shift_right_logical3A_870 = arith.constant 6 : i32
      %shift_right_logical3A_871 = vector.broadcast %shift_right_logical3A_870 : i32 to vector<16xi32>
      %shift_right_logical3A_872 = arith.shrui %get3A_851, %shift_right_logical3A_871 : vector<16xi32>
      %and3A_873 = arith.constant 63 : i32
      %and3A_874 = vector.broadcast %and3A_873 : i32 to vector<16xi32>
      %and3A_875 = arith.andi %get3A_851, %and3A_874 : vector<16xi32>
      %gather3A_876 = tpu.vector_load_idx %arg15[%shift_right_logical3A_872, %and3A_875] : memref<160x64xf32, #tpu.memory_space<vmem>>[vector<16xi32>, vector<16xi32>], vector<16xf32>,
      %add3A_877 = arith.constant 1.000000e-16 : f32
      %add3A_878 = vector.broadcast %add3A_877 : f32 to vector<16xf32>
      %add3A_879 = arith.addf %gather3A_876, %add3A_878 : vector<16xf32>
      %div3A_880 = arith.divf %exp3A_869, %add3A_879 : vector<16xf32>
      %swap3A_881 = arith.constant 48 : index
      %swap3A_882 = tpu.vector_load %arg20[%swap3A_881] {strides = array<i32>} : memref<80xf32, #tpu.memory_space<vmem>>, vector<16xf32>,
      tpu.vector_store %arg20[%swap3A_881], %div3A_880 {strides = array<i32>} : memref<80xf32, #tpu.memory_space<vmem>>, vector<16xf32>,
      %dma_wait3A_883 = arith.constant 2 : i32
      %dma_wait3A_884 = arith.constant 0 : i32
      %dma_wait3A_885 = tpu.memref_slice %arg13[%add3A_746, %dma_wait3A_884] : memref<160x64xi32, #tpu.memory_space<vmem>> -> memref<1x64xi32, #tpu.memory_space<vmem>>
      %dma_wait3A_886 = tpu.memref_squeeze %dma_wait3A_885 : memref<1x64xi32, #tpu.memory_space<vmem>> -> memref<64xi32, #tpu.memory_space<vmem>>
      %dma_wait3A_887 = arith.constant 0 : i32
      %dma_wait3A_888 = arith.constant 0 : i32
      %dma_wait3A_889 = tpu.memref_slice %arg2[%dma_wait3A_887, %dma_wait3A_888] : memref<10240x64xf32, #tpu.memory_space<hbm>> -> memref<10240x64xf32, #tpu.memory_space<hbm>>
      %dma_wait3A_890 = tpu.memref_slice %arg25[%dma_wait3A_883] : memref<4x!tpu.dma_semaphore, #tpu.memory_space<semaphore_mem>> -> memref<1x!tpu.dma_semaphore, #tpu.memory_space<semaphore_mem>>
      %dma_wait3A_891 = tpu.memref_squeeze %dma_wait3A_890 : memref<1x!tpu.dma_semaphore, #tpu.memory_space<semaphore_mem>> -> memref<!tpu.dma_semaphore, #tpu.memory_space<semaphore_mem>>
      tpu.wait_indirect_dma semaphore(%dma_wait3A_891 : memref<!tpu.dma_semaphore, #tpu.memory_space<semaphore_mem>>) src(%dma_wait3A_889 : memref<10240x64xf32, #tpu.memory_space<hbm>>) dst(%arg18 : memref<64x64xf32, #tpu.memory_space<vmem>>)
      %scan3A_892 = arith.constant 0 : i32
      %scan3A_893 = arith.constant 0 : i32
      %scan3A_894 = arith.constant 64 : i32
      %scan3A_895 = arith.addi %scan3A_893, %scan3A_894 : i32
      %scan3A_896 = arith.constant 1 : i32
      scf.for %scan3A_1095 = %scan3A_893 to %scan3A_895 step %scan3A_896  : i32 {
        %get3A_1096 = arith.index_cast %scan3A_1095 : i32 to index
        %get3A_1097 = tpu.vector_load %arg20[%get3A_1096] {strides = array<i32>} : memref<80xf32, #tpu.memory_space<vmem>>, vector<16xf32>,
        %slice3A = vector.extract_strided_slice %get3A_1097 {offsets = [0], sizes = [1], strides = [1]} : vector<16xf32> to vector<1xf32>
        %squeeze3A = vector.extract %slice3A[0] : f32 from vector<1xf32>
        %get3A_1098 = arith.index_cast %scan3A_1095 : i32 to index
        %get3A_1099 = arith.constant 0 : index
        %get3A_1100 = tpu.vector_load %arg18[%get3A_1098, %get3A_1099] {strides = array<i32>} : memref<64x64xf32, #tpu.memory_space<vmem>>, vector<16xf32>,
        %mul3A_1101 = vector.broadcast %squeeze3A : f32 to vector<16xf32>
        %mul3A_1102 = arith.mulf %get3A_1100, %mul3A_1101 : vector<16xf32>
        %swap3A_1103 = arith.index_cast %scan3A_1095 : i32 to index
        %swap3A_1104 = arith.constant 0 : index
        %swap3A_1105 = tpu.vector_load %arg18[%swap3A_1103, %swap3A_1104] {strides = array<i32>} : memref<64x64xf32, #tpu.memory_space<vmem>>, vector<16xf32>,
        tpu.vector_store %arg18[%swap3A_1103, %swap3A_1104], %mul3A_1102 {strides = array<i32>} : memref<64x64xf32, #tpu.memory_space<vmem>>, vector<16xf32>,
        %get3A_1106 = arith.index_cast %scan3A_1095 : i32 to index
        %get3A_1107 = arith.constant 16 : index
        %get3A_1108 = tpu.vector_load %arg18[%get3A_1106, %get3A_1107] {strides = array<i32>} : memref<64x64xf32, #tpu.memory_space<vmem>>, vector<16xf32>,
        %mul3A_1109 = vector.broadcast %squeeze3A : f32 to vector<16xf32>
        %mul3A_1110 = arith.mulf %get3A_1108, %mul3A_1109 : vector<16xf32>
        %swap3A_1111 = arith.index_cast %scan3A_1095 : i32 to index
        %swap3A_1112 = arith.constant 16 : index
        %swap3A_1113 = tpu.vector_load %arg18[%swap3A_1111, %swap3A_1112] {strides = array<i32>} : memref<64x64xf32, #tpu.memory_space<vmem>>, vector<16xf32>,
        tpu.vector_store %arg18[%swap3A_1111, %swap3A_1112], %mul3A_1110 {strides = array<i32>} : memref<64x64xf32, #tpu.memory_space<vmem>>, vector<16xf32>,
        %get3A_1114 = arith.index_cast %scan3A_1095 : i32 to index
        %get3A_1115 = arith.constant 32 : index
        %get3A_1116 = tpu.vector_load %arg18[%get3A_1114, %get3A_1115] {strides = array<i32>} : memref<64x64xf32, #tpu.memory_space<vmem>>, vector<16xf32>,
        %mul3A_1117 = vector.broadcast %squeeze3A : f32 to vector<16xf32>
        %mul3A_1118 = arith.mulf %get3A_1116, %mul3A_1117 : vector<16xf32>
        %swap3A_1119 = arith.index_cast %scan3A_1095 : i32 to index
        %swap3A_1120 = arith.constant 32 : index
        %swap3A_1121 = tpu.vector_load %arg18[%swap3A_1119, %swap3A_1120] {strides = array<i32>} : memref<64x64xf32, #tpu.memory_space<vmem>>, vector<16xf32>,
        tpu.vector_store %arg18[%swap3A_1119, %swap3A_1120], %mul3A_1118 {strides = array<i32>} : memref<64x64xf32, #tpu.memory_space<vmem>>, vector<16xf32>,
        %get3A_1122 = arith.index_cast %scan3A_1095 : i32 to index
        %get3A_1123 = arith.constant 48 : index
        %get3A_1124 = tpu.vector_load %arg18[%get3A_1122, %get3A_1123] {strides = array<i32>} : memref<64x64xf32, #tpu.memory_space<vmem>>, vector<16xf32>,
        %mul3A_1125 = vector.broadcast %squeeze3A : f32 to vector<16xf32>
        %mul3A_1126 = arith.mulf %get3A_1124, %mul3A_1125 : vector<16xf32>
        %swap3A_1127 = arith.index_cast %scan3A_1095 : i32 to index
        %swap3A_1128 = arith.constant 48 : index
        %swap3A_1129 = tpu.vector_load %arg18[%swap3A_1127, %swap3A_1128] {strides = array<i32>} : memref<64x64xf32, #tpu.memory_space<vmem>>, vector<16xf32>,
        tpu.vector_store %arg18[%swap3A_1127, %swap3A_1128], %mul3A_1126 {strides = array<i32>} : memref<64x64xf32, #tpu.memory_space<vmem>>, vector<16xf32>,
      }
      %scan3A_897 = arith.constant 64 : i32
      %dma_start3A_898 = arith.constant 2 : i32
      %dma_start3A_899 = arith.constant 0 : i32
      %dma_start3A_900 = tpu.memref_slice %arg12[%add3A_746, %dma_start3A_899] : memref<160x64xi32, #tpu.memory_space<vmem>> -> memref<1x64xi32, #tpu.memory_space<vmem>>
      %dma_start3A_901 = tpu.memref_squeeze %dma_start3A_900 : memref<1x64xi32, #tpu.memory_space<vmem>> -> memref<64xi32, #tpu.memory_space<vmem>>
      %dma_start3A_902 = arith.constant 0 : i32
      %dma_start3A_903 = arith.constant 0 : i32
      %dma_start3A_904 = tpu.memref_slice %arg24[%dma_start3A_902, %dma_start3A_903] : memref<10112x64xf32, #tpu.memory_space<vmem_shared>> -> memref<10112x64xf32, #tpu.memory_space<vmem_shared>>
      %dma_start3A_905 = tpu.memref_slice %arg26[%dma_start3A_898] : memref<4x!tpu.dma_semaphore, #tpu.memory_space<semaphore_mem>> -> memref<1x!tpu.dma_semaphore, #tpu.memory_space<semaphore_mem>>
      %dma_start3A_906 = tpu.memref_squeeze %dma_start3A_905 : memref<1x!tpu.dma_semaphore, #tpu.memory_space<semaphore_mem>> -> memref<!tpu.dma_semaphore, #tpu.memory_space<semaphore_mem>>
      tpu.enqueue_indirect_dma source(%arg18 : memref<64x64xf32, #tpu.memory_space<vmem>>) target(%dma_start3A_904 : memref<10112x64xf32, #tpu.memory_space<vmem_shared>>) offsets(%dma_start3A_901 : memref<64xi32, #tpu.memory_space<vmem>>) semaphore(%dma_start3A_906 : memref<!tpu.dma_semaphore, #tpu.memory_space<semaphore_mem>>) {add = true}
      %sub3A_907 = arith.constant 1 : i32
      %sub3A_908 = arith.subi %add3A_746, %sub3A_907 : i32
      %add3A_909 = arith.constant 4 : i32
      %add3A_910 = arith.addi %sub3A_908, %add3A_909 : i32
      %ge3A_911 = arith.constant 0 : i32
      %ge3A_912 = arith.cmpi sge, %sub3A_908, %ge3A_911 : i32
      %lt3A_913 = arith.constant 160 : i32
      %lt3A_914 = arith.cmpi slt, %add3A_910, %lt3A_913 : i32
      %and3A_915 = arith.andi %ge3A_912, %lt3A_914 : i1
      %convert_element_type3A_916 = arith.extui %and3A_915 : i1 to i32
      %cond3A_917 = arith.constant 0 : i32
      %cond3A_918 = arith.cmpi ne, %convert_element_type3A_916, %cond3A_917 : i32
      scf.if %cond3A_918 {
        %dma_wait3A_1095 = arith.constant 1 : i32
        %dma_wait3A_1096 = arith.constant 0 : i32
        %dma_wait3A_1097 = tpu.memref_slice %arg12[%sub3A_908, %dma_wait3A_1096] : memref<160x64xi32, #tpu.memory_space<vmem>> -> memref<1x64xi32, #tpu.memory_space<vmem>>
        %dma_wait3A_1098 = tpu.memref_squeeze %dma_wait3A_1097 : memref<1x64xi32, #tpu.memory_space<vmem>> -> memref<64xi32, #tpu.memory_space<vmem>>
        %dma_wait3A_1099 = arith.constant 0 : i32
        %dma_wait3A_1100 = arith.constant 0 : i32
        %dma_wait3A_1101 = tpu.memref_slice %arg24[%dma_wait3A_1099, %dma_wait3A_1100] : memref<10112x64xf32, #tpu.memory_space<vmem_shared>> -> memref<10112x64xf32, #tpu.memory_space<vmem_shared>>
        %dma_wait3A_1102 = tpu.memref_slice %arg26[%dma_wait3A_1095] : memref<4x!tpu.dma_semaphore, #tpu.memory_space<semaphore_mem>> -> memref<1x!tpu.dma_semaphore, #tpu.memory_space<semaphore_mem>>
        %dma_wait3A_1103 = tpu.memref_squeeze %dma_wait3A_1102 : memref<1x!tpu.dma_semaphore, #tpu.memory_space<semaphore_mem>> -> memref<!tpu.dma_semaphore, #tpu.memory_space<semaphore_mem>>
        tpu.wait_indirect_dma semaphore(%dma_wait3A_1103 : memref<!tpu.dma_semaphore, #tpu.memory_space<semaphore_mem>>) src(%arg17 : memref<64x64xf32, #tpu.memory_space<vmem>>) dst(%dma_wait3A_1101 : memref<10112x64xf32, #tpu.memory_space<vmem_shared>>)
        %dma_start3A_1104 = arith.constant 1 : i32
        %dma_start3A_1105 = arith.constant 0 : i32
        %dma_start3A_1106 = tpu.memref_slice %arg13[%add3A_910, %dma_start3A_1105] : memref<160x64xi32, #tpu.memory_space<vmem>> -> memref<1x64xi32, #tpu.memory_space<vmem>>
        %dma_start3A_1107 = tpu.memref_squeeze %dma_start3A_1106 : memref<1x64xi32, #tpu.memory_space<vmem>> -> memref<64xi32, #tpu.memory_space<vmem>>
        %dma_start3A_1108 = arith.constant 0 : i32
        %dma_start3A_1109 = arith.constant 0 : i32
        %dma_start3A_1110 = tpu.memref_slice %arg2[%dma_start3A_1108, %dma_start3A_1109] : memref<10240x64xf32, #tpu.memory_space<hbm>> -> memref<10240x64xf32, #tpu.memory_space<hbm>>
        %dma_start3A_1111 = tpu.memref_slice %arg25[%dma_start3A_1104] : memref<4x!tpu.dma_semaphore, #tpu.memory_space<semaphore_mem>> -> memref<1x!tpu.dma_semaphore, #tpu.memory_space<semaphore_mem>>
        %dma_start3A_1112 = tpu.memref_squeeze %dma_start3A_1111 : memref<1x!tpu.dma_semaphore, #tpu.memory_space<semaphore_mem>> -> memref<!tpu.dma_semaphore, #tpu.memory_space<semaphore_mem>>
        tpu.enqueue_indirect_dma source(%dma_start3A_1110 : memref<10240x64xf32, #tpu.memory_space<hbm>>) target(%arg17 : memref<64x64xf32, #tpu.memory_space<vmem>>) offsets(%dma_start3A_1107 : memref<64xi32, #tpu.memory_space<vmem>>) semaphore(%dma_start3A_1112 : memref<!tpu.dma_semaphore, #tpu.memory_space<semaphore_mem>>)
      } else {
      }
      %mul3A_919 = arith.constant 4 : i32
      %mul3A_920 = arith.muli %scan3A_403, %mul3A_919 : i32
      %add3A_921 = arith.constant 3 : i32
      %add3A_922 = arith.addi %mul3A_920, %add3A_921 : i32
      %get3A_923 = arith.index_cast %add3A_922 : i32 to index
      %get3A_924 = arith.constant 0 : index
      %get3A_925 = tpu.vector_load %arg12[%get3A_923, %get3A_924] {strides = array<i32>} : memref<160x64xi32, #tpu.memory_space<vmem>>, vector<16xi32>,
      %get3A_926 = arith.index_cast %add3A_922 : i32 to index
      %get3A_927 = arith.constant 0 : index
      %get3A_928 = tpu.vector_load %arg13[%get3A_926, %get3A_927] {strides = array<i32>} : memref<160x64xi32, #tpu.memory_space<vmem>>, vector<16xi32>,
      %gather3A_929 = tpu.vector_load_idx %arg10[%get3A_925] : memref<10112xf32, #tpu.memory_space<vmem>>[vector<16xi32>], vector<16xf32>,
      %gather3A_930 = tpu.vector_load_idx %arg11[%get3A_928] : memref<10112xf32, #tpu.memory_space<vmem>>[vector<16xi32>], vector<16xf32>,
      %add3A_931 = arith.addf %gather3A_929, %gather3A_930 : vector<16xf32>
      %get3A_932 = arith.index_cast %add3A_922 : i32 to index
      %get3A_933 = arith.constant 0 : index
      %get3A_934 = tpu.vector_load %arg14[%get3A_932, %get3A_933] {strides = array<i32>} : memref<160x64xf32, #tpu.memory_space<vmem>>, vector<16xf32>,
      %add3A_935 = arith.addf %add3A_931, %get3A_934 : vector<16xf32>
      %ge3A_936 = arith.constant 0.000000e+00 : f32
      %ge3A_937 = vector.broadcast %ge3A_936 : f32 to vector<16xf32>
      %ge3A_938 = arith.cmpf oge, %add3A_935, %ge3A_937 : vector<16xf32>
      %mul3A_939 = arith.constant 0.00999999977 : f32
      %mul3A_940 = vector.broadcast %mul3A_939 : f32 to vector<16xf32>
      %mul3A_941 = arith.mulf %add3A_935, %mul3A_940 : vector<16xf32>
      %select_n3A_942 = arith.select %ge3A_938, %add3A_935, %mul3A_941 : vector<16xi1>, vector<16xf32>
      %exp3A_943 = math.exp %select_n3A_942 : vector<16xf32>
      %shift_right_logical3A_944 = arith.constant 6 : i32
      %shift_right_logical3A_945 = vector.broadcast %shift_right_logical3A_944 : i32 to vector<16xi32>
      %shift_right_logical3A_946 = arith.shrui %get3A_925, %shift_right_logical3A_945 : vector<16xi32>
      %and3A_947 = arith.constant 63 : i32
      %and3A_948 = vector.broadcast %and3A_947 : i32 to vector<16xi32>
      %and3A_949 = arith.andi %get3A_925, %and3A_948 : vector<16xi32>
      %gather3A_950 = tpu.vector_load_idx %arg15[%shift_right_logical3A_946, %and3A_949] : memref<160x64xf32, #tpu.memory_space<vmem>>[vector<16xi32>, vector<16xi32>], vector<16xf32>,
      %add3A_951 = arith.constant 1.000000e-16 : f32
      %add3A_952 = vector.broadcast %add3A_951 : f32 to vector<16xf32>
      %add3A_953 = arith.addf %gather3A_950, %add3A_952 : vector<16xf32>
      %div3A_954 = arith.divf %exp3A_943, %add3A_953 : vector<16xf32>
      %swap3A_955 = arith.constant 0 : index
      %swap3A_956 = tpu.vector_load %arg20[%swap3A_955] {strides = array<i32>} : memref<80xf32, #tpu.memory_space<vmem>>, vector<16xf32>,
      tpu.vector_store %arg20[%swap3A_955], %div3A_954 {strides = array<i32>} : memref<80xf32, #tpu.memory_space<vmem>>, vector<16xf32>,
      %get3A_957 = arith.index_cast %add3A_922 : i32 to index
      %get3A_958 = arith.constant 16 : index
      %get3A_959 = tpu.vector_load %arg12[%get3A_957, %get3A_958] {strides = array<i32>} : memref<160x64xi32, #tpu.memory_space<vmem>>, vector<16xi32>,
      %get3A_960 = arith.index_cast %add3A_922 : i32 to index
      %get3A_961 = arith.constant 16 : index
      %get3A_962 = tpu.vector_load %arg13[%get3A_960, %get3A_961] {strides = array<i32>} : memref<160x64xi32, #tpu.memory_space<vmem>>, vector<16xi32>,
      %gather3A_963 = tpu.vector_load_idx %arg10[%get3A_959] : memref<10112xf32, #tpu.memory_space<vmem>>[vector<16xi32>], vector<16xf32>,
      %gather3A_964 = tpu.vector_load_idx %arg11[%get3A_962] : memref<10112xf32, #tpu.memory_space<vmem>>[vector<16xi32>], vector<16xf32>,
      %add3A_965 = arith.addf %gather3A_963, %gather3A_964 : vector<16xf32>
      %get3A_966 = arith.index_cast %add3A_922 : i32 to index
      %get3A_967 = arith.constant 16 : index
      %get3A_968 = tpu.vector_load %arg14[%get3A_966, %get3A_967] {strides = array<i32>} : memref<160x64xf32, #tpu.memory_space<vmem>>, vector<16xf32>,
      %add3A_969 = arith.addf %add3A_965, %get3A_968 : vector<16xf32>
      %ge3A_970 = arith.constant 0.000000e+00 : f32
      %ge3A_971 = vector.broadcast %ge3A_970 : f32 to vector<16xf32>
      %ge3A_972 = arith.cmpf oge, %add3A_969, %ge3A_971 : vector<16xf32>
      %mul3A_973 = arith.constant 0.00999999977 : f32
      %mul3A_974 = vector.broadcast %mul3A_973 : f32 to vector<16xf32>
      %mul3A_975 = arith.mulf %add3A_969, %mul3A_974 : vector<16xf32>
      %select_n3A_976 = arith.select %ge3A_972, %add3A_969, %mul3A_975 : vector<16xi1>, vector<16xf32>
      %exp3A_977 = math.exp %select_n3A_976 : vector<16xf32>
      %shift_right_logical3A_978 = arith.constant 6 : i32
      %shift_right_logical3A_979 = vector.broadcast %shift_right_logical3A_978 : i32 to vector<16xi32>
      %shift_right_logical3A_980 = arith.shrui %get3A_959, %shift_right_logical3A_979 : vector<16xi32>
      %and3A_981 = arith.constant 63 : i32
      %and3A_982 = vector.broadcast %and3A_981 : i32 to vector<16xi32>
      %and3A_983 = arith.andi %get3A_959, %and3A_982 : vector<16xi32>
      %gather3A_984 = tpu.vector_load_idx %arg15[%shift_right_logical3A_980, %and3A_983] : memref<160x64xf32, #tpu.memory_space<vmem>>[vector<16xi32>, vector<16xi32>], vector<16xf32>,
      %add3A_985 = arith.constant 1.000000e-16 : f32
      %add3A_986 = vector.broadcast %add3A_985 : f32 to vector<16xf32>
      %add3A_987 = arith.addf %gather3A_984, %add3A_986 : vector<16xf32>
      %div3A_988 = arith.divf %exp3A_977, %add3A_987 : vector<16xf32>
      %swap3A_989 = arith.constant 16 : index
      %swap3A_990 = tpu.vector_load %arg20[%swap3A_989] {strides = array<i32>} : memref<80xf32, #tpu.memory_space<vmem>>, vector<16xf32>,
      tpu.vector_store %arg20[%swap3A_989], %div3A_988 {strides = array<i32>} : memref<80xf32, #tpu.memory_space<vmem>>, vector<16xf32>,
      %get3A_991 = arith.index_cast %add3A_922 : i32 to index
      %get3A_992 = arith.constant 32 : index
      %get3A_993 = tpu.vector_load %arg12[%get3A_991, %get3A_992] {strides = array<i32>} : memref<160x64xi32, #tpu.memory_space<vmem>>, vector<16xi32>,
      %get3A_994 = arith.index_cast %add3A_922 : i32 to index
      %get3A_995 = arith.constant 32 : index
      %get3A_996 = tpu.vector_load %arg13[%get3A_994, %get3A_995] {strides = array<i32>} : memref<160x64xi32, #tpu.memory_space<vmem>>, vector<16xi32>,
      %gather3A_997 = tpu.vector_load_idx %arg10[%get3A_993] : memref<10112xf32, #tpu.memory_space<vmem>>[vector<16xi32>], vector<16xf32>,
      %gather3A_998 = tpu.vector_load_idx %arg11[%get3A_996] : memref<10112xf32, #tpu.memory_space<vmem>>[vector<16xi32>], vector<16xf32>,
      %add3A_999 = arith.addf %gather3A_997, %gather3A_998 : vector<16xf32>
      %get3A_1000 = arith.index_cast %add3A_922 : i32 to index
      %get3A_1001 = arith.constant 32 : index
      %get3A_1002 = tpu.vector_load %arg14[%get3A_1000, %get3A_1001] {strides = array<i32>} : memref<160x64xf32, #tpu.memory_space<vmem>>, vector<16xf32>,
      %add3A_1003 = arith.addf %add3A_999, %get3A_1002 : vector<16xf32>
      %ge3A_1004 = arith.constant 0.000000e+00 : f32
      %ge3A_1005 = vector.broadcast %ge3A_1004 : f32 to vector<16xf32>
      %ge3A_1006 = arith.cmpf oge, %add3A_1003, %ge3A_1005 : vector<16xf32>
      %mul3A_1007 = arith.constant 0.00999999977 : f32
      %mul3A_1008 = vector.broadcast %mul3A_1007 : f32 to vector<16xf32>
      %mul3A_1009 = arith.mulf %add3A_1003, %mul3A_1008 : vector<16xf32>
      %select_n3A_1010 = arith.select %ge3A_1006, %add3A_1003, %mul3A_1009 : vector<16xi1>, vector<16xf32>
      %exp3A_1011 = math.exp %select_n3A_1010 : vector<16xf32>
      %shift_right_logical3A_1012 = arith.constant 6 : i32
      %shift_right_logical3A_1013 = vector.broadcast %shift_right_logical3A_1012 : i32 to vector<16xi32>
      %shift_right_logical3A_1014 = arith.shrui %get3A_993, %shift_right_logical3A_1013 : vector<16xi32>
      %and3A_1015 = arith.constant 63 : i32
      %and3A_1016 = vector.broadcast %and3A_1015 : i32 to vector<16xi32>
      %and3A_1017 = arith.andi %get3A_993, %and3A_1016 : vector<16xi32>
      %gather3A_1018 = tpu.vector_load_idx %arg15[%shift_right_logical3A_1014, %and3A_1017] : memref<160x64xf32, #tpu.memory_space<vmem>>[vector<16xi32>, vector<16xi32>], vector<16xf32>,
      %add3A_1019 = arith.constant 1.000000e-16 : f32
      %add3A_1020 = vector.broadcast %add3A_1019 : f32 to vector<16xf32>
      %add3A_1021 = arith.addf %gather3A_1018, %add3A_1020 : vector<16xf32>
      %div3A_1022 = arith.divf %exp3A_1011, %add3A_1021 : vector<16xf32>
      %swap3A_1023 = arith.constant 32 : index
      %swap3A_1024 = tpu.vector_load %arg20[%swap3A_1023] {strides = array<i32>} : memref<80xf32, #tpu.memory_space<vmem>>, vector<16xf32>,
      tpu.vector_store %arg20[%swap3A_1023], %div3A_1022 {strides = array<i32>} : memref<80xf32, #tpu.memory_space<vmem>>, vector<16xf32>,
      %get3A_1025 = arith.index_cast %add3A_922 : i32 to index
      %get3A_1026 = arith.constant 48 : index
      %get3A_1027 = tpu.vector_load %arg12[%get3A_1025, %get3A_1026] {strides = array<i32>} : memref<160x64xi32, #tpu.memory_space<vmem>>, vector<16xi32>,
      %get3A_1028 = arith.index_cast %add3A_922 : i32 to index
      %get3A_1029 = arith.constant 48 : index
      %get3A_1030 = tpu.vector_load %arg13[%get3A_1028, %get3A_1029] {strides = array<i32>} : memref<160x64xi32, #tpu.memory_space<vmem>>, vector<16xi32>,
      %gather3A_1031 = tpu.vector_load_idx %arg10[%get3A_1027] : memref<10112xf32, #tpu.memory_space<vmem>>[vector<16xi32>], vector<16xf32>,
      %gather3A_1032 = tpu.vector_load_idx %arg11[%get3A_1030] : memref<10112xf32, #tpu.memory_space<vmem>>[vector<16xi32>], vector<16xf32>,
      %add3A_1033 = arith.addf %gather3A_1031, %gather3A_1032 : vector<16xf32>
      %get3A_1034 = arith.index_cast %add3A_922 : i32 to index
      %get3A_1035 = arith.constant 48 : index
      %get3A_1036 = tpu.vector_load %arg14[%get3A_1034, %get3A_1035] {strides = array<i32>} : memref<160x64xf32, #tpu.memory_space<vmem>>, vector<16xf32>,
      %add3A_1037 = arith.addf %add3A_1033, %get3A_1036 : vector<16xf32>
      %ge3A_1038 = arith.constant 0.000000e+00 : f32
      %ge3A_1039 = vector.broadcast %ge3A_1038 : f32 to vector<16xf32>
      %ge3A_1040 = arith.cmpf oge, %add3A_1037, %ge3A_1039 : vector<16xf32>
      %mul3A_1041 = arith.constant 0.00999999977 : f32
      %mul3A_1042 = vector.broadcast %mul3A_1041 : f32 to vector<16xf32>
      %mul3A_1043 = arith.mulf %add3A_1037, %mul3A_1042 : vector<16xf32>
      %select_n3A_1044 = arith.select %ge3A_1040, %add3A_1037, %mul3A_1043 : vector<16xi1>, vector<16xf32>
      %exp3A_1045 = math.exp %select_n3A_1044 : vector<16xf32>
      %shift_right_logical3A_1046 = arith.constant 6 : i32
      %shift_right_logical3A_1047 = vector.broadcast %shift_right_logical3A_1046 : i32 to vector<16xi32>
      %shift_right_logical3A_1048 = arith.shrui %get3A_1027, %shift_right_logical3A_1047 : vector<16xi32>
      %and3A_1049 = arith.constant 63 : i32
      %and3A_1050 = vector.broadcast %and3A_1049 : i32 to vector<16xi32>
      %and3A_1051 = arith.andi %get3A_1027, %and3A_1050 : vector<16xi32>
      %gather3A_1052 = tpu.vector_load_idx %arg15[%shift_right_logical3A_1048, %and3A_1051] : memref<160x64xf32, #tpu.memory_space<vmem>>[vector<16xi32>, vector<16xi32>], vector<16xf32>,
      %add3A_1053 = arith.constant 1.000000e-16 : f32
      %add3A_1054 = vector.broadcast %add3A_1053 : f32 to vector<16xf32>
      %add3A_1055 = arith.addf %gather3A_1052, %add3A_1054 : vector<16xf32>
      %div3A_1056 = arith.divf %exp3A_1045, %add3A_1055 : vector<16xf32>
      %swap3A_1057 = arith.constant 48 : index
      %swap3A_1058 = tpu.vector_load %arg20[%swap3A_1057] {strides = array<i32>} : memref<80xf32, #tpu.memory_space<vmem>>, vector<16xf32>,
      tpu.vector_store %arg20[%swap3A_1057], %div3A_1056 {strides = array<i32>} : memref<80xf32, #tpu.memory_space<vmem>>, vector<16xf32>,
      %dma_wait3A_1059 = arith.constant 3 : i32
      %dma_wait3A_1060 = arith.constant 0 : i32
      %dma_wait3A_1061 = tpu.memref_slice %arg13[%add3A_922, %dma_wait3A_1060] : memref<160x64xi32, #tpu.memory_space<vmem>> -> memref<1x64xi32, #tpu.memory_space<vmem>>
      %dma_wait3A_1062 = tpu.memref_squeeze %dma_wait3A_1061 : memref<1x64xi32, #tpu.memory_space<vmem>> -> memref<64xi32, #tpu.memory_space<vmem>>
      %dma_wait3A_1063 = arith.constant 0 : i32
      %dma_wait3A_1064 = arith.constant 0 : i32
      %dma_wait3A_1065 = tpu.memref_slice %arg2[%dma_wait3A_1063, %dma_wait3A_1064] : memref<10240x64xf32, #tpu.memory_space<hbm>> -> memref<10240x64xf32, #tpu.memory_space<hbm>>
      %dma_wait3A_1066 = tpu.memref_slice %arg25[%dma_wait3A_1059] : memref<4x!tpu.dma_semaphore, #tpu.memory_space<semaphore_mem>> -> memref<1x!tpu.dma_semaphore, #tpu.memory_space<semaphore_mem>>
      %dma_wait3A_1067 = tpu.memref_squeeze %dma_wait3A_1066 : memref<1x!tpu.dma_semaphore, #tpu.memory_space<semaphore_mem>> -> memref<!tpu.dma_semaphore, #tpu.memory_space<semaphore_mem>>
      tpu.wait_indirect_dma semaphore(%dma_wait3A_1067 : memref<!tpu.dma_semaphore, #tpu.memory_space<semaphore_mem>>) src(%dma_wait3A_1065 : memref<10240x64xf32, #tpu.memory_space<hbm>>) dst(%arg19 : memref<64x64xf32, #tpu.memory_space<vmem>>)
      %scan3A_1068 = arith.constant 0 : i32
      %scan3A_1069 = arith.constant 0 : i32
      %scan3A_1070 = arith.constant 64 : i32
      %scan3A_1071 = arith.addi %scan3A_1069, %scan3A_1070 : i32
      %scan3A_1072 = arith.constant 1 : i32
      scf.for %scan3A_1095 = %scan3A_1069 to %scan3A_1071 step %scan3A_1072  : i32 {
        %get3A_1096 = arith.index_cast %scan3A_1095 : i32 to index
        %get3A_1097 = tpu.vector_load %arg20[%get3A_1096] {strides = array<i32>} : memref<80xf32, #tpu.memory_space<vmem>>, vector<16xf32>,
        %slice3A = vector.extract_strided_slice %get3A_1097 {offsets = [0], sizes = [1], strides = [1]} : vector<16xf32> to vector<1xf32>
        %squeeze3A = vector.extract %slice3A[0] : f32 from vector<1xf32>
        %get3A_1098 = arith.index_cast %scan3A_1095 : i32 to index
        %get3A_1099 = arith.constant 0 : index
        %get3A_1100 = tpu.vector_load %arg19[%get3A_1098, %get3A_1099] {strides = array<i32>} : memref<64x64xf32, #tpu.memory_space<vmem>>, vector<16xf32>,
        %mul3A_1101 = vector.broadcast %squeeze3A : f32 to vector<16xf32>
        %mul3A_1102 = arith.mulf %get3A_1100, %mul3A_1101 : vector<16xf32>
        %swap3A_1103 = arith.index_cast %scan3A_1095 : i32 to index
        %swap3A_1104 = arith.constant 0 : index
        %swap3A_1105 = tpu.vector_load %arg19[%swap3A_1103, %swap3A_1104] {strides = array<i32>} : memref<64x64xf32, #tpu.memory_space<vmem>>, vector<16xf32>,
        tpu.vector_store %arg19[%swap3A_1103, %swap3A_1104], %mul3A_1102 {strides = array<i32>} : memref<64x64xf32, #tpu.memory_space<vmem>>, vector<16xf32>,
        %get3A_1106 = arith.index_cast %scan3A_1095 : i32 to index
        %get3A_1107 = arith.constant 16 : index
        %get3A_1108 = tpu.vector_load %arg19[%get3A_1106, %get3A_1107] {strides = array<i32>} : memref<64x64xf32, #tpu.memory_space<vmem>>, vector<16xf32>,
        %mul3A_1109 = vector.broadcast %squeeze3A : f32 to vector<16xf32>
        %mul3A_1110 = arith.mulf %get3A_1108, %mul3A_1109 : vector<16xf32>
        %swap3A_1111 = arith.index_cast %scan3A_1095 : i32 to index
        %swap3A_1112 = arith.constant 16 : index
        %swap3A_1113 = tpu.vector_load %arg19[%swap3A_1111, %swap3A_1112] {strides = array<i32>} : memref<64x64xf32, #tpu.memory_space<vmem>>, vector<16xf32>,
        tpu.vector_store %arg19[%swap3A_1111, %swap3A_1112], %mul3A_1110 {strides = array<i32>} : memref<64x64xf32, #tpu.memory_space<vmem>>, vector<16xf32>,
        %get3A_1114 = arith.index_cast %scan3A_1095 : i32 to index
        %get3A_1115 = arith.constant 32 : index
        %get3A_1116 = tpu.vector_load %arg19[%get3A_1114, %get3A_1115] {strides = array<i32>} : memref<64x64xf32, #tpu.memory_space<vmem>>, vector<16xf32>,
        %mul3A_1117 = vector.broadcast %squeeze3A : f32 to vector<16xf32>
        %mul3A_1118 = arith.mulf %get3A_1116, %mul3A_1117 : vector<16xf32>
        %swap3A_1119 = arith.index_cast %scan3A_1095 : i32 to index
        %swap3A_1120 = arith.constant 32 : index
        %swap3A_1121 = tpu.vector_load %arg19[%swap3A_1119, %swap3A_1120] {strides = array<i32>} : memref<64x64xf32, #tpu.memory_space<vmem>>, vector<16xf32>,
        tpu.vector_store %arg19[%swap3A_1119, %swap3A_1120], %mul3A_1118 {strides = array<i32>} : memref<64x64xf32, #tpu.memory_space<vmem>>, vector<16xf32>,
        %get3A_1122 = arith.index_cast %scan3A_1095 : i32 to index
        %get3A_1123 = arith.constant 48 : index
        %get3A_1124 = tpu.vector_load %arg19[%get3A_1122, %get3A_1123] {strides = array<i32>} : memref<64x64xf32, #tpu.memory_space<vmem>>, vector<16xf32>,
        %mul3A_1125 = vector.broadcast %squeeze3A : f32 to vector<16xf32>
        %mul3A_1126 = arith.mulf %get3A_1124, %mul3A_1125 : vector<16xf32>
        %swap3A_1127 = arith.index_cast %scan3A_1095 : i32 to index
        %swap3A_1128 = arith.constant 48 : index
        %swap3A_1129 = tpu.vector_load %arg19[%swap3A_1127, %swap3A_1128] {strides = array<i32>} : memref<64x64xf32, #tpu.memory_space<vmem>>, vector<16xf32>,
        tpu.vector_store %arg19[%swap3A_1127, %swap3A_1128], %mul3A_1126 {strides = array<i32>} : memref<64x64xf32, #tpu.memory_space<vmem>>, vector<16xf32>,
      }
      %scan3A_1073 = arith.constant 64 : i32
      %dma_start3A_1074 = arith.constant 3 : i32
      %dma_start3A_1075 = arith.constant 0 : i32
      %dma_start3A_1076 = tpu.memref_slice %arg12[%add3A_922, %dma_start3A_1075] : memref<160x64xi32, #tpu.memory_space<vmem>> -> memref<1x64xi32, #tpu.memory_space<vmem>>
      %dma_start3A_1077 = tpu.memref_squeeze %dma_start3A_1076 : memref<1x64xi32, #tpu.memory_space<vmem>> -> memref<64xi32, #tpu.memory_space<vmem>>
      %dma_start3A_1078 = arith.constant 0 : i32
      %dma_start3A_1079 = arith.constant 0 : i32
      %dma_start3A_1080 = tpu.memref_slice %arg24[%dma_start3A_1078, %dma_start3A_1079] : memref<10112x64xf32, #tpu.memory_space<vmem_shared>> -> memref<10112x64xf32, #tpu.memory_space<vmem_shared>>
      %dma_start3A_1081 = tpu.memref_slice %arg26[%dma_start3A_1074] : memref<4x!tpu.dma_semaphore, #tpu.memory_space<semaphore_mem>> -> memref<1x!tpu.dma_semaphore, #tpu.memory_space<semaphore_mem>>
      %dma_start3A_1082 = tpu.memref_squeeze %dma_start3A_1081 : memref<1x!tpu.dma_semaphore, #tpu.memory_space<semaphore_mem>> -> memref<!tpu.dma_semaphore, #tpu.memory_space<semaphore_mem>>
      tpu.enqueue_indirect_dma source(%arg19 : memref<64x64xf32, #tpu.memory_space<vmem>>) target(%dma_start3A_1080 : memref<10112x64xf32, #tpu.memory_space<vmem_shared>>) offsets(%dma_start3A_1077 : memref<64xi32, #tpu.memory_space<vmem>>) semaphore(%dma_start3A_1082 : memref<!tpu.dma_semaphore, #tpu.memory_space<semaphore_mem>>) {add = true}
      %sub3A_1083 = arith.constant 1 : i32
      %sub3A_1084 = arith.subi %add3A_922, %sub3A_1083 : i32
      %add3A_1085 = arith.constant 4 : i32
      %add3A_1086 = arith.addi %sub3A_1084, %add3A_1085 : i32
      %ge3A_1087 = arith.constant 0 : i32
      %ge3A_1088 = arith.cmpi sge, %sub3A_1084, %ge3A_1087 : i32
      %lt3A_1089 = arith.constant 160 : i32
      %lt3A_1090 = arith.cmpi slt, %add3A_1086, %lt3A_1089 : i32
      %and3A_1091 = arith.andi %ge3A_1088, %lt3A_1090 : i1
      %convert_element_type3A_1092 = arith.extui %and3A_1091 : i1 to i32
      %cond3A_1093 = arith.constant 0 : i32
      %cond3A_1094 = arith.cmpi ne, %convert_element_type3A_1092, %cond3A_1093 : i32
      scf.if %cond3A_1094 {
        %dma_wait3A_1095 = arith.constant 2 : i32
        %dma_wait3A_1096 = arith.constant 0 : i32
        %dma_wait3A_1097 = tpu.memref_slice %arg12[%sub3A_1084, %dma_wait3A_1096] : memref<160x64xi32, #tpu.memory_space<vmem>> -> memref<1x64xi32, #tpu.memory_space<vmem>>
        %dma_wait3A_1098 = tpu.memref_squeeze %dma_wait3A_1097 : memref<1x64xi32, #tpu.memory_space<vmem>> -> memref<64xi32, #tpu.memory_space<vmem>>
        %dma_wait3A_1099 = arith.constant 0 : i32
        %dma_wait3A_1100 = arith.constant 0 : i32
        %dma_wait3A_1101 = tpu.memref_slice %arg24[%dma_wait3A_1099, %dma_wait3A_1100] : memref<10112x64xf32, #tpu.memory_space<vmem_shared>> -> memref<10112x64xf32, #tpu.memory_space<vmem_shared>>
        %dma_wait3A_1102 = tpu.memref_slice %arg26[%dma_wait3A_1095] : memref<4x!tpu.dma_semaphore, #tpu.memory_space<semaphore_mem>> -> memref<1x!tpu.dma_semaphore, #tpu.memory_space<semaphore_mem>>
        %dma_wait3A_1103 = tpu.memref_squeeze %dma_wait3A_1102 : memref<1x!tpu.dma_semaphore, #tpu.memory_space<semaphore_mem>> -> memref<!tpu.dma_semaphore, #tpu.memory_space<semaphore_mem>>
        tpu.wait_indirect_dma semaphore(%dma_wait3A_1103 : memref<!tpu.dma_semaphore, #tpu.memory_space<semaphore_mem>>) src(%arg18 : memref<64x64xf32, #tpu.memory_space<vmem>>) dst(%dma_wait3A_1101 : memref<10112x64xf32, #tpu.memory_space<vmem_shared>>)
        %dma_start3A_1104 = arith.constant 2 : i32
        %dma_start3A_1105 = arith.constant 0 : i32
        %dma_start3A_1106 = tpu.memref_slice %arg13[%add3A_1086, %dma_start3A_1105] : memref<160x64xi32, #tpu.memory_space<vmem>> -> memref<1x64xi32, #tpu.memory_space<vmem>>
        %dma_start3A_1107 = tpu.memref_squeeze %dma_start3A_1106 : memref<1x64xi32, #tpu.memory_space<vmem>> -> memref<64xi32, #tpu.memory_space<vmem>>
        %dma_start3A_1108 = arith.constant 0 : i32
        %dma_start3A_1109 = arith.constant 0 : i32
        %dma_start3A_1110 = tpu.memref_slice %arg2[%dma_start3A_1108, %dma_start3A_1109] : memref<10240x64xf32, #tpu.memory_space<hbm>> -> memref<10240x64xf32, #tpu.memory_space<hbm>>
        %dma_start3A_1111 = tpu.memref_slice %arg25[%dma_start3A_1104] : memref<4x!tpu.dma_semaphore, #tpu.memory_space<semaphore_mem>> -> memref<1x!tpu.dma_semaphore, #tpu.memory_space<semaphore_mem>>
        %dma_start3A_1112 = tpu.memref_squeeze %dma_start3A_1111 : memref<1x!tpu.dma_semaphore, #tpu.memory_space<semaphore_mem>> -> memref<!tpu.dma_semaphore, #tpu.memory_space<semaphore_mem>>
        tpu.enqueue_indirect_dma source(%dma_start3A_1110 : memref<10240x64xf32, #tpu.memory_space<hbm>>) target(%arg18 : memref<64x64xf32, #tpu.memory_space<vmem>>) offsets(%dma_start3A_1107 : memref<64xi32, #tpu.memory_space<vmem>>) semaphore(%dma_start3A_1112 : memref<!tpu.dma_semaphore, #tpu.memory_space<semaphore_mem>>)
      } else {
      }
    }
    %scan3A_216 = arith.constant 40 : i32
    %dma_wait3A = arith.constant 156 : i32
    %dma_wait3A_217 = arith.constant 0 : i32
    %dma_wait3A_218 = arith.constant 0 : i32
    %dma_wait3A_219 = tpu.memref_slice %arg12[%dma_wait3A, %dma_wait3A_218] : memref<160x64xi32, #tpu.memory_space<vmem>> -> memref<1x64xi32, #tpu.memory_space<vmem>>
    %dma_wait3A_220 = tpu.memref_squeeze %dma_wait3A_219 : memref<1x64xi32, #tpu.memory_space<vmem>> -> memref<64xi32, #tpu.memory_space<vmem>>
    %dma_wait3A_221 = arith.constant 0 : i32
    %dma_wait3A_222 = arith.constant 0 : i32
    %dma_wait3A_223 = tpu.memref_slice %arg24[%dma_wait3A_221, %dma_wait3A_222] : memref<10112x64xf32, #tpu.memory_space<vmem_shared>> -> memref<10112x64xf32, #tpu.memory_space<vmem_shared>>
    %dma_wait3A_224 = tpu.memref_slice %arg26[%dma_wait3A_217] : memref<4x!tpu.dma_semaphore, #tpu.memory_space<semaphore_mem>> -> memref<1x!tpu.dma_semaphore, #tpu.memory_space<semaphore_mem>>
    %dma_wait3A_225 = tpu.memref_squeeze %dma_wait3A_224 : memref<1x!tpu.dma_semaphore, #tpu.memory_space<semaphore_mem>> -> memref<!tpu.dma_semaphore, #tpu.memory_space<semaphore_mem>>
    tpu.wait_indirect_dma semaphore(%dma_wait3A_225 : memref<!tpu.dma_semaphore, #tpu.memory_space<semaphore_mem>>) src(%arg16 : memref<64x64xf32, #tpu.memory_space<vmem>>) dst(%dma_wait3A_223 : memref<10112x64xf32, #tpu.memory_space<vmem_shared>>)
    %dma_wait3A_226 = arith.constant 157 : i32
    %dma_wait3A_227 = arith.constant 1 : i32
    %dma_wait3A_228 = arith.constant 0 : i32
    %dma_wait3A_229 = tpu.memref_slice %arg12[%dma_wait3A_226, %dma_wait3A_228] : memref<160x64xi32, #tpu.memory_space<vmem>> -> memref<1x64xi32, #tpu.memory_space<vmem>>
    %dma_wait3A_230 = tpu.memref_squeeze %dma_wait3A_229 : memref<1x64xi32, #tpu.memory_space<vmem>> -> memref<64xi32, #tpu.memory_space<vmem>>
    %dma_wait3A_231 = arith.constant 0 : i32
    %dma_wait3A_232 = arith.constant 0 : i32
    %dma_wait3A_233 = tpu.memref_slice %arg24[%dma_wait3A_231, %dma_wait3A_232] : memref<10112x64xf32, #tpu.memory_space<vmem_shared>> -> memref<10112x64xf32, #tpu.memory_space<vmem_shared>>
    %dma_wait3A_234 = tpu.memref_slice %arg26[%dma_wait3A_227] : memref<4x!tpu.dma_semaphore, #tpu.memory_space<semaphore_mem>> -> memref<1x!tpu.dma_semaphore, #tpu.memory_space<semaphore_mem>>
    %dma_wait3A_235 = tpu.memref_squeeze %dma_wait3A_234 : memref<1x!tpu.dma_semaphore, #tpu.memory_space<semaphore_mem>> -> memref<!tpu.dma_semaphore, #tpu.memory_space<semaphore_mem>>
    tpu.wait_indirect_dma semaphore(%dma_wait3A_235 : memref<!tpu.dma_semaphore, #tpu.memory_space<semaphore_mem>>) src(%arg17 : memref<64x64xf32, #tpu.memory_space<vmem>>) dst(%dma_wait3A_233 : memref<10112x64xf32, #tpu.memory_space<vmem_shared>>)
    %dma_wait3A_236 = arith.constant 158 : i32
    %dma_wait3A_237 = arith.constant 2 : i32
    %dma_wait3A_238 = arith.constant 0 : i32
    %dma_wait3A_239 = tpu.memref_slice %arg12[%dma_wait3A_236, %dma_wait3A_238] : memref<160x64xi32, #tpu.memory_space<vmem>> -> memref<1x64xi32, #tpu.memory_space<vmem>>
    %dma_wait3A_240 = tpu.memref_squeeze %dma_wait3A_239 : memref<1x64xi32, #tpu.memory_space<vmem>> -> memref<64xi32, #tpu.memory_space<vmem>>
    %dma_wait3A_241 = arith.constant 0 : i32
    %dma_wait3A_242 = arith.constant 0 : i32
    %dma_wait3A_243 = tpu.memref_slice %arg24[%dma_wait3A_241, %dma_wait3A_242] : memref<10112x64xf32, #tpu.memory_space<vmem_shared>> -> memref<10112x64xf32, #tpu.memory_space<vmem_shared>>
    %dma_wait3A_244 = tpu.memref_slice %arg26[%dma_wait3A_237] : memref<4x!tpu.dma_semaphore, #tpu.memory_space<semaphore_mem>> -> memref<1x!tpu.dma_semaphore, #tpu.memory_space<semaphore_mem>>
    %dma_wait3A_245 = tpu.memref_squeeze %dma_wait3A_244 : memref<1x!tpu.dma_semaphore, #tpu.memory_space<semaphore_mem>> -> memref<!tpu.dma_semaphore, #tpu.memory_space<semaphore_mem>>
    tpu.wait_indirect_dma semaphore(%dma_wait3A_245 : memref<!tpu.dma_semaphore, #tpu.memory_space<semaphore_mem>>) src(%arg18 : memref<64x64xf32, #tpu.memory_space<vmem>>) dst(%dma_wait3A_243 : memref<10112x64xf32, #tpu.memory_space<vmem_shared>>)
    %dma_wait3A_246 = arith.constant 159 : i32
    %dma_wait3A_247 = arith.constant 3 : i32
    %dma_wait3A_248 = arith.constant 0 : i32
    %dma_wait3A_249 = tpu.memref_slice %arg12[%dma_wait3A_246, %dma_wait3A_248] : memref<160x64xi32, #tpu.memory_space<vmem>> -> memref<1x64xi32, #tpu.memory_space<vmem>>
    %dma_wait3A_250 = tpu.memref_squeeze %dma_wait3A_249 : memref<1x64xi32, #tpu.memory_space<vmem>> -> memref<64xi32, #tpu.memory_space<vmem>>
    %dma_wait3A_251 = arith.constant 0 : i32
    %dma_wait3A_252 = arith.constant 0 : i32
    %dma_wait3A_253 = tpu.memref_slice %arg24[%dma_wait3A_251, %dma_wait3A_252] : memref<10112x64xf32, #tpu.memory_space<vmem_shared>> -> memref<10112x64xf32, #tpu.memory_space<vmem_shared>>
    %dma_wait3A_254 = tpu.memref_slice %arg26[%dma_wait3A_247] : memref<4x!tpu.dma_semaphore, #tpu.memory_space<semaphore_mem>> -> memref<1x!tpu.dma_semaphore, #tpu.memory_space<semaphore_mem>>
    %dma_wait3A_255 = tpu.memref_squeeze %dma_wait3A_254 : memref<1x!tpu.dma_semaphore, #tpu.memory_space<semaphore_mem>> -> memref<!tpu.dma_semaphore, #tpu.memory_space<semaphore_mem>>
    tpu.wait_indirect_dma semaphore(%dma_wait3A_255 : memref<!tpu.dma_semaphore, #tpu.memory_space<semaphore_mem>>) src(%arg19 : memref<64x64xf32, #tpu.memory_space<vmem>>) dst(%dma_wait3A_253 : memref<10112x64xf32, #tpu.memory_space<vmem_shared>>)
    %barrier3A_256 = arith.constant 0 : index
    tpu.barrier barrier_id(%barrier3A_256)
    %mul3A_257 = arith.constant 632 : i32
    %mul3A_258 = arith.muli %arg1, %mul3A_257 : i32
    %mul3A_259 = arith.constant 632 : i32
    %mul3A_260 = arith.muli %arg1, %mul3A_259 : i32
    %run_scoped3A_261 = arith.constant 0 : i32
    "tpu.region"() ({
      %run_scoped3A_403 = tpu.sem_alloc : memref<!tpu.dma_semaphore, #tpu.memory_space<semaphore_mem>>
      %dma_start3A_404 = arith.constant 0 : i32
      %dma_start3A_405 = tpu.memref_slice %arg9[%arg0, %run_scoped3A_261, %mul3A_260, %dma_start3A_404] : memref<2x2x10112x64xf32, #tpu.memory_space<hbm>> -> memref<1x1x632x64xf32, #tpu.memory_space<hbm>>
      %dma_start3A_406 = tpu.memref_squeeze %dma_start3A_405 : memref<1x1x632x64xf32, #tpu.memory_space<hbm>> -> memref<632x64xf32, #tpu.memory_space<hbm>>
      %dma_start3A_407 = arith.constant 0 : i32
      %dma_start3A_408 = tpu.memref_slice %arg24[%mul3A_258, %dma_start3A_407] : memref<10112x64xf32, #tpu.memory_space<vmem_shared>> -> memref<632x64xf32, #tpu.memory_space<vmem_shared>>
      tpu.enqueue_dma source(%dma_start3A_408 : memref<632x64xf32, #tpu.memory_space<vmem_shared>>) target(%dma_start3A_406 : memref<632x64xf32, #tpu.memory_space<hbm>>) target_semaphore(%run_scoped3A_403 : memref<!tpu.dma_semaphore, #tpu.memory_space<semaphore_mem>>)
      %dma_wait3A_409 = arith.constant 0 : i32
      %dma_wait3A_410 = tpu.memref_slice %arg9[%arg0, %run_scoped3A_261, %mul3A_260, %dma_wait3A_409] : memref<2x2x10112x64xf32, #tpu.memory_space<hbm>> -> memref<1x1x632x64xf32, #tpu.memory_space<hbm>>
      %dma_wait3A_411 = tpu.memref_squeeze %dma_wait3A_410 : memref<1x1x632x64xf32, #tpu.memory_space<hbm>> -> memref<632x64xf32, #tpu.memory_space<hbm>>
      %dma_wait3A_412 = arith.constant 0 : i32
      %dma_wait3A_413 = tpu.memref_slice %arg24[%mul3A_258, %dma_wait3A_412] : memref<10112x64xf32, #tpu.memory_space<vmem_shared>> -> memref<632x64xf32, #tpu.memory_space<vmem_shared>>
      tpu.wait_dma2 semaphore(%run_scoped3A_403 : memref<!tpu.dma_semaphore, #tpu.memory_space<semaphore_mem>>) src(%dma_wait3A_413 : memref<632x64xf32, #tpu.memory_space<vmem_shared>>) dst(%dma_wait3A_411 : memref<632x64xf32, #tpu.memory_space<hbm>>)
      tpu.yield
    }) : () -> ()
    %barrier3A_262 = arith.constant 0 : index
    tpu.barrier barrier_id(%barrier3A_262)
    %scan3A_263 = arith.constant 0 : i32
    %scan3A_264 = arith.constant 0 : i32
    %scan3A_265 = arith.constant 64 : i32
    %scan3A_266 = arith.addi %scan3A_264, %scan3A_265 : i32
    %scan3A_267 = arith.constant 1 : i32
    scf.for %scan3A_403 = %scan3A_264 to %scan3A_266 step %scan3A_267  : i32 {
      %swap3A = arith.index_cast %scan3A_403 : i32 to index
      %swap3A_404 = arith.constant 0 : index
      %swap3A_405 = tpu.vector_load %arg16[%swap3A, %swap3A_404] {strides = array<i32>} : memref<64x64xf32, #tpu.memory_space<vmem>>, vector<16xf32>,
      tpu.vector_store %arg16[%swap3A, %swap3A_404], %broadcast_in_dim3A_0 {strides = array<i32>} : memref<64x64xf32, #tpu.memory_space<vmem>>, vector<16xf32>,
      %swap3A_406 = arith.index_cast %scan3A_403 : i32 to index
      %swap3A_407 = arith.constant 16 : index
      %swap3A_408 = tpu.vector_load %arg16[%swap3A_406, %swap3A_407] {strides = array<i32>} : memref<64x64xf32, #tpu.memory_space<vmem>>, vector<16xf32>,
      tpu.vector_store %arg16[%swap3A_406, %swap3A_407], %broadcast_in_dim3A_0 {strides = array<i32>} : memref<64x64xf32, #tpu.memory_space<vmem>>, vector<16xf32>,
      %swap3A_409 = arith.index_cast %scan3A_403 : i32 to index
      %swap3A_410 = arith.constant 32 : index
      %swap3A_411 = tpu.vector_load %arg16[%swap3A_409, %swap3A_410] {strides = array<i32>} : memref<64x64xf32, #tpu.memory_space<vmem>>, vector<16xf32>,
      tpu.vector_store %arg16[%swap3A_409, %swap3A_410], %broadcast_in_dim3A_0 {strides = array<i32>} : memref<64x64xf32, #tpu.memory_space<vmem>>, vector<16xf32>,
      %swap3A_412 = arith.index_cast %scan3A_403 : i32 to index
      %swap3A_413 = arith.constant 48 : index
      %swap3A_414 = tpu.vector_load %arg16[%swap3A_412, %swap3A_413] {strides = array<i32>} : memref<64x64xf32, #tpu.memory_space<vmem>>, vector<16xf32>,
      tpu.vector_store %arg16[%swap3A_412, %swap3A_413], %broadcast_in_dim3A_0 {strides = array<i32>} : memref<64x64xf32, #tpu.memory_space<vmem>>, vector<16xf32>,
    }
    %scan3A_268 = arith.constant 64 : i32
    %mul3A_269 = arith.constant 632 : i32
    %mul3A_270 = arith.muli %arg1, %mul3A_269 : i32
    %add3A_271 = arith.constant 0 : i32
    %add3A_272 = arith.addi %mul3A_270, %add3A_271 : i32
    "tpu.region"() ({
      %run_scoped3A_403 = tpu.sem_alloc : memref<!tpu.dma_semaphore, #tpu.memory_space<semaphore_mem>>
      %dma_start3A_404 = arith.constant 0 : i32
      %dma_start3A_405 = tpu.memref_slice %arg24[%add3A_272, %dma_start3A_404] : memref<10112x64xf32, #tpu.memory_space<vmem_shared>> -> memref<64x64xf32, #tpu.memory_space<vmem_shared>>
      %dma_start3A_406 = arith.constant 0 : i32
      %dma_start3A_407 = tpu.memref_slice %arg24[%add3A_272, %dma_start3A_406] : memref<10112x64xf32, #tpu.memory_space<vmem_shared>> -> memref<64x64xf32, #tpu.memory_space<vmem_shared>>
      tpu.enqueue_dma source(%arg16 : memref<64x64xf32, #tpu.memory_space<vmem>>) target(%dma_start3A_407 : memref<64x64xf32, #tpu.memory_space<vmem_shared>>) target_semaphore(%run_scoped3A_403 : memref<!tpu.dma_semaphore, #tpu.memory_space<semaphore_mem>>)
      %dma_wait3A_408 = arith.constant 0 : i32
      %dma_wait3A_409 = tpu.memref_slice %arg24[%add3A_272, %dma_wait3A_408] : memref<10112x64xf32, #tpu.memory_space<vmem_shared>> -> memref<64x64xf32, #tpu.memory_space<vmem_shared>>
      %dma_wait3A_410 = arith.constant 0 : i32
      %dma_wait3A_411 = tpu.memref_slice %arg24[%add3A_272, %dma_wait3A_410] : memref<10112x64xf32, #tpu.memory_space<vmem_shared>> -> memref<64x64xf32, #tpu.memory_space<vmem_shared>>
      tpu.wait_dma2 semaphore(%run_scoped3A_403 : memref<!tpu.dma_semaphore, #tpu.memory_space<semaphore_mem>>) src(%arg16 : memref<64x64xf32, #tpu.memory_space<vmem>>) dst(%dma_wait3A_411 : memref<64x64xf32, #tpu.memory_space<vmem_shared>>)
      tpu.yield
    }) : () -> ()
    %mul3A_273 = arith.constant 632 : i32
    %mul3A_274 = arith.muli %arg1, %mul3A_273 : i32
    %add3A_275 = arith.constant 64 : i32
    %add3A_276 = arith.addi %mul3A_274, %add3A_275 : i32
    "tpu.region"() ({
      %run_scoped3A_403 = tpu.sem_alloc : memref<!tpu.dma_semaphore, #tpu.memory_space<semaphore_mem>>
      %dma_start3A_404 = arith.constant 0 : i32
      %dma_start3A_405 = tpu.memref_slice %arg24[%add3A_276, %dma_start3A_404] : memref<10112x64xf32, #tpu.memory_space<vmem_shared>> -> memref<64x64xf32, #tpu.memory_space<vmem_shared>>
      %dma_start3A_406 = arith.constant 0 : i32
      %dma_start3A_407 = tpu.memref_slice %arg24[%add3A_276, %dma_start3A_406] : memref<10112x64xf32, #tpu.memory_space<vmem_shared>> -> memref<64x64xf32, #tpu.memory_space<vmem_shared>>
      tpu.enqueue_dma source(%arg16 : memref<64x64xf32, #tpu.memory_space<vmem>>) target(%dma_start3A_407 : memref<64x64xf32, #tpu.memory_space<vmem_shared>>) target_semaphore(%run_scoped3A_403 : memref<!tpu.dma_semaphore, #tpu.memory_space<semaphore_mem>>)
      %dma_wait3A_408 = arith.constant 0 : i32
      %dma_wait3A_409 = tpu.memref_slice %arg24[%add3A_276, %dma_wait3A_408] : memref<10112x64xf32, #tpu.memory_space<vmem_shared>> -> memref<64x64xf32, #tpu.memory_space<vmem_shared>>
      %dma_wait3A_410 = arith.constant 0 : i32
      %dma_wait3A_411 = tpu.memref_slice %arg24[%add3A_276, %dma_wait3A_410] : memref<10112x64xf32, #tpu.memory_space<vmem_shared>> -> memref<64x64xf32, #tpu.memory_space<vmem_shared>>
      tpu.wait_dma2 semaphore(%run_scoped3A_403 : memref<!tpu.dma_semaphore, #tpu.memory_space<semaphore_mem>>) src(%arg16 : memref<64x64xf32, #tpu.memory_space<vmem>>) dst(%dma_wait3A_411 : memref<64x64xf32, #tpu.memory_space<vmem_shared>>)
      tpu.yield
    }) : () -> ()
    %mul3A_277 = arith.constant 632 : i32
    %mul3A_278 = arith.muli %arg1, %mul3A_277 : i32
    %add3A_279 = arith.constant 128 : i32
    %add3A_280 = arith.addi %mul3A_278, %add3A_279 : i32
    "tpu.region"() ({
      %run_scoped3A_403 = tpu.sem_alloc : memref<!tpu.dma_semaphore, #tpu.memory_space<semaphore_mem>>
      %dma_start3A_404 = arith.constant 0 : i32
      %dma_start3A_405 = tpu.memref_slice %arg24[%add3A_280, %dma_start3A_404] : memref<10112x64xf32, #tpu.memory_space<vmem_shared>> -> memref<64x64xf32, #tpu.memory_space<vmem_shared>>
      %dma_start3A_406 = arith.constant 0 : i32
      %dma_start3A_407 = tpu.memref_slice %arg24[%add3A_280, %dma_start3A_406] : memref<10112x64xf32, #tpu.memory_space<vmem_shared>> -> memref<64x64xf32, #tpu.memory_space<vmem_shared>>
      tpu.enqueue_dma source(%arg16 : memref<64x64xf32, #tpu.memory_space<vmem>>) target(%dma_start3A_407 : memref<64x64xf32, #tpu.memory_space<vmem_shared>>) target_semaphore(%run_scoped3A_403 : memref<!tpu.dma_semaphore, #tpu.memory_space<semaphore_mem>>)
      %dma_wait3A_408 = arith.constant 0 : i32
      %dma_wait3A_409 = tpu.memref_slice %arg24[%add3A_280, %dma_wait3A_408] : memref<10112x64xf32, #tpu.memory_space<vmem_shared>> -> memref<64x64xf32, #tpu.memory_space<vmem_shared>>
      %dma_wait3A_410 = arith.constant 0 : i32
      %dma_wait3A_411 = tpu.memref_slice %arg24[%add3A_280, %dma_wait3A_410] : memref<10112x64xf32, #tpu.memory_space<vmem_shared>> -> memref<64x64xf32, #tpu.memory_space<vmem_shared>>
      tpu.wait_dma2 semaphore(%run_scoped3A_403 : memref<!tpu.dma_semaphore, #tpu.memory_space<semaphore_mem>>) src(%arg16 : memref<64x64xf32, #tpu.memory_space<vmem>>) dst(%dma_wait3A_411 : memref<64x64xf32, #tpu.memory_space<vmem_shared>>)
      tpu.yield
    }) : () -> ()
    %mul3A_281 = arith.constant 632 : i32
    %mul3A_282 = arith.muli %arg1, %mul3A_281 : i32
    %add3A_283 = arith.constant 192 : i32
    %add3A_284 = arith.addi %mul3A_282, %add3A_283 : i32
    "tpu.region"() ({
      %run_scoped3A_403 = tpu.sem_alloc : memref<!tpu.dma_semaphore, #tpu.memory_space<semaphore_mem>>
      %dma_start3A_404 = arith.constant 0 : i32
      %dma_start3A_405 = tpu.memref_slice %arg24[%add3A_284, %dma_start3A_404] : memref<10112x64xf32, #tpu.memory_space<vmem_shared>> -> memref<64x64xf32, #tpu.memory_space<vmem_shared>>
      %dma_start3A_406 = arith.constant 0 : i32
      %dma_start3A_407 = tpu.memref_slice %arg24[%add3A_284, %dma_start3A_406] : memref<10112x64xf32, #tpu.memory_space<vmem_shared>> -> memref<64x64xf32, #tpu.memory_space<vmem_shared>>
      tpu.enqueue_dma source(%arg16 : memref<64x64xf32, #tpu.memory_space<vmem>>) target(%dma_start3A_407 : memref<64x64xf32, #tpu.memory_space<vmem_shared>>) target_semaphore(%run_scoped3A_403 : memref<!tpu.dma_semaphore, #tpu.memory_space<semaphore_mem>>)
      %dma_wait3A_408 = arith.constant 0 : i32
      %dma_wait3A_409 = tpu.memref_slice %arg24[%add3A_284, %dma_wait3A_408] : memref<10112x64xf32, #tpu.memory_space<vmem_shared>> -> memref<64x64xf32, #tpu.memory_space<vmem_shared>>
      %dma_wait3A_410 = arith.constant 0 : i32
      %dma_wait3A_411 = tpu.memref_slice %arg24[%add3A_284, %dma_wait3A_410] : memref<10112x64xf32, #tpu.memory_space<vmem_shared>> -> memref<64x64xf32, #tpu.memory_space<vmem_shared>>
      tpu.wait_dma2 semaphore(%run_scoped3A_403 : memref<!tpu.dma_semaphore, #tpu.memory_space<semaphore_mem>>) src(%arg16 : memref<64x64xf32, #tpu.memory_space<vmem>>) dst(%dma_wait3A_411 : memref<64x64xf32, #tpu.memory_space<vmem_shared>>)
      tpu.yield
    }) : () -> ()
    %mul3A_285 = arith.constant 632 : i32
    %mul3A_286 = arith.muli %arg1, %mul3A_285 : i32
    %add3A_287 = arith.constant 256 : i32
    %add3A_288 = arith.addi %mul3A_286, %add3A_287 : i32
    "tpu.region"() ({
      %run_scoped3A_403 = tpu.sem_alloc : memref<!tpu.dma_semaphore, #tpu.memory_space<semaphore_mem>>
      %dma_start3A_404 = arith.constant 0 : i32
      %dma_start3A_405 = tpu.memref_slice %arg24[%add3A_288, %dma_start3A_404] : memref<10112x64xf32, #tpu.memory_space<vmem_shared>> -> memref<64x64xf32, #tpu.memory_space<vmem_shared>>
      %dma_start3A_406 = arith.constant 0 : i32
      %dma_start3A_407 = tpu.memref_slice %arg24[%add3A_288, %dma_start3A_406] : memref<10112x64xf32, #tpu.memory_space<vmem_shared>> -> memref<64x64xf32, #tpu.memory_space<vmem_shared>>
      tpu.enqueue_dma source(%arg16 : memref<64x64xf32, #tpu.memory_space<vmem>>) target(%dma_start3A_407 : memref<64x64xf32, #tpu.memory_space<vmem_shared>>) target_semaphore(%run_scoped3A_403 : memref<!tpu.dma_semaphore, #tpu.memory_space<semaphore_mem>>)
      %dma_wait3A_408 = arith.constant 0 : i32
      %dma_wait3A_409 = tpu.memref_slice %arg24[%add3A_288, %dma_wait3A_408] : memref<10112x64xf32, #tpu.memory_space<vmem_shared>> -> memref<64x64xf32, #tpu.memory_space<vmem_shared>>
      %dma_wait3A_410 = arith.constant 0 : i32
      %dma_wait3A_411 = tpu.memref_slice %arg24[%add3A_288, %dma_wait3A_410] : memref<10112x64xf32, #tpu.memory_space<vmem_shared>> -> memref<64x64xf32, #tpu.memory_space<vmem_shared>>
      tpu.wait_dma2 semaphore(%run_scoped3A_403 : memref<!tpu.dma_semaphore, #tpu.memory_space<semaphore_mem>>) src(%arg16 : memref<64x64xf32, #tpu.memory_space<vmem>>) dst(%dma_wait3A_411 : memref<64x64xf32, #tpu.memory_space<vmem_shared>>)
      tpu.yield
    }) : () -> ()
    %mul3A_289 = arith.constant 632 : i32
    %mul3A_290 = arith.muli %arg1, %mul3A_289 : i32
    %add3A_291 = arith.constant 320 : i32
    %add3A_292 = arith.addi %mul3A_290, %add3A_291 : i32
    "tpu.region"() ({
      %run_scoped3A_403 = tpu.sem_alloc : memref<!tpu.dma_semaphore, #tpu.memory_space<semaphore_mem>>
      %dma_start3A_404 = arith.constant 0 : i32
      %dma_start3A_405 = tpu.memref_slice %arg24[%add3A_292, %dma_start3A_404] : memref<10112x64xf32, #tpu.memory_space<vmem_shared>> -> memref<64x64xf32, #tpu.memory_space<vmem_shared>>
      %dma_start3A_406 = arith.constant 0 : i32
      %dma_start3A_407 = tpu.memref_slice %arg24[%add3A_292, %dma_start3A_406] : memref<10112x64xf32, #tpu.memory_space<vmem_shared>> -> memref<64x64xf32, #tpu.memory_space<vmem_shared>>
      tpu.enqueue_dma source(%arg16 : memref<64x64xf32, #tpu.memory_space<vmem>>) target(%dma_start3A_407 : memref<64x64xf32, #tpu.memory_space<vmem_shared>>) target_semaphore(%run_scoped3A_403 : memref<!tpu.dma_semaphore, #tpu.memory_space<semaphore_mem>>)
      %dma_wait3A_408 = arith.constant 0 : i32
      %dma_wait3A_409 = tpu.memref_slice %arg24[%add3A_292, %dma_wait3A_408] : memref<10112x64xf32, #tpu.memory_space<vmem_shared>> -> memref<64x64xf32, #tpu.memory_space<vmem_shared>>
      %dma_wait3A_410 = arith.constant 0 : i32
      %dma_wait3A_411 = tpu.memref_slice %arg24[%add3A_292, %dma_wait3A_410] : memref<10112x64xf32, #tpu.memory_space<vmem_shared>> -> memref<64x64xf32, #tpu.memory_space<vmem_shared>>
      tpu.wait_dma2 semaphore(%run_scoped3A_403 : memref<!tpu.dma_semaphore, #tpu.memory_space<semaphore_mem>>) src(%arg16 : memref<64x64xf32, #tpu.memory_space<vmem>>) dst(%dma_wait3A_411 : memref<64x64xf32, #tpu.memory_space<vmem_shared>>)
      tpu.yield
    }) : () -> ()
    %mul3A_293 = arith.constant 632 : i32
    %mul3A_294 = arith.muli %arg1, %mul3A_293 : i32
    %add3A_295 = arith.constant 384 : i32
    %add3A_296 = arith.addi %mul3A_294, %add3A_295 : i32
    "tpu.region"() ({
      %run_scoped3A_403 = tpu.sem_alloc : memref<!tpu.dma_semaphore, #tpu.memory_space<semaphore_mem>>
      %dma_start3A_404 = arith.constant 0 : i32
      %dma_start3A_405 = tpu.memref_slice %arg24[%add3A_296, %dma_start3A_404] : memref<10112x64xf32, #tpu.memory_space<vmem_shared>> -> memref<64x64xf32, #tpu.memory_space<vmem_shared>>
      %dma_start3A_406 = arith.constant 0 : i32
      %dma_start3A_407 = tpu.memref_slice %arg24[%add3A_296, %dma_start3A_406] : memref<10112x64xf32, #tpu.memory_space<vmem_shared>> -> memref<64x64xf32, #tpu.memory_space<vmem_shared>>
      tpu.enqueue_dma source(%arg16 : memref<64x64xf32, #tpu.memory_space<vmem>>) target(%dma_start3A_407 : memref<64x64xf32, #tpu.memory_space<vmem_shared>>) target_semaphore(%run_scoped3A_403 : memref<!tpu.dma_semaphore, #tpu.memory_space<semaphore_mem>>)
      %dma_wait3A_408 = arith.constant 0 : i32
      %dma_wait3A_409 = tpu.memref_slice %arg24[%add3A_296, %dma_wait3A_408] : memref<10112x64xf32, #tpu.memory_space<vmem_shared>> -> memref<64x64xf32, #tpu.memory_space<vmem_shared>>
      %dma_wait3A_410 = arith.constant 0 : i32
      %dma_wait3A_411 = tpu.memref_slice %arg24[%add3A_296, %dma_wait3A_410] : memref<10112x64xf32, #tpu.memory_space<vmem_shared>> -> memref<64x64xf32, #tpu.memory_space<vmem_shared>>
      tpu.wait_dma2 semaphore(%run_scoped3A_403 : memref<!tpu.dma_semaphore, #tpu.memory_space<semaphore_mem>>) src(%arg16 : memref<64x64xf32, #tpu.memory_space<vmem>>) dst(%dma_wait3A_411 : memref<64x64xf32, #tpu.memory_space<vmem_shared>>)
      tpu.yield
    }) : () -> ()
    %mul3A_297 = arith.constant 632 : i32
    %mul3A_298 = arith.muli %arg1, %mul3A_297 : i32
    %add3A_299 = arith.constant 448 : i32
    %add3A_300 = arith.addi %mul3A_298, %add3A_299 : i32
    "tpu.region"() ({
      %run_scoped3A_403 = tpu.sem_alloc : memref<!tpu.dma_semaphore, #tpu.memory_space<semaphore_mem>>
      %dma_start3A_404 = arith.constant 0 : i32
      %dma_start3A_405 = tpu.memref_slice %arg24[%add3A_300, %dma_start3A_404] : memref<10112x64xf32, #tpu.memory_space<vmem_shared>> -> memref<64x64xf32, #tpu.memory_space<vmem_shared>>
      %dma_start3A_406 = arith.constant 0 : i32
      %dma_start3A_407 = tpu.memref_slice %arg24[%add3A_300, %dma_start3A_406] : memref<10112x64xf32, #tpu.memory_space<vmem_shared>> -> memref<64x64xf32, #tpu.memory_space<vmem_shared>>
      tpu.enqueue_dma source(%arg16 : memref<64x64xf32, #tpu.memory_space<vmem>>) target(%dma_start3A_407 : memref<64x64xf32, #tpu.memory_space<vmem_shared>>) target_semaphore(%run_scoped3A_403 : memref<!tpu.dma_semaphore, #tpu.memory_space<semaphore_mem>>)
      %dma_wait3A_408 = arith.constant 0 : i32
      %dma_wait3A_409 = tpu.memref_slice %arg24[%add3A_300, %dma_wait3A_408] : memref<10112x64xf32, #tpu.memory_space<vmem_shared>> -> memref<64x64xf32, #tpu.memory_space<vmem_shared>>
      %dma_wait3A_410 = arith.constant 0 : i32
      %dma_wait3A_411 = tpu.memref_slice %arg24[%add3A_300, %dma_wait3A_410] : memref<10112x64xf32, #tpu.memory_space<vmem_shared>> -> memref<64x64xf32, #tpu.memory_space<vmem_shared>>
      tpu.wait_dma2 semaphore(%run_scoped3A_403 : memref<!tpu.dma_semaphore, #tpu.memory_space<semaphore_mem>>) src(%arg16 : memref<64x64xf32, #tpu.memory_space<vmem>>) dst(%dma_wait3A_411 : memref<64x64xf32, #tpu.memory_space<vmem_shared>>)
      tpu.yield
    }) : () -> ()
    %mul3A_301 = arith.constant 632 : i32
    %mul3A_302 = arith.muli %arg1, %mul3A_301 : i32
    %add3A_303 = arith.constant 512 : i32
    %add3A_304 = arith.addi %mul3A_302, %add3A_303 : i32
    "tpu.region"() ({
      %run_scoped3A_403 = tpu.sem_alloc : memref<!tpu.dma_semaphore, #tpu.memory_space<semaphore_mem>>
      %dma_start3A_404 = arith.constant 0 : i32
      %dma_start3A_405 = tpu.memref_slice %arg24[%add3A_304, %dma_start3A_404] : memref<10112x64xf32, #tpu.memory_space<vmem_shared>> -> memref<64x64xf32, #tpu.memory_space<vmem_shared>>
      %dma_start3A_406 = arith.constant 0 : i32
      %dma_start3A_407 = tpu.memref_slice %arg24[%add3A_304, %dma_start3A_406] : memref<10112x64xf32, #tpu.memory_space<vmem_shared>> -> memref<64x64xf32, #tpu.memory_space<vmem_shared>>
      tpu.enqueue_dma source(%arg16 : memref<64x64xf32, #tpu.memory_space<vmem>>) target(%dma_start3A_407 : memref<64x64xf32, #tpu.memory_space<vmem_shared>>) target_semaphore(%run_scoped3A_403 : memref<!tpu.dma_semaphore, #tpu.memory_space<semaphore_mem>>)
      %dma_wait3A_408 = arith.constant 0 : i32
      %dma_wait3A_409 = tpu.memref_slice %arg24[%add3A_304, %dma_wait3A_408] : memref<10112x64xf32, #tpu.memory_space<vmem_shared>> -> memref<64x64xf32, #tpu.memory_space<vmem_shared>>
      %dma_wait3A_410 = arith.constant 0 : i32
      %dma_wait3A_411 = tpu.memref_slice %arg24[%add3A_304, %dma_wait3A_410] : memref<10112x64xf32, #tpu.memory_space<vmem_shared>> -> memref<64x64xf32, #tpu.memory_space<vmem_shared>>
      tpu.wait_dma2 semaphore(%run_scoped3A_403 : memref<!tpu.dma_semaphore, #tpu.memory_space<semaphore_mem>>) src(%arg16 : memref<64x64xf32, #tpu.memory_space<vmem>>) dst(%dma_wait3A_411 : memref<64x64xf32, #tpu.memory_space<vmem_shared>>)
      tpu.yield
    }) : () -> ()
    %mul3A_305 = arith.constant 632 : i32
    %mul3A_306 = arith.muli %arg1, %mul3A_305 : i32
    %add3A_307 = arith.constant 576 : i32
    %add3A_308 = arith.addi %mul3A_306, %add3A_307 : i32
    "tpu.region"() ({
      %run_scoped3A_403 = tpu.sem_alloc : memref<!tpu.dma_semaphore, #tpu.memory_space<semaphore_mem>>
      %dma_start3A_404 = arith.constant 0 : i32
      %dma_start3A_405 = arith.constant 0 : i32
      %dma_start3A_406 = tpu.memref_slice %arg16[%dma_start3A_404, %dma_start3A_405] : memref<64x64xf32, #tpu.memory_space<vmem>> -> memref<56x64xf32, #tpu.memory_space<vmem>>
      %dma_start3A_407 = arith.constant 0 : i32
      %dma_start3A_408 = tpu.memref_slice %arg24[%add3A_308, %dma_start3A_407] : memref<10112x64xf32, #tpu.memory_space<vmem_shared>> -> memref<56x64xf32, #tpu.memory_space<vmem_shared>>
      %dma_start3A_409 = arith.constant 0 : i32
      %dma_start3A_410 = tpu.memref_slice %arg24[%add3A_308, %dma_start3A_409] : memref<10112x64xf32, #tpu.memory_space<vmem_shared>> -> memref<56x64xf32, #tpu.memory_space<vmem_shared>>
      %dma_start3A_411 = arith.constant 0 : i32
      %dma_start3A_412 = arith.constant 0 : i32
      %dma_start3A_413 = tpu.memref_slice %arg16[%dma_start3A_411, %dma_start3A_412] : memref<64x64xf32, #tpu.memory_space<vmem>> -> memref<56x64xf32, #tpu.memory_space<vmem>>
      tpu.enqueue_dma source(%dma_start3A_413 : memref<56x64xf32, #tpu.memory_space<vmem>>) target(%dma_start3A_410 : memref<56x64xf32, #tpu.memory_space<vmem_shared>>) target_semaphore(%run_scoped3A_403 : memref<!tpu.dma_semaphore, #tpu.memory_space<semaphore_mem>>)
      %dma_wait3A_414 = arith.constant 0 : i32
      %dma_wait3A_415 = arith.constant 0 : i32
      %dma_wait3A_416 = tpu.memref_slice %arg16[%dma_wait3A_414, %dma_wait3A_415] : memref<64x64xf32, #tpu.memory_space<vmem>> -> memref<56x64xf32, #tpu.memory_space<vmem>>
      %dma_wait3A_417 = arith.constant 0 : i32
      %dma_wait3A_418 = tpu.memref_slice %arg24[%add3A_308, %dma_wait3A_417] : memref<10112x64xf32, #tpu.memory_space<vmem_shared>> -> memref<56x64xf32, #tpu.memory_space<vmem_shared>>
      %dma_wait3A_419 = arith.constant 0 : i32
      %dma_wait3A_420 = tpu.memref_slice %arg24[%add3A_308, %dma_wait3A_419] : memref<10112x64xf32, #tpu.memory_space<vmem_shared>> -> memref<56x64xf32, #tpu.memory_space<vmem_shared>>
      %dma_wait3A_421 = arith.constant 0 : i32
      %dma_wait3A_422 = arith.constant 0 : i32
      %dma_wait3A_423 = tpu.memref_slice %arg16[%dma_wait3A_421, %dma_wait3A_422] : memref<64x64xf32, #tpu.memory_space<vmem>> -> memref<56x64xf32, #tpu.memory_space<vmem>>
      tpu.wait_dma2 semaphore(%run_scoped3A_403 : memref<!tpu.dma_semaphore, #tpu.memory_space<semaphore_mem>>) src(%dma_wait3A_423 : memref<56x64xf32, #tpu.memory_space<vmem>>) dst(%dma_wait3A_420 : memref<56x64xf32, #tpu.memory_space<vmem_shared>>)
      tpu.yield
    }) : () -> ()
    %barrier3A_309 = arith.constant 0 : index
    tpu.barrier barrier_id(%barrier3A_309)
    %dma_start3A_310 = arith.constant 0 : i32
    %dma_start3A_311 = arith.constant 0 : i32
    %dma_start3A_312 = arith.constant 0 : i32
    %dma_start3A_313 = tpu.memref_slice %arg13[%dma_start3A_310, %dma_start3A_312] : memref<160x64xi32, #tpu.memory_space<vmem>> -> memref<1x64xi32, #tpu.memory_space<vmem>>
    %dma_start3A_314 = tpu.memref_squeeze %dma_start3A_313 : memref<1x64xi32, #tpu.memory_space<vmem>> -> memref<64xi32, #tpu.memory_space<vmem>>
    %dma_start3A_315 = arith.constant 0 : i32
    %dma_start3A_316 = arith.constant 0 : i32
    %dma_start3A_317 = tpu.memref_slice %arg3[%dma_start3A_315, %dma_start3A_316] : memref<10240x64xf32, #tpu.memory_space<hbm>> -> memref<10240x64xf32, #tpu.memory_space<hbm>>
    %dma_start3A_318 = tpu.memref_slice %arg25[%dma_start3A_311] : memref<4x!tpu.dma_semaphore, #tpu.memory_space<semaphore_mem>> -> memref<1x!tpu.dma_semaphore, #tpu.memory_space<semaphore_mem>>
    %dma_start3A_319 = tpu.memref_squeeze %dma_start3A_318 : memref<1x!tpu.dma_semaphore, #tpu.memory_space<semaphore_mem>> -> memref<!tpu.dma_semaphore, #tpu.memory_space<semaphore_mem>>
    tpu.enqueue_indirect_dma source(%dma_start3A_317 : memref<10240x64xf32, #tpu.memory_space<hbm>>) target(%arg16 : memref<64x64xf32, #tpu.memory_space<vmem>>) offsets(%dma_start3A_314 : memref<64xi32, #tpu.memory_space<vmem>>) semaphore(%dma_start3A_319 : memref<!tpu.dma_semaphore, #tpu.memory_space<semaphore_mem>>)
    %dma_start3A_320 = arith.constant 1 : i32
    %dma_start3A_321 = arith.constant 1 : i32
    %dma_start3A_322 = arith.constant 0 : i32
    %dma_start3A_323 = tpu.memref_slice %arg13[%dma_start3A_320, %dma_start3A_322] : memref<160x64xi32, #tpu.memory_space<vmem>> -> memref<1x64xi32, #tpu.memory_space<vmem>>
    %dma_start3A_324 = tpu.memref_squeeze %dma_start3A_323 : memref<1x64xi32, #tpu.memory_space<vmem>> -> memref<64xi32, #tpu.memory_space<vmem>>
    %dma_start3A_325 = arith.constant 0 : i32
    %dma_start3A_326 = arith.constant 0 : i32
    %dma_start3A_327 = tpu.memref_slice %arg3[%dma_start3A_325, %dma_start3A_326] : memref<10240x64xf32, #tpu.memory_space<hbm>> -> memref<10240x64xf32, #tpu.memory_space<hbm>>
    %dma_start3A_328 = tpu.memref_slice %arg25[%dma_start3A_321] : memref<4x!tpu.dma_semaphore, #tpu.memory_space<semaphore_mem>> -> memref<1x!tpu.dma_semaphore, #tpu.memory_space<semaphore_mem>>
    %dma_start3A_329 = tpu.memref_squeeze %dma_start3A_328 : memref<1x!tpu.dma_semaphore, #tpu.memory_space<semaphore_mem>> -> memref<!tpu.dma_semaphore, #tpu.memory_space<semaphore_mem>>
    tpu.enqueue_indirect_dma source(%dma_start3A_327 : memref<10240x64xf32, #tpu.memory_space<hbm>>) target(%arg17 : memref<64x64xf32, #tpu.memory_space<vmem>>) offsets(%dma_start3A_324 : memref<64xi32, #tpu.memory_space<vmem>>) semaphore(%dma_start3A_329 : memref<!tpu.dma_semaphore, #tpu.memory_space<semaphore_mem>>)
    %dma_start3A_330 = arith.constant 2 : i32
    %dma_start3A_331 = arith.constant 2 : i32
    %dma_start3A_332 = arith.constant 0 : i32
    %dma_start3A_333 = tpu.memref_slice %arg13[%dma_start3A_330, %dma_start3A_332] : memref<160x64xi32, #tpu.memory_space<vmem>> -> memref<1x64xi32, #tpu.memory_space<vmem>>
    %dma_start3A_334 = tpu.memref_squeeze %dma_start3A_333 : memref<1x64xi32, #tpu.memory_space<vmem>> -> memref<64xi32, #tpu.memory_space<vmem>>
    %dma_start3A_335 = arith.constant 0 : i32
    %dma_start3A_336 = arith.constant 0 : i32
    %dma_start3A_337 = tpu.memref_slice %arg3[%dma_start3A_335, %dma_start3A_336] : memref<10240x64xf32, #tpu.memory_space<hbm>> -> memref<10240x64xf32, #tpu.memory_space<hbm>>
    %dma_start3A_338 = tpu.memref_slice %arg25[%dma_start3A_331] : memref<4x!tpu.dma_semaphore, #tpu.memory_space<semaphore_mem>> -> memref<1x!tpu.dma_semaphore, #tpu.memory_space<semaphore_mem>>
    %dma_start3A_339 = tpu.memref_squeeze %dma_start3A_338 : memref<1x!tpu.dma_semaphore, #tpu.memory_space<semaphore_mem>> -> memref<!tpu.dma_semaphore, #tpu.memory_space<semaphore_mem>>
    tpu.enqueue_indirect_dma source(%dma_start3A_337 : memref<10240x64xf32, #tpu.memory_space<hbm>>) target(%arg18 : memref<64x64xf32, #tpu.memory_space<vmem>>) offsets(%dma_start3A_334 : memref<64xi32, #tpu.memory_space<vmem>>) semaphore(%dma_start3A_339 : memref<!tpu.dma_semaphore, #tpu.memory_space<semaphore_mem>>)
    %dma_start3A_340 = arith.constant 3 : i32
    %dma_start3A_341 = arith.constant 3 : i32
    %dma_start3A_342 = arith.constant 0 : i32
    %dma_start3A_343 = tpu.memref_slice %arg13[%dma_start3A_340, %dma_start3A_342] : memref<160x64xi32, #tpu.memory_space<vmem>> -> memref<1x64xi32, #tpu.memory_space<vmem>>
    %dma_start3A_344 = tpu.memref_squeeze %dma_start3A_343 : memref<1x64xi32, #tpu.memory_space<vmem>> -> memref<64xi32, #tpu.memory_space<vmem>>
    %dma_start3A_345 = arith.constant 0 : i32
    %dma_start3A_346 = arith.constant 0 : i32
    %dma_start3A_347 = tpu.memref_slice %arg3[%dma_start3A_345, %dma_start3A_346] : memref<10240x64xf32, #tpu.memory_space<hbm>> -> memref<10240x64xf32, #tpu.memory_space<hbm>>
    %dma_start3A_348 = tpu.memref_slice %arg25[%dma_start3A_341] : memref<4x!tpu.dma_semaphore, #tpu.memory_space<semaphore_mem>> -> memref<1x!tpu.dma_semaphore, #tpu.memory_space<semaphore_mem>>
    %dma_start3A_349 = tpu.memref_squeeze %dma_start3A_348 : memref<1x!tpu.dma_semaphore, #tpu.memory_space<semaphore_mem>> -> memref<!tpu.dma_semaphore, #tpu.memory_space<semaphore_mem>>
    tpu.enqueue_indirect_dma source(%dma_start3A_347 : memref<10240x64xf32, #tpu.memory_space<hbm>>) target(%arg19 : memref<64x64xf32, #tpu.memory_space<vmem>>) offsets(%dma_start3A_344 : memref<64xi32, #tpu.memory_space<vmem>>) semaphore(%dma_start3A_349 : memref<!tpu.dma_semaphore, #tpu.memory_space<semaphore_mem>>)
    %scan3A_350 = arith.constant 0 : i32
    %scan3A_351 = arith.constant 0 : i32
    %scan3A_352 = arith.constant 40 : i32
    %scan3A_353 = arith.addi %scan3A_351, %scan3A_352 : i32
    %scan3A_354 = arith.constant 1 : i32
    scf.for %scan3A_403 = %scan3A_351 to %scan3A_353 step %scan3A_354  : i32 {
      %mul3A_404 = arith.constant 4 : i32
      %mul3A_405 = arith.muli %scan3A_403, %mul3A_404 : i32
      %add3A_406 = arith.constant 0 : i32
      %add3A_407 = arith.addi %mul3A_405, %add3A_406 : i32
      %get3A = arith.index_cast %add3A_407 : i32 to index
      %get3A_408 = arith.constant 0 : index
      %get3A_409 = tpu.vector_load %arg12[%get3A, %get3A_408] {strides = array<i32>} : memref<160x64xi32, #tpu.memory_space<vmem>>, vector<16xi32>,
      %get3A_410 = arith.index_cast %add3A_407 : i32 to index
      %get3A_411 = arith.constant 0 : index
      %get3A_412 = tpu.vector_load %arg13[%get3A_410, %get3A_411] {strides = array<i32>} : memref<160x64xi32, #tpu.memory_space<vmem>>, vector<16xi32>,
      %gather3A = tpu.vector_load_idx %arg10[%get3A_409] : memref<10112xf32, #tpu.memory_space<vmem>>[vector<16xi32>], vector<16xf32>,
      %gather3A_413 = tpu.vector_load_idx %arg11[%get3A_412] : memref<10112xf32, #tpu.memory_space<vmem>>[vector<16xi32>], vector<16xf32>,
      %add3A_414 = arith.addf %gather3A, %gather3A_413 : vector<16xf32>
      %get3A_415 = arith.index_cast %add3A_407 : i32 to index
      %get3A_416 = arith.constant 0 : index
      %get3A_417 = tpu.vector_load %arg14[%get3A_415, %get3A_416] {strides = array<i32>} : memref<160x64xf32, #tpu.memory_space<vmem>>, vector<16xf32>,
      %add3A_418 = arith.addf %add3A_414, %get3A_417 : vector<16xf32>
      %ge3A = arith.constant 0.000000e+00 : f32
      %ge3A_419 = vector.broadcast %ge3A : f32 to vector<16xf32>
      %ge3A_420 = arith.cmpf oge, %add3A_418, %ge3A_419 : vector<16xf32>
      %mul3A_421 = arith.constant 0.00999999977 : f32
      %mul3A_422 = vector.broadcast %mul3A_421 : f32 to vector<16xf32>
      %mul3A_423 = arith.mulf %add3A_418, %mul3A_422 : vector<16xf32>
      %select_n3A = arith.select %ge3A_420, %add3A_418, %mul3A_423 : vector<16xi1>, vector<16xf32>
      %exp3A = math.exp %select_n3A : vector<16xf32>
      %shift_right_logical3A = arith.constant 6 : i32
      %shift_right_logical3A_424 = vector.broadcast %shift_right_logical3A : i32 to vector<16xi32>
      %shift_right_logical3A_425 = arith.shrui %get3A_409, %shift_right_logical3A_424 : vector<16xi32>
      %and3A = arith.constant 63 : i32
      %and3A_426 = vector.broadcast %and3A : i32 to vector<16xi32>
      %and3A_427 = arith.andi %get3A_409, %and3A_426 : vector<16xi32>
      %gather3A_428 = tpu.vector_load_idx %arg15[%shift_right_logical3A_425, %and3A_427] : memref<160x64xf32, #tpu.memory_space<vmem>>[vector<16xi32>, vector<16xi32>], vector<16xf32>,
      %add3A_429 = arith.constant 1.000000e-16 : f32
      %add3A_430 = vector.broadcast %add3A_429 : f32 to vector<16xf32>
      %add3A_431 = arith.addf %gather3A_428, %add3A_430 : vector<16xf32>
      %div3A = arith.divf %exp3A, %add3A_431 : vector<16xf32>
      %swap3A = arith.constant 0 : index
      %swap3A_432 = tpu.vector_load %arg20[%swap3A] {strides = array<i32>} : memref<80xf32, #tpu.memory_space<vmem>>, vector<16xf32>,
      tpu.vector_store %arg20[%swap3A], %div3A {strides = array<i32>} : memref<80xf32, #tpu.memory_space<vmem>>, vector<16xf32>,
      %get3A_433 = arith.index_cast %add3A_407 : i32 to index
      %get3A_434 = arith.constant 16 : index
      %get3A_435 = tpu.vector_load %arg12[%get3A_433, %get3A_434] {strides = array<i32>} : memref<160x64xi32, #tpu.memory_space<vmem>>, vector<16xi32>,
      %get3A_436 = arith.index_cast %add3A_407 : i32 to index
      %get3A_437 = arith.constant 16 : index
      %get3A_438 = tpu.vector_load %arg13[%get3A_436, %get3A_437] {strides = array<i32>} : memref<160x64xi32, #tpu.memory_space<vmem>>, vector<16xi32>,
      %gather3A_439 = tpu.vector_load_idx %arg10[%get3A_435] : memref<10112xf32, #tpu.memory_space<vmem>>[vector<16xi32>], vector<16xf32>,
      %gather3A_440 = tpu.vector_load_idx %arg11[%get3A_438] : memref<10112xf32, #tpu.memory_space<vmem>>[vector<16xi32>], vector<16xf32>,
      %add3A_441 = arith.addf %gather3A_439, %gather3A_440 : vector<16xf32>
      %get3A_442 = arith.index_cast %add3A_407 : i32 to index
      %get3A_443 = arith.constant 16 : index
      %get3A_444 = tpu.vector_load %arg14[%get3A_442, %get3A_443] {strides = array<i32>} : memref<160x64xf32, #tpu.memory_space<vmem>>, vector<16xf32>,
      %add3A_445 = arith.addf %add3A_441, %get3A_444 : vector<16xf32>
      %ge3A_446 = arith.constant 0.000000e+00 : f32
      %ge3A_447 = vector.broadcast %ge3A_446 : f32 to vector<16xf32>
      %ge3A_448 = arith.cmpf oge, %add3A_445, %ge3A_447 : vector<16xf32>
      %mul3A_449 = arith.constant 0.00999999977 : f32
      %mul3A_450 = vector.broadcast %mul3A_449 : f32 to vector<16xf32>
      %mul3A_451 = arith.mulf %add3A_445, %mul3A_450 : vector<16xf32>
      %select_n3A_452 = arith.select %ge3A_448, %add3A_445, %mul3A_451 : vector<16xi1>, vector<16xf32>
      %exp3A_453 = math.exp %select_n3A_452 : vector<16xf32>
      %shift_right_logical3A_454 = arith.constant 6 : i32
      %shift_right_logical3A_455 = vector.broadcast %shift_right_logical3A_454 : i32 to vector<16xi32>
      %shift_right_logical3A_456 = arith.shrui %get3A_435, %shift_right_logical3A_455 : vector<16xi32>
      %and3A_457 = arith.constant 63 : i32
      %and3A_458 = vector.broadcast %and3A_457 : i32 to vector<16xi32>
      %and3A_459 = arith.andi %get3A_435, %and3A_458 : vector<16xi32>
      %gather3A_460 = tpu.vector_load_idx %arg15[%shift_right_logical3A_456, %and3A_459] : memref<160x64xf32, #tpu.memory_space<vmem>>[vector<16xi32>, vector<16xi32>], vector<16xf32>,
      %add3A_461 = arith.constant 1.000000e-16 : f32
      %add3A_462 = vector.broadcast %add3A_461 : f32 to vector<16xf32>
      %add3A_463 = arith.addf %gather3A_460, %add3A_462 : vector<16xf32>
      %div3A_464 = arith.divf %exp3A_453, %add3A_463 : vector<16xf32>
      %swap3A_465 = arith.constant 16 : index
      %swap3A_466 = tpu.vector_load %arg20[%swap3A_465] {strides = array<i32>} : memref<80xf32, #tpu.memory_space<vmem>>, vector<16xf32>,
      tpu.vector_store %arg20[%swap3A_465], %div3A_464 {strides = array<i32>} : memref<80xf32, #tpu.memory_space<vmem>>, vector<16xf32>,
      %get3A_467 = arith.index_cast %add3A_407 : i32 to index
      %get3A_468 = arith.constant 32 : index
      %get3A_469 = tpu.vector_load %arg12[%get3A_467, %get3A_468] {strides = array<i32>} : memref<160x64xi32, #tpu.memory_space<vmem>>, vector<16xi32>,
      %get3A_470 = arith.index_cast %add3A_407 : i32 to index
      %get3A_471 = arith.constant 32 : index
      %get3A_472 = tpu.vector_load %arg13[%get3A_470, %get3A_471] {strides = array<i32>} : memref<160x64xi32, #tpu.memory_space<vmem>>, vector<16xi32>,
      %gather3A_473 = tpu.vector_load_idx %arg10[%get3A_469] : memref<10112xf32, #tpu.memory_space<vmem>>[vector<16xi32>], vector<16xf32>,
      %gather3A_474 = tpu.vector_load_idx %arg11[%get3A_472] : memref<10112xf32, #tpu.memory_space<vmem>>[vector<16xi32>], vector<16xf32>,
      %add3A_475 = arith.addf %gather3A_473, %gather3A_474 : vector<16xf32>
      %get3A_476 = arith.index_cast %add3A_407 : i32 to index
      %get3A_477 = arith.constant 32 : index
      %get3A_478 = tpu.vector_load %arg14[%get3A_476, %get3A_477] {strides = array<i32>} : memref<160x64xf32, #tpu.memory_space<vmem>>, vector<16xf32>,
      %add3A_479 = arith.addf %add3A_475, %get3A_478 : vector<16xf32>
      %ge3A_480 = arith.constant 0.000000e+00 : f32
      %ge3A_481 = vector.broadcast %ge3A_480 : f32 to vector<16xf32>
      %ge3A_482 = arith.cmpf oge, %add3A_479, %ge3A_481 : vector<16xf32>
      %mul3A_483 = arith.constant 0.00999999977 : f32
      %mul3A_484 = vector.broadcast %mul3A_483 : f32 to vector<16xf32>
      %mul3A_485 = arith.mulf %add3A_479, %mul3A_484 : vector<16xf32>
      %select_n3A_486 = arith.select %ge3A_482, %add3A_479, %mul3A_485 : vector<16xi1>, vector<16xf32>
      %exp3A_487 = math.exp %select_n3A_486 : vector<16xf32>
      %shift_right_logical3A_488 = arith.constant 6 : i32
      %shift_right_logical3A_489 = vector.broadcast %shift_right_logical3A_488 : i32 to vector<16xi32>
      %shift_right_logical3A_490 = arith.shrui %get3A_469, %shift_right_logical3A_489 : vector<16xi32>
      %and3A_491 = arith.constant 63 : i32
      %and3A_492 = vector.broadcast %and3A_491 : i32 to vector<16xi32>
      %and3A_493 = arith.andi %get3A_469, %and3A_492 : vector<16xi32>
      %gather3A_494 = tpu.vector_load_idx %arg15[%shift_right_logical3A_490, %and3A_493] : memref<160x64xf32, #tpu.memory_space<vmem>>[vector<16xi32>, vector<16xi32>], vector<16xf32>,
      %add3A_495 = arith.constant 1.000000e-16 : f32
      %add3A_496 = vector.broadcast %add3A_495 : f32 to vector<16xf32>
      %add3A_497 = arith.addf %gather3A_494, %add3A_496 : vector<16xf32>
      %div3A_498 = arith.divf %exp3A_487, %add3A_497 : vector<16xf32>
      %swap3A_499 = arith.constant 32 : index
      %swap3A_500 = tpu.vector_load %arg20[%swap3A_499] {strides = array<i32>} : memref<80xf32, #tpu.memory_space<vmem>>, vector<16xf32>,
      tpu.vector_store %arg20[%swap3A_499], %div3A_498 {strides = array<i32>} : memref<80xf32, #tpu.memory_space<vmem>>, vector<16xf32>,
      %get3A_501 = arith.index_cast %add3A_407 : i32 to index
      %get3A_502 = arith.constant 48 : index
      %get3A_503 = tpu.vector_load %arg12[%get3A_501, %get3A_502] {strides = array<i32>} : memref<160x64xi32, #tpu.memory_space<vmem>>, vector<16xi32>,
      %get3A_504 = arith.index_cast %add3A_407 : i32 to index
      %get3A_505 = arith.constant 48 : index
      %get3A_506 = tpu.vector_load %arg13[%get3A_504, %get3A_505] {strides = array<i32>} : memref<160x64xi32, #tpu.memory_space<vmem>>, vector<16xi32>,
      %gather3A_507 = tpu.vector_load_idx %arg10[%get3A_503] : memref<10112xf32, #tpu.memory_space<vmem>>[vector<16xi32>], vector<16xf32>,
      %gather3A_508 = tpu.vector_load_idx %arg11[%get3A_506] : memref<10112xf32, #tpu.memory_space<vmem>>[vector<16xi32>], vector<16xf32>,
      %add3A_509 = arith.addf %gather3A_507, %gather3A_508 : vector<16xf32>
      %get3A_510 = arith.index_cast %add3A_407 : i32 to index
      %get3A_511 = arith.constant 48 : index
      %get3A_512 = tpu.vector_load %arg14[%get3A_510, %get3A_511] {strides = array<i32>} : memref<160x64xf32, #tpu.memory_space<vmem>>, vector<16xf32>,
      %add3A_513 = arith.addf %add3A_509, %get3A_512 : vector<16xf32>
      %ge3A_514 = arith.constant 0.000000e+00 : f32
      %ge3A_515 = vector.broadcast %ge3A_514 : f32 to vector<16xf32>
      %ge3A_516 = arith.cmpf oge, %add3A_513, %ge3A_515 : vector<16xf32>
      %mul3A_517 = arith.constant 0.00999999977 : f32
      %mul3A_518 = vector.broadcast %mul3A_517 : f32 to vector<16xf32>
      %mul3A_519 = arith.mulf %add3A_513, %mul3A_518 : vector<16xf32>
      %select_n3A_520 = arith.select %ge3A_516, %add3A_513, %mul3A_519 : vector<16xi1>, vector<16xf32>
      %exp3A_521 = math.exp %select_n3A_520 : vector<16xf32>
      %shift_right_logical3A_522 = arith.constant 6 : i32
      %shift_right_logical3A_523 = vector.broadcast %shift_right_logical3A_522 : i32 to vector<16xi32>
      %shift_right_logical3A_524 = arith.shrui %get3A_503, %shift_right_logical3A_523 : vector<16xi32>
      %and3A_525 = arith.constant 63 : i32
      %and3A_526 = vector.broadcast %and3A_525 : i32 to vector<16xi32>
      %and3A_527 = arith.andi %get3A_503, %and3A_526 : vector<16xi32>
      %gather3A_528 = tpu.vector_load_idx %arg15[%shift_right_logical3A_524, %and3A_527] : memref<160x64xf32, #tpu.memory_space<vmem>>[vector<16xi32>, vector<16xi32>], vector<16xf32>,
      %add3A_529 = arith.constant 1.000000e-16 : f32
      %add3A_530 = vector.broadcast %add3A_529 : f32 to vector<16xf32>
      %add3A_531 = arith.addf %gather3A_528, %add3A_530 : vector<16xf32>
      %div3A_532 = arith.divf %exp3A_521, %add3A_531 : vector<16xf32>
      %swap3A_533 = arith.constant 48 : index
      %swap3A_534 = tpu.vector_load %arg20[%swap3A_533] {strides = array<i32>} : memref<80xf32, #tpu.memory_space<vmem>>, vector<16xf32>,
      tpu.vector_store %arg20[%swap3A_533], %div3A_532 {strides = array<i32>} : memref<80xf32, #tpu.memory_space<vmem>>, vector<16xf32>,
      %dma_wait3A_535 = arith.constant 0 : i32
      %dma_wait3A_536 = arith.constant 0 : i32
      %dma_wait3A_537 = tpu.memref_slice %arg13[%add3A_407, %dma_wait3A_536] : memref<160x64xi32, #tpu.memory_space<vmem>> -> memref<1x64xi32, #tpu.memory_space<vmem>>
      %dma_wait3A_538 = tpu.memref_squeeze %dma_wait3A_537 : memref<1x64xi32, #tpu.memory_space<vmem>> -> memref<64xi32, #tpu.memory_space<vmem>>
      %dma_wait3A_539 = arith.constant 0 : i32
      %dma_wait3A_540 = arith.constant 0 : i32
      %dma_wait3A_541 = tpu.memref_slice %arg3[%dma_wait3A_539, %dma_wait3A_540] : memref<10240x64xf32, #tpu.memory_space<hbm>> -> memref<10240x64xf32, #tpu.memory_space<hbm>>
      %dma_wait3A_542 = tpu.memref_slice %arg25[%dma_wait3A_535] : memref<4x!tpu.dma_semaphore, #tpu.memory_space<semaphore_mem>> -> memref<1x!tpu.dma_semaphore, #tpu.memory_space<semaphore_mem>>
      %dma_wait3A_543 = tpu.memref_squeeze %dma_wait3A_542 : memref<1x!tpu.dma_semaphore, #tpu.memory_space<semaphore_mem>> -> memref<!tpu.dma_semaphore, #tpu.memory_space<semaphore_mem>>
      tpu.wait_indirect_dma semaphore(%dma_wait3A_543 : memref<!tpu.dma_semaphore, #tpu.memory_space<semaphore_mem>>) src(%dma_wait3A_541 : memref<10240x64xf32, #tpu.memory_space<hbm>>) dst(%arg16 : memref<64x64xf32, #tpu.memory_space<vmem>>)
      %scan3A_544 = arith.constant 0 : i32
      %scan3A_545 = arith.constant 0 : i32
      %scan3A_546 = arith.constant 64 : i32
      %scan3A_547 = arith.addi %scan3A_545, %scan3A_546 : i32
      %scan3A_548 = arith.constant 1 : i32
      scf.for %scan3A_1095 = %scan3A_545 to %scan3A_547 step %scan3A_548  : i32 {
        %get3A_1096 = arith.index_cast %scan3A_1095 : i32 to index
        %get3A_1097 = tpu.vector_load %arg20[%get3A_1096] {strides = array<i32>} : memref<80xf32, #tpu.memory_space<vmem>>, vector<16xf32>,
        %slice3A = vector.extract_strided_slice %get3A_1097 {offsets = [0], sizes = [1], strides = [1]} : vector<16xf32> to vector<1xf32>
        %squeeze3A = vector.extract %slice3A[0] : f32 from vector<1xf32>
        %get3A_1098 = arith.index_cast %scan3A_1095 : i32 to index
        %get3A_1099 = arith.constant 0 : index
        %get3A_1100 = tpu.vector_load %arg16[%get3A_1098, %get3A_1099] {strides = array<i32>} : memref<64x64xf32, #tpu.memory_space<vmem>>, vector<16xf32>,
        %mul3A_1101 = vector.broadcast %squeeze3A : f32 to vector<16xf32>
        %mul3A_1102 = arith.mulf %get3A_1100, %mul3A_1101 : vector<16xf32>
        %swap3A_1103 = arith.index_cast %scan3A_1095 : i32 to index
        %swap3A_1104 = arith.constant 0 : index
        %swap3A_1105 = tpu.vector_load %arg16[%swap3A_1103, %swap3A_1104] {strides = array<i32>} : memref<64x64xf32, #tpu.memory_space<vmem>>, vector<16xf32>,
        tpu.vector_store %arg16[%swap3A_1103, %swap3A_1104], %mul3A_1102 {strides = array<i32>} : memref<64x64xf32, #tpu.memory_space<vmem>>, vector<16xf32>,
        %get3A_1106 = arith.index_cast %scan3A_1095 : i32 to index
        %get3A_1107 = arith.constant 16 : index
        %get3A_1108 = tpu.vector_load %arg16[%get3A_1106, %get3A_1107] {strides = array<i32>} : memref<64x64xf32, #tpu.memory_space<vmem>>, vector<16xf32>,
        %mul3A_1109 = vector.broadcast %squeeze3A : f32 to vector<16xf32>
        %mul3A_1110 = arith.mulf %get3A_1108, %mul3A_1109 : vector<16xf32>
        %swap3A_1111 = arith.index_cast %scan3A_1095 : i32 to index
        %swap3A_1112 = arith.constant 16 : index
        %swap3A_1113 = tpu.vector_load %arg16[%swap3A_1111, %swap3A_1112] {strides = array<i32>} : memref<64x64xf32, #tpu.memory_space<vmem>>, vector<16xf32>,
        tpu.vector_store %arg16[%swap3A_1111, %swap3A_1112], %mul3A_1110 {strides = array<i32>} : memref<64x64xf32, #tpu.memory_space<vmem>>, vector<16xf32>,
        %get3A_1114 = arith.index_cast %scan3A_1095 : i32 to index
        %get3A_1115 = arith.constant 32 : index
        %get3A_1116 = tpu.vector_load %arg16[%get3A_1114, %get3A_1115] {strides = array<i32>} : memref<64x64xf32, #tpu.memory_space<vmem>>, vector<16xf32>,
        %mul3A_1117 = vector.broadcast %squeeze3A : f32 to vector<16xf32>
        %mul3A_1118 = arith.mulf %get3A_1116, %mul3A_1117 : vector<16xf32>
        %swap3A_1119 = arith.index_cast %scan3A_1095 : i32 to index
        %swap3A_1120 = arith.constant 32 : index
        %swap3A_1121 = tpu.vector_load %arg16[%swap3A_1119, %swap3A_1120] {strides = array<i32>} : memref<64x64xf32, #tpu.memory_space<vmem>>, vector<16xf32>,
        tpu.vector_store %arg16[%swap3A_1119, %swap3A_1120], %mul3A_1118 {strides = array<i32>} : memref<64x64xf32, #tpu.memory_space<vmem>>, vector<16xf32>,
        %get3A_1122 = arith.index_cast %scan3A_1095 : i32 to index
        %get3A_1123 = arith.constant 48 : index
        %get3A_1124 = tpu.vector_load %arg16[%get3A_1122, %get3A_1123] {strides = array<i32>} : memref<64x64xf32, #tpu.memory_space<vmem>>, vector<16xf32>,
        %mul3A_1125 = vector.broadcast %squeeze3A : f32 to vector<16xf32>
        %mul3A_1126 = arith.mulf %get3A_1124, %mul3A_1125 : vector<16xf32>
        %swap3A_1127 = arith.index_cast %scan3A_1095 : i32 to index
        %swap3A_1128 = arith.constant 48 : index
        %swap3A_1129 = tpu.vector_load %arg16[%swap3A_1127, %swap3A_1128] {strides = array<i32>} : memref<64x64xf32, #tpu.memory_space<vmem>>, vector<16xf32>,
        tpu.vector_store %arg16[%swap3A_1127, %swap3A_1128], %mul3A_1126 {strides = array<i32>} : memref<64x64xf32, #tpu.memory_space<vmem>>, vector<16xf32>,
      }
      %scan3A_549 = arith.constant 64 : i32
      %dma_start3A_550 = arith.constant 0 : i32
      %dma_start3A_551 = arith.constant 0 : i32
      %dma_start3A_552 = tpu.memref_slice %arg12[%add3A_407, %dma_start3A_551] : memref<160x64xi32, #tpu.memory_space<vmem>> -> memref<1x64xi32, #tpu.memory_space<vmem>>
      %dma_start3A_553 = tpu.memref_squeeze %dma_start3A_552 : memref<1x64xi32, #tpu.memory_space<vmem>> -> memref<64xi32, #tpu.memory_space<vmem>>
      %dma_start3A_554 = arith.constant 0 : i32
      %dma_start3A_555 = arith.constant 0 : i32
      %dma_start3A_556 = tpu.memref_slice %arg24[%dma_start3A_554, %dma_start3A_555] : memref<10112x64xf32, #tpu.memory_space<vmem_shared>> -> memref<10112x64xf32, #tpu.memory_space<vmem_shared>>
      %dma_start3A_557 = tpu.memref_slice %arg26[%dma_start3A_550] : memref<4x!tpu.dma_semaphore, #tpu.memory_space<semaphore_mem>> -> memref<1x!tpu.dma_semaphore, #tpu.memory_space<semaphore_mem>>
      %dma_start3A_558 = tpu.memref_squeeze %dma_start3A_557 : memref<1x!tpu.dma_semaphore, #tpu.memory_space<semaphore_mem>> -> memref<!tpu.dma_semaphore, #tpu.memory_space<semaphore_mem>>
      tpu.enqueue_indirect_dma source(%arg16 : memref<64x64xf32, #tpu.memory_space<vmem>>) target(%dma_start3A_556 : memref<10112x64xf32, #tpu.memory_space<vmem_shared>>) offsets(%dma_start3A_553 : memref<64xi32, #tpu.memory_space<vmem>>) semaphore(%dma_start3A_558 : memref<!tpu.dma_semaphore, #tpu.memory_space<semaphore_mem>>) {add = true}
      %sub3A = arith.constant 1 : i32
      %sub3A_559 = arith.subi %add3A_407, %sub3A : i32
      %add3A_560 = arith.constant 4 : i32
      %add3A_561 = arith.addi %sub3A_559, %add3A_560 : i32
      %ge3A_562 = arith.constant 0 : i32
      %ge3A_563 = arith.cmpi sge, %sub3A_559, %ge3A_562 : i32
      %lt3A = arith.constant 160 : i32
      %lt3A_564 = arith.cmpi slt, %add3A_561, %lt3A : i32
      %and3A_565 = arith.andi %ge3A_563, %lt3A_564 : i1
      %convert_element_type3A = arith.extui %and3A_565 : i1 to i32
      %cond3A = arith.constant 0 : i32
      %cond3A_566 = arith.cmpi ne, %convert_element_type3A, %cond3A : i32
      scf.if %cond3A_566 {
        %dma_wait3A_1095 = arith.constant 3 : i32
        %dma_wait3A_1096 = arith.constant 0 : i32
        %dma_wait3A_1097 = tpu.memref_slice %arg12[%sub3A_559, %dma_wait3A_1096] : memref<160x64xi32, #tpu.memory_space<vmem>> -> memref<1x64xi32, #tpu.memory_space<vmem>>
        %dma_wait3A_1098 = tpu.memref_squeeze %dma_wait3A_1097 : memref<1x64xi32, #tpu.memory_space<vmem>> -> memref<64xi32, #tpu.memory_space<vmem>>
        %dma_wait3A_1099 = arith.constant 0 : i32
        %dma_wait3A_1100 = arith.constant 0 : i32
        %dma_wait3A_1101 = tpu.memref_slice %arg24[%dma_wait3A_1099, %dma_wait3A_1100] : memref<10112x64xf32, #tpu.memory_space<vmem_shared>> -> memref<10112x64xf32, #tpu.memory_space<vmem_shared>>
        %dma_wait3A_1102 = tpu.memref_slice %arg26[%dma_wait3A_1095] : memref<4x!tpu.dma_semaphore, #tpu.memory_space<semaphore_mem>> -> memref<1x!tpu.dma_semaphore, #tpu.memory_space<semaphore_mem>>
        %dma_wait3A_1103 = tpu.memref_squeeze %dma_wait3A_1102 : memref<1x!tpu.dma_semaphore, #tpu.memory_space<semaphore_mem>> -> memref<!tpu.dma_semaphore, #tpu.memory_space<semaphore_mem>>
        tpu.wait_indirect_dma semaphore(%dma_wait3A_1103 : memref<!tpu.dma_semaphore, #tpu.memory_space<semaphore_mem>>) src(%arg19 : memref<64x64xf32, #tpu.memory_space<vmem>>) dst(%dma_wait3A_1101 : memref<10112x64xf32, #tpu.memory_space<vmem_shared>>)
        %dma_start3A_1104 = arith.constant 3 : i32
        %dma_start3A_1105 = arith.constant 0 : i32
        %dma_start3A_1106 = tpu.memref_slice %arg13[%add3A_561, %dma_start3A_1105] : memref<160x64xi32, #tpu.memory_space<vmem>> -> memref<1x64xi32, #tpu.memory_space<vmem>>
        %dma_start3A_1107 = tpu.memref_squeeze %dma_start3A_1106 : memref<1x64xi32, #tpu.memory_space<vmem>> -> memref<64xi32, #tpu.memory_space<vmem>>
        %dma_start3A_1108 = arith.constant 0 : i32
        %dma_start3A_1109 = arith.constant 0 : i32
        %dma_start3A_1110 = tpu.memref_slice %arg3[%dma_start3A_1108, %dma_start3A_1109] : memref<10240x64xf32, #tpu.memory_space<hbm>> -> memref<10240x64xf32, #tpu.memory_space<hbm>>
        %dma_start3A_1111 = tpu.memref_slice %arg25[%dma_start3A_1104] : memref<4x!tpu.dma_semaphore, #tpu.memory_space<semaphore_mem>> -> memref<1x!tpu.dma_semaphore, #tpu.memory_space<semaphore_mem>>
        %dma_start3A_1112 = tpu.memref_squeeze %dma_start3A_1111 : memref<1x!tpu.dma_semaphore, #tpu.memory_space<semaphore_mem>> -> memref<!tpu.dma_semaphore, #tpu.memory_space<semaphore_mem>>
        tpu.enqueue_indirect_dma source(%dma_start3A_1110 : memref<10240x64xf32, #tpu.memory_space<hbm>>) target(%arg19 : memref<64x64xf32, #tpu.memory_space<vmem>>) offsets(%dma_start3A_1107 : memref<64xi32, #tpu.memory_space<vmem>>) semaphore(%dma_start3A_1112 : memref<!tpu.dma_semaphore, #tpu.memory_space<semaphore_mem>>)
      } else {
      }
      %mul3A_567 = arith.constant 4 : i32
      %mul3A_568 = arith.muli %scan3A_403, %mul3A_567 : i32
      %add3A_569 = arith.constant 1 : i32
      %add3A_570 = arith.addi %mul3A_568, %add3A_569 : i32
      %get3A_571 = arith.index_cast %add3A_570 : i32 to index
      %get3A_572 = arith.constant 0 : index
      %get3A_573 = tpu.vector_load %arg12[%get3A_571, %get3A_572] {strides = array<i32>} : memref<160x64xi32, #tpu.memory_space<vmem>>, vector<16xi32>,
      %get3A_574 = arith.index_cast %add3A_570 : i32 to index
      %get3A_575 = arith.constant 0 : index
      %get3A_576 = tpu.vector_load %arg13[%get3A_574, %get3A_575] {strides = array<i32>} : memref<160x64xi32, #tpu.memory_space<vmem>>, vector<16xi32>,
      %gather3A_577 = tpu.vector_load_idx %arg10[%get3A_573] : memref<10112xf32, #tpu.memory_space<vmem>>[vector<16xi32>], vector<16xf32>,
      %gather3A_578 = tpu.vector_load_idx %arg11[%get3A_576] : memref<10112xf32, #tpu.memory_space<vmem>>[vector<16xi32>], vector<16xf32>,
      %add3A_579 = arith.addf %gather3A_577, %gather3A_578 : vector<16xf32>
      %get3A_580 = arith.index_cast %add3A_570 : i32 to index
      %get3A_581 = arith.constant 0 : index
      %get3A_582 = tpu.vector_load %arg14[%get3A_580, %get3A_581] {strides = array<i32>} : memref<160x64xf32, #tpu.memory_space<vmem>>, vector<16xf32>,
      %add3A_583 = arith.addf %add3A_579, %get3A_582 : vector<16xf32>
      %ge3A_584 = arith.constant 0.000000e+00 : f32
      %ge3A_585 = vector.broadcast %ge3A_584 : f32 to vector<16xf32>
      %ge3A_586 = arith.cmpf oge, %add3A_583, %ge3A_585 : vector<16xf32>
      %mul3A_587 = arith.constant 0.00999999977 : f32
      %mul3A_588 = vector.broadcast %mul3A_587 : f32 to vector<16xf32>
      %mul3A_589 = arith.mulf %add3A_583, %mul3A_588 : vector<16xf32>
      %select_n3A_590 = arith.select %ge3A_586, %add3A_583, %mul3A_589 : vector<16xi1>, vector<16xf32>
      %exp3A_591 = math.exp %select_n3A_590 : vector<16xf32>
      %shift_right_logical3A_592 = arith.constant 6 : i32
      %shift_right_logical3A_593 = vector.broadcast %shift_right_logical3A_592 : i32 to vector<16xi32>
      %shift_right_logical3A_594 = arith.shrui %get3A_573, %shift_right_logical3A_593 : vector<16xi32>
      %and3A_595 = arith.constant 63 : i32
      %and3A_596 = vector.broadcast %and3A_595 : i32 to vector<16xi32>
      %and3A_597 = arith.andi %get3A_573, %and3A_596 : vector<16xi32>
      %gather3A_598 = tpu.vector_load_idx %arg15[%shift_right_logical3A_594, %and3A_597] : memref<160x64xf32, #tpu.memory_space<vmem>>[vector<16xi32>, vector<16xi32>], vector<16xf32>,
      %add3A_599 = arith.constant 1.000000e-16 : f32
      %add3A_600 = vector.broadcast %add3A_599 : f32 to vector<16xf32>
      %add3A_601 = arith.addf %gather3A_598, %add3A_600 : vector<16xf32>
      %div3A_602 = arith.divf %exp3A_591, %add3A_601 : vector<16xf32>
      %swap3A_603 = arith.constant 0 : index
      %swap3A_604 = tpu.vector_load %arg20[%swap3A_603] {strides = array<i32>} : memref<80xf32, #tpu.memory_space<vmem>>, vector<16xf32>,
      tpu.vector_store %arg20[%swap3A_603], %div3A_602 {strides = array<i32>} : memref<80xf32, #tpu.memory_space<vmem>>, vector<16xf32>,
      %get3A_605 = arith.index_cast %add3A_570 : i32 to index
      %get3A_606 = arith.constant 16 : index
      %get3A_607 = tpu.vector_load %arg12[%get3A_605, %get3A_606] {strides = array<i32>} : memref<160x64xi32, #tpu.memory_space<vmem>>, vector<16xi32>,
      %get3A_608 = arith.index_cast %add3A_570 : i32 to index
      %get3A_609 = arith.constant 16 : index
      %get3A_610 = tpu.vector_load %arg13[%get3A_608, %get3A_609] {strides = array<i32>} : memref<160x64xi32, #tpu.memory_space<vmem>>, vector<16xi32>,
      %gather3A_611 = tpu.vector_load_idx %arg10[%get3A_607] : memref<10112xf32, #tpu.memory_space<vmem>>[vector<16xi32>], vector<16xf32>,
      %gather3A_612 = tpu.vector_load_idx %arg11[%get3A_610] : memref<10112xf32, #tpu.memory_space<vmem>>[vector<16xi32>], vector<16xf32>,
      %add3A_613 = arith.addf %gather3A_611, %gather3A_612 : vector<16xf32>
      %get3A_614 = arith.index_cast %add3A_570 : i32 to index
      %get3A_615 = arith.constant 16 : index
      %get3A_616 = tpu.vector_load %arg14[%get3A_614, %get3A_615] {strides = array<i32>} : memref<160x64xf32, #tpu.memory_space<vmem>>, vector<16xf32>,
      %add3A_617 = arith.addf %add3A_613, %get3A_616 : vector<16xf32>
      %ge3A_618 = arith.constant 0.000000e+00 : f32
      %ge3A_619 = vector.broadcast %ge3A_618 : f32 to vector<16xf32>
      %ge3A_620 = arith.cmpf oge, %add3A_617, %ge3A_619 : vector<16xf32>
      %mul3A_621 = arith.constant 0.00999999977 : f32
      %mul3A_622 = vector.broadcast %mul3A_621 : f32 to vector<16xf32>
      %mul3A_623 = arith.mulf %add3A_617, %mul3A_622 : vector<16xf32>
      %select_n3A_624 = arith.select %ge3A_620, %add3A_617, %mul3A_623 : vector<16xi1>, vector<16xf32>
      %exp3A_625 = math.exp %select_n3A_624 : vector<16xf32>
      %shift_right_logical3A_626 = arith.constant 6 : i32
      %shift_right_logical3A_627 = vector.broadcast %shift_right_logical3A_626 : i32 to vector<16xi32>
      %shift_right_logical3A_628 = arith.shrui %get3A_607, %shift_right_logical3A_627 : vector<16xi32>
      %and3A_629 = arith.constant 63 : i32
      %and3A_630 = vector.broadcast %and3A_629 : i32 to vector<16xi32>
      %and3A_631 = arith.andi %get3A_607, %and3A_630 : vector<16xi32>
      %gather3A_632 = tpu.vector_load_idx %arg15[%shift_right_logical3A_628, %and3A_631] : memref<160x64xf32, #tpu.memory_space<vmem>>[vector<16xi32>, vector<16xi32>], vector<16xf32>,
      %add3A_633 = arith.constant 1.000000e-16 : f32
      %add3A_634 = vector.broadcast %add3A_633 : f32 to vector<16xf32>
      %add3A_635 = arith.addf %gather3A_632, %add3A_634 : vector<16xf32>
      %div3A_636 = arith.divf %exp3A_625, %add3A_635 : vector<16xf32>
      %swap3A_637 = arith.constant 16 : index
      %swap3A_638 = tpu.vector_load %arg20[%swap3A_637] {strides = array<i32>} : memref<80xf32, #tpu.memory_space<vmem>>, vector<16xf32>,
      tpu.vector_store %arg20[%swap3A_637], %div3A_636 {strides = array<i32>} : memref<80xf32, #tpu.memory_space<vmem>>, vector<16xf32>,
      %get3A_639 = arith.index_cast %add3A_570 : i32 to index
      %get3A_640 = arith.constant 32 : index
      %get3A_641 = tpu.vector_load %arg12[%get3A_639, %get3A_640] {strides = array<i32>} : memref<160x64xi32, #tpu.memory_space<vmem>>, vector<16xi32>,
      %get3A_642 = arith.index_cast %add3A_570 : i32 to index
      %get3A_643 = arith.constant 32 : index
      %get3A_644 = tpu.vector_load %arg13[%get3A_642, %get3A_643] {strides = array<i32>} : memref<160x64xi32, #tpu.memory_space<vmem>>, vector<16xi32>,
      %gather3A_645 = tpu.vector_load_idx %arg10[%get3A_641] : memref<10112xf32, #tpu.memory_space<vmem>>[vector<16xi32>], vector<16xf32>,
      %gather3A_646 = tpu.vector_load_idx %arg11[%get3A_644] : memref<10112xf32, #tpu.memory_space<vmem>>[vector<16xi32>], vector<16xf32>,
      %add3A_647 = arith.addf %gather3A_645, %gather3A_646 : vector<16xf32>
      %get3A_648 = arith.index_cast %add3A_570 : i32 to index
      %get3A_649 = arith.constant 32 : index
      %get3A_650 = tpu.vector_load %arg14[%get3A_648, %get3A_649] {strides = array<i32>} : memref<160x64xf32, #tpu.memory_space<vmem>>, vector<16xf32>,
      %add3A_651 = arith.addf %add3A_647, %get3A_650 : vector<16xf32>
      %ge3A_652 = arith.constant 0.000000e+00 : f32
      %ge3A_653 = vector.broadcast %ge3A_652 : f32 to vector<16xf32>
      %ge3A_654 = arith.cmpf oge, %add3A_651, %ge3A_653 : vector<16xf32>
      %mul3A_655 = arith.constant 0.00999999977 : f32
      %mul3A_656 = vector.broadcast %mul3A_655 : f32 to vector<16xf32>
      %mul3A_657 = arith.mulf %add3A_651, %mul3A_656 : vector<16xf32>
      %select_n3A_658 = arith.select %ge3A_654, %add3A_651, %mul3A_657 : vector<16xi1>, vector<16xf32>
      %exp3A_659 = math.exp %select_n3A_658 : vector<16xf32>
      %shift_right_logical3A_660 = arith.constant 6 : i32
      %shift_right_logical3A_661 = vector.broadcast %shift_right_logical3A_660 : i32 to vector<16xi32>
      %shift_right_logical3A_662 = arith.shrui %get3A_641, %shift_right_logical3A_661 : vector<16xi32>
      %and3A_663 = arith.constant 63 : i32
      %and3A_664 = vector.broadcast %and3A_663 : i32 to vector<16xi32>
      %and3A_665 = arith.andi %get3A_641, %and3A_664 : vector<16xi32>
      %gather3A_666 = tpu.vector_load_idx %arg15[%shift_right_logical3A_662, %and3A_665] : memref<160x64xf32, #tpu.memory_space<vmem>>[vector<16xi32>, vector<16xi32>], vector<16xf32>,
      %add3A_667 = arith.constant 1.000000e-16 : f32
      %add3A_668 = vector.broadcast %add3A_667 : f32 to vector<16xf32>
      %add3A_669 = arith.addf %gather3A_666, %add3A_668 : vector<16xf32>
      %div3A_670 = arith.divf %exp3A_659, %add3A_669 : vector<16xf32>
      %swap3A_671 = arith.constant 32 : index
      %swap3A_672 = tpu.vector_load %arg20[%swap3A_671] {strides = array<i32>} : memref<80xf32, #tpu.memory_space<vmem>>, vector<16xf32>,
      tpu.vector_store %arg20[%swap3A_671], %div3A_670 {strides = array<i32>} : memref<80xf32, #tpu.memory_space<vmem>>, vector<16xf32>,
      %get3A_673 = arith.index_cast %add3A_570 : i32 to index
      %get3A_674 = arith.constant 48 : index
      %get3A_675 = tpu.vector_load %arg12[%get3A_673, %get3A_674] {strides = array<i32>} : memref<160x64xi32, #tpu.memory_space<vmem>>, vector<16xi32>,
      %get3A_676 = arith.index_cast %add3A_570 : i32 to index
      %get3A_677 = arith.constant 48 : index
      %get3A_678 = tpu.vector_load %arg13[%get3A_676, %get3A_677] {strides = array<i32>} : memref<160x64xi32, #tpu.memory_space<vmem>>, vector<16xi32>,
      %gather3A_679 = tpu.vector_load_idx %arg10[%get3A_675] : memref<10112xf32, #tpu.memory_space<vmem>>[vector<16xi32>], vector<16xf32>,
      %gather3A_680 = tpu.vector_load_idx %arg11[%get3A_678] : memref<10112xf32, #tpu.memory_space<vmem>>[vector<16xi32>], vector<16xf32>,
      %add3A_681 = arith.addf %gather3A_679, %gather3A_680 : vector<16xf32>
      %get3A_682 = arith.index_cast %add3A_570 : i32 to index
      %get3A_683 = arith.constant 48 : index
      %get3A_684 = tpu.vector_load %arg14[%get3A_682, %get3A_683] {strides = array<i32>} : memref<160x64xf32, #tpu.memory_space<vmem>>, vector<16xf32>,
      %add3A_685 = arith.addf %add3A_681, %get3A_684 : vector<16xf32>
      %ge3A_686 = arith.constant 0.000000e+00 : f32
      %ge3A_687 = vector.broadcast %ge3A_686 : f32 to vector<16xf32>
      %ge3A_688 = arith.cmpf oge, %add3A_685, %ge3A_687 : vector<16xf32>
      %mul3A_689 = arith.constant 0.00999999977 : f32
      %mul3A_690 = vector.broadcast %mul3A_689 : f32 to vector<16xf32>
      %mul3A_691 = arith.mulf %add3A_685, %mul3A_690 : vector<16xf32>
      %select_n3A_692 = arith.select %ge3A_688, %add3A_685, %mul3A_691 : vector<16xi1>, vector<16xf32>
      %exp3A_693 = math.exp %select_n3A_692 : vector<16xf32>
      %shift_right_logical3A_694 = arith.constant 6 : i32
      %shift_right_logical3A_695 = vector.broadcast %shift_right_logical3A_694 : i32 to vector<16xi32>
      %shift_right_logical3A_696 = arith.shrui %get3A_675, %shift_right_logical3A_695 : vector<16xi32>
      %and3A_697 = arith.constant 63 : i32
      %and3A_698 = vector.broadcast %and3A_697 : i32 to vector<16xi32>
      %and3A_699 = arith.andi %get3A_675, %and3A_698 : vector<16xi32>
      %gather3A_700 = tpu.vector_load_idx %arg15[%shift_right_logical3A_696, %and3A_699] : memref<160x64xf32, #tpu.memory_space<vmem>>[vector<16xi32>, vector<16xi32>], vector<16xf32>,
      %add3A_701 = arith.constant 1.000000e-16 : f32
      %add3A_702 = vector.broadcast %add3A_701 : f32 to vector<16xf32>
      %add3A_703 = arith.addf %gather3A_700, %add3A_702 : vector<16xf32>
      %div3A_704 = arith.divf %exp3A_693, %add3A_703 : vector<16xf32>
      %swap3A_705 = arith.constant 48 : index
      %swap3A_706 = tpu.vector_load %arg20[%swap3A_705] {strides = array<i32>} : memref<80xf32, #tpu.memory_space<vmem>>, vector<16xf32>,
      tpu.vector_store %arg20[%swap3A_705], %div3A_704 {strides = array<i32>} : memref<80xf32, #tpu.memory_space<vmem>>, vector<16xf32>,
      %dma_wait3A_707 = arith.constant 1 : i32
      %dma_wait3A_708 = arith.constant 0 : i32
      %dma_wait3A_709 = tpu.memref_slice %arg13[%add3A_570, %dma_wait3A_708] : memref<160x64xi32, #tpu.memory_space<vmem>> -> memref<1x64xi32, #tpu.memory_space<vmem>>
      %dma_wait3A_710 = tpu.memref_squeeze %dma_wait3A_709 : memref<1x64xi32, #tpu.memory_space<vmem>> -> memref<64xi32, #tpu.memory_space<vmem>>
      %dma_wait3A_711 = arith.constant 0 : i32
      %dma_wait3A_712 = arith.constant 0 : i32
      %dma_wait3A_713 = tpu.memref_slice %arg3[%dma_wait3A_711, %dma_wait3A_712] : memref<10240x64xf32, #tpu.memory_space<hbm>> -> memref<10240x64xf32, #tpu.memory_space<hbm>>
      %dma_wait3A_714 = tpu.memref_slice %arg25[%dma_wait3A_707] : memref<4x!tpu.dma_semaphore, #tpu.memory_space<semaphore_mem>> -> memref<1x!tpu.dma_semaphore, #tpu.memory_space<semaphore_mem>>
      %dma_wait3A_715 = tpu.memref_squeeze %dma_wait3A_714 : memref<1x!tpu.dma_semaphore, #tpu.memory_space<semaphore_mem>> -> memref<!tpu.dma_semaphore, #tpu.memory_space<semaphore_mem>>
      tpu.wait_indirect_dma semaphore(%dma_wait3A_715 : memref<!tpu.dma_semaphore, #tpu.memory_space<semaphore_mem>>) src(%dma_wait3A_713 : memref<10240x64xf32, #tpu.memory_space<hbm>>) dst(%arg17 : memref<64x64xf32, #tpu.memory_space<vmem>>)
      %scan3A_716 = arith.constant 0 : i32
      %scan3A_717 = arith.constant 0 : i32
      %scan3A_718 = arith.constant 64 : i32
      %scan3A_719 = arith.addi %scan3A_717, %scan3A_718 : i32
      %scan3A_720 = arith.constant 1 : i32
      scf.for %scan3A_1095 = %scan3A_717 to %scan3A_719 step %scan3A_720  : i32 {
        %get3A_1096 = arith.index_cast %scan3A_1095 : i32 to index
        %get3A_1097 = tpu.vector_load %arg20[%get3A_1096] {strides = array<i32>} : memref<80xf32, #tpu.memory_space<vmem>>, vector<16xf32>,
        %slice3A = vector.extract_strided_slice %get3A_1097 {offsets = [0], sizes = [1], strides = [1]} : vector<16xf32> to vector<1xf32>
        %squeeze3A = vector.extract %slice3A[0] : f32 from vector<1xf32>
        %get3A_1098 = arith.index_cast %scan3A_1095 : i32 to index
        %get3A_1099 = arith.constant 0 : index
        %get3A_1100 = tpu.vector_load %arg17[%get3A_1098, %get3A_1099] {strides = array<i32>} : memref<64x64xf32, #tpu.memory_space<vmem>>, vector<16xf32>,
        %mul3A_1101 = vector.broadcast %squeeze3A : f32 to vector<16xf32>
        %mul3A_1102 = arith.mulf %get3A_1100, %mul3A_1101 : vector<16xf32>
        %swap3A_1103 = arith.index_cast %scan3A_1095 : i32 to index
        %swap3A_1104 = arith.constant 0 : index
        %swap3A_1105 = tpu.vector_load %arg17[%swap3A_1103, %swap3A_1104] {strides = array<i32>} : memref<64x64xf32, #tpu.memory_space<vmem>>, vector<16xf32>,
        tpu.vector_store %arg17[%swap3A_1103, %swap3A_1104], %mul3A_1102 {strides = array<i32>} : memref<64x64xf32, #tpu.memory_space<vmem>>, vector<16xf32>,
        %get3A_1106 = arith.index_cast %scan3A_1095 : i32 to index
        %get3A_1107 = arith.constant 16 : index
        %get3A_1108 = tpu.vector_load %arg17[%get3A_1106, %get3A_1107] {strides = array<i32>} : memref<64x64xf32, #tpu.memory_space<vmem>>, vector<16xf32>,
        %mul3A_1109 = vector.broadcast %squeeze3A : f32 to vector<16xf32>
        %mul3A_1110 = arith.mulf %get3A_1108, %mul3A_1109 : vector<16xf32>
        %swap3A_1111 = arith.index_cast %scan3A_1095 : i32 to index
        %swap3A_1112 = arith.constant 16 : index
        %swap3A_1113 = tpu.vector_load %arg17[%swap3A_1111, %swap3A_1112] {strides = array<i32>} : memref<64x64xf32, #tpu.memory_space<vmem>>, vector<16xf32>,
        tpu.vector_store %arg17[%swap3A_1111, %swap3A_1112], %mul3A_1110 {strides = array<i32>} : memref<64x64xf32, #tpu.memory_space<vmem>>, vector<16xf32>,
        %get3A_1114 = arith.index_cast %scan3A_1095 : i32 to index
        %get3A_1115 = arith.constant 32 : index
        %get3A_1116 = tpu.vector_load %arg17[%get3A_1114, %get3A_1115] {strides = array<i32>} : memref<64x64xf32, #tpu.memory_space<vmem>>, vector<16xf32>,
        %mul3A_1117 = vector.broadcast %squeeze3A : f32 to vector<16xf32>
        %mul3A_1118 = arith.mulf %get3A_1116, %mul3A_1117 : vector<16xf32>
        %swap3A_1119 = arith.index_cast %scan3A_1095 : i32 to index
        %swap3A_1120 = arith.constant 32 : index
        %swap3A_1121 = tpu.vector_load %arg17[%swap3A_1119, %swap3A_1120] {strides = array<i32>} : memref<64x64xf32, #tpu.memory_space<vmem>>, vector<16xf32>,
        tpu.vector_store %arg17[%swap3A_1119, %swap3A_1120], %mul3A_1118 {strides = array<i32>} : memref<64x64xf32, #tpu.memory_space<vmem>>, vector<16xf32>,
        %get3A_1122 = arith.index_cast %scan3A_1095 : i32 to index
        %get3A_1123 = arith.constant 48 : index
        %get3A_1124 = tpu.vector_load %arg17[%get3A_1122, %get3A_1123] {strides = array<i32>} : memref<64x64xf32, #tpu.memory_space<vmem>>, vector<16xf32>,
        %mul3A_1125 = vector.broadcast %squeeze3A : f32 to vector<16xf32>
        %mul3A_1126 = arith.mulf %get3A_1124, %mul3A_1125 : vector<16xf32>
        %swap3A_1127 = arith.index_cast %scan3A_1095 : i32 to index
        %swap3A_1128 = arith.constant 48 : index
        %swap3A_1129 = tpu.vector_load %arg17[%swap3A_1127, %swap3A_1128] {strides = array<i32>} : memref<64x64xf32, #tpu.memory_space<vmem>>, vector<16xf32>,
        tpu.vector_store %arg17[%swap3A_1127, %swap3A_1128], %mul3A_1126 {strides = array<i32>} : memref<64x64xf32, #tpu.memory_space<vmem>>, vector<16xf32>,
      }
      %scan3A_721 = arith.constant 64 : i32
      %dma_start3A_722 = arith.constant 1 : i32
      %dma_start3A_723 = arith.constant 0 : i32
      %dma_start3A_724 = tpu.memref_slice %arg12[%add3A_570, %dma_start3A_723] : memref<160x64xi32, #tpu.memory_space<vmem>> -> memref<1x64xi32, #tpu.memory_space<vmem>>
      %dma_start3A_725 = tpu.memref_squeeze %dma_start3A_724 : memref<1x64xi32, #tpu.memory_space<vmem>> -> memref<64xi32, #tpu.memory_space<vmem>>
      %dma_start3A_726 = arith.constant 0 : i32
      %dma_start3A_727 = arith.constant 0 : i32
      %dma_start3A_728 = tpu.memref_slice %arg24[%dma_start3A_726, %dma_start3A_727] : memref<10112x64xf32, #tpu.memory_space<vmem_shared>> -> memref<10112x64xf32, #tpu.memory_space<vmem_shared>>
      %dma_start3A_729 = tpu.memref_slice %arg26[%dma_start3A_722] : memref<4x!tpu.dma_semaphore, #tpu.memory_space<semaphore_mem>> -> memref<1x!tpu.dma_semaphore, #tpu.memory_space<semaphore_mem>>
      %dma_start3A_730 = tpu.memref_squeeze %dma_start3A_729 : memref<1x!tpu.dma_semaphore, #tpu.memory_space<semaphore_mem>> -> memref<!tpu.dma_semaphore, #tpu.memory_space<semaphore_mem>>
      tpu.enqueue_indirect_dma source(%arg17 : memref<64x64xf32, #tpu.memory_space<vmem>>) target(%dma_start3A_728 : memref<10112x64xf32, #tpu.memory_space<vmem_shared>>) offsets(%dma_start3A_725 : memref<64xi32, #tpu.memory_space<vmem>>) semaphore(%dma_start3A_730 : memref<!tpu.dma_semaphore, #tpu.memory_space<semaphore_mem>>) {add = true}
      %sub3A_731 = arith.constant 1 : i32
      %sub3A_732 = arith.subi %add3A_570, %sub3A_731 : i32
      %add3A_733 = arith.constant 4 : i32
      %add3A_734 = arith.addi %sub3A_732, %add3A_733 : i32
      %ge3A_735 = arith.constant 0 : i32
      %ge3A_736 = arith.cmpi sge, %sub3A_732, %ge3A_735 : i32
      %lt3A_737 = arith.constant 160 : i32
      %lt3A_738 = arith.cmpi slt, %add3A_734, %lt3A_737 : i32
      %and3A_739 = arith.andi %ge3A_736, %lt3A_738 : i1
      %convert_element_type3A_740 = arith.extui %and3A_739 : i1 to i32
      %cond3A_741 = arith.constant 0 : i32
      %cond3A_742 = arith.cmpi ne, %convert_element_type3A_740, %cond3A_741 : i32
      scf.if %cond3A_742 {
        %dma_wait3A_1095 = arith.constant 0 : i32
        %dma_wait3A_1096 = arith.constant 0 : i32
        %dma_wait3A_1097 = tpu.memref_slice %arg12[%sub3A_732, %dma_wait3A_1096] : memref<160x64xi32, #tpu.memory_space<vmem>> -> memref<1x64xi32, #tpu.memory_space<vmem>>
        %dma_wait3A_1098 = tpu.memref_squeeze %dma_wait3A_1097 : memref<1x64xi32, #tpu.memory_space<vmem>> -> memref<64xi32, #tpu.memory_space<vmem>>
        %dma_wait3A_1099 = arith.constant 0 : i32
        %dma_wait3A_1100 = arith.constant 0 : i32
        %dma_wait3A_1101 = tpu.memref_slice %arg24[%dma_wait3A_1099, %dma_wait3A_1100] : memref<10112x64xf32, #tpu.memory_space<vmem_shared>> -> memref<10112x64xf32, #tpu.memory_space<vmem_shared>>
        %dma_wait3A_1102 = tpu.memref_slice %arg26[%dma_wait3A_1095] : memref<4x!tpu.dma_semaphore, #tpu.memory_space<semaphore_mem>> -> memref<1x!tpu.dma_semaphore, #tpu.memory_space<semaphore_mem>>
        %dma_wait3A_1103 = tpu.memref_squeeze %dma_wait3A_1102 : memref<1x!tpu.dma_semaphore, #tpu.memory_space<semaphore_mem>> -> memref<!tpu.dma_semaphore, #tpu.memory_space<semaphore_mem>>
        tpu.wait_indirect_dma semaphore(%dma_wait3A_1103 : memref<!tpu.dma_semaphore, #tpu.memory_space<semaphore_mem>>) src(%arg16 : memref<64x64xf32, #tpu.memory_space<vmem>>) dst(%dma_wait3A_1101 : memref<10112x64xf32, #tpu.memory_space<vmem_shared>>)
        %dma_start3A_1104 = arith.constant 0 : i32
        %dma_start3A_1105 = arith.constant 0 : i32
        %dma_start3A_1106 = tpu.memref_slice %arg13[%add3A_734, %dma_start3A_1105] : memref<160x64xi32, #tpu.memory_space<vmem>> -> memref<1x64xi32, #tpu.memory_space<vmem>>
        %dma_start3A_1107 = tpu.memref_squeeze %dma_start3A_1106 : memref<1x64xi32, #tpu.memory_space<vmem>> -> memref<64xi32, #tpu.memory_space<vmem>>
        %dma_start3A_1108 = arith.constant 0 : i32
        %dma_start3A_1109 = arith.constant 0 : i32
        %dma_start3A_1110 = tpu.memref_slice %arg3[%dma_start3A_1108, %dma_start3A_1109] : memref<10240x64xf32, #tpu.memory_space<hbm>> -> memref<10240x64xf32, #tpu.memory_space<hbm>>
        %dma_start3A_1111 = tpu.memref_slice %arg25[%dma_start3A_1104] : memref<4x!tpu.dma_semaphore, #tpu.memory_space<semaphore_mem>> -> memref<1x!tpu.dma_semaphore, #tpu.memory_space<semaphore_mem>>
        %dma_start3A_1112 = tpu.memref_squeeze %dma_start3A_1111 : memref<1x!tpu.dma_semaphore, #tpu.memory_space<semaphore_mem>> -> memref<!tpu.dma_semaphore, #tpu.memory_space<semaphore_mem>>
        tpu.enqueue_indirect_dma source(%dma_start3A_1110 : memref<10240x64xf32, #tpu.memory_space<hbm>>) target(%arg16 : memref<64x64xf32, #tpu.memory_space<vmem>>) offsets(%dma_start3A_1107 : memref<64xi32, #tpu.memory_space<vmem>>) semaphore(%dma_start3A_1112 : memref<!tpu.dma_semaphore, #tpu.memory_space<semaphore_mem>>)
      } else {
      }
      %mul3A_743 = arith.constant 4 : i32
      %mul3A_744 = arith.muli %scan3A_403, %mul3A_743 : i32
      %add3A_745 = arith.constant 2 : i32
      %add3A_746 = arith.addi %mul3A_744, %add3A_745 : i32
      %get3A_747 = arith.index_cast %add3A_746 : i32 to index
      %get3A_748 = arith.constant 0 : index
      %get3A_749 = tpu.vector_load %arg12[%get3A_747, %get3A_748] {strides = array<i32>} : memref<160x64xi32, #tpu.memory_space<vmem>>, vector<16xi32>,
      %get3A_750 = arith.index_cast %add3A_746 : i32 to index
      %get3A_751 = arith.constant 0 : index
      %get3A_752 = tpu.vector_load %arg13[%get3A_750, %get3A_751] {strides = array<i32>} : memref<160x64xi32, #tpu.memory_space<vmem>>, vector<16xi32>,
      %gather3A_753 = tpu.vector_load_idx %arg10[%get3A_749] : memref<10112xf32, #tpu.memory_space<vmem>>[vector<16xi32>], vector<16xf32>,
      %gather3A_754 = tpu.vector_load_idx %arg11[%get3A_752] : memref<10112xf32, #tpu.memory_space<vmem>>[vector<16xi32>], vector<16xf32>,
      %add3A_755 = arith.addf %gather3A_753, %gather3A_754 : vector<16xf32>
      %get3A_756 = arith.index_cast %add3A_746 : i32 to index
      %get3A_757 = arith.constant 0 : index
      %get3A_758 = tpu.vector_load %arg14[%get3A_756, %get3A_757] {strides = array<i32>} : memref<160x64xf32, #tpu.memory_space<vmem>>, vector<16xf32>,
      %add3A_759 = arith.addf %add3A_755, %get3A_758 : vector<16xf32>
      %ge3A_760 = arith.constant 0.000000e+00 : f32
      %ge3A_761 = vector.broadcast %ge3A_760 : f32 to vector<16xf32>
      %ge3A_762 = arith.cmpf oge, %add3A_759, %ge3A_761 : vector<16xf32>
      %mul3A_763 = arith.constant 0.00999999977 : f32
      %mul3A_764 = vector.broadcast %mul3A_763 : f32 to vector<16xf32>
      %mul3A_765 = arith.mulf %add3A_759, %mul3A_764 : vector<16xf32>
      %select_n3A_766 = arith.select %ge3A_762, %add3A_759, %mul3A_765 : vector<16xi1>, vector<16xf32>
      %exp3A_767 = math.exp %select_n3A_766 : vector<16xf32>
      %shift_right_logical3A_768 = arith.constant 6 : i32
      %shift_right_logical3A_769 = vector.broadcast %shift_right_logical3A_768 : i32 to vector<16xi32>
      %shift_right_logical3A_770 = arith.shrui %get3A_749, %shift_right_logical3A_769 : vector<16xi32>
      %and3A_771 = arith.constant 63 : i32
      %and3A_772 = vector.broadcast %and3A_771 : i32 to vector<16xi32>
      %and3A_773 = arith.andi %get3A_749, %and3A_772 : vector<16xi32>
      %gather3A_774 = tpu.vector_load_idx %arg15[%shift_right_logical3A_770, %and3A_773] : memref<160x64xf32, #tpu.memory_space<vmem>>[vector<16xi32>, vector<16xi32>], vector<16xf32>,
      %add3A_775 = arith.constant 1.000000e-16 : f32
      %add3A_776 = vector.broadcast %add3A_775 : f32 to vector<16xf32>
      %add3A_777 = arith.addf %gather3A_774, %add3A_776 : vector<16xf32>
      %div3A_778 = arith.divf %exp3A_767, %add3A_777 : vector<16xf32>
      %swap3A_779 = arith.constant 0 : index
      %swap3A_780 = tpu.vector_load %arg20[%swap3A_779] {strides = array<i32>} : memref<80xf32, #tpu.memory_space<vmem>>, vector<16xf32>,
      tpu.vector_store %arg20[%swap3A_779], %div3A_778 {strides = array<i32>} : memref<80xf32, #tpu.memory_space<vmem>>, vector<16xf32>,
      %get3A_781 = arith.index_cast %add3A_746 : i32 to index
      %get3A_782 = arith.constant 16 : index
      %get3A_783 = tpu.vector_load %arg12[%get3A_781, %get3A_782] {strides = array<i32>} : memref<160x64xi32, #tpu.memory_space<vmem>>, vector<16xi32>,
      %get3A_784 = arith.index_cast %add3A_746 : i32 to index
      %get3A_785 = arith.constant 16 : index
      %get3A_786 = tpu.vector_load %arg13[%get3A_784, %get3A_785] {strides = array<i32>} : memref<160x64xi32, #tpu.memory_space<vmem>>, vector<16xi32>,
      %gather3A_787 = tpu.vector_load_idx %arg10[%get3A_783] : memref<10112xf32, #tpu.memory_space<vmem>>[vector<16xi32>], vector<16xf32>,
      %gather3A_788 = tpu.vector_load_idx %arg11[%get3A_786] : memref<10112xf32, #tpu.memory_space<vmem>>[vector<16xi32>], vector<16xf32>,
      %add3A_789 = arith.addf %gather3A_787, %gather3A_788 : vector<16xf32>
      %get3A_790 = arith.index_cast %add3A_746 : i32 to index
      %get3A_791 = arith.constant 16 : index
      %get3A_792 = tpu.vector_load %arg14[%get3A_790, %get3A_791] {strides = array<i32>} : memref<160x64xf32, #tpu.memory_space<vmem>>, vector<16xf32>,
      %add3A_793 = arith.addf %add3A_789, %get3A_792 : vector<16xf32>
      %ge3A_794 = arith.constant 0.000000e+00 : f32
      %ge3A_795 = vector.broadcast %ge3A_794 : f32 to vector<16xf32>
      %ge3A_796 = arith.cmpf oge, %add3A_793, %ge3A_795 : vector<16xf32>
      %mul3A_797 = arith.constant 0.00999999977 : f32
      %mul3A_798 = vector.broadcast %mul3A_797 : f32 to vector<16xf32>
      %mul3A_799 = arith.mulf %add3A_793, %mul3A_798 : vector<16xf32>
      %select_n3A_800 = arith.select %ge3A_796, %add3A_793, %mul3A_799 : vector<16xi1>, vector<16xf32>
      %exp3A_801 = math.exp %select_n3A_800 : vector<16xf32>
      %shift_right_logical3A_802 = arith.constant 6 : i32
      %shift_right_logical3A_803 = vector.broadcast %shift_right_logical3A_802 : i32 to vector<16xi32>
      %shift_right_logical3A_804 = arith.shrui %get3A_783, %shift_right_logical3A_803 : vector<16xi32>
      %and3A_805 = arith.constant 63 : i32
      %and3A_806 = vector.broadcast %and3A_805 : i32 to vector<16xi32>
      %and3A_807 = arith.andi %get3A_783, %and3A_806 : vector<16xi32>
      %gather3A_808 = tpu.vector_load_idx %arg15[%shift_right_logical3A_804, %and3A_807] : memref<160x64xf32, #tpu.memory_space<vmem>>[vector<16xi32>, vector<16xi32>], vector<16xf32>,
      %add3A_809 = arith.constant 1.000000e-16 : f32
      %add3A_810 = vector.broadcast %add3A_809 : f32 to vector<16xf32>
      %add3A_811 = arith.addf %gather3A_808, %add3A_810 : vector<16xf32>
      %div3A_812 = arith.divf %exp3A_801, %add3A_811 : vector<16xf32>
      %swap3A_813 = arith.constant 16 : index
      %swap3A_814 = tpu.vector_load %arg20[%swap3A_813] {strides = array<i32>} : memref<80xf32, #tpu.memory_space<vmem>>, vector<16xf32>,
      tpu.vector_store %arg20[%swap3A_813], %div3A_812 {strides = array<i32>} : memref<80xf32, #tpu.memory_space<vmem>>, vector<16xf32>,
      %get3A_815 = arith.index_cast %add3A_746 : i32 to index
      %get3A_816 = arith.constant 32 : index
      %get3A_817 = tpu.vector_load %arg12[%get3A_815, %get3A_816] {strides = array<i32>} : memref<160x64xi32, #tpu.memory_space<vmem>>, vector<16xi32>,
      %get3A_818 = arith.index_cast %add3A_746 : i32 to index
      %get3A_819 = arith.constant 32 : index
      %get3A_820 = tpu.vector_load %arg13[%get3A_818, %get3A_819] {strides = array<i32>} : memref<160x64xi32, #tpu.memory_space<vmem>>, vector<16xi32>,
      %gather3A_821 = tpu.vector_load_idx %arg10[%get3A_817] : memref<10112xf32, #tpu.memory_space<vmem>>[vector<16xi32>], vector<16xf32>,
      %gather3A_822 = tpu.vector_load_idx %arg11[%get3A_820] : memref<10112xf32, #tpu.memory_space<vmem>>[vector<16xi32>], vector<16xf32>,
      %add3A_823 = arith.addf %gather3A_821, %gather3A_822 : vector<16xf32>
      %get3A_824 = arith.index_cast %add3A_746 : i32 to index
      %get3A_825 = arith.constant 32 : index
      %get3A_826 = tpu.vector_load %arg14[%get3A_824, %get3A_825] {strides = array<i32>} : memref<160x64xf32, #tpu.memory_space<vmem>>, vector<16xf32>,
      %add3A_827 = arith.addf %add3A_823, %get3A_826 : vector<16xf32>
      %ge3A_828 = arith.constant 0.000000e+00 : f32
      %ge3A_829 = vector.broadcast %ge3A_828 : f32 to vector<16xf32>
      %ge3A_830 = arith.cmpf oge, %add3A_827, %ge3A_829 : vector<16xf32>
      %mul3A_831 = arith.constant 0.00999999977 : f32
      %mul3A_832 = vector.broadcast %mul3A_831 : f32 to vector<16xf32>
      %mul3A_833 = arith.mulf %add3A_827, %mul3A_832 : vector<16xf32>
      %select_n3A_834 = arith.select %ge3A_830, %add3A_827, %mul3A_833 : vector<16xi1>, vector<16xf32>
      %exp3A_835 = math.exp %select_n3A_834 : vector<16xf32>
      %shift_right_logical3A_836 = arith.constant 6 : i32
      %shift_right_logical3A_837 = vector.broadcast %shift_right_logical3A_836 : i32 to vector<16xi32>
      %shift_right_logical3A_838 = arith.shrui %get3A_817, %shift_right_logical3A_837 : vector<16xi32>
      %and3A_839 = arith.constant 63 : i32
      %and3A_840 = vector.broadcast %and3A_839 : i32 to vector<16xi32>
      %and3A_841 = arith.andi %get3A_817, %and3A_840 : vector<16xi32>
      %gather3A_842 = tpu.vector_load_idx %arg15[%shift_right_logical3A_838, %and3A_841] : memref<160x64xf32, #tpu.memory_space<vmem>>[vector<16xi32>, vector<16xi32>], vector<16xf32>,
      %add3A_843 = arith.constant 1.000000e-16 : f32
      %add3A_844 = vector.broadcast %add3A_843 : f32 to vector<16xf32>
      %add3A_845 = arith.addf %gather3A_842, %add3A_844 : vector<16xf32>
      %div3A_846 = arith.divf %exp3A_835, %add3A_845 : vector<16xf32>
      %swap3A_847 = arith.constant 32 : index
      %swap3A_848 = tpu.vector_load %arg20[%swap3A_847] {strides = array<i32>} : memref<80xf32, #tpu.memory_space<vmem>>, vector<16xf32>,
      tpu.vector_store %arg20[%swap3A_847], %div3A_846 {strides = array<i32>} : memref<80xf32, #tpu.memory_space<vmem>>, vector<16xf32>,
      %get3A_849 = arith.index_cast %add3A_746 : i32 to index
      %get3A_850 = arith.constant 48 : index
      %get3A_851 = tpu.vector_load %arg12[%get3A_849, %get3A_850] {strides = array<i32>} : memref<160x64xi32, #tpu.memory_space<vmem>>, vector<16xi32>,
      %get3A_852 = arith.index_cast %add3A_746 : i32 to index
      %get3A_853 = arith.constant 48 : index
      %get3A_854 = tpu.vector_load %arg13[%get3A_852, %get3A_853] {strides = array<i32>} : memref<160x64xi32, #tpu.memory_space<vmem>>, vector<16xi32>,
      %gather3A_855 = tpu.vector_load_idx %arg10[%get3A_851] : memref<10112xf32, #tpu.memory_space<vmem>>[vector<16xi32>], vector<16xf32>,
      %gather3A_856 = tpu.vector_load_idx %arg11[%get3A_854] : memref<10112xf32, #tpu.memory_space<vmem>>[vector<16xi32>], vector<16xf32>,
      %add3A_857 = arith.addf %gather3A_855, %gather3A_856 : vector<16xf32>
      %get3A_858 = arith.index_cast %add3A_746 : i32 to index
      %get3A_859 = arith.constant 48 : index
      %get3A_860 = tpu.vector_load %arg14[%get3A_858, %get3A_859] {strides = array<i32>} : memref<160x64xf32, #tpu.memory_space<vmem>>, vector<16xf32>,
      %add3A_861 = arith.addf %add3A_857, %get3A_860 : vector<16xf32>
      %ge3A_862 = arith.constant 0.000000e+00 : f32
      %ge3A_863 = vector.broadcast %ge3A_862 : f32 to vector<16xf32>
      %ge3A_864 = arith.cmpf oge, %add3A_861, %ge3A_863 : vector<16xf32>
      %mul3A_865 = arith.constant 0.00999999977 : f32
      %mul3A_866 = vector.broadcast %mul3A_865 : f32 to vector<16xf32>
      %mul3A_867 = arith.mulf %add3A_861, %mul3A_866 : vector<16xf32>
      %select_n3A_868 = arith.select %ge3A_864, %add3A_861, %mul3A_867 : vector<16xi1>, vector<16xf32>
      %exp3A_869 = math.exp %select_n3A_868 : vector<16xf32>
      %shift_right_logical3A_870 = arith.constant 6 : i32
      %shift_right_logical3A_871 = vector.broadcast %shift_right_logical3A_870 : i32 to vector<16xi32>
      %shift_right_logical3A_872 = arith.shrui %get3A_851, %shift_right_logical3A_871 : vector<16xi32>
      %and3A_873 = arith.constant 63 : i32
      %and3A_874 = vector.broadcast %and3A_873 : i32 to vector<16xi32>
      %and3A_875 = arith.andi %get3A_851, %and3A_874 : vector<16xi32>
      %gather3A_876 = tpu.vector_load_idx %arg15[%shift_right_logical3A_872, %and3A_875] : memref<160x64xf32, #tpu.memory_space<vmem>>[vector<16xi32>, vector<16xi32>], vector<16xf32>,
      %add3A_877 = arith.constant 1.000000e-16 : f32
      %add3A_878 = vector.broadcast %add3A_877 : f32 to vector<16xf32>
      %add3A_879 = arith.addf %gather3A_876, %add3A_878 : vector<16xf32>
      %div3A_880 = arith.divf %exp3A_869, %add3A_879 : vector<16xf32>
      %swap3A_881 = arith.constant 48 : index
      %swap3A_882 = tpu.vector_load %arg20[%swap3A_881] {strides = array<i32>} : memref<80xf32, #tpu.memory_space<vmem>>, vector<16xf32>,
      tpu.vector_store %arg20[%swap3A_881], %div3A_880 {strides = array<i32>} : memref<80xf32, #tpu.memory_space<vmem>>, vector<16xf32>,
      %dma_wait3A_883 = arith.constant 2 : i32
      %dma_wait3A_884 = arith.constant 0 : i32
      %dma_wait3A_885 = tpu.memref_slice %arg13[%add3A_746, %dma_wait3A_884] : memref<160x64xi32, #tpu.memory_space<vmem>> -> memref<1x64xi32, #tpu.memory_space<vmem>>
      %dma_wait3A_886 = tpu.memref_squeeze %dma_wait3A_885 : memref<1x64xi32, #tpu.memory_space<vmem>> -> memref<64xi32, #tpu.memory_space<vmem>>
      %dma_wait3A_887 = arith.constant 0 : i32
      %dma_wait3A_888 = arith.constant 0 : i32
      %dma_wait3A_889 = tpu.memref_slice %arg3[%dma_wait3A_887, %dma_wait3A_888] : memref<10240x64xf32, #tpu.memory_space<hbm>> -> memref<10240x64xf32, #tpu.memory_space<hbm>>
      %dma_wait3A_890 = tpu.memref_slice %arg25[%dma_wait3A_883] : memref<4x!tpu.dma_semaphore, #tpu.memory_space<semaphore_mem>> -> memref<1x!tpu.dma_semaphore, #tpu.memory_space<semaphore_mem>>
      %dma_wait3A_891 = tpu.memref_squeeze %dma_wait3A_890 : memref<1x!tpu.dma_semaphore, #tpu.memory_space<semaphore_mem>> -> memref<!tpu.dma_semaphore, #tpu.memory_space<semaphore_mem>>
      tpu.wait_indirect_dma semaphore(%dma_wait3A_891 : memref<!tpu.dma_semaphore, #tpu.memory_space<semaphore_mem>>) src(%dma_wait3A_889 : memref<10240x64xf32, #tpu.memory_space<hbm>>) dst(%arg18 : memref<64x64xf32, #tpu.memory_space<vmem>>)
      %scan3A_892 = arith.constant 0 : i32
      %scan3A_893 = arith.constant 0 : i32
      %scan3A_894 = arith.constant 64 : i32
      %scan3A_895 = arith.addi %scan3A_893, %scan3A_894 : i32
      %scan3A_896 = arith.constant 1 : i32
      scf.for %scan3A_1095 = %scan3A_893 to %scan3A_895 step %scan3A_896  : i32 {
        %get3A_1096 = arith.index_cast %scan3A_1095 : i32 to index
        %get3A_1097 = tpu.vector_load %arg20[%get3A_1096] {strides = array<i32>} : memref<80xf32, #tpu.memory_space<vmem>>, vector<16xf32>,
        %slice3A = vector.extract_strided_slice %get3A_1097 {offsets = [0], sizes = [1], strides = [1]} : vector<16xf32> to vector<1xf32>
        %squeeze3A = vector.extract %slice3A[0] : f32 from vector<1xf32>
        %get3A_1098 = arith.index_cast %scan3A_1095 : i32 to index
        %get3A_1099 = arith.constant 0 : index
        %get3A_1100 = tpu.vector_load %arg18[%get3A_1098, %get3A_1099] {strides = array<i32>} : memref<64x64xf32, #tpu.memory_space<vmem>>, vector<16xf32>,
        %mul3A_1101 = vector.broadcast %squeeze3A : f32 to vector<16xf32>
        %mul3A_1102 = arith.mulf %get3A_1100, %mul3A_1101 : vector<16xf32>
        %swap3A_1103 = arith.index_cast %scan3A_1095 : i32 to index
        %swap3A_1104 = arith.constant 0 : index
        %swap3A_1105 = tpu.vector_load %arg18[%swap3A_1103, %swap3A_1104] {strides = array<i32>} : memref<64x64xf32, #tpu.memory_space<vmem>>, vector<16xf32>,
        tpu.vector_store %arg18[%swap3A_1103, %swap3A_1104], %mul3A_1102 {strides = array<i32>} : memref<64x64xf32, #tpu.memory_space<vmem>>, vector<16xf32>,
        %get3A_1106 = arith.index_cast %scan3A_1095 : i32 to index
        %get3A_1107 = arith.constant 16 : index
        %get3A_1108 = tpu.vector_load %arg18[%get3A_1106, %get3A_1107] {strides = array<i32>} : memref<64x64xf32, #tpu.memory_space<vmem>>, vector<16xf32>,
        %mul3A_1109 = vector.broadcast %squeeze3A : f32 to vector<16xf32>
        %mul3A_1110 = arith.mulf %get3A_1108, %mul3A_1109 : vector<16xf32>
        %swap3A_1111 = arith.index_cast %scan3A_1095 : i32 to index
        %swap3A_1112 = arith.constant 16 : index
        %swap3A_1113 = tpu.vector_load %arg18[%swap3A_1111, %swap3A_1112] {strides = array<i32>} : memref<64x64xf32, #tpu.memory_space<vmem>>, vector<16xf32>,
        tpu.vector_store %arg18[%swap3A_1111, %swap3A_1112], %mul3A_1110 {strides = array<i32>} : memref<64x64xf32, #tpu.memory_space<vmem>>, vector<16xf32>,
        %get3A_1114 = arith.index_cast %scan3A_1095 : i32 to index
        %get3A_1115 = arith.constant 32 : index
        %get3A_1116 = tpu.vector_load %arg18[%get3A_1114, %get3A_1115] {strides = array<i32>} : memref<64x64xf32, #tpu.memory_space<vmem>>, vector<16xf32>,
        %mul3A_1117 = vector.broadcast %squeeze3A : f32 to vector<16xf32>
        %mul3A_1118 = arith.mulf %get3A_1116, %mul3A_1117 : vector<16xf32>
        %swap3A_1119 = arith.index_cast %scan3A_1095 : i32 to index
        %swap3A_1120 = arith.constant 32 : index
        %swap3A_1121 = tpu.vector_load %arg18[%swap3A_1119, %swap3A_1120] {strides = array<i32>} : memref<64x64xf32, #tpu.memory_space<vmem>>, vector<16xf32>,
        tpu.vector_store %arg18[%swap3A_1119, %swap3A_1120], %mul3A_1118 {strides = array<i32>} : memref<64x64xf32, #tpu.memory_space<vmem>>, vector<16xf32>,
        %get3A_1122 = arith.index_cast %scan3A_1095 : i32 to index
        %get3A_1123 = arith.constant 48 : index
        %get3A_1124 = tpu.vector_load %arg18[%get3A_1122, %get3A_1123] {strides = array<i32>} : memref<64x64xf32, #tpu.memory_space<vmem>>, vector<16xf32>,
        %mul3A_1125 = vector.broadcast %squeeze3A : f32 to vector<16xf32>
        %mul3A_1126 = arith.mulf %get3A_1124, %mul3A_1125 : vector<16xf32>
        %swap3A_1127 = arith.index_cast %scan3A_1095 : i32 to index
        %swap3A_1128 = arith.constant 48 : index
        %swap3A_1129 = tpu.vector_load %arg18[%swap3A_1127, %swap3A_1128] {strides = array<i32>} : memref<64x64xf32, #tpu.memory_space<vmem>>, vector<16xf32>,
        tpu.vector_store %arg18[%swap3A_1127, %swap3A_1128], %mul3A_1126 {strides = array<i32>} : memref<64x64xf32, #tpu.memory_space<vmem>>, vector<16xf32>,
      }
      %scan3A_897 = arith.constant 64 : i32
      %dma_start3A_898 = arith.constant 2 : i32
      %dma_start3A_899 = arith.constant 0 : i32
      %dma_start3A_900 = tpu.memref_slice %arg12[%add3A_746, %dma_start3A_899] : memref<160x64xi32, #tpu.memory_space<vmem>> -> memref<1x64xi32, #tpu.memory_space<vmem>>
      %dma_start3A_901 = tpu.memref_squeeze %dma_start3A_900 : memref<1x64xi32, #tpu.memory_space<vmem>> -> memref<64xi32, #tpu.memory_space<vmem>>
      %dma_start3A_902 = arith.constant 0 : i32
      %dma_start3A_903 = arith.constant 0 : i32
      %dma_start3A_904 = tpu.memref_slice %arg24[%dma_start3A_902, %dma_start3A_903] : memref<10112x64xf32, #tpu.memory_space<vmem_shared>> -> memref<10112x64xf32, #tpu.memory_space<vmem_shared>>
      %dma_start3A_905 = tpu.memref_slice %arg26[%dma_start3A_898] : memref<4x!tpu.dma_semaphore, #tpu.memory_space<semaphore_mem>> -> memref<1x!tpu.dma_semaphore, #tpu.memory_space<semaphore_mem>>
      %dma_start3A_906 = tpu.memref_squeeze %dma_start3A_905 : memref<1x!tpu.dma_semaphore, #tpu.memory_space<semaphore_mem>> -> memref<!tpu.dma_semaphore, #tpu.memory_space<semaphore_mem>>
      tpu.enqueue_indirect_dma source(%arg18 : memref<64x64xf32, #tpu.memory_space<vmem>>) target(%dma_start3A_904 : memref<10112x64xf32, #tpu.memory_space<vmem_shared>>) offsets(%dma_start3A_901 : memref<64xi32, #tpu.memory_space<vmem>>) semaphore(%dma_start3A_906 : memref<!tpu.dma_semaphore, #tpu.memory_space<semaphore_mem>>) {add = true}
      %sub3A_907 = arith.constant 1 : i32
      %sub3A_908 = arith.subi %add3A_746, %sub3A_907 : i32
      %add3A_909 = arith.constant 4 : i32
      %add3A_910 = arith.addi %sub3A_908, %add3A_909 : i32
      %ge3A_911 = arith.constant 0 : i32
      %ge3A_912 = arith.cmpi sge, %sub3A_908, %ge3A_911 : i32
      %lt3A_913 = arith.constant 160 : i32
      %lt3A_914 = arith.cmpi slt, %add3A_910, %lt3A_913 : i32
      %and3A_915 = arith.andi %ge3A_912, %lt3A_914 : i1
      %convert_element_type3A_916 = arith.extui %and3A_915 : i1 to i32
      %cond3A_917 = arith.constant 0 : i32
      %cond3A_918 = arith.cmpi ne, %convert_element_type3A_916, %cond3A_917 : i32
      scf.if %cond3A_918 {
        %dma_wait3A_1095 = arith.constant 1 : i32
        %dma_wait3A_1096 = arith.constant 0 : i32
        %dma_wait3A_1097 = tpu.memref_slice %arg12[%sub3A_908, %dma_wait3A_1096] : memref<160x64xi32, #tpu.memory_space<vmem>> -> memref<1x64xi32, #tpu.memory_space<vmem>>
        %dma_wait3A_1098 = tpu.memref_squeeze %dma_wait3A_1097 : memref<1x64xi32, #tpu.memory_space<vmem>> -> memref<64xi32, #tpu.memory_space<vmem>>
        %dma_wait3A_1099 = arith.constant 0 : i32
        %dma_wait3A_1100 = arith.constant 0 : i32
        %dma_wait3A_1101 = tpu.memref_slice %arg24[%dma_wait3A_1099, %dma_wait3A_1100] : memref<10112x64xf32, #tpu.memory_space<vmem_shared>> -> memref<10112x64xf32, #tpu.memory_space<vmem_shared>>
        %dma_wait3A_1102 = tpu.memref_slice %arg26[%dma_wait3A_1095] : memref<4x!tpu.dma_semaphore, #tpu.memory_space<semaphore_mem>> -> memref<1x!tpu.dma_semaphore, #tpu.memory_space<semaphore_mem>>
        %dma_wait3A_1103 = tpu.memref_squeeze %dma_wait3A_1102 : memref<1x!tpu.dma_semaphore, #tpu.memory_space<semaphore_mem>> -> memref<!tpu.dma_semaphore, #tpu.memory_space<semaphore_mem>>
        tpu.wait_indirect_dma semaphore(%dma_wait3A_1103 : memref<!tpu.dma_semaphore, #tpu.memory_space<semaphore_mem>>) src(%arg17 : memref<64x64xf32, #tpu.memory_space<vmem>>) dst(%dma_wait3A_1101 : memref<10112x64xf32, #tpu.memory_space<vmem_shared>>)
        %dma_start3A_1104 = arith.constant 1 : i32
        %dma_start3A_1105 = arith.constant 0 : i32
        %dma_start3A_1106 = tpu.memref_slice %arg13[%add3A_910, %dma_start3A_1105] : memref<160x64xi32, #tpu.memory_space<vmem>> -> memref<1x64xi32, #tpu.memory_space<vmem>>
        %dma_start3A_1107 = tpu.memref_squeeze %dma_start3A_1106 : memref<1x64xi32, #tpu.memory_space<vmem>> -> memref<64xi32, #tpu.memory_space<vmem>>
        %dma_start3A_1108 = arith.constant 0 : i32
        %dma_start3A_1109 = arith.constant 0 : i32
        %dma_start3A_1110 = tpu.memref_slice %arg3[%dma_start3A_1108, %dma_start3A_1109] : memref<10240x64xf32, #tpu.memory_space<hbm>> -> memref<10240x64xf32, #tpu.memory_space<hbm>>
        %dma_start3A_1111 = tpu.memref_slice %arg25[%dma_start3A_1104] : memref<4x!tpu.dma_semaphore, #tpu.memory_space<semaphore_mem>> -> memref<1x!tpu.dma_semaphore, #tpu.memory_space<semaphore_mem>>
        %dma_start3A_1112 = tpu.memref_squeeze %dma_start3A_1111 : memref<1x!tpu.dma_semaphore, #tpu.memory_space<semaphore_mem>> -> memref<!tpu.dma_semaphore, #tpu.memory_space<semaphore_mem>>
        tpu.enqueue_indirect_dma source(%dma_start3A_1110 : memref<10240x64xf32, #tpu.memory_space<hbm>>) target(%arg17 : memref<64x64xf32, #tpu.memory_space<vmem>>) offsets(%dma_start3A_1107 : memref<64xi32, #tpu.memory_space<vmem>>) semaphore(%dma_start3A_1112 : memref<!tpu.dma_semaphore, #tpu.memory_space<semaphore_mem>>)
      } else {
      }
      %mul3A_919 = arith.constant 4 : i32
      %mul3A_920 = arith.muli %scan3A_403, %mul3A_919 : i32
      %add3A_921 = arith.constant 3 : i32
      %add3A_922 = arith.addi %mul3A_920, %add3A_921 : i32
      %get3A_923 = arith.index_cast %add3A_922 : i32 to index
      %get3A_924 = arith.constant 0 : index
      %get3A_925 = tpu.vector_load %arg12[%get3A_923, %get3A_924] {strides = array<i32>} : memref<160x64xi32, #tpu.memory_space<vmem>>, vector<16xi32>,
      %get3A_926 = arith.index_cast %add3A_922 : i32 to index
      %get3A_927 = arith.constant 0 : index
      %get3A_928 = tpu.vector_load %arg13[%get3A_926, %get3A_927] {strides = array<i32>} : memref<160x64xi32, #tpu.memory_space<vmem>>, vector<16xi32>,
      %gather3A_929 = tpu.vector_load_idx %arg10[%get3A_925] : memref<10112xf32, #tpu.memory_space<vmem>>[vector<16xi32>], vector<16xf32>,
      %gather3A_930 = tpu.vector_load_idx %arg11[%get3A_928] : memref<10112xf32, #tpu.memory_space<vmem>>[vector<16xi32>], vector<16xf32>,
      %add3A_931 = arith.addf %gather3A_929, %gather3A_930 : vector<16xf32>
      %get3A_932 = arith.index_cast %add3A_922 : i32 to index
      %get3A_933 = arith.constant 0 : index
      %get3A_934 = tpu.vector_load %arg14[%get3A_932, %get3A_933] {strides = array<i32>} : memref<160x64xf32, #tpu.memory_space<vmem>>, vector<16xf32>,
      %add3A_935 = arith.addf %add3A_931, %get3A_934 : vector<16xf32>
      %ge3A_936 = arith.constant 0.000000e+00 : f32
      %ge3A_937 = vector.broadcast %ge3A_936 : f32 to vector<16xf32>
      %ge3A_938 = arith.cmpf oge, %add3A_935, %ge3A_937 : vector<16xf32>
      %mul3A_939 = arith.constant 0.00999999977 : f32
      %mul3A_940 = vector.broadcast %mul3A_939 : f32 to vector<16xf32>
      %mul3A_941 = arith.mulf %add3A_935, %mul3A_940 : vector<16xf32>
      %select_n3A_942 = arith.select %ge3A_938, %add3A_935, %mul3A_941 : vector<16xi1>, vector<16xf32>
      %exp3A_943 = math.exp %select_n3A_942 : vector<16xf32>
      %shift_right_logical3A_944 = arith.constant 6 : i32
      %shift_right_logical3A_945 = vector.broadcast %shift_right_logical3A_944 : i32 to vector<16xi32>
      %shift_right_logical3A_946 = arith.shrui %get3A_925, %shift_right_logical3A_945 : vector<16xi32>
      %and3A_947 = arith.constant 63 : i32
      %and3A_948 = vector.broadcast %and3A_947 : i32 to vector<16xi32>
      %and3A_949 = arith.andi %get3A_925, %and3A_948 : vector<16xi32>
      %gather3A_950 = tpu.vector_load_idx %arg15[%shift_right_logical3A_946, %and3A_949] : memref<160x64xf32, #tpu.memory_space<vmem>>[vector<16xi32>, vector<16xi32>], vector<16xf32>,
      %add3A_951 = arith.constant 1.000000e-16 : f32
      %add3A_952 = vector.broadcast %add3A_951 : f32 to vector<16xf32>
      %add3A_953 = arith.addf %gather3A_950, %add3A_952 : vector<16xf32>
      %div3A_954 = arith.divf %exp3A_943, %add3A_953 : vector<16xf32>
      %swap3A_955 = arith.constant 0 : index
      %swap3A_956 = tpu.vector_load %arg20[%swap3A_955] {strides = array<i32>} : memref<80xf32, #tpu.memory_space<vmem>>, vector<16xf32>,
      tpu.vector_store %arg20[%swap3A_955], %div3A_954 {strides = array<i32>} : memref<80xf32, #tpu.memory_space<vmem>>, vector<16xf32>,
      %get3A_957 = arith.index_cast %add3A_922 : i32 to index
      %get3A_958 = arith.constant 16 : index
      %get3A_959 = tpu.vector_load %arg12[%get3A_957, %get3A_958] {strides = array<i32>} : memref<160x64xi32, #tpu.memory_space<vmem>>, vector<16xi32>,
      %get3A_960 = arith.index_cast %add3A_922 : i32 to index
      %get3A_961 = arith.constant 16 : index
      %get3A_962 = tpu.vector_load %arg13[%get3A_960, %get3A_961] {strides = array<i32>} : memref<160x64xi32, #tpu.memory_space<vmem>>, vector<16xi32>,
      %gather3A_963 = tpu.vector_load_idx %arg10[%get3A_959] : memref<10112xf32, #tpu.memory_space<vmem>>[vector<16xi32>], vector<16xf32>,
      %gather3A_964 = tpu.vector_load_idx %arg11[%get3A_962] : memref<10112xf32, #tpu.memory_space<vmem>>[vector<16xi32>], vector<16xf32>,
      %add3A_965 = arith.addf %gather3A_963, %gather3A_964 : vector<16xf32>
      %get3A_966 = arith.index_cast %add3A_922 : i32 to index
      %get3A_967 = arith.constant 16 : index
      %get3A_968 = tpu.vector_load %arg14[%get3A_966, %get3A_967] {strides = array<i32>} : memref<160x64xf32, #tpu.memory_space<vmem>>, vector<16xf32>,
      %add3A_969 = arith.addf %add3A_965, %get3A_968 : vector<16xf32>
      %ge3A_970 = arith.constant 0.000000e+00 : f32
      %ge3A_971 = vector.broadcast %ge3A_970 : f32 to vector<16xf32>
      %ge3A_972 = arith.cmpf oge, %add3A_969, %ge3A_971 : vector<16xf32>
      %mul3A_973 = arith.constant 0.00999999977 : f32
      %mul3A_974 = vector.broadcast %mul3A_973 : f32 to vector<16xf32>
      %mul3A_975 = arith.mulf %add3A_969, %mul3A_974 : vector<16xf32>
      %select_n3A_976 = arith.select %ge3A_972, %add3A_969, %mul3A_975 : vector<16xi1>, vector<16xf32>
      %exp3A_977 = math.exp %select_n3A_976 : vector<16xf32>
      %shift_right_logical3A_978 = arith.constant 6 : i32
      %shift_right_logical3A_979 = vector.broadcast %shift_right_logical3A_978 : i32 to vector<16xi32>
      %shift_right_logical3A_980 = arith.shrui %get3A_959, %shift_right_logical3A_979 : vector<16xi32>
      %and3A_981 = arith.constant 63 : i32
      %and3A_982 = vector.broadcast %and3A_981 : i32 to vector<16xi32>
      %and3A_983 = arith.andi %get3A_959, %and3A_982 : vector<16xi32>
      %gather3A_984 = tpu.vector_load_idx %arg15[%shift_right_logical3A_980, %and3A_983] : memref<160x64xf32, #tpu.memory_space<vmem>>[vector<16xi32>, vector<16xi32>], vector<16xf32>,
      %add3A_985 = arith.constant 1.000000e-16 : f32
      %add3A_986 = vector.broadcast %add3A_985 : f32 to vector<16xf32>
      %add3A_987 = arith.addf %gather3A_984, %add3A_986 : vector<16xf32>
      %div3A_988 = arith.divf %exp3A_977, %add3A_987 : vector<16xf32>
      %swap3A_989 = arith.constant 16 : index
      %swap3A_990 = tpu.vector_load %arg20[%swap3A_989] {strides = array<i32>} : memref<80xf32, #tpu.memory_space<vmem>>, vector<16xf32>,
      tpu.vector_store %arg20[%swap3A_989], %div3A_988 {strides = array<i32>} : memref<80xf32, #tpu.memory_space<vmem>>, vector<16xf32>,
      %get3A_991 = arith.index_cast %add3A_922 : i32 to index
      %get3A_992 = arith.constant 32 : index
      %get3A_993 = tpu.vector_load %arg12[%get3A_991, %get3A_992] {strides = array<i32>} : memref<160x64xi32, #tpu.memory_space<vmem>>, vector<16xi32>,
      %get3A_994 = arith.index_cast %add3A_922 : i32 to index
      %get3A_995 = arith.constant 32 : index
      %get3A_996 = tpu.vector_load %arg13[%get3A_994, %get3A_995] {strides = array<i32>} : memref<160x64xi32, #tpu.memory_space<vmem>>, vector<16xi32>,
      %gather3A_997 = tpu.vector_load_idx %arg10[%get3A_993] : memref<10112xf32, #tpu.memory_space<vmem>>[vector<16xi32>], vector<16xf32>,
      %gather3A_998 = tpu.vector_load_idx %arg11[%get3A_996] : memref<10112xf32, #tpu.memory_space<vmem>>[vector<16xi32>], vector<16xf32>,
      %add3A_999 = arith.addf %gather3A_997, %gather3A_998 : vector<16xf32>
      %get3A_1000 = arith.index_cast %add3A_922 : i32 to index
      %get3A_1001 = arith.constant 32 : index
      %get3A_1002 = tpu.vector_load %arg14[%get3A_1000, %get3A_1001] {strides = array<i32>} : memref<160x64xf32, #tpu.memory_space<vmem>>, vector<16xf32>,
      %add3A_1003 = arith.addf %add3A_999, %get3A_1002 : vector<16xf32>
      %ge3A_1004 = arith.constant 0.000000e+00 : f32
      %ge3A_1005 = vector.broadcast %ge3A_1004 : f32 to vector<16xf32>
      %ge3A_1006 = arith.cmpf oge, %add3A_1003, %ge3A_1005 : vector<16xf32>
      %mul3A_1007 = arith.constant 0.00999999977 : f32
      %mul3A_1008 = vector.broadcast %mul3A_1007 : f32 to vector<16xf32>
      %mul3A_1009 = arith.mulf %add3A_1003, %mul3A_1008 : vector<16xf32>
      %select_n3A_1010 = arith.select %ge3A_1006, %add3A_1003, %mul3A_1009 : vector<16xi1>, vector<16xf32>
      %exp3A_1011 = math.exp %select_n3A_1010 : vector<16xf32>
      %shift_right_logical3A_1012 = arith.constant 6 : i32
      %shift_right_logical3A_1013 = vector.broadcast %shift_right_logical3A_1012 : i32 to vector<16xi32>
      %shift_right_logical3A_1014 = arith.shrui %get3A_993, %shift_right_logical3A_1013 : vector<16xi32>
      %and3A_1015 = arith.constant 63 : i32
      %and3A_1016 = vector.broadcast %and3A_1015 : i32 to vector<16xi32>
      %and3A_1017 = arith.andi %get3A_993, %and3A_1016 : vector<16xi32>
      %gather3A_1018 = tpu.vector_load_idx %arg15[%shift_right_logical3A_1014, %and3A_1017] : memref<160x64xf32, #tpu.memory_space<vmem>>[vector<16xi32>, vector<16xi32>], vector<16xf32>,
      %add3A_1019 = arith.constant 1.000000e-16 : f32
      %add3A_1020 = vector.broadcast %add3A_1019 : f32 to vector<16xf32>
      %add3A_1021 = arith.addf %gather3A_1018, %add3A_1020 : vector<16xf32>
      %div3A_1022 = arith.divf %exp3A_1011, %add3A_1021 : vector<16xf32>
      %swap3A_1023 = arith.constant 32 : index
      %swap3A_1024 = tpu.vector_load %arg20[%swap3A_1023] {strides = array<i32>} : memref<80xf32, #tpu.memory_space<vmem>>, vector<16xf32>,
      tpu.vector_store %arg20[%swap3A_1023], %div3A_1022 {strides = array<i32>} : memref<80xf32, #tpu.memory_space<vmem>>, vector<16xf32>,
      %get3A_1025 = arith.index_cast %add3A_922 : i32 to index
      %get3A_1026 = arith.constant 48 : index
      %get3A_1027 = tpu.vector_load %arg12[%get3A_1025, %get3A_1026] {strides = array<i32>} : memref<160x64xi32, #tpu.memory_space<vmem>>, vector<16xi32>,
      %get3A_1028 = arith.index_cast %add3A_922 : i32 to index
      %get3A_1029 = arith.constant 48 : index
      %get3A_1030 = tpu.vector_load %arg13[%get3A_1028, %get3A_1029] {strides = array<i32>} : memref<160x64xi32, #tpu.memory_space<vmem>>, vector<16xi32>,
      %gather3A_1031 = tpu.vector_load_idx %arg10[%get3A_1027] : memref<10112xf32, #tpu.memory_space<vmem>>[vector<16xi32>], vector<16xf32>,
      %gather3A_1032 = tpu.vector_load_idx %arg11[%get3A_1030] : memref<10112xf32, #tpu.memory_space<vmem>>[vector<16xi32>], vector<16xf32>,
      %add3A_1033 = arith.addf %gather3A_1031, %gather3A_1032 : vector<16xf32>
      %get3A_1034 = arith.index_cast %add3A_922 : i32 to index
      %get3A_1035 = arith.constant 48 : index
      %get3A_1036 = tpu.vector_load %arg14[%get3A_1034, %get3A_1035] {strides = array<i32>} : memref<160x64xf32, #tpu.memory_space<vmem>>, vector<16xf32>,
      %add3A_1037 = arith.addf %add3A_1033, %get3A_1036 : vector<16xf32>
      %ge3A_1038 = arith.constant 0.000000e+00 : f32
      %ge3A_1039 = vector.broadcast %ge3A_1038 : f32 to vector<16xf32>
      %ge3A_1040 = arith.cmpf oge, %add3A_1037, %ge3A_1039 : vector<16xf32>
      %mul3A_1041 = arith.constant 0.00999999977 : f32
      %mul3A_1042 = vector.broadcast %mul3A_1041 : f32 to vector<16xf32>
      %mul3A_1043 = arith.mulf %add3A_1037, %mul3A_1042 : vector<16xf32>
      %select_n3A_1044 = arith.select %ge3A_1040, %add3A_1037, %mul3A_1043 : vector<16xi1>, vector<16xf32>
      %exp3A_1045 = math.exp %select_n3A_1044 : vector<16xf32>
      %shift_right_logical3A_1046 = arith.constant 6 : i32
      %shift_right_logical3A_1047 = vector.broadcast %shift_right_logical3A_1046 : i32 to vector<16xi32>
      %shift_right_logical3A_1048 = arith.shrui %get3A_1027, %shift_right_logical3A_1047 : vector<16xi32>
      %and3A_1049 = arith.constant 63 : i32
      %and3A_1050 = vector.broadcast %and3A_1049 : i32 to vector<16xi32>
      %and3A_1051 = arith.andi %get3A_1027, %and3A_1050 : vector<16xi32>
      %gather3A_1052 = tpu.vector_load_idx %arg15[%shift_right_logical3A_1048, %and3A_1051] : memref<160x64xf32, #tpu.memory_space<vmem>>[vector<16xi32>, vector<16xi32>], vector<16xf32>,
      %add3A_1053 = arith.constant 1.000000e-16 : f32
      %add3A_1054 = vector.broadcast %add3A_1053 : f32 to vector<16xf32>
      %add3A_1055 = arith.addf %gather3A_1052, %add3A_1054 : vector<16xf32>
      %div3A_1056 = arith.divf %exp3A_1045, %add3A_1055 : vector<16xf32>
      %swap3A_1057 = arith.constant 48 : index
      %swap3A_1058 = tpu.vector_load %arg20[%swap3A_1057] {strides = array<i32>} : memref<80xf32, #tpu.memory_space<vmem>>, vector<16xf32>,
      tpu.vector_store %arg20[%swap3A_1057], %div3A_1056 {strides = array<i32>} : memref<80xf32, #tpu.memory_space<vmem>>, vector<16xf32>,
      %dma_wait3A_1059 = arith.constant 3 : i32
      %dma_wait3A_1060 = arith.constant 0 : i32
      %dma_wait3A_1061 = tpu.memref_slice %arg13[%add3A_922, %dma_wait3A_1060] : memref<160x64xi32, #tpu.memory_space<vmem>> -> memref<1x64xi32, #tpu.memory_space<vmem>>
      %dma_wait3A_1062 = tpu.memref_squeeze %dma_wait3A_1061 : memref<1x64xi32, #tpu.memory_space<vmem>> -> memref<64xi32, #tpu.memory_space<vmem>>
      %dma_wait3A_1063 = arith.constant 0 : i32
      %dma_wait3A_1064 = arith.constant 0 : i32
      %dma_wait3A_1065 = tpu.memref_slice %arg3[%dma_wait3A_1063, %dma_wait3A_1064] : memref<10240x64xf32, #tpu.memory_space<hbm>> -> memref<10240x64xf32, #tpu.memory_space<hbm>>
      %dma_wait3A_1066 = tpu.memref_slice %arg25[%dma_wait3A_1059] : memref<4x!tpu.dma_semaphore, #tpu.memory_space<semaphore_mem>> -> memref<1x!tpu.dma_semaphore, #tpu.memory_space<semaphore_mem>>
      %dma_wait3A_1067 = tpu.memref_squeeze %dma_wait3A_1066 : memref<1x!tpu.dma_semaphore, #tpu.memory_space<semaphore_mem>> -> memref<!tpu.dma_semaphore, #tpu.memory_space<semaphore_mem>>
      tpu.wait_indirect_dma semaphore(%dma_wait3A_1067 : memref<!tpu.dma_semaphore, #tpu.memory_space<semaphore_mem>>) src(%dma_wait3A_1065 : memref<10240x64xf32, #tpu.memory_space<hbm>>) dst(%arg19 : memref<64x64xf32, #tpu.memory_space<vmem>>)
      %scan3A_1068 = arith.constant 0 : i32
      %scan3A_1069 = arith.constant 0 : i32
      %scan3A_1070 = arith.constant 64 : i32
      %scan3A_1071 = arith.addi %scan3A_1069, %scan3A_1070 : i32
      %scan3A_1072 = arith.constant 1 : i32
      scf.for %scan3A_1095 = %scan3A_1069 to %scan3A_1071 step %scan3A_1072  : i32 {
        %get3A_1096 = arith.index_cast %scan3A_1095 : i32 to index
        %get3A_1097 = tpu.vector_load %arg20[%get3A_1096] {strides = array<i32>} : memref<80xf32, #tpu.memory_space<vmem>>, vector<16xf32>,
        %slice3A = vector.extract_strided_slice %get3A_1097 {offsets = [0], sizes = [1], strides = [1]} : vector<16xf32> to vector<1xf32>
        %squeeze3A = vector.extract %slice3A[0] : f32 from vector<1xf32>
        %get3A_1098 = arith.index_cast %scan3A_1095 : i32 to index
        %get3A_1099 = arith.constant 0 : index
        %get3A_1100 = tpu.vector_load %arg19[%get3A_1098, %get3A_1099] {strides = array<i32>} : memref<64x64xf32, #tpu.memory_space<vmem>>, vector<16xf32>,
        %mul3A_1101 = vector.broadcast %squeeze3A : f32 to vector<16xf32>
        %mul3A_1102 = arith.mulf %get3A_1100, %mul3A_1101 : vector<16xf32>
        %swap3A_1103 = arith.index_cast %scan3A_1095 : i32 to index
        %swap3A_1104 = arith.constant 0 : index
        %swap3A_1105 = tpu.vector_load %arg19[%swap3A_1103, %swap3A_1104] {strides = array<i32>} : memref<64x64xf32, #tpu.memory_space<vmem>>, vector<16xf32>,
        tpu.vector_store %arg19[%swap3A_1103, %swap3A_1104], %mul3A_1102 {strides = array<i32>} : memref<64x64xf32, #tpu.memory_space<vmem>>, vector<16xf32>,
        %get3A_1106 = arith.index_cast %scan3A_1095 : i32 to index
        %get3A_1107 = arith.constant 16 : index
        %get3A_1108 = tpu.vector_load %arg19[%get3A_1106, %get3A_1107] {strides = array<i32>} : memref<64x64xf32, #tpu.memory_space<vmem>>, vector<16xf32>,
        %mul3A_1109 = vector.broadcast %squeeze3A : f32 to vector<16xf32>
        %mul3A_1110 = arith.mulf %get3A_1108, %mul3A_1109 : vector<16xf32>
        %swap3A_1111 = arith.index_cast %scan3A_1095 : i32 to index
        %swap3A_1112 = arith.constant 16 : index
        %swap3A_1113 = tpu.vector_load %arg19[%swap3A_1111, %swap3A_1112] {strides = array<i32>} : memref<64x64xf32, #tpu.memory_space<vmem>>, vector<16xf32>,
        tpu.vector_store %arg19[%swap3A_1111, %swap3A_1112], %mul3A_1110 {strides = array<i32>} : memref<64x64xf32, #tpu.memory_space<vmem>>, vector<16xf32>,
        %get3A_1114 = arith.index_cast %scan3A_1095 : i32 to index
        %get3A_1115 = arith.constant 32 : index
        %get3A_1116 = tpu.vector_load %arg19[%get3A_1114, %get3A_1115] {strides = array<i32>} : memref<64x64xf32, #tpu.memory_space<vmem>>, vector<16xf32>,
        %mul3A_1117 = vector.broadcast %squeeze3A : f32 to vector<16xf32>
        %mul3A_1118 = arith.mulf %get3A_1116, %mul3A_1117 : vector<16xf32>
        %swap3A_1119 = arith.index_cast %scan3A_1095 : i32 to index
        %swap3A_1120 = arith.constant 32 : index
        %swap3A_1121 = tpu.vector_load %arg19[%swap3A_1119, %swap3A_1120] {strides = array<i32>} : memref<64x64xf32, #tpu.memory_space<vmem>>, vector<16xf32>,
        tpu.vector_store %arg19[%swap3A_1119, %swap3A_1120], %mul3A_1118 {strides = array<i32>} : memref<64x64xf32, #tpu.memory_space<vmem>>, vector<16xf32>,
        %get3A_1122 = arith.index_cast %scan3A_1095 : i32 to index
        %get3A_1123 = arith.constant 48 : index
        %get3A_1124 = tpu.vector_load %arg19[%get3A_1122, %get3A_1123] {strides = array<i32>} : memref<64x64xf32, #tpu.memory_space<vmem>>, vector<16xf32>,
        %mul3A_1125 = vector.broadcast %squeeze3A : f32 to vector<16xf32>
        %mul3A_1126 = arith.mulf %get3A_1124, %mul3A_1125 : vector<16xf32>
        %swap3A_1127 = arith.index_cast %scan3A_1095 : i32 to index
        %swap3A_1128 = arith.constant 48 : index
        %swap3A_1129 = tpu.vector_load %arg19[%swap3A_1127, %swap3A_1128] {strides = array<i32>} : memref<64x64xf32, #tpu.memory_space<vmem>>, vector<16xf32>,
        tpu.vector_store %arg19[%swap3A_1127, %swap3A_1128], %mul3A_1126 {strides = array<i32>} : memref<64x64xf32, #tpu.memory_space<vmem>>, vector<16xf32>,
      }
      %scan3A_1073 = arith.constant 64 : i32
      %dma_start3A_1074 = arith.constant 3 : i32
      %dma_start3A_1075 = arith.constant 0 : i32
      %dma_start3A_1076 = tpu.memref_slice %arg12[%add3A_922, %dma_start3A_1075] : memref<160x64xi32, #tpu.memory_space<vmem>> -> memref<1x64xi32, #tpu.memory_space<vmem>>
      %dma_start3A_1077 = tpu.memref_squeeze %dma_start3A_1076 : memref<1x64xi32, #tpu.memory_space<vmem>> -> memref<64xi32, #tpu.memory_space<vmem>>
      %dma_start3A_1078 = arith.constant 0 : i32
      %dma_start3A_1079 = arith.constant 0 : i32
      %dma_start3A_1080 = tpu.memref_slice %arg24[%dma_start3A_1078, %dma_start3A_1079] : memref<10112x64xf32, #tpu.memory_space<vmem_shared>> -> memref<10112x64xf32, #tpu.memory_space<vmem_shared>>
      %dma_start3A_1081 = tpu.memref_slice %arg26[%dma_start3A_1074] : memref<4x!tpu.dma_semaphore, #tpu.memory_space<semaphore_mem>> -> memref<1x!tpu.dma_semaphore, #tpu.memory_space<semaphore_mem>>
      %dma_start3A_1082 = tpu.memref_squeeze %dma_start3A_1081 : memref<1x!tpu.dma_semaphore, #tpu.memory_space<semaphore_mem>> -> memref<!tpu.dma_semaphore, #tpu.memory_space<semaphore_mem>>
      tpu.enqueue_indirect_dma source(%arg19 : memref<64x64xf32, #tpu.memory_space<vmem>>) target(%dma_start3A_1080 : memref<10112x64xf32, #tpu.memory_space<vmem_shared>>) offsets(%dma_start3A_1077 : memref<64xi32, #tpu.memory_space<vmem>>) semaphore(%dma_start3A_1082 : memref<!tpu.dma_semaphore, #tpu.memory_space<semaphore_mem>>) {add = true}
      %sub3A_1083 = arith.constant 1 : i32
      %sub3A_1084 = arith.subi %add3A_922, %sub3A_1083 : i32
      %add3A_1085 = arith.constant 4 : i32
      %add3A_1086 = arith.addi %sub3A_1084, %add3A_1085 : i32
      %ge3A_1087 = arith.constant 0 : i32
      %ge3A_1088 = arith.cmpi sge, %sub3A_1084, %ge3A_1087 : i32
      %lt3A_1089 = arith.constant 160 : i32
      %lt3A_1090 = arith.cmpi slt, %add3A_1086, %lt3A_1089 : i32
      %and3A_1091 = arith.andi %ge3A_1088, %lt3A_1090 : i1
      %convert_element_type3A_1092 = arith.extui %and3A_1091 : i1 to i32
      %cond3A_1093 = arith.constant 0 : i32
      %cond3A_1094 = arith.cmpi ne, %convert_element_type3A_1092, %cond3A_1093 : i32
      scf.if %cond3A_1094 {
        %dma_wait3A_1095 = arith.constant 2 : i32
        %dma_wait3A_1096 = arith.constant 0 : i32
        %dma_wait3A_1097 = tpu.memref_slice %arg12[%sub3A_1084, %dma_wait3A_1096] : memref<160x64xi32, #tpu.memory_space<vmem>> -> memref<1x64xi32, #tpu.memory_space<vmem>>
        %dma_wait3A_1098 = tpu.memref_squeeze %dma_wait3A_1097 : memref<1x64xi32, #tpu.memory_space<vmem>> -> memref<64xi32, #tpu.memory_space<vmem>>
        %dma_wait3A_1099 = arith.constant 0 : i32
        %dma_wait3A_1100 = arith.constant 0 : i32
        %dma_wait3A_1101 = tpu.memref_slice %arg24[%dma_wait3A_1099, %dma_wait3A_1100] : memref<10112x64xf32, #tpu.memory_space<vmem_shared>> -> memref<10112x64xf32, #tpu.memory_space<vmem_shared>>
        %dma_wait3A_1102 = tpu.memref_slice %arg26[%dma_wait3A_1095] : memref<4x!tpu.dma_semaphore, #tpu.memory_space<semaphore_mem>> -> memref<1x!tpu.dma_semaphore, #tpu.memory_space<semaphore_mem>>
        %dma_wait3A_1103 = tpu.memref_squeeze %dma_wait3A_1102 : memref<1x!tpu.dma_semaphore, #tpu.memory_space<semaphore_mem>> -> memref<!tpu.dma_semaphore, #tpu.memory_space<semaphore_mem>>
        tpu.wait_indirect_dma semaphore(%dma_wait3A_1103 : memref<!tpu.dma_semaphore, #tpu.memory_space<semaphore_mem>>) src(%arg18 : memref<64x64xf32, #tpu.memory_space<vmem>>) dst(%dma_wait3A_1101 : memref<10112x64xf32, #tpu.memory_space<vmem_shared>>)
        %dma_start3A_1104 = arith.constant 2 : i32
        %dma_start3A_1105 = arith.constant 0 : i32
        %dma_start3A_1106 = tpu.memref_slice %arg13[%add3A_1086, %dma_start3A_1105] : memref<160x64xi32, #tpu.memory_space<vmem>> -> memref<1x64xi32, #tpu.memory_space<vmem>>
        %dma_start3A_1107 = tpu.memref_squeeze %dma_start3A_1106 : memref<1x64xi32, #tpu.memory_space<vmem>> -> memref<64xi32, #tpu.memory_space<vmem>>
        %dma_start3A_1108 = arith.constant 0 : i32
        %dma_start3A_1109 = arith.constant 0 : i32
        %dma_start3A_1110 = tpu.memref_slice %arg3[%dma_start3A_1108, %dma_start3A_1109] : memref<10240x64xf32, #tpu.memory_space<hbm>> -> memref<10240x64xf32, #tpu.memory_space<hbm>>
        %dma_start3A_1111 = tpu.memref_slice %arg25[%dma_start3A_1104] : memref<4x!tpu.dma_semaphore, #tpu.memory_space<semaphore_mem>> -> memref<1x!tpu.dma_semaphore, #tpu.memory_space<semaphore_mem>>
        %dma_start3A_1112 = tpu.memref_squeeze %dma_start3A_1111 : memref<1x!tpu.dma_semaphore, #tpu.memory_space<semaphore_mem>> -> memref<!tpu.dma_semaphore, #tpu.memory_space<semaphore_mem>>
        tpu.enqueue_indirect_dma source(%dma_start3A_1110 : memref<10240x64xf32, #tpu.memory_space<hbm>>) target(%arg18 : memref<64x64xf32, #tpu.memory_space<vmem>>) offsets(%dma_start3A_1107 : memref<64xi32, #tpu.memory_space<vmem>>) semaphore(%dma_start3A_1112 : memref<!tpu.dma_semaphore, #tpu.memory_space<semaphore_mem>>)
      } else {
      }
    }
    %scan3A_355 = arith.constant 40 : i32
    %dma_wait3A_356 = arith.constant 156 : i32
    %dma_wait3A_357 = arith.constant 0 : i32
    %dma_wait3A_358 = arith.constant 0 : i32
    %dma_wait3A_359 = tpu.memref_slice %arg12[%dma_wait3A_356, %dma_wait3A_358] : memref<160x64xi32, #tpu.memory_space<vmem>> -> memref<1x64xi32, #tpu.memory_space<vmem>>
    %dma_wait3A_360 = tpu.memref_squeeze %dma_wait3A_359 : memref<1x64xi32, #tpu.memory_space<vmem>> -> memref<64xi32, #tpu.memory_space<vmem>>
    %dma_wait3A_361 = arith.constant 0 : i32
    %dma_wait3A_362 = arith.constant 0 : i32
    %dma_wait3A_363 = tpu.memref_slice %arg24[%dma_wait3A_361, %dma_wait3A_362] : memref<10112x64xf32, #tpu.memory_space<vmem_shared>> -> memref<10112x64xf32, #tpu.memory_space<vmem_shared>>
    %dma_wait3A_364 = tpu.memref_slice %arg26[%dma_wait3A_357] : memref<4x!tpu.dma_semaphore, #tpu.memory_space<semaphore_mem>> -> memref<1x!tpu.dma_semaphore, #tpu.memory_space<semaphore_mem>>
    %dma_wait3A_365 = tpu.memref_squeeze %dma_wait3A_364 : memref<1x!tpu.dma_semaphore, #tpu.memory_space<semaphore_mem>> -> memref<!tpu.dma_semaphore, #tpu.memory_space<semaphore_mem>>
    tpu.wait_indirect_dma semaphore(%dma_wait3A_365 : memref<!tpu.dma_semaphore, #tpu.memory_space<semaphore_mem>>) src(%arg16 : memref<64x64xf32, #tpu.memory_space<vmem>>) dst(%dma_wait3A_363 : memref<10112x64xf32, #tpu.memory_space<vmem_shared>>)
    %dma_wait3A_366 = arith.constant 157 : i32
    %dma_wait3A_367 = arith.constant 1 : i32
    %dma_wait3A_368 = arith.constant 0 : i32
    %dma_wait3A_369 = tpu.memref_slice %arg12[%dma_wait3A_366, %dma_wait3A_368] : memref<160x64xi32, #tpu.memory_space<vmem>> -> memref<1x64xi32, #tpu.memory_space<vmem>>
    %dma_wait3A_370 = tpu.memref_squeeze %dma_wait3A_369 : memref<1x64xi32, #tpu.memory_space<vmem>> -> memref<64xi32, #tpu.memory_space<vmem>>
    %dma_wait3A_371 = arith.constant 0 : i32
    %dma_wait3A_372 = arith.constant 0 : i32
    %dma_wait3A_373 = tpu.memref_slice %arg24[%dma_wait3A_371, %dma_wait3A_372] : memref<10112x64xf32, #tpu.memory_space<vmem_shared>> -> memref<10112x64xf32, #tpu.memory_space<vmem_shared>>
    %dma_wait3A_374 = tpu.memref_slice %arg26[%dma_wait3A_367] : memref<4x!tpu.dma_semaphore, #tpu.memory_space<semaphore_mem>> -> memref<1x!tpu.dma_semaphore, #tpu.memory_space<semaphore_mem>>
    %dma_wait3A_375 = tpu.memref_squeeze %dma_wait3A_374 : memref<1x!tpu.dma_semaphore, #tpu.memory_space<semaphore_mem>> -> memref<!tpu.dma_semaphore, #tpu.memory_space<semaphore_mem>>
    tpu.wait_indirect_dma semaphore(%dma_wait3A_375 : memref<!tpu.dma_semaphore, #tpu.memory_space<semaphore_mem>>) src(%arg17 : memref<64x64xf32, #tpu.memory_space<vmem>>) dst(%dma_wait3A_373 : memref<10112x64xf32, #tpu.memory_space<vmem_shared>>)
    %dma_wait3A_376 = arith.constant 158 : i32
    %dma_wait3A_377 = arith.constant 2 : i32
    %dma_wait3A_378 = arith.constant 0 : i32
    %dma_wait3A_379 = tpu.memref_slice %arg12[%dma_wait3A_376, %dma_wait3A_378] : memref<160x64xi32, #tpu.memory_space<vmem>> -> memref<1x64xi32, #tpu.memory_space<vmem>>
    %dma_wait3A_380 = tpu.memref_squeeze %dma_wait3A_379 : memref<1x64xi32, #tpu.memory_space<vmem>> -> memref<64xi32, #tpu.memory_space<vmem>>
    %dma_wait3A_381 = arith.constant 0 : i32
    %dma_wait3A_382 = arith.constant 0 : i32
    %dma_wait3A_383 = tpu.memref_slice %arg24[%dma_wait3A_381, %dma_wait3A_382] : memref<10112x64xf32, #tpu.memory_space<vmem_shared>> -> memref<10112x64xf32, #tpu.memory_space<vmem_shared>>
    %dma_wait3A_384 = tpu.memref_slice %arg26[%dma_wait3A_377] : memref<4x!tpu.dma_semaphore, #tpu.memory_space<semaphore_mem>> -> memref<1x!tpu.dma_semaphore, #tpu.memory_space<semaphore_mem>>
    %dma_wait3A_385 = tpu.memref_squeeze %dma_wait3A_384 : memref<1x!tpu.dma_semaphore, #tpu.memory_space<semaphore_mem>> -> memref<!tpu.dma_semaphore, #tpu.memory_space<semaphore_mem>>
    tpu.wait_indirect_dma semaphore(%dma_wait3A_385 : memref<!tpu.dma_semaphore, #tpu.memory_space<semaphore_mem>>) src(%arg18 : memref<64x64xf32, #tpu.memory_space<vmem>>) dst(%dma_wait3A_383 : memref<10112x64xf32, #tpu.memory_space<vmem_shared>>)
    %dma_wait3A_386 = arith.constant 159 : i32
    %dma_wait3A_387 = arith.constant 3 : i32
    %dma_wait3A_388 = arith.constant 0 : i32
    %dma_wait3A_389 = tpu.memref_slice %arg12[%dma_wait3A_386, %dma_wait3A_388] : memref<160x64xi32, #tpu.memory_space<vmem>> -> memref<1x64xi32, #tpu.memory_space<vmem>>
    %dma_wait3A_390 = tpu.memref_squeeze %dma_wait3A_389 : memref<1x64xi32, #tpu.memory_space<vmem>> -> memref<64xi32, #tpu.memory_space<vmem>>
    %dma_wait3A_391 = arith.constant 0 : i32
    %dma_wait3A_392 = arith.constant 0 : i32
    %dma_wait3A_393 = tpu.memref_slice %arg24[%dma_wait3A_391, %dma_wait3A_392] : memref<10112x64xf32, #tpu.memory_space<vmem_shared>> -> memref<10112x64xf32, #tpu.memory_space<vmem_shared>>
    %dma_wait3A_394 = tpu.memref_slice %arg26[%dma_wait3A_387] : memref<4x!tpu.dma_semaphore, #tpu.memory_space<semaphore_mem>> -> memref<1x!tpu.dma_semaphore, #tpu.memory_space<semaphore_mem>>
    %dma_wait3A_395 = tpu.memref_squeeze %dma_wait3A_394 : memref<1x!tpu.dma_semaphore, #tpu.memory_space<semaphore_mem>> -> memref<!tpu.dma_semaphore, #tpu.memory_space<semaphore_mem>>
    tpu.wait_indirect_dma semaphore(%dma_wait3A_395 : memref<!tpu.dma_semaphore, #tpu.memory_space<semaphore_mem>>) src(%arg19 : memref<64x64xf32, #tpu.memory_space<vmem>>) dst(%dma_wait3A_393 : memref<10112x64xf32, #tpu.memory_space<vmem_shared>>)
    %barrier3A_396 = arith.constant 0 : index
    tpu.barrier barrier_id(%barrier3A_396)
    %mul3A_397 = arith.constant 632 : i32
    %mul3A_398 = arith.muli %arg1, %mul3A_397 : i32
    %mul3A_399 = arith.constant 632 : i32
    %mul3A_400 = arith.muli %arg1, %mul3A_399 : i32
    %run_scoped3A_401 = arith.constant 1 : i32
    "tpu.region"() ({
      %run_scoped3A_403 = tpu.sem_alloc : memref<!tpu.dma_semaphore, #tpu.memory_space<semaphore_mem>>
      %dma_start3A_404 = arith.constant 0 : i32
      %dma_start3A_405 = tpu.memref_slice %arg9[%arg0, %run_scoped3A_401, %mul3A_400, %dma_start3A_404] : memref<2x2x10112x64xf32, #tpu.memory_space<hbm>> -> memref<1x1x632x64xf32, #tpu.memory_space<hbm>>
      %dma_start3A_406 = tpu.memref_squeeze %dma_start3A_405 : memref<1x1x632x64xf32, #tpu.memory_space<hbm>> -> memref<632x64xf32, #tpu.memory_space<hbm>>
      %dma_start3A_407 = arith.constant 0 : i32
      %dma_start3A_408 = tpu.memref_slice %arg24[%mul3A_398, %dma_start3A_407] : memref<10112x64xf32, #tpu.memory_space<vmem_shared>> -> memref<632x64xf32, #tpu.memory_space<vmem_shared>>
      tpu.enqueue_dma source(%dma_start3A_408 : memref<632x64xf32, #tpu.memory_space<vmem_shared>>) target(%dma_start3A_406 : memref<632x64xf32, #tpu.memory_space<hbm>>) target_semaphore(%run_scoped3A_403 : memref<!tpu.dma_semaphore, #tpu.memory_space<semaphore_mem>>)
      %dma_wait3A_409 = arith.constant 0 : i32
      %dma_wait3A_410 = tpu.memref_slice %arg9[%arg0, %run_scoped3A_401, %mul3A_400, %dma_wait3A_409] : memref<2x2x10112x64xf32, #tpu.memory_space<hbm>> -> memref<1x1x632x64xf32, #tpu.memory_space<hbm>>
      %dma_wait3A_411 = tpu.memref_squeeze %dma_wait3A_410 : memref<1x1x632x64xf32, #tpu.memory_space<hbm>> -> memref<632x64xf32, #tpu.memory_space<hbm>>
      %dma_wait3A_412 = arith.constant 0 : i32
      %dma_wait3A_413 = tpu.memref_slice %arg24[%mul3A_398, %dma_wait3A_412] : memref<10112x64xf32, #tpu.memory_space<vmem_shared>> -> memref<632x64xf32, #tpu.memory_space<vmem_shared>>
      tpu.wait_dma2 semaphore(%run_scoped3A_403 : memref<!tpu.dma_semaphore, #tpu.memory_space<semaphore_mem>>) src(%dma_wait3A_413 : memref<632x64xf32, #tpu.memory_space<vmem_shared>>) dst(%dma_wait3A_411 : memref<632x64xf32, #tpu.memory_space<hbm>>)
      tpu.yield
    }) : () -> ()
    %barrier3A_402 = arith.constant 0 : index
    tpu.barrier barrier_id(%barrier3A_402)
    return
  }
}

module attributes {stable_mosaic.version = 14 : i64} {
  func.func @_prologue_body(%arg0: i32, %arg1: memref<512x128xf32, #tpu.memory_space<vmem>>, %arg2: memref<128x128xf32, #tpu.memory_space<vmem>>, %arg3: memref<128xf32, #tpu.memory_space<vmem>>, %arg4: memref<128xf32, #tpu.memory_space<vmem>>, %arg5: memref<16384x16xf32, #tpu.memory_space<vmem>>, %arg6: memref<16xf32, #tpu.memory_space<vmem>>, %arg7: memref<512x64xf32, #tpu.memory_space<vmem>>, %arg8: memref<512x64xf32, #tpu.memory_space<vmem>>, %arg9: memref<512xf32, #tpu.memory_space<vmem>>, %arg10: memref<512xf32, #tpu.memory_space<vmem>>, %arg11: memref<128x128xf32, #tpu.memory_space<vmem>>) attributes {dimension_semantics = [#tpu.dimension_semantics<arbitrary>], iteration_bounds = array<i64: 20>, scalar_prefetch = 0 : i64, scratch_operands = 0 : i64, tpu.core_type = #tpu.core_type<tc>, window_params = [{transform_indices = @transform_0, window_bounds = array<i64: 512, 128>}, {pipeline_mode = #tpu.pipeline_mode<synchronous>, transform_indices = @transform_1, window_bounds = array<i64: 128, 128>}, {pipeline_mode = #tpu.pipeline_mode<synchronous>, transform_indices = @transform_2, window_bounds = array<i64: 128>}, {pipeline_mode = #tpu.pipeline_mode<synchronous>, transform_indices = @transform_3, window_bounds = array<i64: 128>}, {transform_indices = @transform_4, window_bounds = array<i64: 16384, 16>}, {pipeline_mode = #tpu.pipeline_mode<synchronous>, transform_indices = @transform_5, window_bounds = array<i64: 16>}, {transform_indices = @transform_6, window_bounds = array<i64: 512, 64>}, {transform_indices = @transform_7, window_bounds = array<i64: 512, 64>}, {transform_indices = @transform_8, window_bounds = array<i64: 512>}, {transform_indices = @transform_9, window_bounds = array<i64: 512>}, {transform_indices = @transform_10, window_bounds = array<i64: 128, 128>}]} {
    %get3A = arith.constant 0 : index
    %get3A_0 = arith.constant 0 : index
    %get3A_1 = vector.load %arg1[%get3A, %get3A_0] : memref<512x128xf32, #tpu.memory_space<vmem>>, vector<512x128xf32>
    %get3A_2 = arith.constant 0 : index
    %get3A_3 = arith.constant 0 : index
    %get3A_4 = vector.load %arg2[%get3A_2, %get3A_3] : memref<128x128xf32, #tpu.memory_space<vmem>>, vector<128x128xf32>
    %dot_general3A = arith.constant dense<0.000000e+00> : vector<512x128xf32>
    %dot_general3A_5 = tpu.matmul %get3A_1, %get3A_4, %dot_general3A {dimension_numbers = #tpu.dot_dimension_numbers<[1], [0], [0], [1], [0, 0, 1, 1], [], []>, transpose_lhs_hint = false} : vector<512x128xf32>, vector<128x128xf32>, vector<512x128xf32> -> vector<512x128xf32>
    %slice3A = vector.extract_strided_slice %dot_general3A_5 {offsets = [0, 0], sizes = [512, 64], strides = [1, 1]} : vector<512x128xf32> to vector<512x64xf32>
    %swap3A = arith.constant 0 : index
    %swap3A_6 = arith.constant 0 : index
    %swap3A_7 = vector.load %arg7[%swap3A, %swap3A_6] : memref<512x64xf32, #tpu.memory_space<vmem>>, vector<512x64xf32>
    tpu.vector_store %arg7[%swap3A, %swap3A_6], %slice3A {strides = array<i32>} : memref<512x64xf32, #tpu.memory_space<vmem>>, vector<512x64xf32>,
    %slice3A_8 = vector.extract_strided_slice %dot_general3A_5 {offsets = [0, 64], sizes = [512, 64], strides = [1, 1]} : vector<512x128xf32> to vector<512x64xf32>
    %swap3A_9 = arith.constant 0 : index
    %swap3A_10 = arith.constant 0 : index
    %swap3A_11 = vector.load %arg8[%swap3A_9, %swap3A_10] : memref<512x64xf32, #tpu.memory_space<vmem>>, vector<512x64xf32>
    tpu.vector_store %arg8[%swap3A_9, %swap3A_10], %slice3A_8 {strides = array<i32>} : memref<512x64xf32, #tpu.memory_space<vmem>>, vector<512x64xf32>,
    %get3A_12 = arith.constant 0 : index
    %get3A_13 = vector.load %arg3[%get3A_12] : memref<128xf32, #tpu.memory_space<vmem>>, vector<128xf32>
    %broadcast_in_dim3A = vector.shape_cast %get3A_13 : vector<128xf32> to vector<1x128xf32>
    %mul3A = vector.broadcast %broadcast_in_dim3A : vector<1x128xf32> to vector<512x128xf32>
    %mul3A_14 = arith.mulf %dot_general3A_5, %mul3A : vector<512x128xf32>
    %reduce_sum3A = arith.constant dense<0.000000e+00> : vector<512xf32>
    %reduce_sum3A_15 = vector.multi_reduction <add>, %mul3A_14, %reduce_sum3A [1] : vector<512x128xf32> to vector<512xf32>
    %swap3A_16 = arith.constant 0 : index
    %swap3A_17 = vector.load %arg9[%swap3A_16] : memref<512xf32, #tpu.memory_space<vmem>>, vector<512xf32>
    tpu.vector_store %arg9[%swap3A_16], %reduce_sum3A_15 {strides = array<i32>} : memref<512xf32, #tpu.memory_space<vmem>>, vector<512xf32>,
    %get3A_18 = arith.constant 0 : index
    %get3A_19 = vector.load %arg4[%get3A_18] : memref<128xf32, #tpu.memory_space<vmem>>, vector<128xf32>
    %broadcast_in_dim3A_20 = vector.shape_cast %get3A_19 : vector<128xf32> to vector<1x128xf32>
    %mul3A_21 = vector.broadcast %broadcast_in_dim3A_20 : vector<1x128xf32> to vector<512x128xf32>
    %mul3A_22 = arith.mulf %dot_general3A_5, %mul3A_21 : vector<512x128xf32>
    %reduce_sum3A_23 = arith.constant dense<0.000000e+00> : vector<512xf32>
    %reduce_sum3A_24 = vector.multi_reduction <add>, %mul3A_22, %reduce_sum3A_23 [1] : vector<512x128xf32> to vector<512xf32>
    %swap3A_25 = arith.constant 0 : index
    %swap3A_26 = vector.load %arg10[%swap3A_25] : memref<512xf32, #tpu.memory_space<vmem>>, vector<512xf32>
    tpu.vector_store %arg10[%swap3A_25], %reduce_sum3A_24 {strides = array<i32>} : memref<512xf32, #tpu.memory_space<vmem>>, vector<512xf32>,
    %get3A_27 = arith.constant 0 : index
    %get3A_28 = arith.constant 0 : index
    %get3A_29 = vector.load %arg5[%get3A_27, %get3A_28] : memref<16384x16xf32, #tpu.memory_space<vmem>>, vector<16384x16xf32>
    %get3A_30 = arith.constant 0 : index
    %get3A_31 = vector.load %arg6[%get3A_30] : memref<16xf32, #tpu.memory_space<vmem>>, vector<16xf32>
    %broadcast_in_dim3A_32 = vector.shape_cast %get3A_31 : vector<16xf32> to vector<1x16xf32>
    %mul3A_33 = vector.broadcast %broadcast_in_dim3A_32 : vector<1x16xf32> to vector<16384x16xf32>
    %mul3A_34 = arith.mulf %get3A_29, %mul3A_33 : vector<16384x16xf32>
    %reduce_sum3A_35 = arith.constant dense<0.000000e+00> : vector<16384xf32>
    %reduce_sum3A_36 = vector.multi_reduction <add>, %mul3A_34, %reduce_sum3A_35 [1] : vector<16384x16xf32> to vector<16384xf32>
    %reshape3A = vector.shape_cast %reduce_sum3A_36 : vector<16384xf32> to vector<128x128xf32>
    %swap3A_37 = arith.constant 0 : index
    %swap3A_38 = arith.constant 0 : index
    %swap3A_39 = vector.load %arg11[%swap3A_37, %swap3A_38] : memref<128x128xf32, #tpu.memory_space<vmem>>, vector<128x128xf32>
    tpu.vector_store %arg11[%swap3A_37, %swap3A_38], %reshape3A {strides = array<i32>} : memref<128x128xf32, #tpu.memory_space<vmem>>, vector<128x128xf32>,
    return
  }
  func.func @transform_0(%arg0: i32) -> (i32, i32) {
    %c0_i32 = arith.constant 0 : i32
    %c0_i32_0 = arith.constant 0 : i32
    return %arg0, %c0_i32 : i32, i32
  }
  func.func @transform_1(%arg0: i32) -> (i32, i32) {
    %c0_i32 = arith.constant 0 : i32
    %c0_i32_0 = arith.constant 0 : i32
    %c0_i32_1 = arith.constant 0 : i32
    return %c0_i32, %c0_i32_0 : i32, i32
  }
  func.func @transform_2(%arg0: i32) -> i32 {
    %c0_i32 = arith.constant 0 : i32
    %c0_i32_0 = arith.constant 0 : i32
    return %c0_i32 : i32
  }
  func.func @transform_3(%arg0: i32) -> i32 {
    %c0_i32 = arith.constant 0 : i32
    %c0_i32_0 = arith.constant 0 : i32
    return %c0_i32 : i32
  }
  func.func @transform_4(%arg0: i32) -> (i32, i32) {
    %c0_i32 = arith.constant 0 : i32
    %c0_i32_0 = arith.constant 0 : i32
    return %arg0, %c0_i32 : i32, i32
  }
  func.func @transform_5(%arg0: i32) -> i32 {
    %c0_i32 = arith.constant 0 : i32
    %c0_i32_0 = arith.constant 0 : i32
    return %c0_i32 : i32
  }
  func.func @transform_6(%arg0: i32) -> (i32, i32) {
    %c0_i32 = arith.constant 0 : i32
    %c0_i32_0 = arith.constant 0 : i32
    return %arg0, %c0_i32 : i32, i32
  }
  func.func @transform_7(%arg0: i32) -> (i32, i32) {
    %c0_i32 = arith.constant 0 : i32
    %c0_i32_0 = arith.constant 0 : i32
    return %arg0, %c0_i32 : i32, i32
  }
  func.func @transform_8(%arg0: i32) -> i32 {
    %c0_i32 = arith.constant 0 : i32
    return %arg0 : i32
  }
  func.func @transform_9(%arg0: i32) -> i32 {
    %c0_i32 = arith.constant 0 : i32
    return %arg0 : i32
  }
  func.func @transform_10(%arg0: i32) -> (i32, i32) {
    %c0_i32 = arith.constant 0 : i32
    %c0_i32_0 = arith.constant 0 : i32
    return %arg0, %c0_i32 : i32, i32
  }
}

module attributes {stable_mosaic.version = 14 : i64} {
  func.func @_epilogue_body(%arg0: i32, %arg1: memref<2x2x632x64xf32, #tpu.memory_space<vmem>>, %arg2: memref<632x128xf32, #tpu.memory_space<vmem>>) attributes {dimension_semantics = [#tpu.dimension_semantics<arbitrary>], iteration_bounds = array<i64: 16>, scalar_prefetch = 0 : i64, scratch_operands = 0 : i64, tpu.core_type = #tpu.core_type<tc>, window_params = [{transform_indices = @transform_0, window_bounds = array<i64: 2, 2, 632, 64>}, {transform_indices = @transform_1, window_bounds = array<i64: 632, 128>}]} {
    %get3A = arith.constant 0 : index
    %get3A_0 = arith.constant 0 : index
    %get3A_1 = arith.constant 0 : index
    %get3A_2 = arith.constant 0 : index
    %get3A_3 = vector.load %arg1[%get3A, %get3A_0, %get3A_1, %get3A_2] : memref<2x2x632x64xf32, #tpu.memory_space<vmem>>, vector<1x1x632x64xf32>
    %get3A_4 = vector.shape_cast %get3A_3 : vector<1x1x632x64xf32> to vector<632x64xf32>
    %get3A_5 = arith.constant 1 : index
    %get3A_6 = arith.constant 0 : index
    %get3A_7 = arith.constant 0 : index
    %get3A_8 = arith.constant 0 : index
    %get3A_9 = vector.load %arg1[%get3A_5, %get3A_6, %get3A_7, %get3A_8] : memref<2x2x632x64xf32, #tpu.memory_space<vmem>>, vector<1x1x632x64xf32>
    %get3A_10 = vector.shape_cast %get3A_9 : vector<1x1x632x64xf32> to vector<632x64xf32>
    %add3A = arith.addf %get3A_4, %get3A_10 : vector<632x64xf32>
    %get3A_11 = arith.constant 0 : index
    %get3A_12 = arith.constant 1 : index
    %get3A_13 = arith.constant 0 : index
    %get3A_14 = arith.constant 0 : index
    %get3A_15 = vector.load %arg1[%get3A_11, %get3A_12, %get3A_13, %get3A_14] : memref<2x2x632x64xf32, #tpu.memory_space<vmem>>, vector<1x1x632x64xf32>
    %get3A_16 = vector.shape_cast %get3A_15 : vector<1x1x632x64xf32> to vector<632x64xf32>
    %get3A_17 = arith.constant 1 : index
    %get3A_18 = arith.constant 1 : index
    %get3A_19 = arith.constant 0 : index
    %get3A_20 = arith.constant 0 : index
    %get3A_21 = vector.load %arg1[%get3A_17, %get3A_18, %get3A_19, %get3A_20] : memref<2x2x632x64xf32, #tpu.memory_space<vmem>>, vector<1x1x632x64xf32>
    %get3A_22 = vector.shape_cast %get3A_21 : vector<1x1x632x64xf32> to vector<632x64xf32>
    %add3A_23 = arith.addf %get3A_16, %get3A_22 : vector<632x64xf32>
    %concatenate3A = tpu.concatenate %add3A, %add3A_23 in 1 : vector<632x64xf32>, vector<632x64xf32> -> vector<632x128xf32>
    %gt3A = arith.constant 0.000000e+00 : f32
    %gt3A_24 = vector.broadcast %gt3A : f32 to vector<632x128xf32>
    %gt3A_25 = arith.cmpf ogt, %concatenate3A, %gt3A_24 : vector<632x128xf32>
    %exp3A = math.exp %concatenate3A : vector<632x128xf32>
    %sub3A = arith.constant 1.000000e+00 : f32
    %sub3A_26 = vector.broadcast %sub3A : f32 to vector<632x128xf32>
    %sub3A_27 = arith.subf %exp3A, %sub3A_26 : vector<632x128xf32>
    %select_n3A = arith.select %gt3A_25, %concatenate3A, %sub3A_27 : vector<632x128xi1>, vector<632x128xf32>
    %swap3A = arith.constant 0 : index
    %swap3A_28 = arith.constant 0 : index
    %swap3A_29 = vector.load %arg2[%swap3A, %swap3A_28] : memref<632x128xf32, #tpu.memory_space<vmem>>, vector<632x128xf32>
    tpu.vector_store %arg2[%swap3A, %swap3A_28], %select_n3A {strides = array<i32>} : memref<632x128xf32, #tpu.memory_space<vmem>>, vector<632x128xf32>,
    return
  }
  func.func @transform_0(%arg0: i32) -> (i32, i32, i32, i32) {
    %c0_i32 = arith.constant 0 : i32
    %c0_i32_0 = arith.constant 0 : i32
    %c0_i32_1 = arith.constant 0 : i32
    %c0_i32_2 = arith.constant 0 : i32
    return %c0_i32, %c0_i32_0, %arg0, %c0_i32_1 : i32, i32, i32, i32
  }
  func.func @transform_1(%arg0: i32) -> (i32, i32) {
    %c0_i32 = arith.constant 0 : i32
    %c0_i32_0 = arith.constant 0 : i32
    return %arg0, %c0_i32 : i32, i32
  }
}

</mosaic_0001>

<sc_bundles>
// kernel: kernel.5.cloned.1.call-start
scs
__scs_entry_jumppad:
0x0: {  	(pc) =	sbr.rel $0x88, $3  }
0x1: {  	(tag) =	ssettag $0x0;
	lr =	simm.s32 $0x1  }
0x2: {  	[smem:$0x3F9C] =	sst lr;
	_ =	strace $0xD0000000  }
0x3: {  	_ = 	snop  }
0x4: {  	_ = 	snop  }
0x5: {  	_ = 	snop  }
0x6: {  	_ = 	snop  }
0x7: {  	_ = 	snop  }
__scs_overlays_trampoline_lowered:
0x8: {  	[smem:$0x3FAB] =	sst s0  }
0x9: {  	[smem:$0x3FAC] =	sst s1  }
0xa: {  	[smem:$0x3FAD] =	sst s2  }
0xb: {  	[smem:$0x3FAE] =	sst s3  }
0xc: {  	[smem:$0x3FAF] =	sst s4  }
0xd: {  	[smem:$0x3FB0] =	sst s5  }
0xe: {  	[smem:$0x3FB1] =	sst s6  }
0xf: {  	[smem:$0x3FB2] =	sst s7  }
0x10: {  	[smem:$0x3FB3] =	sst s8  }
0x11: {  	[smem:$0x3FB4] =	sst s9;
	s0 =	simm.s32 @!p0 $0x0  }
0x12: {  	s1 =	sld [smem:$0x3F9A];
	s0 =	simm.s32 @p0 $0x1  }
0x13: {  	[smem:$0x3FB5] =	sst s0;
	s0 =	simm.s32 @!p1 $0x0  }
0x14: {  	s2 =	sld [smem:$0x3F99];
	s0 =	simm.s32 @p1 $0x1  }
0x15: {  	[smem:$0x3FB6] =	sst s0;
	s0 =	simm.s32 @!p2 $0x0  }
0x16: {  	s3 =	sld [smem:$0x3FDB];
	s0 =	simm.s32 @p2 $0x1  }
0x17: {  	s4 =	simm.s32 $0x1BF5;
	[smem:$0x3FB8] =	sst s0  }
0x18: {  	s0 =	sld [smem:$0x3F9B];
	_ =	swait.ge [sflag:s4], $0x0  }
0x19: {  	s7 =	sld [smem:$0x3F9C]  }
0x1a: {  	s8 =	sadd.s32 $0xFFFFE003, lr  }
0x1b: {  	s9 =	sadd.s32 $0xFFFFFEF7, lr;
	s5 =	simm.s32 $0xFFFFFFFF;
	p2 =	slt.u32 s8, $0xFFFFF086  }
0x1c: {  	p1 =	slt.u32 s9, $0xF7A;
	s5 =	simm.s32 @!p2 $0x0  }
0x1d: {  	s5 =	simm.s32 @p1 $0x1;
	p0 =	seq.s32 s7, s2  }
0x1e: {  	s7 =	smul.u32 @!p0 $0xF7A, s2;
	p2 =	seq.s32 @!p0 s5, $0x0  }
0x1f: {  	s9 =	smul.u32 $0xF7A, s1;
	s8 =	simm.s32 @!p0 $0x1BF5;
	p2 =	por !p2, p0  }
0x20: {  	[sflag:s8] =	ssyncset.s32 @!p0 $0xFFFFF086;
	s6 =	sadd.s32 @!p0 s3, s7;
	s7 =	simm.s32 @!p0 $0x108  }
0x21: {  	s3 =	sadd.s32 s3, s9;
	s6 =	sadd.s32 @!p0 $0x88, s6;
	s7 =	simm.s32 @p2 $0x1082  }
0x22: {  	[simem:s7], [sflag:s8] =	dma.local @!p0 [hbm:s6], $0xF7A  }
0x23: {  	s9 =	sor.u32 $0xD0000000, s2;
	s6 =	simm.s32 $0x108;
	_ =	swait.ge @!p0 [sflag:s8], $0x0  }
0x24: {  	s3 =	sadd.s32 $0x88, s3;
	s6 =	simm.s32 @!p1 $0x1082;
	[sflag:s4] =	ssyncset.s32 $0xFFFFF086  }
0x25: {  	[simem:s6], [sflag:s4] =	dma.local [hbm:s3], $0xF7A  }
0x26: {  	[smem:$0x3F9C] =	sst s1;
	(tag) =	ssettag s2;
	_ =	strace s9  }
0x27: {  	s1 =	sld [smem:$0x3FAC]  }
0x28: {  	s2 =	sld [smem:$0x3FAD]  }
0x29: {  	s4 =	sld [smem:$0x3FAF]  }
0x2a: {  	p0 =	seq.s32 s5, $0x0;
	s5 =	sld [smem:$0x3FB0]  }
0x2b: {  	s6 =	sld [smem:$0x3FB1]  }
0x2c: {  	s7 =	sld [smem:$0x3FB2]  }
0x2d: {  	s3 =	simm.s32 $0x108;
	s8 =	sld [smem:$0x3FB3]  }
0x2e: {  	s3 =	simm.s32 @!p0 $0x1082;
	s9 =	sld [smem:$0x3FB4]  }
0x2f: {  	lr =	sadd.s32 s0, s3;
	s0 =	sld [smem:$0x3FAB]  }
0x30: {  	s3 =	sld [smem:$0x3FAE]  }
0x31: {  	[smem:$0x3FB7] =	sst s10  }
0x32: {  	s10 =	sld [smem:$0x3FB5];
	_ =	sdelay $0x3  }
0x33: {  	p0 =	seq.s32 s10, $0x1;
	s10 =	sld [smem:$0x3FB7];
	_ =	sdelay $0x3  }
0x34: {  	[smem:$0x3FB7] =	sst s10  }
0x35: {  	s10 =	sld [smem:$0x3FB6];
	_ =	sdelay $0x3  }
0x36: {  	p1 =	seq.s32 s10, $0x1;
	s10 =	sld [smem:$0x3FB7];
	_ =	sdelay $0x3  }
0x37: {  	[smem:$0x3FB7] =	sst s10  }
0x38: {  	s10 =	sld [smem:$0x3FB8]  }
0x39: {  	_ = 	snop;
	(pc) =	sbr.ind lr, $3  }
0x3a: {  	_ = 	snop  }
0x3b: {  	_ = 	snop  }
0x3c: {  	p2 =	seq.s32 s10, $0x1;
	s10 =	sld [smem:$0x3FB7]  }
0x3d: {  	_ =	shalt  }
0x3e: {  	_ =	shalt  }
0x3f: {  	_ =	shalt  }
0x40: {  	_ =	shalt  }
0x41: {  	_ =	shalt  }
0x42: {  	_ =	shalt  }
0x43: {  	_ =	shalt  }
0x44: {  	_ =	shalt  }
0x45: {  	_ =	shalt  }
0x46: {  	_ =	shalt  }
0x47: {  	_ =	shalt  }
0x48: {  	_ =	shalt  }
0x49: {  	_ =	shalt  }
0x4a: {  	_ =	shalt  }
0x4b: {  	_ =	shalt  }
0x4c: {  	_ =	shalt  }
0x4d: {  	_ =	shalt  }
0x4e: {  	_ =	shalt  }
0x4f: {  	_ =	shalt  }
0x50: {  	_ =	shalt  }
0x51: {  	_ =	shalt  }
0x52: {  	_ =	shalt  }
0x53: {  	_ =	shalt  }
0x54: {  	_ =	shalt  }
0x55: {  	_ =	shalt  }
0x56: {  	_ =	shalt  }
0x57: {  	_ =	shalt  }
0x58: {  	_ =	shalt  }
0x59: {  	_ =	shalt  }
0x5a: {  	_ =	shalt  }
0x5b: {  	_ =	shalt  }
0x5c: {  	_ =	shalt  }
0x5d: {  	_ =	shalt  }
0x5e: {  	_ =	shalt  }
0x5f: {  	_ =	shalt  }
0x60: {  	_ =	shalt  }
0x61: {  	_ =	shalt  }
0x62: {  	_ =	shalt  }
0x63: {  	_ =	shalt  }
0x64: {  	_ =	shalt  }
0x65: {  	_ =	shalt  }
0x66: {  	_ =	shalt  }
0x67: {  	_ =	shalt  }
0x68: {  	_ =	shalt  }
0x69: {  	_ =	shalt  }
0x6a: {  	_ =	shalt  }
0x6b: {  	_ =	shalt  }
0x6c: {  	_ =	shalt  }
0x6d: {  	_ =	shalt  }
0x6e: {  	_ =	shalt  }
0x6f: {  	_ =	shalt  }
0x70: {  	_ =	shalt  }
0x71: {  	_ =	shalt  }
0x72: {  	_ =	shalt  }
0x73: {  	_ =	shalt  }
0x74: {  	_ =	shalt  }
0x75: {  	_ =	shalt  }
0x76: {  	_ =	shalt  }
0x77: {  	_ =	shalt  }
0x78: {  	_ =	shalt  }
0x79: {  	_ =	shalt  }
0x7a: {  	_ =	shalt  }
0x7b: {  	_ =	shalt  }
0x7c: {  	_ =	shalt  }
0x7d: {  	_ =	shalt  }
0x7e: {  	_ =	shalt  }
0x7f: {  	_ =	shalt  }
0x80: {  	_ =	shalt  }
0x81: {  	_ =	shalt  }
0x82: {  	_ =	shalt  }
0x83: {  	_ =	shalt  }
0x84: {  	_ =	shalt  }
0x85: {  	_ =	shalt  }
0x86: {  	_ =	shalt  }
0x87: {  	_ =	shalt  }
.Lfunc_end0:
.L_simem_size_0:
called_computation_lowered:
.L_overlay_start_0:
0x88: {  	s2 =	sld [smem:$0x3FD9]  }
0x89: {  	s3 =	sld [smem:$0x3FFE];
	_ =	sdelay $0x1  }
0x8a: {  	s1 =	srdreg.scid  }
0x8b: {  	s0 =	sand.u32 $0x1, s1  }
0x8c: {  	s17 =	sshll.u32 s0, $0xA;
	s2 =	sadd.s32 s3, s2  }
0x8d: {  	s2 =	sadd.s32 s2, s17  }
0x8e: {  	[smem:$0x3FC3] =	sst s2  }
0x8f: {  	_ = 	snop  }
0x90: {  	s2 =	sld [smem:$0x3FD0];
	(tm) =	ssettm $0x1  }
0x91: {  	s18 =	sld [smem:$0x3FFB];
	_ =	sdelay $0x3  }
0x92: {  	_ =	strace s18  }
0x93: {  	s3 =	sld [smem:$0x3FFC];
	_ =	sdelay $0x3  }
0x94: {  	_ =	strace s3  }
0x95: {  	s3 =	sld [smem:$0x3FFD];
	_ =	sdelay $0x3  }
0x96: {  	_ =	strace s3  }
0x97: {  	_ =	strace $0x8FFFFFFF  }
0x98: {  	s19 =	sld [smem:$0x3FDB];
	_ =	sdelay $0x1  }
0x99: {  	s4 =	simm.s32 $_scs_section_size  }
0x9a: {  	s5 =	simm.s32 $_size__tile_overlayer_lowered;
	s6 =	simm.s32 $_tile_overlayer_lowered  }
0x9b: {  	s22 =	simm.s32 $0x1BFF;
	s21 =	sshll.u32 s6, $0x1;
	s3 =	sadd.s32 s4, s19  }
0x9c: {  	s7 =	simm.s32 $0x0;
	s20 =	sshll.u32 s5, $0x1;
	s5 =	sadd.s32 s21, s3  }
0x9d: {  	[timem:s7], [sflag:s22] =	dma.local [hbm:s5], s20  }
0x9e: {  	_ =	swait.ge [sflag:s22], s20  }
0x9f: {  	s4 =	ssub.s32 $0x0, s20;
	[sflag:s22] =	ssyncset.done $0x0  }
0xa0: {  	[sflag:s22] =	ssyncadd.s32 s4;
	_ =	sdelay $0x1  }
0xa1: {  	s23 =	simm.s32 $0x1B8B  }
0xa2: {  	_ =	swait.ge [sflag:s23], $0x1  }
0xa3: {  	[sflag:s23] =	ssyncset.done $0x0  }
0xa4: {  	s25 =	simm.s32 $0x1B8E;
	s24 =	sld [smem:$0x3FFE];
	[sflag:s23] =	ssyncadd.s32 $0xFFFFFFFF  }
0xa5: {  	s26 =	simm.s32 $execute0_lowered;
	[smem:$0x3FD2] =	sst s25  }
0xa6: {  	s5 =	sshll.u32 s26, $0x1;
	_ =	strace $0x80000046;
	[dreg:$0x1] =	wrdreg $0xFFFFFFFF  }
0xa7: {  	s28 =	simm.s32 $_size_execute0_lowered;
	s3 =	sadd.s32 s3, s5;
	[dreg:$0x0] =	wrdreg $0x0  }
0xa8: {  	s5 =	sshll.u32 s28, $0x1;
	[dreg:$0x2] =	wrdreg s3  }
0xa9: {  	[dreg:$0x3] =	wrdreg s5  }
0xaa: {  	[dreg:$0x4] =	wrdreg $0xC0  }
0xab: {  	_ =	task [dreg:s7], $0x5FFFF  }
0xac: {  	[dreg:$0x1] =	wrdreg $0xFFFFFFFF  }
0xad: {  	[dreg:$0x0] =	wrdreg $0x60  }
0xae: {  	[dreg:$0x2] =	wrdreg s2  }
0xaf: {  	[dreg:$0x3] =	wrdreg s24  }
0xb0: {  	[dreg:$0x4] =	wrdreg $0x148500  }
0xb1: {  	[dreg:$0x5] =	wrdreg $0x145D00  }
0xb2: {  	[dreg:$0x6] =	wrdreg $0x9  }
0xb3: {  	_ =	task.clear_ibuf [dreg:s7], $0x7FFFF;
	_ =	strace $0x90000046  }
0xb4: {  	s29 =	simm.s32 $0x9;
	_ =	strace $0x80000048  }
0xb5: {  	_ =	swait.ge [sflag:s29], $0x1  }
0xb6: {  	[sflag:s29] =	ssyncadd.s32 $0xFFFFFFFF  }
0xb7: {  	_ =	strace $0x90000048  }
0xb8: {  	_ =	sfence  }
0xb9: {  	s30 =	sld [smem:$0x0];
	_ =	sdelay $0x2  }
0xba: {  	s31 =	sshll.u32 s1, $0xD;
	s1 =	sshrl.u32 s1, $0x2  }
0xbb: {  	s3 =	sand.u32 $0x4000, s31;
	s1 =	sadd.s32 s1, s30  }
0xbc: {  	s0 =	sor.u32 s3, s0;
	s1 =	sshll.u32 s1, $0x11  }
0xbd: {  	s0 =	sor.u32 s1, s0  }
0xbe: {  	s0 =	sadd.s32 $0x8F2B, s0  }
0xbf: {  	[sflag:s0] =	ssyncadd.remote.s32 $0x1  }
0xc0: {  	_ =	sfence.sel $0xFFFF  }
0xc1: {  	[dreg:$0x0] =	wrdreg $0xFFFFFFFF;
	(pc) =	sbr.abs _section_cstart, $3  }
0xc2: {  	[dreg:$0x1] =	wrdreg $0xFFFFFFFF  }
0xc3: {  	_ =	task.clear_ibuf [dreg:s7], $0x2FFFF;
	_ =	strace $0x9FFFFFFF  }
0xc4: {  	(tm) =	ssettm $0x7FFFFFFF  }
0xc5: {  	_ =	shalt  }
tec
execute0_lowered:
.L_overlay_start_1:
0x0: {  	(tag) =	ssettag $0x1  }
0x1: {  	s1 =	rddreg [dreg:$0x0]  }
0x2: {  	s0 =	rddreg [dreg:$0x1]  }
0x3: {  	s2 =	rddreg [dreg:$0x2]  }
0x4: {  	s16 =	rddreg [dreg:$0x3]  }
0x5: {  	s5 =	simm.s32 $0x0;
	s3 =	srdreg.scid;
	s15 =	stileid.u32  }
0x6: {  	[smem:$0x7FF] =	sst s5;
	s4 =	smul.u32 $0x9E00, s15  }
0x7: {  	s3 =	sand.u32 $0x1, s3;
	s6 =	sadd.s32 $0xBE00, s0;
	s12 =	smul.u32 $0xA00, s15  }
0x8: {  	s8 =	sadd.s32 $0x29E00, s0;
	s9 =	sadd.s32 $0x1FE00, s0;
	s13 =	smul.u32 $0x5000, s15  }
0x9: {  	s10 =	sadd.s32 $0x1200, s0;
	s11 =	sadd.s32 $0xB200, s0;
	s19 =	smul.u32 $0x140, s15  }
0xa: {  	s14 =	sadd.s32 $0xB800, s0;
	s21 =	smul.u32 $0xA000, s15;
	_ =	strace $0x80000047  }
0xb: {  	s7 =	smul.u32 $0x13C000, s3;
	[dreg:$0x5] =	wrdreg s11;
	s17 =	ssub.s32 $0x2, s3  }
0xc: {  	[dreg:$0x6] =	wrdreg s14;
	s3 =	smul.u32 $0xA0, s3;
	s18 =	sshrl.u32 s17, $0x1  }
0xd: {  	s14 =	sadd.s32 s8, s12;
	s20 =	sadd.s32 s9, s12;
	s13 =	sshrl.u32 s13, $0x3  }
0xe: {  	s24 =	sshrl.u32 s21, $0x2;
	s7 =	sadd.s32 s4, s7;
	[dreg:$0x7] =	wrdreg s14  }
0xf: {  	[dreg:$0x8] =	wrdreg s20;
	s13 =	sadd.s32 $0x500, s13;
	s25 =	sadd.s32 s24, s2  }
0x10: {  	s3 =	sadd.s32 s3, s19;
	s4 =	sadd.s32 s4, s2;
	[dreg:$0xd] =	wrdreg s25  }
0x11: {  	s7 =	sshrl.u32 s7, $0x3;
	s22 =	sadd.s32 s8, s13;
	[smem:$0x7F1] =	sst s4  }
0x12: {  	s23 =	sadd.s32 s9, s13;
	s13 =	sadd.s32 s10, s13;
	[dreg:$0xa] =	wrdreg s22  }
0x13: {  	s3 =	sshll.u32 s3, $0x3;
	s0 =	sadd.s32 s7, s0;
	[dreg:$0xb] =	wrdreg s23  }
0x14: {  	s7 =	ssub.s32 s17, s18;
	s17 =	sadd.s32 s10, s12;
	[dreg:$0xc] =	wrdreg s13  }
0x15: {  	s8 =	sadd.s32 s8, s3;
	[dreg:$0x9] =	wrdreg s17  }
0x16: {  	s25 =	smul.u32 $0x27800, s15;
	s13 =	sadd.s32 s9, s3;
	[dreg:$0xf] =	wrdreg s8  }
0x17: {  	s12 =	sshrl.u32 s12, $0x2;
	s3 =	sadd.s32 s10, s3;
	[dreg:$0x10] =	wrdreg s13  }
0x18: {  	[dreg:$0x11] =	wrdreg s3;
	s3 =	sshrl.u32 s25, $0x2;
	s25 =	sadd.s32 $0x33E00, s0  }
0x19: {  	s11 =	sadd.s32 s12, s2;
	s0 =	sadd.s32 $0x47A00, s0;
	[smem:$0x7FB] =	sst s25  }
0x1a: {  	s26 =	sadd.s32 $0x2800, s11;
	[smem:$0x7FC] =	sst s0  }
0x1b: {  	s14 =	sadd.s32 $0x5000, s11;
	[dreg:$0xe] =	wrdreg s26  }
0x1c: {  	s17 =	sadd.s32 $0x7800, s11;
	[dreg:$0x12] =	wrdreg s14  }
0x1d: {  	s18 =	sadd.s32 $0xA000, s11;
	[dreg:$0x13] =	wrdreg s17  }
0x1e: {  	s19 =	sadd.s32 $0xC800, s11;
	[dreg:$0x14] =	wrdreg s18  }
0x1f: {  	s20 =	sadd.s32 $0xF000, s11;
	[dreg:$0x15] =	wrdreg s19  }
0x20: {  	s21 =	sadd.s32 $0x11800, s11;
	[dreg:$0x16] =	wrdreg s20  }
0x21: {  	s22 =	sadd.s32 $0x14000, s11;
	[dreg:$0x17] =	wrdreg s21  }
0x22: {  	s23 =	sadd.s32 $0x16800, s11;
	[dreg:$0x18] =	wrdreg s22  }
0x23: {  	s24 =	sadd.s32 $0x19000, s11;
	[dreg:$0x19] =	wrdreg s23  }
0x24: {  	s9 =	sadd.s32 $0x1E000, s11;
	[dreg:$0x1a] =	wrdreg s24  }
0x25: {  	s10 =	sadd.s32 $0x20800, s11;
	[dreg:$0x1c] =	wrdreg s9  }
0x26: {  	s13 =	sadd.s32 $0x23000, s11;
	[dreg:$0x1d] =	wrdreg s10  }
0x27: {  	s12 =	smul.u32 $0x280, s15;
	s26 =	sadd.s32 $0x1B800, s11;
	[dreg:$0x1e] =	wrdreg s13  }
0x28: {  	s14 =	sadd.s32 $0x25800, s11;
	[dreg:$0x1b] =	wrdreg s26  }
0x29: {  	s15 =	sadd.s32 s12, s2;
	[dreg:$0x1f] =	wrdreg s14  }
0x2a: {  	s3 =	sadd.s32 s3, s2;
	s16 =	sadd.s32 s12, s16;
	[smem:$0x7EF] =	sst s15  }
0x2b: {  	s17 =	sadd.s32 $0x1000, s3;
	[smem:$0x7F0] =	sst s16  }
0x2c: {  	s28 =	simm.s32 $0xC700;
	s18 =	sadd.s32 $0x2000, s3;
	[smem:$0x7F2] =	sst s17  }
0x2d: {  	s31 =	simm.s32 $0xEF00;
	s19 =	sadd.s32 $0x3000, s3;
	[smem:$0x7F3] =	sst s18  }
0x2e: {  	s30 =	simm.s32 $0x40;
	s20 =	sadd.s32 $0x4000, s3;
	[smem:$0x7F4] =	sst s19  }
0x2f: {  	s29 =	simm.s32 $0xFF00;
	s21 =	sadd.s32 $0x5000, s3;
	[smem:$0x7F5] =	sst s20  }
0x30: {  	s4 =	simm.s32 $0x2;
	s22 =	sadd.s32 $0x6000, s3;
	[smem:$0x7F6] =	sst s21  }
0x31: {  	s8 =	simm.s32 $0x1;
	s23 =	sadd.s32 $0x7000, s3;
	[smem:$0x7F7] =	sst s22  }
0x32: {  	s0 =	simm.s32 $0x11F00;
	s24 =	sadd.s32 $0x8000, s3;
	[smem:$0x7F8] =	sst s23  }
0x33: {  	s3 =	sadd.s32 $0x9000, s3;
	s10 =	simm.s32 $0x0;
	[smem:$0x7F9] =	sst s24  }
.Ltmp0:
0x34: {  	[smem:$0x7FA] =	sst s3;
	s26 =	smax.u32 s7, $0x1;
	(pc) =	sbr.rel .LBB2_1-.Ltmp0, $4  }
0x35: {  	s22 =	simm.s32 $0x9;
	s23 =	simm.s32 $0x2780;
	s14 =	simm.s32 $0x4F00  }
0x36: {  	s15 =	simm.s32 $0x7700;
	s16 =	simm.s32 $0x9F00;
	s17 =	simm.s32 $0x12F50  }
0x37: {  	s3 =	simm.s32 $0x10F00;
	s7 =	simm.s32 $0x3;
	s19 =	simm.s32 $0x4  }
0x38: {  	v0 =	vimm.f32 $0.0e+00;
	s24 =	simm.s32 $0x7;
	[smem:$0x7FD] =	sst s26;
	s26 =	simm.s32 $0x8  }
.LBB2_37:
0x39: {  	s9 =	simm.s32 $0x5  }
0x3a: {  	_ =	swait.ge [sflag:s9], $0x1000  }
0x3b: {  	[sflag:s9] =	ssyncset.done $0x0  }
0x3c: {  	s20 =	simm.s32 $0x6;
	[sflag:s9] =	ssyncadd.s32 $0xFFFFF000  }
0x3d: {  	_ =	swait.ge [sflag:s20], $0x1000  }
0x3e: {  	[sflag:s20] =	ssyncset.done $0x0  }
0x3f: {  	[sflag:s20] =	ssyncadd.s32 $0xFFFFF000  }
0x40: {  	_ =	swait.ge [sflag:s24], $0x1000  }
0x41: {  	[sflag:s24] =	ssyncset.done $0x0  }
0x42: {  	[sflag:s24] =	ssyncadd.s32 $0xFFFFF000  }
0x43: {  	_ =	swait.ge [sflag:s26], $0x1000  }
0x44: {  	[sflag:s26] =	ssyncset.done $0x0  }
0x45: {  	[sflag:s26] =	ssyncadd.s32 $0xFFFFF000  }
0x46: {  	[bflag:$0x0] =	sbarrier.arrive $0xFFFF  }
0x47: {  	s21 =	sld [smem:$0x7FC];
	_ =	sdelay $0x2  }
0x48: {  	[hbm:s21], [sflag:s11] =	dma.local [spmem:s12], $0x13C0  }
0x49: {  	_ =	swait.ge [sflag:s22], $0x13C0  }
0x4a: {  	s25 =	sld [smem:$0x7FD];
	_ =	sdelay $0x1  }
0x4b: {  	s10 =	sadd.s32 $0x1, s10  }
0x4c: {  	p0 =	sne.s32 s10, s25  }
.Ltmp1:
0x4d: {  	_ = 	snop;
	(pc) =	sbr.rel @!p0 .LBB2_38-.Ltmp1, $4  }
0x4e: {  	[sflag:s22] =	ssyncset.done $0x0  }
0x4f: {  	[sflag:s22] =	ssyncadd.s32 $0xFFFFEC40  }
0x50: {  	s14 =	simm.s32 $0x4F00;
	[bflag:$0x0] =	sbarrier.arrive $0xFFFF  }
0x51: {  	s15 =	simm.s32 $0x7700;
	s16 =	simm.s32 $0x9F00;
	s17 =	simm.s32 $0x12F50  }
.LBB2_1:
0x52: {  	s9 =	rddreg [dreg:$0x5]  }
0x53: {  	[tilespmem:s5], [sflag:$0x9] =	stream.linear.gather [hbm4b:s9+s5], $0x2780, $0x38;
	[tilespmem:$0x1E650] =	vst v63  }
0x54: {  	_ =	swait.ge [sflag:s22], $0x2780  }
0x55: {  	[sflag:s22] =	ssyncset.done $0x0  }
0x56: {  	s25 =	rddreg [dreg:$0x6];
	[sflag:s22] =	ssyncadd.s32 $0xFFFFD880  }
0x57: {  	[tilespmem:s23], [sflag:$0x9] =	stream.linear.gather [hbm4b:s25+s5], $0x2780, $0x38;
	[tilespmem:$0x1E650] =	vst v63  }
0x58: {  	_ =	swait.ge [sflag:s22], $0x2780  }
0x59: {  	[sflag:s22] =	ssyncset.done $0x0  }
0x5a: {  	s11 =	simm.s32 $0x100;
	s9 =	simm.s32 $0x0;
	[sflag:s22] =	ssyncadd.s32 $0xFFFFD880  }
.LBB2_2:
0x5b: {  	p0 =	sne.s32 s11, $0x9F00;
	[tilespmem:s9+$0xC730] =	vst v0;
	s12 =	smov.u32 s11;
	s11 =	sadd.s32 $0x100, s11  }
.Ltmp2:
0x5c: {  	[tilespmem:s9+$0xC720] =	vst v0;
	(pc) =	sbr.rel @p0 .LBB2_2-.Ltmp2, $3  }
0x5d: {  	[tilespmem:s9+$0xC700] =	vst v0  }
0x5e: {  	[tilespmem:s9+$0xC710] =	vst v0;
	_ =	sdelay $0x1  }
0x5f: {  	s9 =	sshra.s32 s12, $0x2  }
0x60: {  	[tilespmem:s9+$0xC730] =	vst v0  }
0x61: {  	[tilespmem:s9+$0xC720] =	vst v0  }
0x62: {  	[tilespmem:s9+$0xC700] =	vst v0  }
0x63: {  	[tilespmem:s9+$0xC710] =	vst v0;
	s11 =	simm.s32 $0x0;
	s20 =	rddreg [dreg:$0x7]  }
0x64: {  	[tilespmem:s14], [sflag:$0x9] =	stream.linear.gather [hbm4b:s20+s11], $0x2800, $0x38;
	[tilespmem:$0x1E650] =	vst v63  }
0x65: {  	_ =	swait.ge [sflag:s22], $0x2800  }
0x66: {  	[sflag:s22] =	ssyncset.done $0x0  }
0x67: {  	s21 =	rddreg [dreg:$0x8];
	[sflag:s22] =	ssyncadd.s32 $0xFFFFD800  }
0x68: {  	[tilespmem:s15], [sflag:$0x9] =	stream.linear.gather [hbm4b:s21+s11], $0x2800, $0x38;
	[tilespmem:$0x1E650] =	vst v63  }
0x69: {  	_ =	swait.ge [sflag:s22], $0x2800  }
0x6a: {  	[sflag:s22] =	ssyncset.done $0x0  }
0x6b: {  	s25 =	rddreg [dreg:$0x9];
	[sflag:s22] =	ssyncadd.s32 $0xFFFFD800  }
0x6c: {  	[tilespmem:s16], [sflag:$0x9] =	stream.linear.gather [hbm4b:s25+s11], $0x2800, $0x38;
	[tilespmem:$0x1E650] =	vst v63  }
0x6d: {  	_ =	swait.ge [sflag:s22], $0x2800  }
0x6e: {  	[sflag:s22] =	ssyncset.done $0x0  }
0x6f: {  	[sflag:s22] =	ssyncadd.s32 $0xFFFFD800  }
.LBB2_4:
0x70: {  	s9 =	sshra.s32 s11, $0x2  }
0x71: {  	v1 =	vld [tilespmem:s9+$0x4F00]  }
0x72: {  	v2 =	vld [tilespmem:s9+$0x7700];
	_ =	sdelay $0x6  }
0x73: {  	v3 =	vld.idx.msk [tilespmem:v1+s5+$0x0], $0xffff  }
0x74: {  	v2 =	vld.idx.msk [tilespmem:v2+s23+$0x0], $0xffff;
	_ =	sdelay $0x1  }
0x75: {  	v4 =	vld [tilespmem:s9+$0x9F00];
	_ =	sdelay $0x2  }
0x76: {  	v2 =	vadd.f32 v2, v3;
	_ =	sdelay $0x1  }
0x77: {  	v2 =	vadd.f32 v4, v2;
	_ =	sdelay $0x1  }
0x78: {  	v3 =	vmul.f32 $9.999999770e-03, v2  }
0x79: {  	vm0 =	vge.f32 v2, $0.0e+00  }
0x7a: {  	v2 =	vsel vm0, v2, v3  }
0x7b: {  	v2 =	vmul.f32 $1.442695020e+00, v2;
	_ =	sdelay $0x1  }
0x7c: {  	(erf) = vpow2.f32 v2;
	_ =	sdelay $0x8  }
0x7d: {  	v2 =	vpop (erf)  }
0x7e: {  	[tilespmem:v1+s28+$0x0] =	vst.idx.add.f32.msk $0xffff, v2  }
0x7f: {  	v1 =	vld [tilespmem:s9+$0x4F10]  }
0x80: {  	v2 =	vld [tilespmem:s9+$0x7710];
	_ =	sdelay $0x6  }
0x81: {  	v3 =	vld.idx.msk [tilespmem:v1+s5+$0x0], $0xffff  }
0x82: {  	v2 =	vld.idx.msk [tilespmem:v2+s23+$0x0], $0xffff;
	_ =	sdelay $0x1  }
0x83: {  	v61 =	vld [tilespmem:s9+$0x9F10];
	_ =	sdelay $0x2  }
0x84: {  	v2 =	vadd.f32 v2, v3;
	_ =	sdelay $0x1  }
0x85: {  	v2 =	vadd.f32 v61, v2;
	_ =	sdelay $0x1  }
0x86: {  	v3 =	vmul.f32 $9.999999770e-03, v2  }
0x87: {  	vm13 =	vge.f32 v2, $0.0e+00  }
0x88: {  	v2 =	vsel vm13, v2, v3  }
0x89: {  	v2 =	vmul.f32 $1.442695020e+00, v2;
	_ =	sdelay $0x1  }
0x8a: {  	(erf) = vpow2.f32 v2;
	_ =	sdelay $0x8  }
0x8b: {  	v2 =	vpop (erf)  }
0x8c: {  	[tilespmem:v1+s28+$0x0] =	vst.idx.add.f32.msk $0xffff, v2  }
0x8d: {  	v1 =	vld [tilespmem:s9+$0x4F20]  }
0x8e: {  	v2 =	vld [tilespmem:s9+$0x7720];
	_ =	sdelay $0x6  }
0x8f: {  	v3 =	vld.idx.msk [tilespmem:v1+s5+$0x0], $0xffff  }
0x90: {  	v2 =	vld.idx.msk [tilespmem:v2+s23+$0x0], $0xffff;
	_ =	sdelay $0x1  }
0x91: {  	v62 =	vld [tilespmem:s9+$0x9F20];
	_ =	sdelay $0x2  }
0x92: {  	v2 =	vadd.f32 v2, v3;
	_ =	sdelay $0x1  }
0x93: {  	v2 =	vadd.f32 v62, v2;
	_ =	sdelay $0x1  }
0x94: {  	v3 =	vmul.f32 $9.999999770e-03, v2  }
0x95: {  	vm14 =	vge.f32 v2, $0.0e+00  }
0x96: {  	v2 =	vsel vm14, v2, v3  }
0x97: {  	v2 =	vmul.f32 $1.442695020e+00, v2;
	_ =	sdelay $0x1  }
0x98: {  	(erf) = vpow2.f32 v2;
	_ =	sdelay $0x8  }
0x99: {  	v2 =	vpop (erf)  }
0x9a: {  	[tilespmem:v1+s28+$0x0] =	vst.idx.add.f32.msk $0xffff, v2  }
0x9b: {  	v1 =	vld [tilespmem:s9+$0x4F30]  }
0x9c: {  	v2 =	vld [tilespmem:s9+$0x7730];
	_ =	sdelay $0x6  }
0x9d: {  	v3 =	vld.idx.msk [tilespmem:v1+s5+$0x0], $0xffff  }
0x9e: {  	v2 =	vld.idx.msk [tilespmem:v2+s23+$0x0], $0xffff;
	_ =	sdelay $0x1  }
0x9f: {  	v63 =	vld [tilespmem:s9+$0x9F30];
	_ =	sdelay $0x2  }
0xa0: {  	v2 =	vadd.f32 v2, v3;
	_ =	sdelay $0x1  }
0xa1: {  	v2 =	vadd.f32 v63, v2;
	_ =	sdelay $0x1  }
0xa2: {  	v3 =	vmul.f32 $9.999999770e-03, v2  }
0xa3: {  	vm15 =	vge.f32 v2, $0.0e+00  }
0xa4: {  	v2 =	vsel vm15, v2, v3  }
0xa5: {  	v2 =	vmul.f32 $1.442695020e+00, v2;
	_ =	sdelay $0x1  }
0xa6: {  	(erf) = vpow2.f32 v2;
	_ =	sdelay $0x4  }
0xa7: {  	p0 =	sne.s32 s11, $0x9F00  }
.Ltmp3:
0xa8: {  	_ = 	snop;
	(pc) =	sbr.rel @p0 .LBB2_4-.Ltmp3, $3  }
0xa9: {  	_ =	sdelay $0x1  }
0xaa: {  	v2 =	vpop (erf)  }
0xab: {  	s11 =	sadd.s32 $0x100, s11;
	[tilespmem:v1+s28+$0x0] =	vst.idx.add.f32.msk $0xffff, v2  }
0xac: {  	s11 =	simm.s32 $0x0;
	s9 =	rddreg [dreg:$0xa]  }
0xad: {  	[tilespmem:s14], [sflag:$0x9] =	stream.linear.gather [hbm4b:s9+s11], $0x2800, $0x38;
	[tilespmem:$0x1E650] =	vst v63  }
0xae: {  	_ =	swait.ge [sflag:s22], $0x2800  }
0xaf: {  	[sflag:s22] =	ssyncset.done $0x0  }
0xb0: {  	s21 =	rddreg [dreg:$0xb];
	[sflag:s22] =	ssyncadd.s32 $0xFFFFD800  }
0xb1: {  	[tilespmem:s15], [sflag:$0x9] =	stream.linear.gather [hbm4b:s21+s11], $0x2800, $0x38;
	[tilespmem:$0x1E650] =	vst v63  }
0xb2: {  	_ =	swait.ge [sflag:s22], $0x2800  }
0xb3: {  	[sflag:s22] =	ssyncset.done $0x0  }
0xb4: {  	s25 =	rddreg [dreg:$0xc];
	[sflag:s22] =	ssyncadd.s32 $0xFFFFD800  }
0xb5: {  	[tilespmem:s16], [sflag:$0x9] =	stream.linear.gather [hbm4b:s25+s11], $0x2800, $0x38;
	[tilespmem:$0x1E650] =	vst v63  }
0xb6: {  	_ =	swait.ge [sflag:s22], $0x2800  }
0xb7: {  	[sflag:s22] =	ssyncset.done $0x0  }
0xb8: {  	[sflag:s22] =	ssyncadd.s32 $0xFFFFD800  }
.LBB2_6:
0xb9: {  	s9 =	sshra.s32 s11, $0x2  }
0xba: {  	v1 =	vld [tilespmem:s9+$0x4F00]  }
0xbb: {  	v2 =	vld [tilespmem:s9+$0x7700];
	_ =	sdelay $0x6  }
0xbc: {  	v3 =	vld.idx.msk [tilespmem:v1+s5+$0x0], $0xffff  }
0xbd: {  	v2 =	vld.idx.msk [tilespmem:v2+s23+$0x0], $0xffff;
	_ =	sdelay $0x1  }
0xbe: {  	v4 =	vld [tilespmem:s9+$0x9F00];
	_ =	sdelay $0x2  }
0xbf: {  	v2 =	vadd.f32 v2, v3;
	_ =	sdelay $0x1  }
0xc0: {  	v2 =	vadd.f32 v4, v2;
	_ =	sdelay $0x1  }
0xc1: {  	v3 =	vmul.f32 $9.999999770e-03, v2  }
0xc2: {  	vm0 =	vge.f32 v2, $0.0e+00  }
0xc3: {  	v2 =	vsel vm0, v2, v3  }
0xc4: {  	v2 =	vmul.f32 $1.442695020e+00, v2;
	_ =	sdelay $0x1  }
0xc5: {  	(erf) = vpow2.f32 v2;
	_ =	sdelay $0x8  }
0xc6: {  	v2 =	vpop (erf)  }
0xc7: {  	[tilespmem:v1+s28+$0x0] =	vst.idx.add.f32.msk $0xffff, v2  }
0xc8: {  	v1 =	vld [tilespmem:s9+$0x4F10]  }
0xc9: {  	v2 =	vld [tilespmem:s9+$0x7710];
	_ =	sdelay $0x6  }
0xca: {  	v3 =	vld.idx.msk [tilespmem:v1+s5+$0x0], $0xffff  }
0xcb: {  	v2 =	vld.idx.msk [tilespmem:v2+s23+$0x0], $0xffff;
	_ =	sdelay $0x1  }
0xcc: {  	v61 =	vld [tilespmem:s9+$0x9F10];
	_ =	sdelay $0x2  }
0xcd: {  	v2 =	vadd.f32 v2, v3;
	_ =	sdelay $0x1  }
0xce: {  	v2 =	vadd.f32 v61, v2;
	_ =	sdelay $0x1  }
0xcf: {  	v3 =	vmul.f32 $9.999999770e-03, v2  }
0xd0: {  	vm13 =	vge.f32 v2, $0.0e+00  }
0xd1: {  	v2 =	vsel vm13, v2, v3  }
0xd2: {  	v2 =	vmul.f32 $1.442695020e+00, v2;
	_ =	sdelay $0x1  }
0xd3: {  	(erf) = vpow2.f32 v2;
	_ =	sdelay $0x8  }
0xd4: {  	v2 =	vpop (erf)  }
0xd5: {  	[tilespmem:v1+s28+$0x0] =	vst.idx.add.f32.msk $0xffff, v2  }
0xd6: {  	v1 =	vld [tilespmem:s9+$0x4F20]  }
0xd7: {  	v2 =	vld [tilespmem:s9+$0x7720];
	_ =	sdelay $0x6  }
0xd8: {  	v3 =	vld.idx.msk [tilespmem:v1+s5+$0x0], $0xffff  }
0xd9: {  	v2 =	vld.idx.msk [tilespmem:v2+s23+$0x0], $0xffff;
	_ =	sdelay $0x1  }
0xda: {  	v62 =	vld [tilespmem:s9+$0x9F20];
	_ =	sdelay $0x2  }
0xdb: {  	v2 =	vadd.f32 v2, v3;
	_ =	sdelay $0x1  }
0xdc: {  	v2 =	vadd.f32 v62, v2;
	_ =	sdelay $0x1  }
0xdd: {  	v3 =	vmul.f32 $9.999999770e-03, v2  }
0xde: {  	vm14 =	vge.f32 v2, $0.0e+00  }
0xdf: {  	v2 =	vsel vm14, v2, v3  }
0xe0: {  	v2 =	vmul.f32 $1.442695020e+00, v2;
	_ =	sdelay $0x1  }
0xe1: {  	(erf) = vpow2.f32 v2;
	_ =	sdelay $0x8  }
0xe2: {  	v2 =	vpop (erf)  }
0xe3: {  	[tilespmem:v1+s28+$0x0] =	vst.idx.add.f32.msk $0xffff, v2  }
0xe4: {  	v1 =	vld [tilespmem:s9+$0x4F30]  }
0xe5: {  	v2 =	vld [tilespmem:s9+$0x7730];
	_ =	sdelay $0x6  }
0xe6: {  	v3 =	vld.idx.msk [tilespmem:v1+s5+$0x0], $0xffff  }
0xe7: {  	v2 =	vld.idx.msk [tilespmem:v2+s23+$0x0], $0xffff;
	_ =	sdelay $0x1  }
0xe8: {  	v63 =	vld [tilespmem:s9+$0x9F30];
	_ =	sdelay $0x2  }
0xe9: {  	v2 =	vadd.f32 v2, v3;
	_ =	sdelay $0x1  }
0xea: {  	v2 =	vadd.f32 v63, v2;
	_ =	sdelay $0x1  }
0xeb: {  	v3 =	vmul.f32 $9.999999770e-03, v2  }
0xec: {  	vm15 =	vge.f32 v2, $0.0e+00  }
0xed: {  	v2 =	vsel vm15, v2, v3  }
0xee: {  	v2 =	vmul.f32 $1.442695020e+00, v2;
	_ =	sdelay $0x1  }
0xef: {  	(erf) = vpow2.f32 v2;
	_ =	sdelay $0x4  }
0xf0: {  	p0 =	sne.s32 s11, $0x9F00  }
.Ltmp4:
0xf1: {  	_ = 	snop;
	(pc) =	sbr.rel @p0 .LBB2_6-.Ltmp4, $3  }
0xf2: {  	_ =	sdelay $0x1  }
0xf3: {  	v2 =	vpop (erf)  }
0xf4: {  	s11 =	sadd.s32 $0x100, s11;
	[tilespmem:v1+s28+$0x0] =	vst.idx.add.f32.msk $0xffff, v2  }
0xf5: {  	s9 =	rddreg [dreg:$0xd]  }
0xf6: {  	[spmem:s9] =	stream.linear.scatter [tilespmem:s28], [sflag:$0x9], $0x2800, $0x38;
	[tilespmem:$0x1E650] =	vst v63  }
0xf7: {  	_ =	swait.ge [sflag:s22], $0x2800  }
0xf8: {  	[sflag:s22] =	ssyncset.done $0x0  }
0xf9: {  	[sflag:s22] =	ssyncadd.s32 $0xFFFFD800  }
0xfa: {  	[bflag:$0x0] =	sbarrier.arrive $0xFFFF  }
0xfb: {  	s21 =	sld [smem:$0x7EF];
	_ =	sdelay $0x2  }
0xfc: {  	[tilespmem:s17], [sflag:$0x9] =	stream.linear.gather [spmem:s21], $0x280, $0x38;
	[tilespmem:$0x1E650] =	vst v63  }
0xfd: {  	_ =	swait.ge [sflag:s22], $0x280  }
0xfe: {  	[sflag:s22] =	ssyncset.done $0x0  }
0xff: {  	s11 =	simm.s32 $0x131D0;
	s25 =	rddreg [dreg:$0xe];
	[sflag:s22] =	ssyncadd.s32 $0xFFFFFD80  }
0x100: {  	[tilespmem:s11], [sflag:$0x9] =	stream.linear.gather [spmem:s25], $0x280, $0x38;
	[tilespmem:$0x1E650] =	vst v63  }
0x101: {  	_ =	swait.ge [sflag:s22], $0x280  }
0x102: {  	[sflag:s22] =	ssyncset.done $0x0  }
0x103: {  	s13 =	simm.s32 $0x13450;
	s12 =	rddreg [dreg:$0x12];
	[sflag:s22] =	ssyncadd.s32 $0xFFFFFD80  }
0x104: {  	[tilespmem:s13], [sflag:$0x9] =	stream.linear.gather [spmem:s12], $0x280, $0x38;
	[tilespmem:$0x1E650] =	vst v63  }
0x105: {  	_ =	swait.ge [sflag:s22], $0x280  }
0x106: {  	[sflag:s22] =	ssyncset.done $0x0  }
0x107: {  	s20 =	simm.s32 $0x136D0;
	s18 =	rddreg [dreg:$0x13];
	[sflag:s22] =	ssyncadd.s32 $0xFFFFFD80  }
0x108: {  	[tilespmem:s20], [sflag:$0x9] =	stream.linear.gather [spmem:s18], $0x280, $0x38;
	[tilespmem:$0x1E650] =	vst v63  }
0x109: {  	_ =	swait.ge [sflag:s22], $0x280  }
0x10a: {  	[sflag:s22] =	ssyncset.done $0x0  }
0x10b: {  	s25 =	simm.s32 $0x13950;
	s21 =	rddreg [dreg:$0x14];
	[sflag:s22] =	ssyncadd.s32 $0xFFFFFD80  }
0x10c: {  	[tilespmem:s25], [sflag:$0x9] =	stream.linear.gather [spmem:s21], $0x280, $0x38;
	[tilespmem:$0x1E650] =	vst v63  }
0x10d: {  	_ =	swait.ge [sflag:s22], $0x280  }
0x10e: {  	[sflag:s22] =	ssyncset.done $0x0  }
0x10f: {  	s13 =	simm.s32 $0x13BD0;
	s12 =	rddreg [dreg:$0x15];
	[sflag:s22] =	ssyncadd.s32 $0xFFFFFD80  }
0x110: {  	[tilespmem:s13], [sflag:$0x9] =	stream.linear.gather [spmem:s12], $0x280, $0x38;
	[tilespmem:$0x1E650] =	vst v63  }
0x111: {  	_ =	swait.ge [sflag:s22], $0x280  }
0x112: {  	[sflag:s22] =	ssyncset.done $0x0  }
0x113: {  	s20 =	simm.s32 $0x13E50;
	s18 =	rddreg [dreg:$0x16];
	[sflag:s22] =	ssyncadd.s32 $0xFFFFFD80  }
0x114: {  	[tilespmem:s20], [sflag:$0x9] =	stream.linear.gather [spmem:s18], $0x280, $0x38;
	[tilespmem:$0x1E650] =	vst v63  }
0x115: {  	_ =	swait.ge [sflag:s22], $0x280  }
0x116: {  	[sflag:s22] =	ssyncset.done $0x0  }
0x117: {  	s25 =	simm.s32 $0x140D0;
	s21 =	rddreg [dreg:$0x17];
	[sflag:s22] =	ssyncadd.s32 $0xFFFFFD80  }
0x118: {  	[tilespmem:s25], [sflag:$0x9] =	stream.linear.gather [spmem:s21], $0x280, $0x38;
	[tilespmem:$0x1E650] =	vst v63  }
0x119: {  	_ =	swait.ge [sflag:s22], $0x280  }
0x11a: {  	[sflag:s22] =	ssyncset.done $0x0  }
0x11b: {  	s11 =	simm.s32 $0x0;
	[sflag:s22] =	ssyncadd.s32 $0xFFFFFD80  }
0x11c: {  	v1 =	vld [tilespmem:s11+$0x12F80]  }
0x11d: {  	v2 =	vld [tilespmem:s11+$0x13200]  }
0x11e: {  	v3 =	vld [tilespmem:s11+$0x12F50]  }
0x11f: {  	v4 =	vld [tilespmem:s11+$0x13480]  }
0x120: {  	v5 =	vld [tilespmem:s11+$0x131D0]  }
0x121: {  	v6 =	vld [tilespmem:s11+$0x13700]  }
0x122: {  	v7 =	vld [tilespmem:s11+$0x12F60]  }
0x123: {  	v8 =	vld [tilespmem:s11+$0x131E0]  }
0x124: {  	v9 =	vld [tilespmem:s11+$0x12F70]  }
0x125: {  	v10 =	vld [tilespmem:s11+$0x131F0];
	v1 =	vadd.f32 v2, v1  }
0x126: {  	v2 =	vld [tilespmem:s11+$0x13980]  }
0x127: {  	v11 =	vld [tilespmem:s11+$0x13450];
	v1 =	vadd.f32 v4, v1  }
0x128: {  	v4 =	vld [tilespmem:s11+$0x13C00]  }
0x129: {  	v12 =	vld [tilespmem:s11+$0x13470];
	v1 =	vadd.f32 v6, v1  }
0x12a: {  	v6 =	vld [tilespmem:s11+$0x13E80]  }
0x12b: {  	v13 =	vld [tilespmem:s11+$0x136E0];
	v1 =	vadd.f32 v2, v1  }
0x12c: {  	v2 =	vld [tilespmem:s11+$0x14100]  }
0x12d: {  	v14 =	vld [tilespmem:s11+$0x13950];
	v1 =	vadd.f32 v4, v1  }
0x12e: {  	v3 =	vadd.f32 v5, v3;
	v5 =	vadd.f32 v8, v7;
	v7 =	vld [tilespmem:s11+$0x13970]  }
0x12f: {  	v4 =	vld [tilespmem:s11+$0x13460];
	v1 =	vadd.f32 v6, v1  }
0x130: {  	v8 =	vadd.f32 v10, v9;
	v9 =	vld [tilespmem:s11+$0x13BD0]  }
0x131: {  	v6 =	vld [tilespmem:s11+$0x136D0];
	v1 =	vadd.f32 v2, v1  }
0x132: {  	v2 =	vld [tilespmem:s11+$0x136F0]  }
0x133: {  	[tilespmem:s11+$0x14380] =	vst v1;
	v1 =	vld [tilespmem:s11+$0x13960]  }
0x134: {  	v10 =	vld [tilespmem:s11+$0x13BF0];
	v3 =	vadd.f32 v11, v3;
	v4 =	vadd.f32 v4, v5  }
0x135: {  	v8 =	vadd.f32 v12, v8;
	v5 =	vld [tilespmem:s11+$0x13BE0]  }
0x136: {  	v11 =	vld [tilespmem:s11+$0x13E50];
	v3 =	vadd.f32 v6, v3;
	v4 =	vadd.f32 v13, v4  }
0x137: {  	v6 =	vadd.f32 v2, v8;
	v8 =	vld [tilespmem:s11+$0x13E60]  }
0x138: {  	v3 =	vadd.f32 v14, v3;
	v2 =	vld [tilespmem:s11+$0x13E70];
	v1 =	vadd.f32 v1, v4  }
0x139: {  	v6 =	vadd.f32 v7, v6;
	v4 =	vld [tilespmem:s11+$0x140D0]  }
0x13a: {  	v7 =	vadd.f32 v9, v3;
	v3 =	vld [tilespmem:s11+$0x140E0];
	v9 =	vadd.f32 v5, v1  }
0x13b: {  	s12 =	simm.s32 $0x40;
	v6 =	vadd.f32 v10, v6;
	v5 =	vld [tilespmem:s11+$0x140F0]  }
0x13c: {  	s13 =	simm.s32 $0x200;
	v7 =	vadd.f32 v11, v7;
	v1 =	vld [tilespmem:s12+$0x12F80];
	v8 =	vadd.f32 v8, v9  }
.LBB2_8:
0x13d: {  	p0 =	sne.s32 s13, $0x900;
	v9 =	vld [tilespmem:s12+$0x13200];
	v2 =	vadd.f32 v2, v6  }
0x13e: {  	v6 =	vld [tilespmem:s12+$0x12F50];
	v4 =	vadd.f32 v4, v7  }
0x13f: {  	v7 =	vld [tilespmem:s12+$0x13480];
	v3 =	vadd.f32 v3, v8  }
0x140: {  	v8 =	vld [tilespmem:s12+$0x131D0];
	[tilespmem:s11+$0x14350] =	vst v4;
	v2 =	vadd.f32 v5, v2  }
0x141: {  	v4 =	vld [tilespmem:s12+$0x13700];
	[tilespmem:s11+$0x14360] =	vst v3  }
0x142: {  	v3 =	vld [tilespmem:s12+$0x12F60];
	v1 =	vadd.f32 v9, v1;
	[tilespmem:s11+$0x14370] =	vst v2;
	s11 =	smov.u32 s12  }
0x143: {  	v2 =	vld [tilespmem:s11+$0x13980]  }
0x144: {  	v5 =	vld [tilespmem:s11+$0x131E0];
	v1 =	vadd.f32 v7, v1  }
0x145: {  	v6 =	vadd.f32 v8, v6;
	v7 =	vld [tilespmem:s11+$0x13C00]  }
0x146: {  	v8 =	vld [tilespmem:s11+$0x12F70];
	v1 =	vadd.f32 v4, v1  }
0x147: {  	v4 =	vld [tilespmem:s11+$0x13E80]  }
0x148: {  	v9 =	vld [tilespmem:s11+$0x131F0];
	v1 =	vadd.f32 v2, v1  }
0x149: {  	v2 =	vadd.f32 v5, v3;
	v3 =	vld [tilespmem:s11+$0x14100]  }
0x14a: {  	v5 =	vld [tilespmem:s11+$0x13450];
	v1 =	vadd.f32 v7, v1  }
0x14b: {  	v7 =	vld [tilespmem:s11+$0x13460]  }
0x14c: {  	v10 =	vld [tilespmem:s11+$0x13470];
	v1 =	vadd.f32 v4, v1  }
0x14d: {  	v4 =	vld [tilespmem:s11+$0x136D0];
	v8 =	vadd.f32 v9, v8  }
0x14e: {  	v9 =	vld [tilespmem:s11+$0x136E0];
	v1 =	vadd.f32 v3, v1  }
0x14f: {  	v3 =	vadd.f32 v5, v6;
	v5 =	vld [tilespmem:s11+$0x136F0]  }
0x150: {  	v6 =	vld [tilespmem:s11+$0x13950];
	v2 =	vadd.f32 v7, v2;
	[tilespmem:s11+$0x14380] =	vst v1  }
0x151: {  	v1 =	vld [tilespmem:s11+$0x13960];
	v7 =	vadd.f32 v10, v8  }
0x152: {  	v3 =	vadd.f32 v4, v3;
	v4 =	vld [tilespmem:s11+$0x13970]  }
0x153: {  	v8 =	vld [tilespmem:s11+$0x13BD0];
	v2 =	vadd.f32 v9, v2  }
0x154: {  	v9 =	vld [tilespmem:s11+$0x13BE0];
	v5 =	vadd.f32 v5, v7  }
0x155: {  	v3 =	vadd.f32 v6, v3;
	v6 =	vld [tilespmem:s11+$0x13BF0]  }
0x156: {  	v7 =	vld [tilespmem:s11+$0x13E50];
	v1 =	vadd.f32 v1, v2  }
0x157: {  	v10 =	vld [tilespmem:s11+$0x13E60];
	v5 =	vadd.f32 v4, v5  }
.Ltmp5:
0x158: {  	v8 =	vadd.f32 v8, v3;
	v2 =	vld [tilespmem:s11+$0x13E70];
	(pc) =	sbr.rel @p0 .LBB2_8-.Ltmp5, $4  }
0x159: {  	v4 =	vld [tilespmem:s11+$0x140D0];
	v9 =	vadd.f32 v9, v1  }
0x15a: {  	v3 =	vld [tilespmem:s11+$0x140E0];
	v6 =	vadd.f32 v6, v5  }
0x15b: {  	s12 =	sshra.s32 s13, $0x2;
	v7 =	vadd.f32 v7, v8;
	v5 =	vld [tilespmem:s11+$0x140F0]  }
0x15c: {  	s13 =	sadd.s32 $0x100, s13;
	v1 =	vld [tilespmem:s12+$0x12F80];
	v8 =	vadd.f32 v10, v9  }
0x15d: {  	v9 =	vld [tilespmem:s12+$0x13200]  }
0x15e: {  	v10 =	vld [tilespmem:s12+$0x12F50];
	v2 =	vadd.f32 v2, v6;
	v4 =	vadd.f32 v4, v7  }
0x15f: {  	v11 =	vld [tilespmem:s12+$0x131D0];
	v3 =	vadd.f32 v3, v8  }
0x160: {  	v7 =	vld [tilespmem:s12+$0x13480];
	[tilespmem:s11+$0x14350] =	vst v4;
	v2 =	vadd.f32 v5, v2  }
0x161: {  	v4 =	vld [tilespmem:s12+$0x13700];
	[tilespmem:s11+$0x14360] =	vst v3  }
0x162: {  	v3 =	vld [tilespmem:s12+$0x12F60];
	[tilespmem:s11+$0x14370] =	vst v2  }
0x163: {  	v2 =	vld [tilespmem:s12+$0x13980]  }
0x164: {  	v5 =	vld [tilespmem:s12+$0x131E0]  }
0x165: {  	v6 =	vld [tilespmem:s12+$0x13C00]  }
0x166: {  	v1 =	vadd.f32 v9, v1;
	v8 =	vld [tilespmem:s12+$0x131F0]  }
0x167: {  	v9 =	vld [tilespmem:s12+$0x13450]  }
0x168: {  	v12 =	vld [tilespmem:s12+$0x13470];
	v1 =	vadd.f32 v7, v1  }
0x169: {  	v13 =	vld [tilespmem:s12+$0x136E0]  }
0x16a: {  	v14 =	vld [tilespmem:s12+$0x13950];
	v1 =	vadd.f32 v4, v1  }
0x16b: {  	v4 =	vld [tilespmem:s12+$0x13E80]  }
0x16c: {  	v7 =	vld [tilespmem:s12+$0x12F70];
	v1 =	vadd.f32 v2, v1  }
0x16d: {  	v2 =	vld [tilespmem:s12+$0x14100]  }
0x16e: {  	v10 =	vadd.f32 v11, v10;
	v11 =	vld [tilespmem:s12+$0x13970];
	v1 =	vadd.f32 v6, v1  }
0x16f: {  	v3 =	vadd.f32 v5, v3;
	v5 =	vld [tilespmem:s12+$0x13BD0]  }
0x170: {  	v6 =	vld [tilespmem:s12+$0x13460];
	v1 =	vadd.f32 v4, v1  }
0x171: {  	v7 =	vadd.f32 v8, v7;
	v4 =	vld [tilespmem:s12+$0x136D0]  }
0x172: {  	v8 =	vadd.f32 v9, v10;
	v9 =	vld [tilespmem:s12+$0x13BE0];
	v1 =	vadd.f32 v2, v1  }
0x173: {  	v2 =	vld [tilespmem:s12+$0x136F0]  }
0x174: {  	[tilespmem:s12+$0x14380] =	vst v1;
	v1 =	vld [tilespmem:s12+$0x13960]  }
0x175: {  	v10 =	vld [tilespmem:s12+$0x13E60];
	v3 =	vadd.f32 v6, v3  }
0x176: {  	v7 =	vadd.f32 v12, v7;
	v6 =	vld [tilespmem:s12+$0x13BF0];
	v4 =	vadd.f32 v4, v8  }
0x177: {  	v8 =	vld [tilespmem:s12+$0x13E50];
	v3 =	vadd.f32 v13, v3  }
0x178: {  	v2 =	vadd.f32 v2, v7;
	v4 =	vadd.f32 v14, v4;
	v7 =	vld [tilespmem:s12+$0x13E70]  }
0x179: {  	v1 =	vadd.f32 v1, v3;
	v3 =	vld [tilespmem:s12+$0x140D0]  }
0x17a: {  	v2 =	vadd.f32 v11, v2;
	v4 =	vadd.f32 v5, v4;
	v5 =	vld [tilespmem:s12+$0x140E0]  }
0x17b: {  	v1 =	vadd.f32 v9, v1;
	v9 =	vld [tilespmem:s12+$0x140F0]  }
0x17c: {  	v2 =	vadd.f32 v6, v2;
	v4 =	vadd.f32 v8, v4  }
0x17d: {  	v1 =	vadd.f32 v10, v1  }
0x17e: {  	v2 =	vadd.f32 v7, v2;
	v3 =	vadd.f32 v3, v4  }
0x17f: {  	v1 =	vadd.f32 v5, v1  }
0x180: {  	[tilespmem:s12+$0x14350] =	vst v3;
	v2 =	vadd.f32 v9, v2  }
0x181: {  	[tilespmem:s12+$0x14360] =	vst v1  }
0x182: {  	s9 =	rddreg [dreg:$0x18];
	[tilespmem:s12+$0x14370] =	vst v2  }
0x183: {  	[tilespmem:s17], [sflag:$0x9] =	stream.linear.gather [spmem:s9], $0x280, $0x38;
	[tilespmem:$0x1E650] =	vst v63  }
0x184: {  	_ =	swait.ge [sflag:s22], $0x280  }
0x185: {  	[sflag:s22] =	ssyncset.done $0x0  }
0x186: {  	s17 =	simm.s32 $0x131D0;
	s13 =	rddreg [dreg:$0x19];
	[sflag:s22] =	ssyncadd.s32 $0xFFFFFD80  }
0x187: {  	[tilespmem:s17], [sflag:$0x9] =	stream.linear.gather [spmem:s13], $0x280, $0x38;
	[tilespmem:$0x1E650] =	vst v63  }
0x188: {  	_ =	swait.ge [sflag:s22], $0x280  }
0x189: {  	[sflag:s22] =	ssyncset.done $0x0  }
0x18a: {  	s20 =	simm.s32 $0x13450;
	s18 =	rddreg [dreg:$0x1a];
	[sflag:s22] =	ssyncadd.s32 $0xFFFFFD80  }
0x18b: {  	[tilespmem:s20], [sflag:$0x9] =	stream.linear.gather [spmem:s18], $0x280, $0x38;
	[tilespmem:$0x1E650] =	vst v63  }
0x18c: {  	_ =	swait.ge [sflag:s22], $0x280  }
0x18d: {  	[sflag:s22] =	ssyncset.done $0x0  }
0x18e: {  	s25 =	simm.s32 $0x136D0;
	s21 =	rddreg [dreg:$0x1b];
	[sflag:s22] =	ssyncadd.s32 $0xFFFFFD80  }
0x18f: {  	[tilespmem:s25], [sflag:$0x9] =	stream.linear.gather [spmem:s21], $0x280, $0x38;
	[tilespmem:$0x1E650] =	vst v63  }
0x190: {  	_ =	swait.ge [sflag:s22], $0x280  }
0x191: {  	[sflag:s22] =	ssyncset.done $0x0  }
0x192: {  	s12 =	simm.s32 $0x13950;
	s11 =	rddreg [dreg:$0x1c];
	[sflag:s22] =	ssyncadd.s32 $0xFFFFFD80  }
0x193: {  	[tilespmem:s12], [sflag:$0x9] =	stream.linear.gather [spmem:s11], $0x280, $0x38;
	[tilespmem:$0x1E650] =	vst v63  }
0x194: {  	_ =	swait.ge [sflag:s22], $0x280  }
0x195: {  	[sflag:s22] =	ssyncset.done $0x0  }
0x196: {  	s17 =	simm.s32 $0x13BD0;
	s13 =	rddreg [dreg:$0x1d];
	[sflag:s22] =	ssyncadd.s32 $0xFFFFFD80  }
0x197: {  	[tilespmem:s17], [sflag:$0x9] =	stream.linear.gather [spmem:s13], $0x280, $0x38;
	[tilespmem:$0x1E650] =	vst v63  }
0x198: {  	_ =	swait.ge [sflag:s22], $0x280  }
0x199: {  	[sflag:s22] =	ssyncset.done $0x0  }
0x19a: {  	s20 =	simm.s32 $0x13E50;
	s18 =	rddreg [dreg:$0x1e];
	[sflag:s22] =	ssyncadd.s32 $0xFFFFFD80  }
0x19b: {  	[tilespmem:s20], [sflag:$0x9] =	stream.linear.gather [spmem:s18], $0x280, $0x38;
	[tilespmem:$0x1E650] =	vst v63  }
0x19c: {  	_ =	swait.ge [sflag:s22], $0x280  }
0x19d: {  	[sflag:s22] =	ssyncset.done $0x0  }
0x19e: {  	s25 =	simm.s32 $0x140D0;
	s21 =	rddreg [dreg:$0x1f];
	[sflag:s22] =	ssyncadd.s32 $0xFFFFFD80  }
0x19f: {  	[tilespmem:s25], [sflag:$0x9] =	stream.linear.gather [spmem:s21], $0x280, $0x38;
	[tilespmem:$0x1E650] =	vst v63  }
0x1a0: {  	_ =	swait.ge [sflag:s22], $0x280  }
0x1a1: {  	[sflag:s22] =	ssyncset.done $0x0  }
0x1a2: {  	s11 =	simm.s32 $0x0;
	[sflag:s22] =	ssyncadd.s32 $0xFFFFFD80  }
0x1a3: {  	v4 =	vld [tilespmem:s11+$0x140D0]  }
0x1a4: {  	v3 =	vld [tilespmem:s11+$0x140E0]  }
0x1a5: {  	v2 =	vld [tilespmem:s11+$0x140F0]  }
0x1a6: {  	v1 =	vld [tilespmem:s11+$0x14100]  }
0x1a7: {  	v6 =	vld [tilespmem:s11+$0x13E50]  }
0x1a8: {  	v5 =	vld [tilespmem:s11+$0x13E60]  }
0x1a9: {  	v8 =	vld [tilespmem:s11+$0x13BD0]  }
0x1aa: {  	v7 =	vld [tilespmem:s11+$0x13BE0]  }
0x1ab: {  	v10 =	vld [tilespmem:s11+$0x13950]  }
0x1ac: {  	v9 =	vld [tilespmem:s11+$0x13960]  }
0x1ad: {  	v12 =	vld [tilespmem:s11+$0x136D0]  }
0x1ae: {  	v11 =	vld [tilespmem:s11+$0x136E0]  }
0x1af: {  	v14 =	vld [tilespmem:s11+$0x13450]  }
0x1b0: {  	v13 =	vld [tilespmem:s11+$0x13460]  }
0x1b1: {  	v16 =	vld [tilespmem:s11+$0x12F50]  }
0x1b2: {  	v19 =	vld [tilespmem:s11+$0x131D0]  }
0x1b3: {  	v18 =	vld [tilespmem:s11+$0x12F60]  }
0x1b4: {  	v21 =	vld [tilespmem:s11+$0x131E0]  }
0x1b5: {  	v17 =	vld [tilespmem:s11+$0x12F70]  }
0x1b6: {  	v20 =	vld [tilespmem:s11+$0x131F0]  }
0x1b7: {  	s12 =	simm.s32 $0x100;
	v15 =	vld [tilespmem:s11+$0x12F80]  }
.LBB2_10:
0x1b8: {  	p0 =	sne.s32 s12, $0x900;
	v22 =	vld [tilespmem:s11+$0x13200]  }
0x1b9: {  	v23 =	vld [tilespmem:s11+$0x13470]  }
0x1ba: {  	v16 =	vadd.f32 v19, v16;
	v19 =	vld [tilespmem:s11+$0x13480]  }
0x1bb: {  	v18 =	vadd.f32 v21, v18;
	v21 =	vld [tilespmem:s11+$0x136F0]  }
0x1bc: {  	v14 =	vadd.f32 v14, v16;
	v16 =	vadd.f32 v20, v17;
	v17 =	vld [tilespmem:s11+$0x13700]  }
0x1bd: {  	v13 =	vadd.f32 v13, v18;
	v18 =	vld [tilespmem:s11+$0x13970];
	v15 =	vadd.f32 v22, v15  }
0x1be: {  	v12 =	vadd.f32 v12, v14;
	v14 =	vadd.f32 v23, v16;
	v16 =	vld [tilespmem:s11+$0x13980]  }
0x1bf: {  	v11 =	vadd.f32 v11, v13;
	v13 =	vld [tilespmem:s11+$0x13BF0];
	v15 =	vadd.f32 v19, v15  }
0x1c0: {  	v10 =	vadd.f32 v10, v12;
	v12 =	vadd.f32 v21, v14;
	v14 =	vld [tilespmem:s11+$0x13C00]  }
0x1c1: {  	v9 =	vadd.f32 v9, v11;
	v11 =	vld [tilespmem:s11+$0x13E70];
	v15 =	vadd.f32 v17, v15  }
0x1c2: {  	v8 =	vadd.f32 v8, v10;
	v10 =	vadd.f32 v18, v12;
	v12 =	vld [tilespmem:s11+$0x13E80]  }
0x1c3: {  	v7 =	vadd.f32 v7, v9;
	v17 =	vld [tilespmem:s11+$0x14350];
	v9 =	vadd.f32 v16, v15  }
0x1c4: {  	v6 =	vadd.f32 v6, v8;
	v8 =	vld [tilespmem:s11+$0x14360];
	v10 =	vadd.f32 v13, v10  }
0x1c5: {  	v5 =	vadd.f32 v5, v7;
	v7 =	vld [tilespmem:s11+$0x14370];
	v9 =	vadd.f32 v14, v9  }
0x1c6: {  	s9 =	sshra.s32 s12, $0x2;
	v6 =	vadd.f32 v4, v6;
	v10 =	vadd.f32 v11, v10;
	v11 =	vld [tilespmem:s11+$0x14380]  }
0x1c7: {  	v5 =	vadd.f32 v3, v5;
	v4 =	vld [tilespmem:s9+$0x140D0];
	v9 =	vadd.f32 v12, v9  }
0x1c8: {  	v3 =	vld [tilespmem:s9+$0x140E0];
	v6 =	vadd.f32 v6, v17;
	v10 =	vadd.f32 v2, v10  }
0x1c9: {  	v2 =	vld [tilespmem:s9+$0x140F0];
	v5 =	vadd.f32 v5, v8;
	v8 =	vadd.f32 v1, v9  }
0x1ca: {  	v1 =	vld [tilespmem:s9+$0x14100];
	[tilespmem:s11+$0x14350] =	vst v6;
	v7 =	vadd.f32 v10, v7  }
0x1cb: {  	v6 =	vld [tilespmem:s9+$0x13E50];
	[tilespmem:s11+$0x14360] =	vst v5;
	v9 =	vadd.f32 v8, v11  }
0x1cc: {  	v5 =	vld [tilespmem:s9+$0x13E60];
	[tilespmem:s11+$0x14370] =	vst v7  }
0x1cd: {  	v8 =	vld [tilespmem:s9+$0x13BD0];
	[tilespmem:s11+$0x14380] =	vst v9;
	s11 =	smov.u32 s9  }
0x1ce: {  	v7 =	vld [tilespmem:s11+$0x13BE0]  }
0x1cf: {  	v10 =	vld [tilespmem:s11+$0x13950]  }
0x1d0: {  	v9 =	vld [tilespmem:s11+$0x13960]  }
0x1d1: {  	v12 =	vld [tilespmem:s11+$0x136D0]  }
0x1d2: {  	v11 =	vld [tilespmem:s11+$0x136E0]  }
0x1d3: {  	v14 =	vld [tilespmem:s11+$0x13450]  }
0x1d4: {  	v13 =	vld [tilespmem:s11+$0x13460]  }
0x1d5: {  	v16 =	vld [tilespmem:s11+$0x12F50]  }
0x1d6: {  	v19 =	vld [tilespmem:s11+$0x131D0]  }
.Ltmp6:
0x1d7: {  	v18 =	vld [tilespmem:s11+$0x12F60];
	(pc) =	sbr.rel @p0 .LBB2_10-.Ltmp6, $4  }
0x1d8: {  	v21 =	vld [tilespmem:s11+$0x131E0]  }
0x1d9: {  	v17 =	vld [tilespmem:s11+$0x12F70]  }
0x1da: {  	v20 =	vld [tilespmem:s11+$0x131F0]  }
0x1db: {  	s12 =	sadd.s32 $0x100, s12;
	v15 =	vld [tilespmem:s11+$0x12F80]  }
0x1dc: {  	v22 =	vld [tilespmem:s11+$0x13200]  }
0x1dd: {  	v23 =	vld [tilespmem:s11+$0x13470]  }
0x1de: {  	v16 =	vadd.f32 v19, v16;
	v44 =	vld [tilespmem:s11+$0x13480]  }
0x1df: {  	v45 =	vld [tilespmem:s11+$0x136F0];
	v18 =	vadd.f32 v21, v18  }
0x1e0: {  	v47 =	vld [tilespmem:s11+$0x13700];
	v14 =	vadd.f32 v14, v16;
	v46 =	vadd.f32 v20, v17  }
0x1e1: {  	v48 =	vld [tilespmem:s11+$0x13970];
	v13 =	vadd.f32 v13, v18;
	v15 =	vadd.f32 v22, v15  }
0x1e2: {  	v50 =	vld [tilespmem:s11+$0x13980];
	v12 =	vadd.f32 v12, v14;
	v49 =	vadd.f32 v23, v46  }
0x1e3: {  	v51 =	vld [tilespmem:s11+$0x13BF0];
	v11 =	vadd.f32 v11, v13;
	v15 =	vadd.f32 v44, v15  }
0x1e4: {  	v53 =	vld [tilespmem:s11+$0x13C00];
	v10 =	vadd.f32 v10, v12;
	v52 =	vadd.f32 v45, v49  }
0x1e5: {  	v54 =	vld [tilespmem:s11+$0x13E70];
	v9 =	vadd.f32 v9, v11;
	v15 =	vadd.f32 v47, v15  }
0x1e6: {  	v56 =	vld [tilespmem:s11+$0x13E80];
	v8 =	vadd.f32 v8, v10;
	v55 =	vadd.f32 v48, v52  }
0x1e7: {  	v57 =	vld [tilespmem:s11+$0x14350];
	v7 =	vadd.f32 v7, v9;
	v58 =	vadd.f32 v50, v15  }
0x1e8: {  	v59 =	vld [tilespmem:s11+$0x14360];
	v6 =	vadd.f32 v6, v8;
	v10 =	vadd.f32 v51, v55  }
0x1e9: {  	v60 =	vld [tilespmem:s11+$0x14370];
	v5 =	vadd.f32 v5, v7;
	v9 =	vadd.f32 v53, v58  }
0x1ea: {  	v62 =	vld [tilespmem:s11+$0x14380];
	v4 =	vadd.f32 v4, v6;
	v61 =	vadd.f32 v54, v10  }
0x1eb: {  	v3 =	vadd.f32 v3, v5;
	v63 =	vadd.f32 v56, v9  }
0x1ec: {  	v4 =	vadd.f32 v4, v57;
	v2 =	vadd.f32 v2, v61  }
0x1ed: {  	v3 =	vadd.f32 v3, v59;
	v1 =	vadd.f32 v1, v63  }
0x1ee: {  	[tilespmem:s11+$0x14350] =	vst v4;
	v2 =	vadd.f32 v2, v60  }
0x1ef: {  	s9 =	sld [smem:$0x7F0];
	[tilespmem:s11+$0x14360] =	vst v3;
	v1 =	vadd.f32 v1, v62  }
0x1f0: {  	[tilespmem:s11+$0x14370] =	vst v2  }
0x1f1: {  	s13 =	simm.s32 $0x14350;
	[tilespmem:s11+$0x14380] =	vst v1  }
0x1f2: {  	[spmem:s9] =	stream.linear.scatter [tilespmem:s13], [sflag:$0x9], $0x280, $0x38;
	[tilespmem:$0x1E650] =	vst v63  }
0x1f3: {  	_ =	swait.ge [sflag:s22], $0x280  }
0x1f4: {  	[sflag:s22] =	ssyncset.done $0x0  }
0x1f5: {  	[sflag:s22] =	ssyncadd.s32 $0xFFFFFD80  }
0x1f6: {  	[bflag:$0x0] =	sbarrier.arrive $0xFFFF  }
0x1f7: {  	s17 =	rddreg [dreg:$0x3]  }
0x1f8: {  	[tilespmem:s28], [sflag:$0x9] =	stream.linear.gather [spmem:s17], $0x2800, $0x38;
	[tilespmem:$0x1E650] =	vst v63  }
0x1f9: {  	_ =	swait.ge [sflag:s22], $0x2800  }
0x1fa: {  	[sflag:s22] =	ssyncset.done $0x0  }
0x1fb: {  	s18 =	simm.s32 $0x0;
	s20 =	rddreg [dreg:$0xf];
	[sflag:s22] =	ssyncadd.s32 $0xFFFFD800  }
0x1fc: {  	[tilespmem:s14], [sflag:$0x9] =	stream.linear.gather [hbm4b:s20+s18], $0x2800, $0x38;
	[tilespmem:$0x1E650] =	vst v63  }
0x1fd: {  	_ =	swait.ge [sflag:s22], $0x2800  }
0x1fe: {  	[sflag:s22] =	ssyncset.done $0x0  }
0x1ff: {  	s21 =	rddreg [dreg:$0x10];
	[sflag:s22] =	ssyncadd.s32 $0xFFFFD800  }
0x200: {  	[tilespmem:s15], [sflag:$0x9] =	stream.linear.gather [hbm4b:s21+s18], $0x2800, $0x38;
	[tilespmem:$0x1E650] =	vst v63  }
0x201: {  	_ =	swait.ge [sflag:s22], $0x2800  }
0x202: {  	[sflag:s22] =	ssyncset.done $0x0  }
0x203: {  	s25 =	rddreg [dreg:$0x11];
	[sflag:s22] =	ssyncadd.s32 $0xFFFFD800  }
0x204: {  	[tilespmem:s16], [sflag:$0x9] =	stream.linear.gather [hbm4b:s25+s18], $0x2800, $0x38;
	[tilespmem:$0x1E650] =	vst v63  }
0x205: {  	_ =	swait.ge [sflag:s22], $0x2800  }
0x206: {  	[sflag:s22] =	ssyncset.done $0x0  }
0x207: {  	s11 =	simm.s32 $0x100;
	s9 =	simm.s32 $0x0;
	[sflag:s22] =	ssyncadd.s32 $0xFFFFD800  }
.LBB2_12:
0x208: {  	p0 =	sne.s32 s11, $0x3F00;
	[tilespmem:s9+$0xEF30] =	vst v0;
	s12 =	smov.u32 s11;
	s11 =	sadd.s32 $0x100, s11  }
.Ltmp7:
0x209: {  	[tilespmem:s9+$0xEF20] =	vst v0;
	(pc) =	sbr.rel @p0 .LBB2_12-.Ltmp7, $3  }
0x20a: {  	[tilespmem:s9+$0xEF00] =	vst v0  }
0x20b: {  	[tilespmem:s9+$0xEF10] =	vst v0;
	_ =	sdelay $0x1  }
0x20c: {  	s9 =	sshra.s32 s12, $0x2  }
0x20d: {  	[tilespmem:s9+$0xEF30] =	vst v0  }
0x20e: {  	[tilespmem:s9+$0xEF20] =	vst v0;
	s18 =	sld [smem:$0x7F1]  }
0x20f: {  	[tilespmem:s9+$0xEF00] =	vst v0  }
0x210: {  	[tilespmem:s9+$0xEF10] =	vst v0  }
0x211: {  	[spmem:s18] =	stream.linear.scatter [tilespmem:s31], [sflag:$0x9], $0x1000, $0x38;
	[tilespmem:$0x1E650] =	vst v63  }
0x212: {  	_ =	swait.ge [sflag:s22], $0x1000  }
0x213: {  	s20 =	sld [smem:$0x7F2]  }
0x214: {  	[sflag:s22] =	ssyncset.done $0x0  }
0x215: {  	[sflag:s22] =	ssyncadd.s32 $0xFFFFF000  }
0x216: {  	[spmem:s20] =	stream.linear.scatter [tilespmem:s31], [sflag:$0x9], $0x1000, $0x38;
	[tilespmem:$0x1E650] =	vst v63  }
0x217: {  	_ =	swait.ge [sflag:s22], $0x1000  }
0x218: {  	s21 =	sld [smem:$0x7F3]  }
0x219: {  	[sflag:s22] =	ssyncset.done $0x0  }
0x21a: {  	[sflag:s22] =	ssyncadd.s32 $0xFFFFF000  }
0x21b: {  	[spmem:s21] =	stream.linear.scatter [tilespmem:s31], [sflag:$0x9], $0x1000, $0x38;
	[tilespmem:$0x1E650] =	vst v63  }
0x21c: {  	_ =	swait.ge [sflag:s22], $0x1000  }
0x21d: {  	s25 =	sld [smem:$0x7F4]  }
0x21e: {  	[sflag:s22] =	ssyncset.done $0x0  }
0x21f: {  	[sflag:s22] =	ssyncadd.s32 $0xFFFFF000  }
0x220: {  	[spmem:s25] =	stream.linear.scatter [tilespmem:s31], [sflag:$0x9], $0x1000, $0x38;
	[tilespmem:$0x1E650] =	vst v63  }
0x221: {  	_ =	swait.ge [sflag:s22], $0x1000  }
0x222: {  	s11 =	sld [smem:$0x7F5]  }
0x223: {  	[sflag:s22] =	ssyncset.done $0x0  }
0x224: {  	[sflag:s22] =	ssyncadd.s32 $0xFFFFF000  }
0x225: {  	[spmem:s11] =	stream.linear.scatter [tilespmem:s31], [sflag:$0x9], $0x1000, $0x38;
	[tilespmem:$0x1E650] =	vst v63  }
0x226: {  	_ =	swait.ge [sflag:s22], $0x1000  }
0x227: {  	s12 =	sld [smem:$0x7F6]  }
0x228: {  	[sflag:s22] =	ssyncset.done $0x0  }
0x229: {  	[sflag:s22] =	ssyncadd.s32 $0xFFFFF000  }
0x22a: {  	[spmem:s12] =	stream.linear.scatter [tilespmem:s31], [sflag:$0x9], $0x1000, $0x38;
	[tilespmem:$0x1E650] =	vst v63  }
0x22b: {  	_ =	swait.ge [sflag:s22], $0x1000  }
0x22c: {  	s13 =	sld [smem:$0x7F7]  }
0x22d: {  	[sflag:s22] =	ssyncset.done $0x0  }
0x22e: {  	[sflag:s22] =	ssyncadd.s32 $0xFFFFF000  }
0x22f: {  	[spmem:s13] =	stream.linear.scatter [tilespmem:s31], [sflag:$0x9], $0x1000, $0x38;
	[tilespmem:$0x1E650] =	vst v63  }
0x230: {  	_ =	swait.ge [sflag:s22], $0x1000  }
0x231: {  	s14 =	sld [smem:$0x7F8]  }
0x232: {  	[sflag:s22] =	ssyncset.done $0x0  }
0x233: {  	[sflag:s22] =	ssyncadd.s32 $0xFFFFF000  }
0x234: {  	[spmem:s14] =	stream.linear.scatter [tilespmem:s31], [sflag:$0x9], $0x1000, $0x38;
	[tilespmem:$0x1E650] =	vst v63  }
0x235: {  	_ =	swait.ge [sflag:s22], $0x1000  }
0x236: {  	s16 =	sld [smem:$0x7F9]  }
0x237: {  	[sflag:s22] =	ssyncset.done $0x0  }
0x238: {  	[sflag:s22] =	ssyncadd.s32 $0xFFFFF000  }
0x239: {  	[spmem:s16] =	stream.linear.scatter [tilespmem:s31], [sflag:$0x9], $0x1000, $0x38;
	[tilespmem:$0x1E650] =	vst v63  }
0x23a: {  	_ =	swait.ge [sflag:s22], $0x1000  }
0x23b: {  	s17 =	sld [smem:$0x7FA]  }
0x23c: {  	[sflag:s22] =	ssyncset.done $0x0  }
0x23d: {  	[sflag:s22] =	ssyncadd.s32 $0xFFFFF000  }
0x23e: {  	[spmem:s17] =	stream.linear.scatter [tilespmem:s31], [sflag:$0x9], $0xE00, $0x38;
	[tilespmem:$0x1E650] =	vst v63  }
0x23f: {  	_ =	swait.ge [sflag:s22], $0xE00  }
0x240: {  	[sflag:s22] =	ssyncset.done $0x0  }
0x241: {  	[sflag:s22] =	ssyncadd.s32 $0xFFFFF200  }
0x242: {  	[bflag:$0x0] =	sbarrier.arrive $0xFFFF  }
0x243: {  	[tilespmem:s31], [sflag:$0x1] =	stream.indirect.gather [hbm4b:s1+s30], $0x40, s15, s30, $0xb8;
	[tilespmem:$0x1E650] =	vst v63  }
0x244: {  	s18 =	simm.s32 $0x7740  }
0x245: {  	[tilespmem:s29], [sflag:$0x2] =	stream.indirect.gather [hbm4b:s1+s30], $0x40, s18, s30, $0xb8;
	[tilespmem:$0x1E650] =	vst v63  }
0x246: {  	s20 =	simm.s32 $0x7780;
	s21 =	simm.s32 $0x7700  }
0x247: {  	[tilespmem:s3], [sflag:$0x3] =	stream.indirect.gather [hbm4b:s1+s30], $0x40, s20, s30, $0xb8;
	[tilespmem:$0x1E650] =	vst v63  }
0x248: {  	s25 =	simm.s32 $0x77C0;
	s11 =	simm.s32 $0x0;
	s12 =	simm.s32 $0x0  }
0x249: {  	[tilespmem:s0], [sflag:$0x4] =	stream.indirect.gather [hbm4b:s1+s30], $0x40, s25, s30, $0xb8;
	[tilespmem:$0x1E650] =	vst v63  }
.LBB2_14:
0x24a: {  	s13 =	sshll.u32 s12, $0x8  }
0x24b: {  	v1 =	vld [tilespmem:s13+$0x4F00]  }
0x24c: {  	v2 =	vld [tilespmem:s13+$0x7700];
	_ =	sdelay $0x6  }
0x24d: {  	v3 =	vld.idx.msk [tilespmem:v1+s11+$0x0], $0xffff  }
0x24e: {  	v2 =	vld.idx.msk [tilespmem:v2+s23+$0x0], $0xffff;
	_ =	sdelay $0x1  }
0x24f: {  	v4 =	vld [tilespmem:s13+$0x9F00];
	_ =	sdelay $0x2  }
0x250: {  	v2 =	vadd.f32 v2, v3;
	_ =	sdelay $0x1  }
0x251: {  	v2 =	vadd.f32 v4, v2  }
0x252: {  	v1 =	vld.idx.msk [tilespmem:v1+s28+$0x0], $0xffff  }
0x253: {  	v3 =	vmul.f32 $9.999999770e-03, v2  }
0x254: {  	vm0 =	vge.f32 v2, $0.0e+00  }
0x255: {  	v2 =	vsel vm0, v2, v3  }
0x256: {  	v2 =	vmul.f32 $1.442695020e+00, v2  }
0x257: {  	v1 =	vadd.f32 $1.000000020e-16, v1  }
0x258: {  	(erf) = vpow2.f32 v2  }
0x259: {  	(erf) = vrcp.f32 v1;
	_ =	sdelay $0x7  }
0x25a: {  	v1 =	vpop (erf)  }
0x25b: {  	v2 =	vpop (erf)  }
0x25c: {  	v1 =	vmul.f32 v1, v2;
	_ =	sdelay $0x1  }
0x25d: {  	[tilespmem:$0x12F00] =	vst v1  }
0x25e: {  	v1 =	vld [tilespmem:s13+$0x4F10]  }
0x25f: {  	v2 =	vld [tilespmem:s13+$0x7710];
	_ =	sdelay $0x6  }
0x260: {  	v3 =	vld.idx.msk [tilespmem:v1+s11+$0x0], $0xffff  }
0x261: {  	v2 =	vld.idx.msk [tilespmem:v2+s23+$0x0], $0xffff;
	_ =	sdelay $0x1  }
0x262: {  	v4 =	vld [tilespmem:s13+$0x9F10];
	_ =	sdelay $0x2  }
0x263: {  	v2 =	vadd.f32 v2, v3;
	_ =	sdelay $0x1  }
0x264: {  	v2 =	vadd.f32 v4, v2  }
0x265: {  	v1 =	vld.idx.msk [tilespmem:v1+s28+$0x0], $0xffff  }
0x266: {  	v3 =	vmul.f32 $9.999999770e-03, v2  }
0x267: {  	vm13 =	vge.f32 v2, $0.0e+00  }
0x268: {  	v2 =	vsel vm13, v2, v3  }
0x269: {  	v2 =	vmul.f32 $1.442695020e+00, v2  }
0x26a: {  	v1 =	vadd.f32 $1.000000020e-16, v1  }
0x26b: {  	(erf) = vpow2.f32 v2  }
0x26c: {  	(erf) = vrcp.f32 v1;
	_ =	sdelay $0x7  }
0x26d: {  	v1 =	vpop (erf)  }
0x26e: {  	v2 =	vpop (erf)  }
0x26f: {  	v1 =	vmul.f32 v1, v2;
	_ =	sdelay $0x1  }
0x270: {  	[tilespmem:$0x12F10] =	vst v1  }
0x271: {  	v1 =	vld [tilespmem:s13+$0x4F20]  }
0x272: {  	v2 =	vld [tilespmem:s13+$0x7720];
	_ =	sdelay $0x6  }
0x273: {  	v3 =	vld.idx.msk [tilespmem:v1+s11+$0x0], $0xffff  }
0x274: {  	v2 =	vld.idx.msk [tilespmem:v2+s23+$0x0], $0xffff;
	_ =	sdelay $0x1  }
0x275: {  	v4 =	vld [tilespmem:s13+$0x9F20];
	_ =	sdelay $0x2  }
0x276: {  	v2 =	vadd.f32 v2, v3;
	_ =	sdelay $0x1  }
0x277: {  	v2 =	vadd.f32 v4, v2  }
0x278: {  	v1 =	vld.idx.msk [tilespmem:v1+s28+$0x0], $0xffff  }
0x279: {  	v3 =	vmul.f32 $9.999999770e-03, v2  }
0x27a: {  	vm14 =	vge.f32 v2, $0.0e+00  }
0x27b: {  	v2 =	vsel vm14, v2, v3  }
0x27c: {  	v2 =	vmul.f32 $1.442695020e+00, v2  }
0x27d: {  	v1 =	vadd.f32 $1.000000020e-16, v1  }
0x27e: {  	(erf) = vpow2.f32 v2  }
0x27f: {  	(erf) = vrcp.f32 v1;
	_ =	sdelay $0x7  }
0x280: {  	v1 =	vpop (erf)  }
0x281: {  	v2 =	vpop (erf)  }
0x282: {  	v1 =	vmul.f32 v1, v2;
	_ =	sdelay $0x1  }
0x283: {  	[tilespmem:$0x12F20] =	vst v1  }
0x284: {  	v1 =	vld [tilespmem:s13+$0x4F30]  }
0x285: {  	v2 =	vld [tilespmem:s13+$0x7730];
	_ =	sdelay $0x6  }
0x286: {  	v3 =	vld.idx.msk [tilespmem:v1+s11+$0x0], $0xffff  }
0x287: {  	v2 =	vld.idx.msk [tilespmem:v2+s23+$0x0], $0xffff;
	_ =	sdelay $0x1  }
0x288: {  	v4 =	vld [tilespmem:s13+$0x9F30];
	_ =	sdelay $0x2  }
0x289: {  	v2 =	vadd.f32 v2, v3;
	_ =	sdelay $0x1  }
0x28a: {  	v2 =	vadd.f32 v4, v2  }
0x28b: {  	v1 =	vld.idx.msk [tilespmem:v1+s28+$0x0], $0xffff  }
0x28c: {  	v3 =	vmul.f32 $9.999999770e-03, v2  }
0x28d: {  	vm15 =	vge.f32 v2, $0.0e+00  }
0x28e: {  	v2 =	vsel vm15, v2, v3  }
0x28f: {  	v2 =	vmul.f32 $1.442695020e+00, v2  }
0x290: {  	v1 =	vadd.f32 $1.000000020e-16, v1  }
0x291: {  	(erf) = vpow2.f32 v2  }
0x292: {  	(erf) = vrcp.f32 v1;
	_ =	sdelay $0x7  }
0x293: {  	v1 =	vpop (erf)  }
0x294: {  	v2 =	vpop (erf)  }
0x295: {  	v1 =	vmul.f32 v1, v2;
	_ =	sdelay $0x1  }
0x296: {  	[tilespmem:$0x12F30] =	vst v1  }
0x297: {  	_ =	swait.ge [sflag:s8], $0x1000  }
0x298: {  	[sflag:s8] =	ssyncset.done $0x0  }
0x299: {  	s14 =	simm.s32 $0xEF20;
	[sflag:s8] =	ssyncadd.s32 $0xFFFFF000  }
0x29a: {  	v2 =	vld [tilespmem:s14+$0xFFFFFFF0]  }
0x29b: {  	s9 =	simm.s32 $0x0;
	v3 =	vld [tilespmem:s14+$0x10]  }
0x29c: {  	v5 =	vld.msk [tilespmem:s9+$0x12F00 ss:$0x0], $0xffff  }
0x29d: {  	v1 =	vld [tilespmem:s14+$0xFFFFFFE0]  }
0x29e: {  	v6 =	vld [tilespmem:s14+$0x0];
	_ =	sdelay $0x3  }
0x29f: {  	v1 =	vmul.f32 v5, v1;
	v4 =	vmul.f32 v3, v5  }
0x2a0: {  	s16 =	simm.s32 $0x4;
	s15 =	sadd.s32 $0x4F00, s13;
	s9 =	simm.s32 $0xEF20;
	v3 =	vmul.f32 v2, v5;
	v2 =	vmul.f32 v6, v5  }
.LBB2_15:
0x2a1: {  	p0 =	sne.s32 s16, $0xFC  }
0x2a2: {  	[tilespmem:s14+$0x10] =	vst v4;
	s9 =	sadd.s32 $0x40, s9;
	s17 =	smov.u32 s16;
	s16 =	sadd.s32 $0x4, s16  }
0x2a3: {  	[tilespmem:s14+$0xFFFFFFE0] =	vst v1  }
0x2a4: {  	v5 =	vld [tilespmem:s9+$0xFFFFFFF0];
	[tilespmem:s14+$0xFFFFFFF0] =	vst v3  }
0x2a5: {  	s17 =	sshra.s32 s17, $0x2;
	v3 =	vld [tilespmem:s9+$0x10];
	[tilespmem:s14+$0x0] =	vst v2;
	s14 =	smov.u32 s9  }
0x2a6: {  	v2 =	vld.msk [tilespmem:s17+$0x12F00 ss:$0x0], $0xffff  }
0x2a7: {  	v1 =	vld [tilespmem:s9+$0xFFFFFFE0]  }
0x2a8: {  	v6 =	vld [tilespmem:s9+$0x0]  }
.Ltmp8:
0x2a9: {  	(pc) =	sbr.rel @p0 .LBB2_15-.Ltmp8, $3  }
0x2aa: {  	_ =	sdelay $0x1  }
0x2ab: {  	v4 =	vmul.f32 v3, v2;
	v1 =	vmul.f32 v2, v1  }
0x2ac: {  	v3 =	vmul.f32 v5, v2;
	v2 =	vmul.f32 v6, v2  }
0x2ad: {  	[tilespmem:s14+$0x10] =	vst v4  }
0x2ae: {  	[tilespmem:s14+$0xFFFFFFE0] =	vst v1  }
0x2af: {  	p0 =	seq.s32 s12, $0x0;
	[tilespmem:s14+$0xFFFFFFF0] =	vst v3  }
0x2b0: {  	[tilespmem:s14+$0x0] =	vst v2;
	s9 =	simm.s32 @!p0 $0x8  }
0x2b1: {  	[spmem:s2] =	stream.indirect.scatter.add.f32 [tilespmem:s31], [sflag:$0x5], $0x40, s15, s30, $0xb8;
	[tilespmem:$0x1E650] =	vst v63  }
0x2b2: {  	s14 =	sshllo.u32 s12, $0x2;
	_ =	swait.ge @!p0 [sflag:s9], $0x1000  }
0x2b3: {  	s15 =	sshll.u32 @!p0 s14, $0x6;
	[sflag:s9] =	ssyncset.done @!p0 $0x0  }
0x2b4: {  	[sflag:s9] =	ssyncadd.s32 @!p0 $0xFFFFF000;
	s9 =	sand.u32 @!p0 $0x3FFFFFC0, s15  }
0x2b5: {  	s16 =	simm.s32 @!p0 $0x11F00;
	s15 =	simm.s32 @!p0 $0x40;
	s9 =	sadd.s32 @!p0 $0x7700, s9  }
0x2b6: {  	[tilespmem:s16], [sflag:$0x4] =	stream.indirect.gather @!p0 [hbm4b:s1+s15], $0x40, s9, s15, $0xb8;
	[tilespmem:$0x1E650] =	vst v63  }
0x2b7: {  	v1 =	vld [tilespmem:s13+$0x4F40]  }
0x2b8: {  	v2 =	vld [tilespmem:s13+$0x7740];
	_ =	sdelay $0x5  }
0x2b9: {  	s20 =	simm.s32 $0x0  }
0x2ba: {  	v3 =	vld.idx.msk [tilespmem:v1+s20+$0x0], $0xffff  }
0x2bb: {  	v2 =	vld.idx.msk [tilespmem:v2+s23+$0x0], $0xffff;
	_ =	sdelay $0x1  }
0x2bc: {  	v4 =	vld [tilespmem:s13+$0x9F40];
	_ =	sdelay $0x2  }
0x2bd: {  	v2 =	vadd.f32 v2, v3;
	_ =	sdelay $0x1  }
0x2be: {  	v2 =	vadd.f32 v4, v2  }
0x2bf: {  	v1 =	vld.idx.msk [tilespmem:v1+s28+$0x0], $0xffff  }
0x2c0: {  	v3 =	vmul.f32 $9.999999770e-03, v2  }
0x2c1: {  	vm0 =	vge.f32 v2, $0.0e+00  }
0x2c2: {  	v2 =	vsel vm0, v2, v3  }
0x2c3: {  	v2 =	vmul.f32 $1.442695020e+00, v2  }
0x2c4: {  	v1 =	vadd.f32 $1.000000020e-16, v1  }
0x2c5: {  	(erf) = vpow2.f32 v2  }
0x2c6: {  	(erf) = vrcp.f32 v1;
	_ =	sdelay $0x7  }
0x2c7: {  	v1 =	vpop (erf)  }
0x2c8: {  	v2 =	vpop (erf)  }
0x2c9: {  	v1 =	vmul.f32 v1, v2;
	_ =	sdelay $0x1  }
0x2ca: {  	[tilespmem:$0x12F00] =	vst v1  }
0x2cb: {  	v1 =	vld [tilespmem:s13+$0x4F50]  }
0x2cc: {  	v2 =	vld [tilespmem:s13+$0x7750];
	_ =	sdelay $0x6  }
0x2cd: {  	v3 =	vld.idx.msk [tilespmem:v1+s20+$0x0], $0xffff  }
0x2ce: {  	v2 =	vld.idx.msk [tilespmem:v2+s23+$0x0], $0xffff;
	_ =	sdelay $0x1  }
0x2cf: {  	v4 =	vld [tilespmem:s13+$0x9F50];
	_ =	sdelay $0x2  }
0x2d0: {  	v2 =	vadd.f32 v2, v3;
	_ =	sdelay $0x1  }
0x2d1: {  	v2 =	vadd.f32 v4, v2  }
0x2d2: {  	v1 =	vld.idx.msk [tilespmem:v1+s28+$0x0], $0xffff  }
0x2d3: {  	v3 =	vmul.f32 $9.999999770e-03, v2  }
0x2d4: {  	vm13 =	vge.f32 v2, $0.0e+00  }
0x2d5: {  	v2 =	vsel vm13, v2, v3  }
0x2d6: {  	v2 =	vmul.f32 $1.442695020e+00, v2  }
0x2d7: {  	v1 =	vadd.f32 $1.000000020e-16, v1  }
0x2d8: {  	(erf) = vpow2.f32 v2  }
0x2d9: {  	(erf) = vrcp.f32 v1;
	_ =	sdelay $0x7  }
0x2da: {  	v1 =	vpop (erf)  }
0x2db: {  	v2 =	vpop (erf)  }
0x2dc: {  	v1 =	vmul.f32 v1, v2;
	_ =	sdelay $0x1  }
0x2dd: {  	[tilespmem:$0x12F10] =	vst v1  }
0x2de: {  	v1 =	vld [tilespmem:s13+$0x4F60]  }
0x2df: {  	v2 =	vld [tilespmem:s13+$0x7760];
	_ =	sdelay $0x6  }
0x2e0: {  	v3 =	vld.idx.msk [tilespmem:v1+s20+$0x0], $0xffff  }
0x2e1: {  	v2 =	vld.idx.msk [tilespmem:v2+s23+$0x0], $0xffff;
	_ =	sdelay $0x1  }
0x2e2: {  	v4 =	vld [tilespmem:s13+$0x9F60];
	_ =	sdelay $0x2  }
0x2e3: {  	v2 =	vadd.f32 v2, v3;
	_ =	sdelay $0x1  }
0x2e4: {  	v2 =	vadd.f32 v4, v2  }
0x2e5: {  	v1 =	vld.idx.msk [tilespmem:v1+s28+$0x0], $0xffff  }
0x2e6: {  	v3 =	vmul.f32 $9.999999770e-03, v2  }
0x2e7: {  	vm14 =	vge.f32 v2, $0.0e+00  }
0x2e8: {  	v2 =	vsel vm14, v2, v3  }
0x2e9: {  	v2 =	vmul.f32 $1.442695020e+00, v2  }
0x2ea: {  	v1 =	vadd.f32 $1.000000020e-16, v1  }
0x2eb: {  	(erf) = vpow2.f32 v2  }
0x2ec: {  	(erf) = vrcp.f32 v1;
	_ =	sdelay $0x7  }
0x2ed: {  	v1 =	vpop (erf)  }
0x2ee: {  	v2 =	vpop (erf)  }
0x2ef: {  	v1 =	vmul.f32 v1, v2;
	_ =	sdelay $0x1  }
0x2f0: {  	[tilespmem:$0x12F20] =	vst v1  }
0x2f1: {  	v1 =	vld [tilespmem:s13+$0x4F70]  }
0x2f2: {  	v2 =	vld [tilespmem:s13+$0x7770];
	_ =	sdelay $0x6  }
0x2f3: {  	v3 =	vld.idx.msk [tilespmem:v1+s20+$0x0], $0xffff  }
0x2f4: {  	v2 =	vld.idx.msk [tilespmem:v2+s23+$0x0], $0xffff;
	_ =	sdelay $0x1  }
0x2f5: {  	v4 =	vld [tilespmem:s13+$0x9F70];
	_ =	sdelay $0x2  }
0x2f6: {  	v2 =	vadd.f32 v2, v3;
	_ =	sdelay $0x1  }
0x2f7: {  	v2 =	vadd.f32 v4, v2  }
0x2f8: {  	v1 =	vld.idx.msk [tilespmem:v1+s28+$0x0], $0xffff  }
0x2f9: {  	v3 =	vmul.f32 $9.999999770e-03, v2  }
0x2fa: {  	vm15 =	vge.f32 v2, $0.0e+00  }
0x2fb: {  	v2 =	vsel vm15, v2, v3  }
0x2fc: {  	v2 =	vmul.f32 $1.442695020e+00, v2  }
0x2fd: {  	v1 =	vadd.f32 $1.000000020e-16, v1  }
0x2fe: {  	(erf) = vpow2.f32 v2  }
0x2ff: {  	(erf) = vrcp.f32 v1;
	_ =	sdelay $0x7  }
0x300: {  	v1 =	vpop (erf)  }
0x301: {  	v2 =	vpop (erf)  }
0x302: {  	v1 =	vmul.f32 v1, v2;
	_ =	sdelay $0x1  }
0x303: {  	[tilespmem:$0x12F30] =	vst v1  }
0x304: {  	_ =	swait.ge [sflag:s4], $0x1000  }
0x305: {  	[sflag:s4] =	ssyncset.done $0x0  }
0x306: {  	s15 =	simm.s32 $0xFF20;
	[sflag:s4] =	ssyncadd.s32 $0xFFFFF000  }
0x307: {  	v2 =	vld [tilespmem:s15+$0xFFFFFFF0]  }
0x308: {  	s25 =	simm.s32 $0x0;
	v3 =	vld [tilespmem:s15+$0x10]  }
0x309: {  	v5 =	vld.msk [tilespmem:s25+$0x12F00 ss:$0x0], $0xffff  }
0x30a: {  	v1 =	vld [tilespmem:s15+$0xFFFFFFE0]  }
0x30b: {  	v6 =	vld [tilespmem:s15+$0x0];
	_ =	sdelay $0x3  }
0x30c: {  	v1 =	vmul.f32 v5, v1;
	v4 =	vmul.f32 v3, v5  }
0x30d: {  	s17 =	simm.s32 $0x4;
	s16 =	sadd.s32 $0x4F40, s13;
	s9 =	simm.s32 $0xFF20;
	v3 =	vmul.f32 v2, v5;
	v2 =	vmul.f32 v6, v5  }
.LBB2_17:
0x30e: {  	p0 =	sne.s32 s17, $0xFC  }
0x30f: {  	[tilespmem:s15+$0x10] =	vst v4;
	s9 =	sadd.s32 $0x40, s9;
	s18 =	smov.u32 s17;
	s17 =	sadd.s32 $0x4, s17  }
0x310: {  	[tilespmem:s15+$0xFFFFFFE0] =	vst v1  }
0x311: {  	v5 =	vld [tilespmem:s9+$0xFFFFFFF0];
	[tilespmem:s15+$0xFFFFFFF0] =	vst v3  }
0x312: {  	s18 =	sshra.s32 s18, $0x2;
	v3 =	vld [tilespmem:s9+$0x10];
	[tilespmem:s15+$0x0] =	vst v2;
	s15 =	smov.u32 s9  }
0x313: {  	v2 =	vld.msk [tilespmem:s18+$0x12F00 ss:$0x0], $0xffff  }
0x314: {  	v1 =	vld [tilespmem:s9+$0xFFFFFFE0]  }
0x315: {  	v6 =	vld [tilespmem:s9+$0x0]  }
.Ltmp9:
0x316: {  	(pc) =	sbr.rel @p0 .LBB2_17-.Ltmp9, $3  }
0x317: {  	_ =	sdelay $0x1  }
0x318: {  	v4 =	vmul.f32 v3, v2;
	v1 =	vmul.f32 v2, v1  }
0x319: {  	v3 =	vmul.f32 v5, v2;
	v2 =	vmul.f32 v6, v2  }
0x31a: {  	[tilespmem:s15+$0x10] =	vst v4  }
0x31b: {  	[tilespmem:s15+$0xFFFFFFE0] =	vst v1  }
0x31c: {  	p0 =	seq.s32 s12, $0x27;
	[tilespmem:s15+$0xFFFFFFF0] =	vst v3  }
0x31d: {  	[tilespmem:s15+$0x0] =	vst v2;
	s9 =	simm.s32 @!p0 $0x5  }
0x31e: {  	[spmem:s2] =	stream.indirect.scatter.add.f32 [tilespmem:s29], [sflag:$0x6], $0x40, s16, s30, $0xb8;
	[tilespmem:$0x1E650] =	vst v63  }
0x31f: {  	s15 =	sshll.u32 @!p0 s12, $0x8;
	_ =	swait.ge @!p0 [sflag:s9], $0x1000  }
0x320: {  	s17 =	simm.s32 @!p0 $0xEF00;
	s15 =	sand.u32 @!p0 $0x3FFFFF00, s15;
	[sflag:s9] =	ssyncset.done @!p0 $0x0  }
0x321: {  	s16 =	simm.s32 @!p0 $0x40;
	[sflag:s9] =	ssyncadd.s32 @!p0 $0xFFFFF000;
	s9 =	sadd.s32 @!p0 $0x7800, s15  }
0x322: {  	[tilespmem:s17], [sflag:$0x1] =	stream.indirect.gather @!p0 [hbm4b:s1+s16], $0x40, s9, s16, $0xb8;
	[tilespmem:$0x1E650] =	vst v63  }
0x323: {  	v1 =	vld [tilespmem:s13+$0x4F80]  }
0x324: {  	v2 =	vld [tilespmem:s13+$0x7780];
	_ =	sdelay $0x5  }
0x325: {  	s20 =	simm.s32 $0x0  }
0x326: {  	v3 =	vld.idx.msk [tilespmem:v1+s20+$0x0], $0xffff  }
0x327: {  	v2 =	vld.idx.msk [tilespmem:v2+s23+$0x0], $0xffff;
	_ =	sdelay $0x1  }
0x328: {  	v4 =	vld [tilespmem:s13+$0x9F80];
	_ =	sdelay $0x2  }
0x329: {  	v2 =	vadd.f32 v2, v3;
	_ =	sdelay $0x1  }
0x32a: {  	v2 =	vadd.f32 v4, v2  }
0x32b: {  	v1 =	vld.idx.msk [tilespmem:v1+s28+$0x0], $0xffff  }
0x32c: {  	v3 =	vmul.f32 $9.999999770e-03, v2  }
0x32d: {  	vm0 =	vge.f32 v2, $0.0e+00  }
0x32e: {  	v2 =	vsel vm0, v2, v3  }
0x32f: {  	v2 =	vmul.f32 $1.442695020e+00, v2  }
0x330: {  	v1 =	vadd.f32 $1.000000020e-16, v1  }
0x331: {  	(erf) = vpow2.f32 v2  }
0x332: {  	(erf) = vrcp.f32 v1;
	_ =	sdelay $0x7  }
0x333: {  	v1 =	vpop (erf)  }
0x334: {  	v2 =	vpop (erf)  }
0x335: {  	v1 =	vmul.f32 v1, v2;
	_ =	sdelay $0x1  }
0x336: {  	[tilespmem:$0x12F00] =	vst v1  }
0x337: {  	v1 =	vld [tilespmem:s13+$0x4F90]  }
0x338: {  	v2 =	vld [tilespmem:s13+$0x7790];
	_ =	sdelay $0x6  }
0x339: {  	v3 =	vld.idx.msk [tilespmem:v1+s20+$0x0], $0xffff  }
0x33a: {  	v2 =	vld.idx.msk [tilespmem:v2+s23+$0x0], $0xffff;
	_ =	sdelay $0x1  }
0x33b: {  	v4 =	vld [tilespmem:s13+$0x9F90];
	_ =	sdelay $0x2  }
0x33c: {  	v2 =	vadd.f32 v2, v3;
	_ =	sdelay $0x1  }
0x33d: {  	v2 =	vadd.f32 v4, v2  }
0x33e: {  	v1 =	vld.idx.msk [tilespmem:v1+s28+$0x0], $0xffff  }
0x33f: {  	v3 =	vmul.f32 $9.999999770e-03, v2  }
0x340: {  	vm13 =	vge.f32 v2, $0.0e+00  }
0x341: {  	v2 =	vsel vm13, v2, v3  }
0x342: {  	v2 =	vmul.f32 $1.442695020e+00, v2  }
0x343: {  	v1 =	vadd.f32 $1.000000020e-16, v1  }
0x344: {  	(erf) = vpow2.f32 v2  }
0x345: {  	(erf) = vrcp.f32 v1;
	_ =	sdelay $0x7  }
0x346: {  	v1 =	vpop (erf)  }
0x347: {  	v2 =	vpop (erf)  }
0x348: {  	v1 =	vmul.f32 v1, v2;
	_ =	sdelay $0x1  }
0x349: {  	[tilespmem:$0x12F10] =	vst v1  }
0x34a: {  	v1 =	vld [tilespmem:s13+$0x4FA0]  }
0x34b: {  	v2 =	vld [tilespmem:s13+$0x77A0];
	_ =	sdelay $0x6  }
0x34c: {  	v3 =	vld.idx.msk [tilespmem:v1+s20+$0x0], $0xffff  }
0x34d: {  	v2 =	vld.idx.msk [tilespmem:v2+s23+$0x0], $0xffff;
	_ =	sdelay $0x1  }
0x34e: {  	v4 =	vld [tilespmem:s13+$0x9FA0];
	_ =	sdelay $0x2  }
0x34f: {  	v2 =	vadd.f32 v2, v3;
	_ =	sdelay $0x1  }
0x350: {  	v2 =	vadd.f32 v4, v2  }
0x351: {  	v1 =	vld.idx.msk [tilespmem:v1+s28+$0x0], $0xffff  }
0x352: {  	v3 =	vmul.f32 $9.999999770e-03, v2  }
0x353: {  	vm14 =	vge.f32 v2, $0.0e+00  }
0x354: {  	v2 =	vsel vm14, v2, v3  }
0x355: {  	v2 =	vmul.f32 $1.442695020e+00, v2  }
0x356: {  	v1 =	vadd.f32 $1.000000020e-16, v1  }
0x357: {  	(erf) = vpow2.f32 v2  }
0x358: {  	(erf) = vrcp.f32 v1;
	_ =	sdelay $0x7  }
0x359: {  	v1 =	vpop (erf)  }
0x35a: {  	v2 =	vpop (erf)  }
0x35b: {  	v1 =	vmul.f32 v1, v2;
	_ =	sdelay $0x1  }
0x35c: {  	[tilespmem:$0x12F20] =	vst v1  }
0x35d: {  	v1 =	vld [tilespmem:s13+$0x4FB0]  }
0x35e: {  	v2 =	vld [tilespmem:s13+$0x77B0];
	_ =	sdelay $0x6  }
0x35f: {  	v3 =	vld.idx.msk [tilespmem:v1+s20+$0x0], $0xffff  }
0x360: {  	v2 =	vld.idx.msk [tilespmem:v2+s23+$0x0], $0xffff;
	_ =	sdelay $0x1  }
0x361: {  	v4 =	vld [tilespmem:s13+$0x9FB0];
	_ =	sdelay $0x2  }
0x362: {  	v2 =	vadd.f32 v2, v3;
	_ =	sdelay $0x1  }
0x363: {  	v2 =	vadd.f32 v4, v2  }
0x364: {  	v1 =	vld.idx.msk [tilespmem:v1+s28+$0x0], $0xffff  }
0x365: {  	v3 =	vmul.f32 $9.999999770e-03, v2  }
0x366: {  	vm15 =	vge.f32 v2, $0.0e+00  }
0x367: {  	v2 =	vsel vm15, v2, v3  }
0x368: {  	v2 =	vmul.f32 $1.442695020e+00, v2  }
0x369: {  	v1 =	vadd.f32 $1.000000020e-16, v1  }
0x36a: {  	(erf) = vpow2.f32 v2  }
0x36b: {  	(erf) = vrcp.f32 v1;
	_ =	sdelay $0x7  }
0x36c: {  	v1 =	vpop (erf)  }
0x36d: {  	v2 =	vpop (erf)  }
0x36e: {  	v1 =	vmul.f32 v1, v2;
	_ =	sdelay $0x1  }
0x36f: {  	[tilespmem:$0x12F30] =	vst v1  }
0x370: {  	_ =	swait.ge [sflag:s7], $0x1000  }
0x371: {  	[sflag:s7] =	ssyncset.done $0x0  }
0x372: {  	s16 =	simm.s32 $0x10F20;
	[sflag:s7] =	ssyncadd.s32 $0xFFFFF000  }
0x373: {  	v2 =	vld [tilespmem:s16+$0xFFFFFFF0]  }
0x374: {  	s25 =	simm.s32 $0x0;
	v3 =	vld [tilespmem:s16+$0x10]  }
0x375: {  	v5 =	vld.msk [tilespmem:s25+$0x12F00 ss:$0x0], $0xffff  }
0x376: {  	v1 =	vld [tilespmem:s16+$0xFFFFFFE0]  }
0x377: {  	v6 =	vld [tilespmem:s16+$0x0];
	_ =	sdelay $0x3  }
0x378: {  	v1 =	vmul.f32 v5, v1;
	v4 =	vmul.f32 v3, v5  }
0x379: {  	s18 =	simm.s32 $0x4;
	s17 =	sadd.s32 $0x4F80, s13;
	s9 =	simm.s32 $0x10F20;
	v3 =	vmul.f32 v2, v5;
	v2 =	vmul.f32 v6, v5  }
.LBB2_19:
0x37a: {  	p1 =	sne.s32 s18, $0xFC  }
0x37b: {  	[tilespmem:s16+$0x10] =	vst v4;
	s9 =	sadd.s32 $0x40, s9;
	s20 =	smov.u32 s18;
	s18 =	sadd.s32 $0x4, s18  }
0x37c: {  	[tilespmem:s16+$0xFFFFFFE0] =	vst v1  }
0x37d: {  	v5 =	vld [tilespmem:s9+$0xFFFFFFF0];
	[tilespmem:s16+$0xFFFFFFF0] =	vst v3  }
0x37e: {  	s20 =	sshra.s32 s20, $0x2;
	v3 =	vld [tilespmem:s9+$0x10];
	[tilespmem:s16+$0x0] =	vst v2;
	s16 =	smov.u32 s9  }
0x37f: {  	v2 =	vld.msk [tilespmem:s20+$0x12F00 ss:$0x0], $0xffff  }
0x380: {  	v1 =	vld [tilespmem:s9+$0xFFFFFFE0]  }
0x381: {  	v6 =	vld [tilespmem:s9+$0x0]  }
.Ltmp10:
0x382: {  	(pc) =	sbr.rel @p1 .LBB2_19-.Ltmp10, $3  }
0x383: {  	_ =	sdelay $0x1  }
0x384: {  	v4 =	vmul.f32 v3, v2;
	v1 =	vmul.f32 v2, v1  }
0x385: {  	v3 =	vmul.f32 v5, v2;
	v2 =	vmul.f32 v6, v2  }
0x386: {  	[tilespmem:s16+$0x10] =	vst v4  }
0x387: {  	[tilespmem:s16+$0xFFFFFFE0] =	vst v1  }
0x388: {  	[tilespmem:s16+$0xFFFFFFF0] =	vst v3  }
0x389: {  	s9 =	simm.s32 @!p0 $0x6;
	[tilespmem:s16+$0x0] =	vst v2  }
0x38a: {  	[spmem:s2] =	stream.indirect.scatter.add.f32 [tilespmem:s3], [sflag:$0x7], $0x40, s17, s30, $0xb8;
	[tilespmem:$0x1E650] =	vst v63  }
0x38b: {  	_ =	swait.ge @!p0 [sflag:s9], $0x1000  }
0x38c: {  	s14 =	sshll.u32 s14, $0x6;
	s16 =	simm.s32 @!p0 $0xFF00;
	[sflag:s9] =	ssyncset.done @!p0 $0x0  }
0x38d: {  	[sflag:s9] =	ssyncadd.s32 @!p0 $0xFFFFF000;
	s9 =	sadd.s32 @!p0 $0x7840, s15;
	s15 =	simm.s32 @!p0 $0x40  }
0x38e: {  	[tilespmem:s16], [sflag:$0x2] =	stream.indirect.gather @!p0 [hbm4b:s1+s15], $0x40, s9, s15, $0xb8;
	[tilespmem:$0x1E650] =	vst v63  }
0x38f: {  	v1 =	vld [tilespmem:s14+$0x4F00]  }
0x390: {  	v2 =	vld [tilespmem:s14+$0x7700];
	_ =	sdelay $0x5  }
0x391: {  	s20 =	simm.s32 $0x0  }
0x392: {  	v3 =	vld.idx.msk [tilespmem:v1+s20+$0x0], $0xffff  }
0x393: {  	v2 =	vld.idx.msk [tilespmem:v2+s23+$0x0], $0xffff;
	_ =	sdelay $0x1  }
0x394: {  	v4 =	vld [tilespmem:s14+$0x9F00];
	_ =	sdelay $0x2  }
0x395: {  	v2 =	vadd.f32 v2, v3;
	_ =	sdelay $0x1  }
0x396: {  	v2 =	vadd.f32 v4, v2  }
0x397: {  	v1 =	vld.idx.msk [tilespmem:v1+s28+$0x0], $0xffff  }
0x398: {  	v3 =	vmul.f32 $9.999999770e-03, v2  }
0x399: {  	vm0 =	vge.f32 v2, $0.0e+00  }
0x39a: {  	v2 =	vsel vm0, v2, v3  }
0x39b: {  	v2 =	vmul.f32 $1.442695020e+00, v2  }
0x39c: {  	v1 =	vadd.f32 $1.000000020e-16, v1  }
0x39d: {  	(erf) = vpow2.f32 v2  }
0x39e: {  	(erf) = vrcp.f32 v1;
	_ =	sdelay $0x7  }
0x39f: {  	v1 =	vpop (erf)  }
0x3a0: {  	v2 =	vpop (erf)  }
0x3a1: {  	v1 =	vmul.f32 v1, v2;
	_ =	sdelay $0x1  }
0x3a2: {  	[tilespmem:$0x12F00] =	vst v1  }
0x3a3: {  	v1 =	vld [tilespmem:s14+$0x4F10]  }
0x3a4: {  	v2 =	vld [tilespmem:s14+$0x7710];
	_ =	sdelay $0x6  }
0x3a5: {  	v3 =	vld.idx.msk [tilespmem:v1+s20+$0x0], $0xffff  }
0x3a6: {  	v2 =	vld.idx.msk [tilespmem:v2+s23+$0x0], $0xffff;
	_ =	sdelay $0x1  }
0x3a7: {  	v4 =	vld [tilespmem:s14+$0x9F10];
	_ =	sdelay $0x2  }
0x3a8: {  	v2 =	vadd.f32 v2, v3;
	_ =	sdelay $0x1  }
0x3a9: {  	v2 =	vadd.f32 v4, v2  }
0x3aa: {  	v1 =	vld.idx.msk [tilespmem:v1+s28+$0x0], $0xffff  }
0x3ab: {  	v3 =	vmul.f32 $9.999999770e-03, v2  }
0x3ac: {  	vm13 =	vge.f32 v2, $0.0e+00  }
0x3ad: {  	v2 =	vsel vm13, v2, v3  }
0x3ae: {  	v2 =	vmul.f32 $1.442695020e+00, v2  }
0x3af: {  	v1 =	vadd.f32 $1.000000020e-16, v1  }
0x3b0: {  	(erf) = vpow2.f32 v2  }
0x3b1: {  	(erf) = vrcp.f32 v1;
	_ =	sdelay $0x7  }
0x3b2: {  	v1 =	vpop (erf)  }
0x3b3: {  	v2 =	vpop (erf)  }
0x3b4: {  	v1 =	vmul.f32 v1, v2;
	_ =	sdelay $0x1  }
0x3b5: {  	[tilespmem:$0x12F10] =	vst v1  }
0x3b6: {  	v1 =	vld [tilespmem:s14+$0x4F20]  }
0x3b7: {  	v2 =	vld [tilespmem:s14+$0x7720];
	_ =	sdelay $0x6  }
0x3b8: {  	v3 =	vld.idx.msk [tilespmem:v1+s20+$0x0], $0xffff  }
0x3b9: {  	v2 =	vld.idx.msk [tilespmem:v2+s23+$0x0], $0xffff;
	_ =	sdelay $0x1  }
0x3ba: {  	v4 =	vld [tilespmem:s14+$0x9F20];
	_ =	sdelay $0x2  }
0x3bb: {  	v2 =	vadd.f32 v2, v3;
	_ =	sdelay $0x1  }
0x3bc: {  	v2 =	vadd.f32 v4, v2  }
0x3bd: {  	v1 =	vld.idx.msk [tilespmem:v1+s28+$0x0], $0xffff  }
0x3be: {  	v3 =	vmul.f32 $9.999999770e-03, v2  }
0x3bf: {  	vm14 =	vge.f32 v2, $0.0e+00  }
0x3c0: {  	v2 =	vsel vm14, v2, v3  }
0x3c1: {  	v2 =	vmul.f32 $1.442695020e+00, v2  }
0x3c2: {  	v1 =	vadd.f32 $1.000000020e-16, v1  }
0x3c3: {  	(erf) = vpow2.f32 v2  }
0x3c4: {  	(erf) = vrcp.f32 v1;
	_ =	sdelay $0x7  }
0x3c5: {  	v1 =	vpop (erf)  }
0x3c6: {  	v2 =	vpop (erf)  }
0x3c7: {  	v1 =	vmul.f32 v1, v2;
	_ =	sdelay $0x1  }
0x3c8: {  	[tilespmem:$0x12F20] =	vst v1  }
0x3c9: {  	v1 =	vld [tilespmem:s14+$0x4F30]  }
0x3ca: {  	v2 =	vld [tilespmem:s14+$0x7730];
	_ =	sdelay $0x6  }
0x3cb: {  	v3 =	vld.idx.msk [tilespmem:v1+s20+$0x0], $0xffff  }
0x3cc: {  	v2 =	vld.idx.msk [tilespmem:v2+s23+$0x0], $0xffff;
	_ =	sdelay $0x1  }
0x3cd: {  	v4 =	vld [tilespmem:s14+$0x9F30];
	_ =	sdelay $0x2  }
0x3ce: {  	v2 =	vadd.f32 v2, v3;
	_ =	sdelay $0x1  }
0x3cf: {  	v2 =	vadd.f32 v4, v2  }
0x3d0: {  	v1 =	vld.idx.msk [tilespmem:v1+s28+$0x0], $0xffff  }
0x3d1: {  	v3 =	vmul.f32 $9.999999770e-03, v2  }
0x3d2: {  	vm15 =	vge.f32 v2, $0.0e+00  }
0x3d3: {  	v2 =	vsel vm15, v2, v3  }
0x3d4: {  	v2 =	vmul.f32 $1.442695020e+00, v2  }
0x3d5: {  	v1 =	vadd.f32 $1.000000020e-16, v1  }
0x3d6: {  	(erf) = vpow2.f32 v2  }
0x3d7: {  	(erf) = vrcp.f32 v1;
	_ =	sdelay $0x7  }
0x3d8: {  	v1 =	vpop (erf)  }
0x3d9: {  	v2 =	vpop (erf)  }
0x3da: {  	v1 =	vmul.f32 v1, v2;
	_ =	sdelay $0x1  }
0x3db: {  	[tilespmem:$0x12F30] =	vst v1  }
0x3dc: {  	_ =	swait.ge [sflag:s19], $0x1000  }
0x3dd: {  	[sflag:s19] =	ssyncset.done $0x0  }
0x3de: {  	s15 =	simm.s32 $0x11F20;
	[sflag:s19] =	ssyncadd.s32 $0xFFFFF000  }
0x3df: {  	v2 =	vld [tilespmem:s15+$0xFFFFFFF0]  }
0x3e0: {  	s25 =	simm.s32 $0x0;
	v3 =	vld [tilespmem:s15+$0x10]  }
0x3e1: {  	v5 =	vld.msk [tilespmem:s25+$0x12F00 ss:$0x0], $0xffff  }
0x3e2: {  	v1 =	vld [tilespmem:s15+$0xFFFFFFE0]  }
0x3e3: {  	v6 =	vld [tilespmem:s15+$0x0];
	_ =	sdelay $0x3  }
0x3e4: {  	v1 =	vmul.f32 v5, v1;
	v4 =	vmul.f32 v3, v5  }
0x3e5: {  	s16 =	simm.s32 $0x4;
	s9 =	simm.s32 $0x11F20;
	s14 =	sadd.s32 $0x4F00, s14;
	v3 =	vmul.f32 v2, v5;
	v2 =	vmul.f32 v6, v5  }
.LBB2_21:
0x3e6: {  	p1 =	sne.s32 s16, $0xFC  }
0x3e7: {  	[tilespmem:s15+$0x10] =	vst v4;
	s9 =	sadd.s32 $0x40, s9;
	s17 =	smov.u32 s16;
	s16 =	sadd.s32 $0x4, s16  }
0x3e8: {  	[tilespmem:s15+$0xFFFFFFE0] =	vst v1  }
0x3e9: {  	v5 =	vld [tilespmem:s9+$0xFFFFFFF0];
	[tilespmem:s15+$0xFFFFFFF0] =	vst v3  }
0x3ea: {  	s17 =	sshra.s32 s17, $0x2;
	v3 =	vld [tilespmem:s9+$0x10];
	[tilespmem:s15+$0x0] =	vst v2;
	s15 =	smov.u32 s9  }
0x3eb: {  	v2 =	vld.msk [tilespmem:s17+$0x12F00 ss:$0x0], $0xffff  }
0x3ec: {  	v1 =	vld [tilespmem:s9+$0xFFFFFFE0]  }
0x3ed: {  	v6 =	vld [tilespmem:s9+$0x0]  }
.Ltmp11:
0x3ee: {  	(pc) =	sbr.rel @p1 .LBB2_21-.Ltmp11, $3  }
0x3ef: {  	_ =	sdelay $0x1  }
0x3f0: {  	v4 =	vmul.f32 v3, v2;
	v1 =	vmul.f32 v2, v1  }
0x3f1: {  	v3 =	vmul.f32 v5, v2;
	v2 =	vmul.f32 v6, v2  }
.Ltmp12:
0x3f2: {  	[tilespmem:s15+$0x10] =	vst v4;
	(pc) =	sbr.rel @p0 .LBB2_24-.Ltmp12, $4  }
0x3f3: {  	[tilespmem:s15+$0xFFFFFFE0] =	vst v1  }
0x3f4: {  	[tilespmem:s15+$0xFFFFFFF0] =	vst v3  }
0x3f5: {  	[tilespmem:s15+$0x0] =	vst v2  }
0x3f6: {  	[spmem:s2] =	stream.indirect.scatter.add.f32 [tilespmem:s0], [sflag:$0x8], $0x40, s14, s30, $0xb8;
	[tilespmem:$0x1E650] =	vst v63  }
.Ltmp13:
0x3f7: {  	(pc) =	sbr.rel .LBB2_14-.Ltmp13, $4  }
0x3f8: {  	_ =	swait.ge [sflag:s24], $0x1000  }
0x3f9: {  	s9 =	sand.u32 $0x3FFFFF00, s13;
	[sflag:s24] =	ssyncset.done $0x0  }
0x3fa: {  	s12 =	sadd.s32 $0x1, s12;
	s9 =	sadd.s32 $0x7880, s9;
	[sflag:s24] =	ssyncadd.s32 $0xFFFFF000  }
0x3fb: {  	[tilespmem:s3], [sflag:$0x3] =	stream.indirect.gather [hbm4b:s1+s30], $0x40, s9, s30, $0xb8;
	[tilespmem:$0x1E650] =	vst v63  }
.LBB2_24:
0x3fc: {  	s9 =	simm.s32 $0x5  }
0x3fd: {  	_ =	swait.ge [sflag:s9], $0x1000  }
0x3fe: {  	[sflag:s9] =	ssyncset.done $0x0  }
0x3ff: {  	s17 =	simm.s32 $0x6;
	[sflag:s9] =	ssyncadd.s32 $0xFFFFF000  }
0x400: {  	_ =	swait.ge [sflag:s17], $0x1000  }
0x401: {  	[sflag:s17] =	ssyncset.done $0x0  }
0x402: {  	[sflag:s17] =	ssyncadd.s32 $0xFFFFF000  }
0x403: {  	_ =	swait.ge [sflag:s24], $0x1000  }
0x404: {  	[sflag:s24] =	ssyncset.done $0x0  }
0x405: {  	[sflag:s24] =	ssyncadd.s32 $0xFFFFF000  }
0x406: {  	_ =	swait.ge [sflag:s26], $0x1000  }
0x407: {  	[sflag:s26] =	ssyncset.done $0x0  }
0x408: {  	[sflag:s26] =	ssyncadd.s32 $0xFFFFF000  }
0x409: {  	[bflag:$0x0] =	sbarrier.arrive $0xFFFF  }
0x40a: {  	s20 =	sld [smem:$0x7F1]  }
0x40b: {  	s18 =	stileid.u32;
	s25 =	sld [smem:$0x7FB]  }
0x40c: {  	s9 =	sshll.u32 s18, $0x6  }
0x40d: {  	s11 =	sor.u32 $0x1C09, s9;
	s12 =	sshrl.u32 s20, $0x3  }
0x40e: {  	[hbm:s25], [sflag:s11] =	dma.local [spmem:s12], $0x13C0  }
0x40f: {  	_ =	swait.ge [sflag:s22], $0x13C0  }
0x410: {  	[sflag:s22] =	ssyncset.done $0x0  }
0x411: {  	[sflag:s22] =	ssyncadd.s32 $0xFFFFEC40  }
0x412: {  	s13 =	simm.s32 $0x100;
	s9 =	simm.s32 $0x0;
	[bflag:$0x0] =	sbarrier.arrive $0xFFFF  }
.LBB2_25:
0x413: {  	p0 =	sne.s32 s13, $0x3F00;
	[tilespmem:s9+$0xEF30] =	vst v0;
	s14 =	smov.u32 s13;
	s13 =	sadd.s32 $0x100, s13  }
.Ltmp14:
0x414: {  	[tilespmem:s9+$0xEF20] =	vst v0;
	(pc) =	sbr.rel @p0 .LBB2_25-.Ltmp14, $3  }
0x415: {  	[tilespmem:s9+$0xEF00] =	vst v0  }
0x416: {  	[tilespmem:s9+$0xEF10] =	vst v0;
	_ =	sdelay $0x1  }
0x417: {  	s9 =	sshra.s32 s14, $0x2  }
0x418: {  	[tilespmem:s9+$0xEF30] =	vst v0  }
0x419: {  	[tilespmem:s9+$0xEF20] =	vst v0;
	s17 =	sld [smem:$0x7F1]  }
0x41a: {  	[tilespmem:s9+$0xEF00] =	vst v0  }
0x41b: {  	[tilespmem:s9+$0xEF10] =	vst v0  }
0x41c: {  	[spmem:s17] =	stream.linear.scatter [tilespmem:s31], [sflag:$0x9], $0x1000, $0x38;
	[tilespmem:$0x1E650] =	vst v63  }
0x41d: {  	_ =	swait.ge [sflag:s22], $0x1000  }
0x41e: {  	s18 =	sld [smem:$0x7F2]  }
0x41f: {  	[sflag:s22] =	ssyncset.done $0x0  }
0x420: {  	[sflag:s22] =	ssyncadd.s32 $0xFFFFF000  }
0x421: {  	[spmem:s18] =	stream.linear.scatter [tilespmem:s31], [sflag:$0x9], $0x1000, $0x38;
	[tilespmem:$0x1E650] =	vst v63  }
0x422: {  	_ =	swait.ge [sflag:s22], $0x1000  }
0x423: {  	s20 =	sld [smem:$0x7F3]  }
0x424: {  	[sflag:s22] =	ssyncset.done $0x0  }
0x425: {  	[sflag:s22] =	ssyncadd.s32 $0xFFFFF000  }
0x426: {  	[spmem:s20] =	stream.linear.scatter [tilespmem:s31], [sflag:$0x9], $0x1000, $0x38;
	[tilespmem:$0x1E650] =	vst v63  }
0x427: {  	_ =	swait.ge [sflag:s22], $0x1000  }
0x428: {  	s25 =	sld [smem:$0x7F4]  }
0x429: {  	[sflag:s22] =	ssyncset.done $0x0  }
0x42a: {  	[sflag:s22] =	ssyncadd.s32 $0xFFFFF000  }
0x42b: {  	[spmem:s25] =	stream.linear.scatter [tilespmem:s31], [sflag:$0x9], $0x1000, $0x38;
	[tilespmem:$0x1E650] =	vst v63  }
0x42c: {  	_ =	swait.ge [sflag:s22], $0x1000  }
0x42d: {  	s13 =	sld [smem:$0x7F5]  }
0x42e: {  	[sflag:s22] =	ssyncset.done $0x0  }
0x42f: {  	[sflag:s22] =	ssyncadd.s32 $0xFFFFF000  }
0x430: {  	[spmem:s13] =	stream.linear.scatter [tilespmem:s31], [sflag:$0x9], $0x1000, $0x38;
	[tilespmem:$0x1E650] =	vst v63  }
0x431: {  	_ =	swait.ge [sflag:s22], $0x1000  }
0x432: {  	s14 =	sld [smem:$0x7F6]  }
0x433: {  	[sflag:s22] =	ssyncset.done $0x0  }
0x434: {  	[sflag:s22] =	ssyncadd.s32 $0xFFFFF000  }
0x435: {  	[spmem:s14] =	stream.linear.scatter [tilespmem:s31], [sflag:$0x9], $0x1000, $0x38;
	[tilespmem:$0x1E650] =	vst v63  }
0x436: {  	_ =	swait.ge [sflag:s22], $0x1000  }
0x437: {  	s15 =	sld [smem:$0x7F7]  }
0x438: {  	[sflag:s22] =	ssyncset.done $0x0  }
0x439: {  	[sflag:s22] =	ssyncadd.s32 $0xFFFFF000  }
0x43a: {  	[spmem:s15] =	stream.linear.scatter [tilespmem:s31], [sflag:$0x9], $0x1000, $0x38;
	[tilespmem:$0x1E650] =	vst v63  }
0x43b: {  	_ =	swait.ge [sflag:s22], $0x1000  }
0x43c: {  	s16 =	sld [smem:$0x7F8]  }
0x43d: {  	[sflag:s22] =	ssyncset.done $0x0  }
0x43e: {  	[sflag:s22] =	ssyncadd.s32 $0xFFFFF000  }
0x43f: {  	[spmem:s16] =	stream.linear.scatter [tilespmem:s31], [sflag:$0x9], $0x1000, $0x38;
	[tilespmem:$0x1E650] =	vst v63  }
0x440: {  	_ =	swait.ge [sflag:s22], $0x1000  }
0x441: {  	s17 =	sld [smem:$0x7F9]  }
0x442: {  	[sflag:s22] =	ssyncset.done $0x0  }
0x443: {  	[sflag:s22] =	ssyncadd.s32 $0xFFFFF000  }
0x444: {  	[spmem:s17] =	stream.linear.scatter [tilespmem:s31], [sflag:$0x9], $0x1000, $0x38;
	[tilespmem:$0x1E650] =	vst v63  }
0x445: {  	_ =	swait.ge [sflag:s22], $0x1000  }
0x446: {  	s18 =	sld [smem:$0x7FA]  }
0x447: {  	[sflag:s22] =	ssyncset.done $0x0  }
0x448: {  	[sflag:s22] =	ssyncadd.s32 $0xFFFFF000  }
0x449: {  	[spmem:s18] =	stream.linear.scatter [tilespmem:s31], [sflag:$0x9], $0xE00, $0x38;
	[tilespmem:$0x1E650] =	vst v63  }
0x44a: {  	_ =	swait.ge [sflag:s22], $0xE00  }
0x44b: {  	[sflag:s22] =	ssyncset.done $0x0  }
0x44c: {  	[sflag:s22] =	ssyncadd.s32 $0xFFFFF200  }
0x44d: {  	[bflag:$0x0] =	sbarrier.arrive $0xFFFF  }
0x44e: {  	[tilespmem:s31], [sflag:$0x1] =	stream.indirect.gather [hbm4b:s6+s30], $0x40, s21, s30, $0xb8;
	[tilespmem:$0x1E650] =	vst v63  }
0x44f: {  	s20 =	simm.s32 $0x7740  }
0x450: {  	[tilespmem:s29], [sflag:$0x2] =	stream.indirect.gather [hbm4b:s6+s30], $0x40, s20, s30, $0xb8;
	[tilespmem:$0x1E650] =	vst v63  }
0x451: {  	s21 =	simm.s32 $0x7780  }
0x452: {  	[tilespmem:s3], [sflag:$0x3] =	stream.indirect.gather [hbm4b:s6+s30], $0x40, s21, s30, $0xb8;
	[tilespmem:$0x1E650] =	vst v63  }
0x453: {  	s25 =	simm.s32 $0x77C0;
	s13 =	simm.s32 $0x0;
	s14 =	simm.s32 $0x0  }
0x454: {  	[tilespmem:s0], [sflag:$0x4] =	stream.indirect.gather [hbm4b:s6+s30], $0x40, s25, s30, $0xb8;
	[tilespmem:$0x1E650] =	vst v63  }
.LBB2_27:
0x455: {  	s15 =	sshll.u32 s14, $0x8  }
0x456: {  	v1 =	vld [tilespmem:s15+$0x4F00]  }
0x457: {  	v2 =	vld [tilespmem:s15+$0x7700];
	_ =	sdelay $0x6  }
0x458: {  	v3 =	vld.idx.msk [tilespmem:v1+s13+$0x0], $0xffff  }
0x459: {  	v2 =	vld.idx.msk [tilespmem:v2+s23+$0x0], $0xffff;
	_ =	sdelay $0x1  }
0x45a: {  	v4 =	vld [tilespmem:s15+$0x9F00];
	_ =	sdelay $0x2  }
0x45b: {  	v2 =	vadd.f32 v2, v3;
	_ =	sdelay $0x1  }
0x45c: {  	v2 =	vadd.f32 v4, v2  }
0x45d: {  	v1 =	vld.idx.msk [tilespmem:v1+s28+$0x0], $0xffff  }
0x45e: {  	v3 =	vmul.f32 $9.999999770e-03, v2  }
0x45f: {  	vm0 =	vge.f32 v2, $0.0e+00  }
0x460: {  	v2 =	vsel vm0, v2, v3  }
0x461: {  	v2 =	vmul.f32 $1.442695020e+00, v2  }
0x462: {  	v1 =	vadd.f32 $1.000000020e-16, v1  }
0x463: {  	(erf) = vpow2.f32 v2  }
0x464: {  	(erf) = vrcp.f32 v1;
	_ =	sdelay $0x7  }
0x465: {  	v1 =	vpop (erf)  }
0x466: {  	v2 =	vpop (erf)  }
0x467: {  	v1 =	vmul.f32 v1, v2;
	_ =	sdelay $0x1  }
0x468: {  	[tilespmem:$0x12F00] =	vst v1  }
0x469: {  	v1 =	vld [tilespmem:s15+$0x4F10]  }
0x46a: {  	v2 =	vld [tilespmem:s15+$0x7710];
	_ =	sdelay $0x6  }
0x46b: {  	v3 =	vld.idx.msk [tilespmem:v1+s13+$0x0], $0xffff  }
0x46c: {  	v2 =	vld.idx.msk [tilespmem:v2+s23+$0x0], $0xffff;
	_ =	sdelay $0x1  }
0x46d: {  	v4 =	vld [tilespmem:s15+$0x9F10];
	_ =	sdelay $0x2  }
0x46e: {  	v2 =	vadd.f32 v2, v3;
	_ =	sdelay $0x1  }
0x46f: {  	v2 =	vadd.f32 v4, v2  }
0x470: {  	v1 =	vld.idx.msk [tilespmem:v1+s28+$0x0], $0xffff  }
0x471: {  	v3 =	vmul.f32 $9.999999770e-03, v2  }
0x472: {  	vm13 =	vge.f32 v2, $0.0e+00  }
0x473: {  	v2 =	vsel vm13, v2, v3  }
0x474: {  	v2 =	vmul.f32 $1.442695020e+00, v2  }
0x475: {  	v1 =	vadd.f32 $1.000000020e-16, v1  }
0x476: {  	(erf) = vpow2.f32 v2  }
0x477: {  	(erf) = vrcp.f32 v1;
	_ =	sdelay $0x7  }
0x478: {  	v1 =	vpop (erf)  }
0x479: {  	v2 =	vpop (erf)  }
0x47a: {  	v1 =	vmul.f32 v1, v2;
	_ =	sdelay $0x1  }
0x47b: {  	[tilespmem:$0x12F10] =	vst v1  }
0x47c: {  	v1 =	vld [tilespmem:s15+$0x4F20]  }
0x47d: {  	v2 =	vld [tilespmem:s15+$0x7720];
	_ =	sdelay $0x6  }
0x47e: {  	v3 =	vld.idx.msk [tilespmem:v1+s13+$0x0], $0xffff  }
0x47f: {  	v2 =	vld.idx.msk [tilespmem:v2+s23+$0x0], $0xffff;
	_ =	sdelay $0x1  }
0x480: {  	v4 =	vld [tilespmem:s15+$0x9F20];
	_ =	sdelay $0x2  }
0x481: {  	v2 =	vadd.f32 v2, v3;
	_ =	sdelay $0x1  }
0x482: {  	v2 =	vadd.f32 v4, v2  }
0x483: {  	v1 =	vld.idx.msk [tilespmem:v1+s28+$0x0], $0xffff  }
0x484: {  	v3 =	vmul.f32 $9.999999770e-03, v2  }
0x485: {  	vm14 =	vge.f32 v2, $0.0e+00  }
0x486: {  	v2 =	vsel vm14, v2, v3  }
0x487: {  	v2 =	vmul.f32 $1.442695020e+00, v2  }
0x488: {  	v1 =	vadd.f32 $1.000000020e-16, v1  }
0x489: {  	(erf) = vpow2.f32 v2  }
0x48a: {  	(erf) = vrcp.f32 v1;
	_ =	sdelay $0x7  }
0x48b: {  	v1 =	vpop (erf)  }
0x48c: {  	v2 =	vpop (erf)  }
0x48d: {  	v1 =	vmul.f32 v1, v2;
	_ =	sdelay $0x1  }
0x48e: {  	[tilespmem:$0x12F20] =	vst v1  }
0x48f: {  	v1 =	vld [tilespmem:s15+$0x4F30]  }
0x490: {  	v2 =	vld [tilespmem:s15+$0x7730];
	_ =	sdelay $0x6  }
0x491: {  	v3 =	vld.idx.msk [tilespmem:v1+s13+$0x0], $0xffff  }
0x492: {  	v2 =	vld.idx.msk [tilespmem:v2+s23+$0x0], $0xffff;
	_ =	sdelay $0x1  }
0x493: {  	v4 =	vld [tilespmem:s15+$0x9F30];
	_ =	sdelay $0x2  }
0x494: {  	v2 =	vadd.f32 v2, v3;
	_ =	sdelay $0x1  }
0x495: {  	v2 =	vadd.f32 v4, v2  }
0x496: {  	v1 =	vld.idx.msk [tilespmem:v1+s28+$0x0], $0xffff  }
0x497: {  	v3 =	vmul.f32 $9.999999770e-03, v2  }
0x498: {  	vm15 =	vge.f32 v2, $0.0e+00  }
0x499: {  	v2 =	vsel vm15, v2, v3  }
0x49a: {  	v2 =	vmul.f32 $1.442695020e+00, v2  }
0x49b: {  	v1 =	vadd.f32 $1.000000020e-16, v1  }
0x49c: {  	(erf) = vpow2.f32 v2  }
0x49d: {  	(erf) = vrcp.f32 v1;
	_ =	sdelay $0x7  }
0x49e: {  	v1 =	vpop (erf)  }
0x49f: {  	v2 =	vpop (erf)  }
0x4a0: {  	v1 =	vmul.f32 v1, v2;
	_ =	sdelay $0x1  }
0x4a1: {  	[tilespmem:$0x12F30] =	vst v1  }
0x4a2: {  	_ =	swait.ge [sflag:s8], $0x1000  }
0x4a3: {  	[sflag:s8] =	ssyncset.done $0x0  }
0x4a4: {  	s16 =	simm.s32 $0xEF20;
	[sflag:s8] =	ssyncadd.s32 $0xFFFFF000  }
0x4a5: {  	v2 =	vld [tilespmem:s16+$0xFFFFFFF0]  }
0x4a6: {  	s9 =	simm.s32 $0x0;
	v3 =	vld [tilespmem:s16+$0x10]  }
0x4a7: {  	v5 =	vld.msk [tilespmem:s9+$0x12F00 ss:$0x0], $0xffff  }
0x4a8: {  	v1 =	vld [tilespmem:s16+$0xFFFFFFE0]  }
0x4a9: {  	v6 =	vld [tilespmem:s16+$0x0];
	_ =	sdelay $0x3  }
0x4aa: {  	v1 =	vmul.f32 v5, v1;
	v4 =	vmul.f32 v3, v5  }
0x4ab: {  	s18 =	simm.s32 $0x4;
	s17 =	sadd.s32 $0x4F00, s15;
	s9 =	simm.s32 $0xEF20;
	v3 =	vmul.f32 v2, v5;
	v2 =	vmul.f32 v6, v5  }
.LBB2_28:
0x4ac: {  	p0 =	sne.s32 s18, $0xFC  }
0x4ad: {  	[tilespmem:s16+$0x10] =	vst v4;
	s9 =	sadd.s32 $0x40, s9;
	s20 =	smov.u32 s18;
	s18 =	sadd.s32 $0x4, s18  }
0x4ae: {  	[tilespmem:s16+$0xFFFFFFE0] =	vst v1  }
0x4af: {  	v5 =	vld [tilespmem:s9+$0xFFFFFFF0];
	[tilespmem:s16+$0xFFFFFFF0] =	vst v3  }
0x4b0: {  	s20 =	sshra.s32 s20, $0x2;
	v3 =	vld [tilespmem:s9+$0x10];
	[tilespmem:s16+$0x0] =	vst v2;
	s16 =	smov.u32 s9  }
0x4b1: {  	v2 =	vld.msk [tilespmem:s20+$0x12F00 ss:$0x0], $0xffff  }
0x4b2: {  	v1 =	vld [tilespmem:s9+$0xFFFFFFE0]  }
0x4b3: {  	v6 =	vld [tilespmem:s9+$0x0]  }
.Ltmp15:
0x4b4: {  	(pc) =	sbr.rel @p0 .LBB2_28-.Ltmp15, $3  }
0x4b5: {  	_ =	sdelay $0x1  }
0x4b6: {  	v4 =	vmul.f32 v3, v2;
	v1 =	vmul.f32 v2, v1  }
0x4b7: {  	v3 =	vmul.f32 v5, v2;
	v2 =	vmul.f32 v6, v2  }
0x4b8: {  	[tilespmem:s16+$0x10] =	vst v4  }
0x4b9: {  	[tilespmem:s16+$0xFFFFFFE0] =	vst v1  }
0x4ba: {  	p0 =	seq.s32 s14, $0x0;
	[tilespmem:s16+$0xFFFFFFF0] =	vst v3  }
0x4bb: {  	[tilespmem:s16+$0x0] =	vst v2;
	s9 =	simm.s32 @!p0 $0x8  }
0x4bc: {  	[spmem:s2] =	stream.indirect.scatter.add.f32 [tilespmem:s31], [sflag:$0x5], $0x40, s17, s30, $0xb8;
	[tilespmem:$0x1E650] =	vst v63  }
0x4bd: {  	s16 =	sshllo.u32 s14, $0x2;
	_ =	swait.ge @!p0 [sflag:s9], $0x1000  }
0x4be: {  	s17 =	sshll.u32 @!p0 s16, $0x6;
	[sflag:s9] =	ssyncset.done @!p0 $0x0  }
0x4bf: {  	[sflag:s9] =	ssyncadd.s32 @!p0 $0xFFFFF000;
	s9 =	sand.u32 @!p0 $0x3FFFFFC0, s17  }
0x4c0: {  	s18 =	simm.s32 @!p0 $0x11F00;
	s17 =	simm.s32 @!p0 $0x40;
	s9 =	sadd.s32 @!p0 $0x7700, s9  }
0x4c1: {  	[tilespmem:s18], [sflag:$0x4] =	stream.indirect.gather @!p0 [hbm4b:s6+s17], $0x40, s9, s17, $0xb8;
	[tilespmem:$0x1E650] =	vst v63  }
0x4c2: {  	v1 =	vld [tilespmem:s15+$0x4F40]  }
0x4c3: {  	v2 =	vld [tilespmem:s15+$0x7740];
	_ =	sdelay $0x5  }
0x4c4: {  	s21 =	simm.s32 $0x0  }
0x4c5: {  	v3 =	vld.idx.msk [tilespmem:v1+s21+$0x0], $0xffff  }
0x4c6: {  	v2 =	vld.idx.msk [tilespmem:v2+s23+$0x0], $0xffff;
	_ =	sdelay $0x1  }
0x4c7: {  	v4 =	vld [tilespmem:s15+$0x9F40];
	_ =	sdelay $0x2  }
0x4c8: {  	v2 =	vadd.f32 v2, v3;
	_ =	sdelay $0x1  }
0x4c9: {  	v2 =	vadd.f32 v4, v2  }
0x4ca: {  	v1 =	vld.idx.msk [tilespmem:v1+s28+$0x0], $0xffff  }
0x4cb: {  	v3 =	vmul.f32 $9.999999770e-03, v2  }
0x4cc: {  	vm0 =	vge.f32 v2, $0.0e+00  }
0x4cd: {  	v2 =	vsel vm0, v2, v3  }
0x4ce: {  	v2 =	vmul.f32 $1.442695020e+00, v2  }
0x4cf: {  	v1 =	vadd.f32 $1.000000020e-16, v1  }
0x4d0: {  	(erf) = vpow2.f32 v2  }
0x4d1: {  	(erf) = vrcp.f32 v1;
	_ =	sdelay $0x7  }
0x4d2: {  	v1 =	vpop (erf)  }
0x4d3: {  	v2 =	vpop (erf)  }
0x4d4: {  	v1 =	vmul.f32 v1, v2;
	_ =	sdelay $0x1  }
0x4d5: {  	[tilespmem:$0x12F00] =	vst v1  }
0x4d6: {  	v1 =	vld [tilespmem:s15+$0x4F50]  }
0x4d7: {  	v2 =	vld [tilespmem:s15+$0x7750];
	_ =	sdelay $0x6  }
0x4d8: {  	v3 =	vld.idx.msk [tilespmem:v1+s21+$0x0], $0xffff  }
0x4d9: {  	v2 =	vld.idx.msk [tilespmem:v2+s23+$0x0], $0xffff;
	_ =	sdelay $0x1  }
0x4da: {  	v4 =	vld [tilespmem:s15+$0x9F50];
	_ =	sdelay $0x2  }
0x4db: {  	v2 =	vadd.f32 v2, v3;
	_ =	sdelay $0x1  }
0x4dc: {  	v2 =	vadd.f32 v4, v2  }
0x4dd: {  	v1 =	vld.idx.msk [tilespmem:v1+s28+$0x0], $0xffff  }
0x4de: {  	v3 =	vmul.f32 $9.999999770e-03, v2  }
0x4df: {  	vm13 =	vge.f32 v2, $0.0e+00  }
0x4e0: {  	v2 =	vsel vm13, v2, v3  }
0x4e1: {  	v2 =	vmul.f32 $1.442695020e+00, v2  }
0x4e2: {  	v1 =	vadd.f32 $1.000000020e-16, v1  }
0x4e3: {  	(erf) = vpow2.f32 v2  }
0x4e4: {  	(erf) = vrcp.f32 v1;
	_ =	sdelay $0x7  }
0x4e5: {  	v1 =	vpop (erf)  }
0x4e6: {  	v2 =	vpop (erf)  }
0x4e7: {  	v1 =	vmul.f32 v1, v2;
	_ =	sdelay $0x1  }
0x4e8: {  	[tilespmem:$0x12F10] =	vst v1  }
0x4e9: {  	v1 =	vld [tilespmem:s15+$0x4F60]  }
0x4ea: {  	v2 =	vld [tilespmem:s15+$0x7760];
	_ =	sdelay $0x6  }
0x4eb: {  	v3 =	vld.idx.msk [tilespmem:v1+s21+$0x0], $0xffff  }
0x4ec: {  	v2 =	vld.idx.msk [tilespmem:v2+s23+$0x0], $0xffff;
	_ =	sdelay $0x1  }
0x4ed: {  	v4 =	vld [tilespmem:s15+$0x9F60];
	_ =	sdelay $0x2  }
0x4ee: {  	v2 =	vadd.f32 v2, v3;
	_ =	sdelay $0x1  }
0x4ef: {  	v2 =	vadd.f32 v4, v2  }
0x4f0: {  	v1 =	vld.idx.msk [tilespmem:v1+s28+$0x0], $0xffff  }
0x4f1: {  	v3 =	vmul.f32 $9.999999770e-03, v2  }
0x4f2: {  	vm14 =	vge.f32 v2, $0.0e+00  }
0x4f3: {  	v2 =	vsel vm14, v2, v3  }
0x4f4: {  	v2 =	vmul.f32 $1.442695020e+00, v2  }
0x4f5: {  	v1 =	vadd.f32 $1.000000020e-16, v1  }
0x4f6: {  	(erf) = vpow2.f32 v2  }
0x4f7: {  	(erf) = vrcp.f32 v1;
	_ =	sdelay $0x7  }
0x4f8: {  	v1 =	vpop (erf)  }
0x4f9: {  	v2 =	vpop (erf)  }
0x4fa: {  	v1 =	vmul.f32 v1, v2;
	_ =	sdelay $0x1  }
0x4fb: {  	[tilespmem:$0x12F20] =	vst v1  }
0x4fc: {  	v1 =	vld [tilespmem:s15+$0x4F70]  }
0x4fd: {  	v2 =	vld [tilespmem:s15+$0x7770];
	_ =	sdelay $0x6  }
0x4fe: {  	v3 =	vld.idx.msk [tilespmem:v1+s21+$0x0], $0xffff  }
0x4ff: {  	v2 =	vld.idx.msk [tilespmem:v2+s23+$0x0], $0xffff;
	_ =	sdelay $0x1  }
0x500: {  	v4 =	vld [tilespmem:s15+$0x9F70];
	_ =	sdelay $0x2  }
0x501: {  	v2 =	vadd.f32 v2, v3;
	_ =	sdelay $0x1  }
0x502: {  	v2 =	vadd.f32 v4, v2  }
0x503: {  	v1 =	vld.idx.msk [tilespmem:v1+s28+$0x0], $0xffff  }
0x504: {  	v3 =	vmul.f32 $9.999999770e-03, v2  }
0x505: {  	vm15 =	vge.f32 v2, $0.0e+00  }
0x506: {  	v2 =	vsel vm15, v2, v3  }
0x507: {  	v2 =	vmul.f32 $1.442695020e+00, v2  }
0x508: {  	v1 =	vadd.f32 $1.000000020e-16, v1  }
0x509: {  	(erf) = vpow2.f32 v2  }
0x50a: {  	(erf) = vrcp.f32 v1;
	_ =	sdelay $0x7  }
0x50b: {  	v1 =	vpop (erf)  }
0x50c: {  	v2 =	vpop (erf)  }
0x50d: {  	v1 =	vmul.f32 v1, v2;
	_ =	sdelay $0x1  }
0x50e: {  	[tilespmem:$0x12F30] =	vst v1  }
0x50f: {  	_ =	swait.ge [sflag:s4], $0x1000  }
0x510: {  	[sflag:s4] =	ssyncset.done $0x0  }
0x511: {  	s17 =	simm.s32 $0xFF20;
	[sflag:s4] =	ssyncadd.s32 $0xFFFFF000  }
0x512: {  	v2 =	vld [tilespmem:s17+$0xFFFFFFF0]  }
0x513: {  	s25 =	simm.s32 $0x0;
	v3 =	vld [tilespmem:s17+$0x10]  }
0x514: {  	v5 =	vld.msk [tilespmem:s25+$0x12F00 ss:$0x0], $0xffff  }
0x515: {  	v1 =	vld [tilespmem:s17+$0xFFFFFFE0]  }
0x516: {  	v6 =	vld [tilespmem:s17+$0x0];
	_ =	sdelay $0x3  }
0x517: {  	v1 =	vmul.f32 v5, v1;
	v4 =	vmul.f32 v3, v5  }
0x518: {  	s18 =	sadd.s32 $0x4F40, s15;
	s9 =	simm.s32 $0xFF20;
	s25 =	simm.s32 $0x4;
	v3 =	vmul.f32 v2, v5;
	v2 =	vmul.f32 v6, v5  }
.LBB2_30:
0x519: {  	p0 =	sne.s32 s25, $0xFC  }
0x51a: {  	[tilespmem:s17+$0x10] =	vst v4;
	s9 =	sadd.s32 $0x40, s9;
	s20 =	smov.u32 s25;
	s25 =	sadd.s32 $0x4, s25  }
0x51b: {  	[tilespmem:s17+$0xFFFFFFE0] =	vst v1  }
0x51c: {  	v5 =	vld [tilespmem:s9+$0xFFFFFFF0];
	[tilespmem:s17+$0xFFFFFFF0] =	vst v3  }
0x51d: {  	s20 =	sshra.s32 s20, $0x2;
	v3 =	vld [tilespmem:s9+$0x10];
	[tilespmem:s17+$0x0] =	vst v2;
	s17 =	smov.u32 s9  }
0x51e: {  	v2 =	vld.msk [tilespmem:s20+$0x12F00 ss:$0x0], $0xffff  }
0x51f: {  	v1 =	vld [tilespmem:s9+$0xFFFFFFE0]  }
0x520: {  	v6 =	vld [tilespmem:s9+$0x0]  }
.Ltmp16:
0x521: {  	(pc) =	sbr.rel @p0 .LBB2_30-.Ltmp16, $3  }
0x522: {  	_ =	sdelay $0x1  }
0x523: {  	v4 =	vmul.f32 v3, v2;
	v1 =	vmul.f32 v2, v1  }
0x524: {  	v3 =	vmul.f32 v5, v2;
	v2 =	vmul.f32 v6, v2  }
0x525: {  	[tilespmem:s17+$0x10] =	vst v4  }
0x526: {  	[tilespmem:s17+$0xFFFFFFE0] =	vst v1  }
0x527: {  	p0 =	seq.s32 s14, $0x27;
	[tilespmem:s17+$0xFFFFFFF0] =	vst v3  }
0x528: {  	[tilespmem:s17+$0x0] =	vst v2;
	s9 =	simm.s32 @!p0 $0x5  }
0x529: {  	[spmem:s2] =	stream.indirect.scatter.add.f32 [tilespmem:s29], [sflag:$0x6], $0x40, s18, s30, $0xb8;
	[tilespmem:$0x1E650] =	vst v63  }
0x52a: {  	s17 =	sshll.u32 @!p0 s14, $0x8;
	_ =	swait.ge @!p0 [sflag:s9], $0x1000  }
0x52b: {  	s20 =	simm.s32 @!p0 $0xEF00;
	s17 =	sand.u32 @!p0 $0x3FFFFF00, s17;
	[sflag:s9] =	ssyncset.done @!p0 $0x0  }
0x52c: {  	s18 =	simm.s32 @!p0 $0x40;
	[sflag:s9] =	ssyncadd.s32 @!p0 $0xFFFFF000;
	s9 =	sadd.s32 @!p0 $0x7800, s17  }
0x52d: {  	[tilespmem:s20], [sflag:$0x1] =	stream.indirect.gather @!p0 [hbm4b:s6+s18], $0x40, s9, s18, $0xb8;
	[tilespmem:$0x1E650] =	vst v63  }
0x52e: {  	v1 =	vld [tilespmem:s15+$0x4F80]  }
0x52f: {  	v2 =	vld [tilespmem:s15+$0x7780];
	_ =	sdelay $0x5  }
0x530: {  	s21 =	simm.s32 $0x0  }
0x531: {  	v3 =	vld.idx.msk [tilespmem:v1+s21+$0x0], $0xffff  }
0x532: {  	v2 =	vld.idx.msk [tilespmem:v2+s23+$0x0], $0xffff;
	_ =	sdelay $0x1  }
0x533: {  	v4 =	vld [tilespmem:s15+$0x9F80];
	_ =	sdelay $0x2  }
0x534: {  	v2 =	vadd.f32 v2, v3;
	_ =	sdelay $0x1  }
0x535: {  	v2 =	vadd.f32 v4, v2  }
0x536: {  	v1 =	vld.idx.msk [tilespmem:v1+s28+$0x0], $0xffff  }
0x537: {  	v3 =	vmul.f32 $9.999999770e-03, v2  }
0x538: {  	vm0 =	vge.f32 v2, $0.0e+00  }
0x539: {  	v2 =	vsel vm0, v2, v3  }
0x53a: {  	v2 =	vmul.f32 $1.442695020e+00, v2  }
0x53b: {  	v1 =	vadd.f32 $1.000000020e-16, v1  }
0x53c: {  	(erf) = vpow2.f32 v2  }
0x53d: {  	(erf) = vrcp.f32 v1;
	_ =	sdelay $0x7  }
0x53e: {  	v1 =	vpop (erf)  }
0x53f: {  	v2 =	vpop (erf)  }
0x540: {  	v1 =	vmul.f32 v1, v2;
	_ =	sdelay $0x1  }
0x541: {  	[tilespmem:$0x12F00] =	vst v1  }
0x542: {  	v1 =	vld [tilespmem:s15+$0x4F90]  }
0x543: {  	v2 =	vld [tilespmem:s15+$0x7790];
	_ =	sdelay $0x6  }
0x544: {  	v3 =	vld.idx.msk [tilespmem:v1+s21+$0x0], $0xffff  }
0x545: {  	v2 =	vld.idx.msk [tilespmem:v2+s23+$0x0], $0xffff;
	_ =	sdelay $0x1  }
0x546: {  	v4 =	vld [tilespmem:s15+$0x9F90];
	_ =	sdelay $0x2  }
0x547: {  	v2 =	vadd.f32 v2, v3;
	_ =	sdelay $0x1  }
0x548: {  	v2 =	vadd.f32 v4, v2  }
0x549: {  	v1 =	vld.idx.msk [tilespmem:v1+s28+$0x0], $0xffff  }
0x54a: {  	v3 =	vmul.f32 $9.999999770e-03, v2  }
0x54b: {  	vm13 =	vge.f32 v2, $0.0e+00  }
0x54c: {  	v2 =	vsel vm13, v2, v3  }
0x54d: {  	v2 =	vmul.f32 $1.442695020e+00, v2  }
0x54e: {  	v1 =	vadd.f32 $1.000000020e-16, v1  }
0x54f: {  	(erf) = vpow2.f32 v2  }
0x550: {  	(erf) = vrcp.f32 v1;
	_ =	sdelay $0x7  }
0x551: {  	v1 =	vpop (erf)  }
0x552: {  	v2 =	vpop (erf)  }
0x553: {  	v1 =	vmul.f32 v1, v2;
	_ =	sdelay $0x1  }
0x554: {  	[tilespmem:$0x12F10] =	vst v1  }
0x555: {  	v1 =	vld [tilespmem:s15+$0x4FA0]  }
0x556: {  	v2 =	vld [tilespmem:s15+$0x77A0];
	_ =	sdelay $0x6  }
0x557: {  	v3 =	vld.idx.msk [tilespmem:v1+s21+$0x0], $0xffff  }
0x558: {  	v2 =	vld.idx.msk [tilespmem:v2+s23+$0x0], $0xffff;
	_ =	sdelay $0x1  }
0x559: {  	v4 =	vld [tilespmem:s15+$0x9FA0];
	_ =	sdelay $0x2  }
0x55a: {  	v2 =	vadd.f32 v2, v3;
	_ =	sdelay $0x1  }
0x55b: {  	v2 =	vadd.f32 v4, v2  }
0x55c: {  	v1 =	vld.idx.msk [tilespmem:v1+s28+$0x0], $0xffff  }
0x55d: {  	v3 =	vmul.f32 $9.999999770e-03, v2  }
0x55e: {  	vm14 =	vge.f32 v2, $0.0e+00  }
0x55f: {  	v2 =	vsel vm14, v2, v3  }
0x560: {  	v2 =	vmul.f32 $1.442695020e+00, v2  }
0x561: {  	v1 =	vadd.f32 $1.000000020e-16, v1  }
0x562: {  	(erf) = vpow2.f32 v2  }
0x563: {  	(erf) = vrcp.f32 v1;
	_ =	sdelay $0x7  }
0x564: {  	v1 =	vpop (erf)  }
0x565: {  	v2 =	vpop (erf)  }
0x566: {  	v1 =	vmul.f32 v1, v2;
	_ =	sdelay $0x1  }
0x567: {  	[tilespmem:$0x12F20] =	vst v1  }
0x568: {  	v1 =	vld [tilespmem:s15+$0x4FB0]  }
0x569: {  	v2 =	vld [tilespmem:s15+$0x77B0];
	_ =	sdelay $0x6  }
0x56a: {  	v3 =	vld.idx.msk [tilespmem:v1+s21+$0x0], $0xffff  }
0x56b: {  	v2 =	vld.idx.msk [tilespmem:v2+s23+$0x0], $0xffff;
	_ =	sdelay $0x1  }
0x56c: {  	v4 =	vld [tilespmem:s15+$0x9FB0];
	_ =	sdelay $0x2  }
0x56d: {  	v2 =	vadd.f32 v2, v3;
	_ =	sdelay $0x1  }
0x56e: {  	v2 =	vadd.f32 v4, v2  }
0x56f: {  	v1 =	vld.idx.msk [tilespmem:v1+s28+$0x0], $0xffff  }
0x570: {  	v3 =	vmul.f32 $9.999999770e-03, v2  }
0x571: {  	vm15 =	vge.f32 v2, $0.0e+00  }
0x572: {  	v2 =	vsel vm15, v2, v3  }
0x573: {  	v2 =	vmul.f32 $1.442695020e+00, v2  }
0x574: {  	v1 =	vadd.f32 $1.000000020e-16, v1  }
0x575: {  	(erf) = vpow2.f32 v2  }
0x576: {  	(erf) = vrcp.f32 v1;
	_ =	sdelay $0x7  }
0x577: {  	v1 =	vpop (erf)  }
0x578: {  	v2 =	vpop (erf)  }
0x579: {  	v1 =	vmul.f32 v1, v2;
	_ =	sdelay $0x1  }
0x57a: {  	[tilespmem:$0x12F30] =	vst v1  }
0x57b: {  	_ =	swait.ge [sflag:s7], $0x1000  }
0x57c: {  	[sflag:s7] =	ssyncset.done $0x0  }
0x57d: {  	s18 =	simm.s32 $0x10F20;
	[sflag:s7] =	ssyncadd.s32 $0xFFFFF000  }
0x57e: {  	v2 =	vld [tilespmem:s18+$0xFFFFFFF0]  }
0x57f: {  	s25 =	simm.s32 $0x0;
	v3 =	vld [tilespmem:s18+$0x10]  }
0x580: {  	v5 =	vld.msk [tilespmem:s25+$0x12F00 ss:$0x0], $0xffff  }
0x581: {  	v1 =	vld [tilespmem:s18+$0xFFFFFFE0]  }
0x582: {  	v6 =	vld [tilespmem:s18+$0x0];
	_ =	sdelay $0x3  }
0x583: {  	v1 =	vmul.f32 v5, v1;
	v4 =	vmul.f32 v3, v5  }
0x584: {  	s9 =	simm.s32 $0x4;
	s20 =	simm.s32 $0x10F20;
	s25 =	sadd.s32 $0x4F80, s15;
	v3 =	vmul.f32 v2, v5;
	v2 =	vmul.f32 v6, v5  }
.LBB2_32:
0x585: {  	p1 =	sne.s32 s9, $0xFC  }
0x586: {  	[tilespmem:s18+$0x10] =	vst v4;
	s20 =	sadd.s32 $0x40, s20;
	s21 =	smov.u32 s9;
	s9 =	sadd.s32 $0x4, s9  }
0x587: {  	[tilespmem:s18+$0xFFFFFFE0] =	vst v1  }
0x588: {  	v5 =	vld [tilespmem:s20+$0xFFFFFFF0];
	[tilespmem:s18+$0xFFFFFFF0] =	vst v3  }
0x589: {  	s21 =	sshra.s32 s21, $0x2;
	v3 =	vld [tilespmem:s20+$0x10];
	[tilespmem:s18+$0x0] =	vst v2;
	s18 =	smov.u32 s20  }
0x58a: {  	v2 =	vld.msk [tilespmem:s21+$0x12F00 ss:$0x0], $0xffff  }
0x58b: {  	v1 =	vld [tilespmem:s20+$0xFFFFFFE0]  }
0x58c: {  	v6 =	vld [tilespmem:s20+$0x0]  }
.Ltmp17:
0x58d: {  	(pc) =	sbr.rel @p1 .LBB2_32-.Ltmp17, $3  }
0x58e: {  	_ =	sdelay $0x1  }
0x58f: {  	v4 =	vmul.f32 v3, v2;
	v1 =	vmul.f32 v2, v1  }
0x590: {  	v3 =	vmul.f32 v5, v2;
	v2 =	vmul.f32 v6, v2  }
0x591: {  	[tilespmem:s18+$0x10] =	vst v4  }
0x592: {  	[tilespmem:s18+$0xFFFFFFE0] =	vst v1  }
0x593: {  	[tilespmem:s18+$0xFFFFFFF0] =	vst v3  }
0x594: {  	s9 =	simm.s32 @!p0 $0x6;
	[tilespmem:s18+$0x0] =	vst v2  }
0x595: {  	[spmem:s2] =	stream.indirect.scatter.add.f32 [tilespmem:s3], [sflag:$0x7], $0x40, s25, s30, $0xb8;
	[tilespmem:$0x1E650] =	vst v63  }
0x596: {  	_ =	swait.ge @!p0 [sflag:s9], $0x1000  }
0x597: {  	s16 =	sshll.u32 s16, $0x6;
	s18 =	simm.s32 @!p0 $0xFF00;
	[sflag:s9] =	ssyncset.done @!p0 $0x0  }
0x598: {  	[sflag:s9] =	ssyncadd.s32 @!p0 $0xFFFFF000;
	s9 =	sadd.s32 @!p0 $0x7840, s17;
	s17 =	simm.s32 @!p0 $0x40  }
0x599: {  	[tilespmem:s18], [sflag:$0x2] =	stream.indirect.gather @!p0 [hbm4b:s6+s17], $0x40, s9, s17, $0xb8;
	[tilespmem:$0x1E650] =	vst v63  }
0x59a: {  	v1 =	vld [tilespmem:s16+$0x4F00]  }
0x59b: {  	v2 =	vld [tilespmem:s16+$0x7700];
	_ =	sdelay $0x5  }
0x59c: {  	s21 =	simm.s32 $0x0  }
0x59d: {  	v3 =	vld.idx.msk [tilespmem:v1+s21+$0x0], $0xffff  }
0x59e: {  	v2 =	vld.idx.msk [tilespmem:v2+s23+$0x0], $0xffff;
	_ =	sdelay $0x1  }
0x59f: {  	v4 =	vld [tilespmem:s16+$0x9F00];
	_ =	sdelay $0x2  }
0x5a0: {  	v2 =	vadd.f32 v2, v3;
	_ =	sdelay $0x1  }
0x5a1: {  	v2 =	vadd.f32 v4, v2  }
0x5a2: {  	v1 =	vld.idx.msk [tilespmem:v1+s28+$0x0], $0xffff  }
0x5a3: {  	v3 =	vmul.f32 $9.999999770e-03, v2  }
0x5a4: {  	vm0 =	vge.f32 v2, $0.0e+00  }
0x5a5: {  	v2 =	vsel vm0, v2, v3  }
0x5a6: {  	v2 =	vmul.f32 $1.442695020e+00, v2  }
0x5a7: {  	v1 =	vadd.f32 $1.000000020e-16, v1  }
0x5a8: {  	(erf) = vpow2.f32 v2  }
0x5a9: {  	(erf) = vrcp.f32 v1;
	_ =	sdelay $0x7  }
0x5aa: {  	v1 =	vpop (erf)  }
0x5ab: {  	v2 =	vpop (erf)  }
0x5ac: {  	v1 =	vmul.f32 v1, v2;
	_ =	sdelay $0x1  }
0x5ad: {  	[tilespmem:$0x12F00] =	vst v1  }
0x5ae: {  	v1 =	vld [tilespmem:s16+$0x4F10]  }
0x5af: {  	v2 =	vld [tilespmem:s16+$0x7710];
	_ =	sdelay $0x6  }
0x5b0: {  	v3 =	vld.idx.msk [tilespmem:v1+s21+$0x0], $0xffff  }
0x5b1: {  	v2 =	vld.idx.msk [tilespmem:v2+s23+$0x0], $0xffff;
	_ =	sdelay $0x1  }
0x5b2: {  	v4 =	vld [tilespmem:s16+$0x9F10];
	_ =	sdelay $0x2  }
0x5b3: {  	v2 =	vadd.f32 v2, v3;
	_ =	sdelay $0x1  }
0x5b4: {  	v2 =	vadd.f32 v4, v2  }
0x5b5: {  	v1 =	vld.idx.msk [tilespmem:v1+s28+$0x0], $0xffff  }
0x5b6: {  	v3 =	vmul.f32 $9.999999770e-03, v2  }
0x5b7: {  	vm13 =	vge.f32 v2, $0.0e+00  }
0x5b8: {  	v2 =	vsel vm13, v2, v3  }
0x5b9: {  	v2 =	vmul.f32 $1.442695020e+00, v2  }
0x5ba: {  	v1 =	vadd.f32 $1.000000020e-16, v1  }
0x5bb: {  	(erf) = vpow2.f32 v2  }
0x5bc: {  	(erf) = vrcp.f32 v1;
	_ =	sdelay $0x7  }
0x5bd: {  	v1 =	vpop (erf)  }
0x5be: {  	v2 =	vpop (erf)  }
0x5bf: {  	v1 =	vmul.f32 v1, v2;
	_ =	sdelay $0x1  }
0x5c0: {  	[tilespmem:$0x12F10] =	vst v1  }
0x5c1: {  	v1 =	vld [tilespmem:s16+$0x4F20]  }
0x5c2: {  	v2 =	vld [tilespmem:s16+$0x7720];
	_ =	sdelay $0x6  }
0x5c3: {  	v3 =	vld.idx.msk [tilespmem:v1+s21+$0x0], $0xffff  }
0x5c4: {  	v2 =	vld.idx.msk [tilespmem:v2+s23+$0x0], $0xffff;
	_ =	sdelay $0x1  }
0x5c5: {  	v4 =	vld [tilespmem:s16+$0x9F20];
	_ =	sdelay $0x2  }
0x5c6: {  	v2 =	vadd.f32 v2, v3;
	_ =	sdelay $0x1  }
0x5c7: {  	v2 =	vadd.f32 v4, v2  }
0x5c8: {  	v1 =	vld.idx.msk [tilespmem:v1+s28+$0x0], $0xffff  }
0x5c9: {  	v3 =	vmul.f32 $9.999999770e-03, v2  }
0x5ca: {  	vm14 =	vge.f32 v2, $0.0e+00  }
0x5cb: {  	v2 =	vsel vm14, v2, v3  }
0x5cc: {  	v2 =	vmul.f32 $1.442695020e+00, v2  }
0x5cd: {  	v1 =	vadd.f32 $1.000000020e-16, v1  }
0x5ce: {  	(erf) = vpow2.f32 v2  }
0x5cf: {  	(erf) = vrcp.f32 v1;
	_ =	sdelay $0x7  }
0x5d0: {  	v1 =	vpop (erf)  }
0x5d1: {  	v2 =	vpop (erf)  }
0x5d2: {  	v1 =	vmul.f32 v1, v2;
	_ =	sdelay $0x1  }
0x5d3: {  	[tilespmem:$0x12F20] =	vst v1  }
0x5d4: {  	v1 =	vld [tilespmem:s16+$0x4F30]  }
0x5d5: {  	v2 =	vld [tilespmem:s16+$0x7730];
	_ =	sdelay $0x6  }
0x5d6: {  	v3 =	vld.idx.msk [tilespmem:v1+s21+$0x0], $0xffff  }
0x5d7: {  	v2 =	vld.idx.msk [tilespmem:v2+s23+$0x0], $0xffff;
	_ =	sdelay $0x1  }
0x5d8: {  	v4 =	vld [tilespmem:s16+$0x9F30];
	_ =	sdelay $0x2  }
0x5d9: {  	v2 =	vadd.f32 v2, v3;
	_ =	sdelay $0x1  }
0x5da: {  	v2 =	vadd.f32 v4, v2  }
0x5db: {  	v1 =	vld.idx.msk [tilespmem:v1+s28+$0x0], $0xffff  }
0x5dc: {  	v3 =	vmul.f32 $9.999999770e-03, v2  }
0x5dd: {  	vm15 =	vge.f32 v2, $0.0e+00  }
0x5de: {  	v2 =	vsel vm15, v2, v3  }
0x5df: {  	v2 =	vmul.f32 $1.442695020e+00, v2  }
0x5e0: {  	v1 =	vadd.f32 $1.000000020e-16, v1  }
0x5e1: {  	(erf) = vpow2.f32 v2  }
0x5e2: {  	(erf) = vrcp.f32 v1;
	_ =	sdelay $0x7  }
0x5e3: {  	v1 =	vpop (erf)  }
0x5e4: {  	v2 =	vpop (erf)  }
0x5e5: {  	v1 =	vmul.f32 v1, v2;
	_ =	sdelay $0x1  }
0x5e6: {  	[tilespmem:$0x12F30] =	vst v1  }
0x5e7: {  	_ =	swait.ge [sflag:s19], $0x1000  }
0x5e8: {  	[sflag:s19] =	ssyncset.done $0x0  }
0x5e9: {  	s17 =	simm.s32 $0x11F20;
	[sflag:s19] =	ssyncadd.s32 $0xFFFFF000  }
0x5ea: {  	v2 =	vld [tilespmem:s17+$0xFFFFFFF0]  }
0x5eb: {  	s25 =	simm.s32 $0x0;
	v3 =	vld [tilespmem:s17+$0x10]  }
0x5ec: {  	v5 =	vld.msk [tilespmem:s25+$0x12F00 ss:$0x0], $0xffff  }
0x5ed: {  	v1 =	vld [tilespmem:s17+$0xFFFFFFE0]  }
0x5ee: {  	v6 =	vld [tilespmem:s17+$0x0];
	_ =	sdelay $0x3  }
0x5ef: {  	v1 =	vmul.f32 v5, v1;
	v4 =	vmul.f32 v3, v5  }
0x5f0: {  	s9 =	simm.s32 $0x4;
	s18 =	simm.s32 $0x11F20;
	s16 =	sadd.s32 $0x4F00, s16;
	v3 =	vmul.f32 v2, v5;
	v2 =	vmul.f32 v6, v5  }
.LBB2_34:
0x5f1: {  	p1 =	sne.s32 s9, $0xFC  }
0x5f2: {  	[tilespmem:s17+$0x10] =	vst v4;
	s18 =	sadd.s32 $0x40, s18;
	s20 =	smov.u32 s9;
	s9 =	sadd.s32 $0x4, s9  }
0x5f3: {  	[tilespmem:s17+$0xFFFFFFE0] =	vst v1  }
0x5f4: {  	v5 =	vld [tilespmem:s18+$0xFFFFFFF0];
	[tilespmem:s17+$0xFFFFFFF0] =	vst v3  }
0x5f5: {  	s20 =	sshra.s32 s20, $0x2;
	v3 =	vld [tilespmem:s18+$0x10];
	[tilespmem:s17+$0x0] =	vst v2;
	s17 =	smov.u32 s18  }
0x5f6: {  	v2 =	vld.msk [tilespmem:s20+$0x12F00 ss:$0x0], $0xffff  }
0x5f7: {  	v1 =	vld [tilespmem:s18+$0xFFFFFFE0]  }
0x5f8: {  	v6 =	vld [tilespmem:s18+$0x0]  }
.Ltmp18:
0x5f9: {  	(pc) =	sbr.rel @p1 .LBB2_34-.Ltmp18, $3  }
0x5fa: {  	_ =	sdelay $0x1  }
0x5fb: {  	v4 =	vmul.f32 v3, v2;
	v1 =	vmul.f32 v2, v1  }
0x5fc: {  	v3 =	vmul.f32 v5, v2;
	v2 =	vmul.f32 v6, v2  }
.Ltmp19:
0x5fd: {  	[tilespmem:s17+$0x10] =	vst v4;
	(pc) =	sbr.rel @p0 .LBB2_37-.Ltmp19, $4  }
0x5fe: {  	[tilespmem:s17+$0xFFFFFFE0] =	vst v1  }
0x5ff: {  	[tilespmem:s17+$0xFFFFFFF0] =	vst v3  }
0x600: {  	[tilespmem:s17+$0x0] =	vst v2  }
0x601: {  	[spmem:s2] =	stream.indirect.scatter.add.f32 [tilespmem:s0], [sflag:$0x8], $0x40, s16, s30, $0xb8;
	[tilespmem:$0x1E650] =	vst v63  }
.Ltmp20:
0x602: {  	(pc) =	sbr.rel .LBB2_27-.Ltmp20, $4  }
0x603: {  	_ =	swait.ge [sflag:s24], $0x1000  }
0x604: {  	s9 =	sand.u32 $0x3FFFFF00, s15;
	[sflag:s24] =	ssyncset.done $0x0  }
0x605: {  	s14 =	sadd.s32 $0x1, s14;
	s9 =	sadd.s32 $0x7880, s9;
	[sflag:s24] =	ssyncadd.s32 $0xFFFFF000  }
0x606: {  	[tilespmem:s3], [sflag:$0x3] =	stream.indirect.gather [hbm4b:s6+s30], $0x40, s9, s30, $0xb8;
	[tilespmem:$0x1E650] =	vst v63  }
.LBB2_38:
0x607: {  	_ =	sfence.sel $0x180000  }
0x608: {  	[bflag:$0x0] =	sbarrier.arrive $0xFFFF  }
0x609: {  	_ =	strace $0x90000047  }
0x60a: {  	s0 =	stileid.u32;
	[bflag:$0x2] =	sbarrier.arrive $0xFFFF  }
0x60b: {  	p0 =	sne.s32 s0, $0x0;
	s0 =	rddreg [dreg:$0x4]  }
0x60c: {  	s0 =	sadd.s32 @!p0 $0x100000, s0  }
0x60d: {  	[sflag:s0] =	ssyncadd.tile.s32 @!p0 $0x1;
	_ =	shalt  }
.Lfunc_end2:
_tile_overlayer_lowered:
.L_overlay_start_2:
0x60e: {  	(tag) =	ssettag $0x2  }
0x60f: {  	s0 =	rddreg [dreg:$0x0];
	s2 =	stileid.u32  }
0x610: {  	s1 =	rddreg [dreg:$0x1];
	p0 =	sne.s32 s2, $0x0  }
0x611: {  	s3 =	rddreg [dreg:$0x2];
	[bflag:$0x3] =	sbarrier.arrive $0xFFFF;
	s2 =	simm.s32 @!p0 $0x1C09  }
0x612: {  	[timem:s3], [sflag:s2] =	dma.local @!p0 [hbm:s0], s1  }
0x613: {  	s0 =	simm.s32 @!p0 $0x9  }
0x614: {  	_ =	swait.ge @!p0 [sflag:s0], s1  }
0x615: {  	s1 =	ssub.s32 @!p0 $0x0, s1;
	[sflag:s0] =	ssyncset.done @!p0 $0x0  }
0x616: {  	[sflag:s0] =	ssyncadd.s32 @!p0 s1  }
0x617: {  	[bflag:$0x3] =	sbarrier.arrive $0xFFFF  }
0x618: {  	_ =	shalt  }

</sc_bundles>
